<compile_context>
chip_gen: v7x
topology: tpu7x:2x2x1
jax: 0.10.2.dev20260603
libtpu: 0.0.44.dev20260713+nightly
codegen_flags: <defaults>
</compile_context>

<pallas_src>
import functools

import jax
import jax.numpy as jnp
from jax import lax
from jax.experimental import pallas as pl
from jax.experimental.pallas import tpu as pltpu
from jax.experimental.pallas import tpu_sc as plsc

N_NODES = 100000
N_EDGES = 3200000
FEAT = 32
MAX_DEG = 64

NC = 2
NS = 16
NW = NC * NS
L = 16

IDX_W = 128
CHUNK_ROWS = 8
EDGES_PER_CHUNK = CHUNK_ROWS * IDX_W
N_EDGE_CHUNKS = N_EDGES // EDGES_PER_CHUNK
ROUNDS_A = -(-N_EDGE_CHUNKS // NW)

ZCHUNK = 2000
N_ZCHUNKS = N_NODES // ZCHUNK

NODE_CHUNK = 800
N_NODE_CHUNKS = N_NODES // NODE_CHUNK
ROUNDS_B = -(-N_NODE_CHUNKS // NW)
GROUPS = NODE_CHUNK // L

_mesh = plsc.VectorSubcoreMesh(
    core_axis_name="c", subcore_axis_name="s", num_cores=NC, num_subcores=NS
)


@functools.partial(
    pl.kernel,
    out_type=jax.ShapeDtypeStruct((NC * 2 * N_NODES,), jnp.int32),
    mesh=_mesh,
    scratch_types=[
        pltpu.VMEM((CHUNK_ROWS, IDX_W), jnp.int32),
        pltpu.VMEM((IDX_W,), jnp.int32),
        pltpu.VMEM((ZCHUNK,), jnp.int32),
        pltpu.VMEM_SHARED((N_NODES,), jnp.int32),
        pltpu.VMEM_SHARED((N_NODES,), jnp.int32),
    ],
)
def _count_kernel(edges_hbm, counts_hbm, idx_v, ones_v, zeros_v, deg_in_s, deg_out_s):
    cid = lax.axis_index("c")
    sid = lax.axis_index("s")
    wid = cid * NS + sid

    for j in range(IDX_W // L):
        ones_v[pl.ds(j * L, L)] = jnp.ones((L,), jnp.int32)

    def _zero_body(i, _):
        zeros_v[pl.ds(i * L, L)] = jnp.zeros((L,), jnp.int32)
        return 0

    lax.fori_loop(0, ZCHUNK // L, _zero_body, 0)

    for arr in (deg_in_s, deg_out_s):
        for k in range(-(-N_ZCHUNKS // NS)):
            z = sid + k * NS

            @pl.when(z < N_ZCHUNKS)
            def _():
                pltpu.sync_copy(zeros_v, arr.at[pl.ds(z * ZCHUNK, ZCHUNK)])

    plsc.subcore_barrier()

    def _chunk_body(k, _):
        c = wid + k * NW

        @pl.when(c < N_EDGE_CHUNKS)
        def _():
            pltpu.sync_copy(edges_hbm.at[1, pl.ds(c * CHUNK_ROWS, CHUNK_ROWS)], idx_v)
            for j in range(CHUNK_ROWS):
                pltpu.sync_copy(ones_v, deg_in_s.at[idx_v.at[j]], add=True)
            pltpu.sync_copy(edges_hbm.at[0, pl.ds(c * CHUNK_ROWS, CHUNK_ROWS)], idx_v)
            for j in range(CHUNK_ROWS):
                pltpu.sync_copy(ones_v, deg_out_s.at[idx_v.at[j]], add=True)

        return 0

    lax.fori_loop(0, ROUNDS_A, _chunk_body, 0)

    plsc.subcore_barrier()

    for d, arr in enumerate((deg_in_s, deg_out_s)):
        for k in range(-(-N_ZCHUNKS // NS)):
            z = sid + k * NS

            @pl.when(z < N_ZCHUNKS)
            def _():
                pltpu.sync_copy(arr.at[pl.ds(z * ZCHUNK, ZCHUNK)], zeros_v)
                pltpu.sync_copy(
                    zeros_v,
                    counts_hbm.at[pl.ds((cid * 2 + d) * N_NODES + z * ZCHUNK, ZCHUNK)],
                )


@functools.partial(
    pl.kernel,
    out_type=jax.ShapeDtypeStruct((N_NODES * FEAT,), jnp.float32),
    mesh=_mesh,
    scratch_types=[
        pltpu.VMEM((MAX_DEG * FEAT,), jnp.float32),
        pltpu.VMEM((MAX_DEG * FEAT,), jnp.float32),
        pltpu.VMEM((NODE_CHUNK,), jnp.int32),
        pltpu.VMEM((NODE_CHUNK,), jnp.int32),
        pltpu.VMEM((NODE_CHUNK,), jnp.int32),
        pltpu.VMEM((NODE_CHUNK,), jnp.int32),
        pltpu.VMEM((NODE_CHUNK * FEAT,), jnp.float32),
    ],
    compiler_params=pltpu.CompilerParams(needs_layout_passes=False),
)
def _encode_kernel(counts_hbm, in_tab_hbm, out_tab_hbm, out_hbm,
                   in_tab, out_tab, pin0, pin1, pout0, pout1, outbuf):
    cid = lax.axis_index("c")
    sid = lax.axis_index("s")
    wid = cid * NS + sid

    pltpu.sync_copy(in_tab_hbm, in_tab)
    pltpu.sync_copy(out_tab_hbm, out_tab)

    for k in range(ROUNDS_B):
        c = wid + k * NW

        @pl.when(c < N_NODE_CHUNKS)
        def _():
            base = c * NODE_CHUNK
            pltpu.sync_copy(counts_hbm.at[pl.ds(0 * N_NODES + base, NODE_CHUNK)], pin0)
            pltpu.sync_copy(counts_hbm.at[pl.ds(2 * N_NODES + base, NODE_CHUNK)], pin1)
            pltpu.sync_copy(counts_hbm.at[pl.ds(1 * N_NODES + base, NODE_CHUNK)], pout0)
            pltpu.sync_copy(counts_hbm.at[pl.ds(3 * N_NODES + base, NODE_CHUNK)], pout1)

            def _group_body(g, _):
                off = g * L
                di = jnp.minimum(
                    pin0[pl.ds(off, L)] + pin1[pl.ds(off, L)], MAX_DEG - 1
                ) * FEAT
                do = jnp.minimum(
                    pout0[pl.ds(off, L)] + pout1[pl.ds(off, L)], MAX_DEG - 1
                ) * FEAT
                rows = (lax.iota(jnp.int32, L) + off) * FEAT
                for f in range(FEAT):
                    vi = plsc.load_gather(in_tab, [di + f])
                    vo = plsc.load_gather(out_tab, [do + f])
                    plsc.store_scatter(outbuf, [rows + f], vi + vo)
                return 0

            lax.fori_loop(0, GROUPS, _group_body, 0)
            pltpu.sync_copy(outbuf, out_hbm.at[pl.ds(base * FEAT, NODE_CHUNK * FEAT)])


def kernel(in_embed, out_embed, edge_index_list):
    edges = edge_index_list.astype(jnp.int32).reshape(2, N_EDGES // IDX_W, IDX_W)
    counts = _count_kernel(edges)
    flat = _encode_kernel(
        counts, in_embed.reshape(MAX_DEG * FEAT), out_embed.reshape(MAX_DEG * FEAT)
    )
    return flat.reshape(N_NODES, FEAT)

# --- scband reference (transcript-rebuilt; emitter-appended) ---
"""Pipeline reference for scband-centrality-encoder-4432406250036 (READ-ONLY COPY).

The authoritative reference and input builder live on the scoring server;
editing this copy changes nothing except your own understanding.
"""

import jax, jax.numpy as jnp
import numpy as np

N_NODES = 100000
N_EDGES = 3200000
FEAT = 32
MAX_IN = 64
MAX_OUT = 64

def setup_inputs(seed: int = 0) -> dict:
    key = jax.random.key(seed)
    k1, k2, k3 = jax.random.split(key, 3)
    edge_index = jax.random.randint(k1, (2, N_EDGES), 0, N_NODES, dtype=jnp.int64)
    # guarantee max node id present so num_nodes == N_NODES
    edge_index = edge_index.at[:, 0].set(N_NODES - 1)
    in_embed = jax.random.normal(k2, (MAX_IN, FEAT), dtype=jnp.float32)
    out_embed = jax.random.normal(k3, (MAX_OUT, FEAT), dtype=jnp.float32)
    return {"in_embed": in_embed, "out_embed": out_embed, "edge_index_list": edge_index}

def reference(in_embed, out_embed, edge_index_list):
    # Original forward iterates over a list of graphs; here one graph.
    edge_index = edge_index_list
    # setup_inputs guarantees max node id N_NODES - 1 is present, so the
    # data-dependent int(edge_index.max()) + 1 always equals N_NODES.
    num_nodes = N_NODES
    deg_in = jnp.bincount(edge_index[1], length=num_nodes)
    deg_out = jnp.bincount(edge_index[0], length=num_nodes)
    deg_in = jnp.clip(deg_in, 0, in_embed.shape[0] - 1).astype(jnp.int32)
    deg_out = jnp.clip(deg_out, 0, out_embed.shape[0] - 1).astype(jnp.int32)
    encoding = in_embed[deg_in] + out_embed[deg_out]
    # torch.cat over single-element list is identity
    return encoding

if __name__ == "__main__":
    import jax
    _d = setup_inputs()
    print(jax.jit(kernel)(*tuple(_d.values())))

</pallas_src>

<mosaic_0001>
#map = affine_map<(d0, d1) -> (0, 0, 0)>
#map1 = affine_map<(d0, d1) -> (0)>
module attributes {stable_mosaic.version = 14 : i64} {
  func.func @_count_kernel(%arg0: i32, %arg1: i32, %arg2: memref<2x25000x128xi32, #tpu.memory_space<hbm>>, %arg3: memref<400000xi32, #tpu.memory_space<hbm>>, %arg4: memref<8x128xi32, #tpu.memory_space<vmem>>, %arg5: memref<128xi32, #tpu.memory_space<vmem>>, %arg6: memref<2000xi32, #tpu.memory_space<vmem>>, %arg7: memref<100000xi32, #tpu.memory_space<vmem_shared>>, %arg8: memref<100000xi32, #tpu.memory_space<vmem_shared>>) attributes {dimension_semantics = [#tpu.dimension_semantics<core_parallel>, #tpu.dimension_semantics<subcore_parallel>], iteration_bounds = array<i64: 2, 16>, scalar_prefetch = 0 : i64, scratch_operands = 5 : i64, tpu.core_type = #tpu.core_type<sc_vector_subcore>, window_params = [{transform_indices = #map}, {transform_indices = #map1}]} {
    %mul3A = arith.constant 16 : i32
    %mul3A_0 = arith.muli %arg0, %mul3A : i32
    %add3A = arith.addi %mul3A_0, %arg1 : i32
    %broadcast_in_dim3A = arith.constant 1 : i32
    %broadcast_in_dim3A_1 = vector.broadcast %broadcast_in_dim3A : i32 to vector<16xi32>
    %swap3A = arith.constant 0 : index
    %swap3A_2 = tpu.vector_load %arg5[%swap3A] {strides = array<i32>} : memref<128xi32, #tpu.memory_space<vmem>>, vector<16xi32>,
    %swap3A_3 = vector.shape_cast %swap3A_2 : vector<16xi32> to vector<16xi32>
    %swap3A_4 = vector.shape_cast %broadcast_in_dim3A_1 : vector<16xi32> to vector<16xi32>
    tpu.vector_store %arg5[%swap3A], %swap3A_4 {strides = array<i32>} : memref<128xi32, #tpu.memory_space<vmem>>, vector<16xi32>,
    %broadcast_in_dim3A_5 = arith.constant 1 : i32
    %broadcast_in_dim3A_6 = vector.broadcast %broadcast_in_dim3A_5 : i32 to vector<16xi32>
    %swap3A_7 = arith.constant 16 : index
    %swap3A_8 = tpu.vector_load %arg5[%swap3A_7] {strides = array<i32>} : memref<128xi32, #tpu.memory_space<vmem>>, vector<16xi32>,
    %swap3A_9 = vector.shape_cast %swap3A_8 : vector<16xi32> to vector<16xi32>
    %swap3A_10 = vector.shape_cast %broadcast_in_dim3A_6 : vector<16xi32> to vector<16xi32>
    tpu.vector_store %arg5[%swap3A_7], %swap3A_10 {strides = array<i32>} : memref<128xi32, #tpu.memory_space<vmem>>, vector<16xi32>,
    %broadcast_in_dim3A_11 = arith.constant 1 : i32
    %broadcast_in_dim3A_12 = vector.broadcast %broadcast_in_dim3A_11 : i32 to vector<16xi32>
    %swap3A_13 = arith.constant 32 : index
    %swap3A_14 = tpu.vector_load %arg5[%swap3A_13] {strides = array<i32>} : memref<128xi32, #tpu.memory_space<vmem>>, vector<16xi32>,
    %swap3A_15 = vector.shape_cast %swap3A_14 : vector<16xi32> to vector<16xi32>
    %swap3A_16 = vector.shape_cast %broadcast_in_dim3A_12 : vector<16xi32> to vector<16xi32>
    tpu.vector_store %arg5[%swap3A_13], %swap3A_16 {strides = array<i32>} : memref<128xi32, #tpu.memory_space<vmem>>, vector<16xi32>,
    %broadcast_in_dim3A_17 = arith.constant 1 : i32
    %broadcast_in_dim3A_18 = vector.broadcast %broadcast_in_dim3A_17 : i32 to vector<16xi32>
    %swap3A_19 = arith.constant 48 : index
    %swap3A_20 = tpu.vector_load %arg5[%swap3A_19] {strides = array<i32>} : memref<128xi32, #tpu.memory_space<vmem>>, vector<16xi32>,
    %swap3A_21 = vector.shape_cast %swap3A_20 : vector<16xi32> to vector<16xi32>
    %swap3A_22 = vector.shape_cast %broadcast_in_dim3A_18 : vector<16xi32> to vector<16xi32>
    tpu.vector_store %arg5[%swap3A_19], %swap3A_22 {strides = array<i32>} : memref<128xi32, #tpu.memory_space<vmem>>, vector<16xi32>,
    %broadcast_in_dim3A_23 = arith.constant 1 : i32
    %broadcast_in_dim3A_24 = vector.broadcast %broadcast_in_dim3A_23 : i32 to vector<16xi32>
    %swap3A_25 = arith.constant 64 : index
    %swap3A_26 = tpu.vector_load %arg5[%swap3A_25] {strides = array<i32>} : memref<128xi32, #tpu.memory_space<vmem>>, vector<16xi32>,
    %swap3A_27 = vector.shape_cast %swap3A_26 : vector<16xi32> to vector<16xi32>
    %swap3A_28 = vector.shape_cast %broadcast_in_dim3A_24 : vector<16xi32> to vector<16xi32>
    tpu.vector_store %arg5[%swap3A_25], %swap3A_28 {strides = array<i32>} : memref<128xi32, #tpu.memory_space<vmem>>, vector<16xi32>,
    %broadcast_in_dim3A_29 = arith.constant 1 : i32
    %broadcast_in_dim3A_30 = vector.broadcast %broadcast_in_dim3A_29 : i32 to vector<16xi32>
    %swap3A_31 = arith.constant 80 : index
    %swap3A_32 = tpu.vector_load %arg5[%swap3A_31] {strides = array<i32>} : memref<128xi32, #tpu.memory_space<vmem>>, vector<16xi32>,
    %swap3A_33 = vector.shape_cast %swap3A_32 : vector<16xi32> to vector<16xi32>
    %swap3A_34 = vector.shape_cast %broadcast_in_dim3A_30 : vector<16xi32> to vector<16xi32>
    tpu.vector_store %arg5[%swap3A_31], %swap3A_34 {strides = array<i32>} : memref<128xi32, #tpu.memory_space<vmem>>, vector<16xi32>,
    %broadcast_in_dim3A_35 = arith.constant 1 : i32
    %broadcast_in_dim3A_36 = vector.broadcast %broadcast_in_dim3A_35 : i32 to vector<16xi32>
    %swap3A_37 = arith.constant 96 : index
    %swap3A_38 = tpu.vector_load %arg5[%swap3A_37] {strides = array<i32>} : memref<128xi32, #tpu.memory_space<vmem>>, vector<16xi32>,
    %swap3A_39 = vector.shape_cast %swap3A_38 : vector<16xi32> to vector<16xi32>
    %swap3A_40 = vector.shape_cast %broadcast_in_dim3A_36 : vector<16xi32> to vector<16xi32>
    tpu.vector_store %arg5[%swap3A_37], %swap3A_40 {strides = array<i32>} : memref<128xi32, #tpu.memory_space<vmem>>, vector<16xi32>,
    %broadcast_in_dim3A_41 = arith.constant 1 : i32
    %broadcast_in_dim3A_42 = vector.broadcast %broadcast_in_dim3A_41 : i32 to vector<16xi32>
    %swap3A_43 = arith.constant 112 : index
    %swap3A_44 = tpu.vector_load %arg5[%swap3A_43] {strides = array<i32>} : memref<128xi32, #tpu.memory_space<vmem>>, vector<16xi32>,
    %swap3A_45 = vector.shape_cast %swap3A_44 : vector<16xi32> to vector<16xi32>
    %swap3A_46 = vector.shape_cast %broadcast_in_dim3A_42 : vector<16xi32> to vector<16xi32>
    tpu.vector_store %arg5[%swap3A_43], %swap3A_46 {strides = array<i32>} : memref<128xi32, #tpu.memory_space<vmem>>, vector<16xi32>,
    %scan3A = arith.constant 0 : i32
    %scan3A_47 = arith.constant 0 : i32
    %scan3A_48 = arith.constant 125 : i32
    %scan3A_49 = arith.addi %scan3A_47, %scan3A_48 : i32
    %scan3A_50 = arith.constant 1 : i32
    %scan3A_51 = scf.for %scan3A_170 = %scan3A_47 to %scan3A_49 step %scan3A_50 iter_args(%scan3A_171 = %scan3A) -> (i32)  : i32 {
      %broadcast_in_dim3A_172 = arith.constant 0 : i32
      %broadcast_in_dim3A_173 = vector.broadcast %broadcast_in_dim3A_172 : i32 to vector<16xi32>
      %mul3A_174 = arith.constant 16 : i32
      %mul3A_175 = arith.muli %scan3A_170, %mul3A_174 : i32
      %swap3A_176 = arith.index_cast %mul3A_175 : i32 to index
      %swap3A_177 = tpu.vector_load %arg6[%swap3A_176] {strides = array<i32>} : memref<2000xi32, #tpu.memory_space<vmem>>, vector<16xi32>,
      %swap3A_178 = vector.shape_cast %swap3A_177 : vector<16xi32> to vector<16xi32>
      %swap3A_179 = vector.shape_cast %broadcast_in_dim3A_173 : vector<16xi32> to vector<16xi32>
      tpu.vector_store %arg6[%swap3A_176], %swap3A_179 {strides = array<i32>} : memref<2000xi32, #tpu.memory_space<vmem>>, vector<16xi32>,
      %scan3A_180 = arith.constant 0 : i32
      scf.yield %scan3A_180 : i32
    }
    %scan3A_52 = arith.constant 125 : i32
    %add3A_53 = arith.constant 0 : i32
    %add3A_54 = arith.addi %arg1, %add3A_53 : i32
    %lt3A = arith.constant 50 : i32
    %lt3A_55 = arith.cmpi slt, %add3A_54, %lt3A : i32
    %convert_element_type3A = arith.extui %lt3A_55 : i1 to i32
    %cond3A = arith.constant 0 : i32
    %cond3A_56 = arith.cmpi ne, %convert_element_type3A, %cond3A : i32
    scf.if %cond3A_56 {
      %mul3A_170 = arith.constant 2000 : i32
      %mul3A_171 = arith.muli %add3A_54, %mul3A_170 : i32
      "tpu.region"() ({
        %run_scoped3A = tpu.sem_alloc : memref<!tpu.dma_semaphore, #tpu.memory_space<semaphore_mem>>
        %dma_start3A = tpu.memref_slice %arg7[%mul3A_171] : memref<100000xi32, #tpu.memory_space<vmem_shared>> -> memref<2000xi32, #tpu.memory_space<vmem_shared>>
        %dma_start3A_172 = tpu.memref_slice %arg7[%mul3A_171] : memref<100000xi32, #tpu.memory_space<vmem_shared>> -> memref<2000xi32, #tpu.memory_space<vmem_shared>>
        tpu.enqueue_dma source(%arg6 : memref<2000xi32, #tpu.memory_space<vmem>>) target(%dma_start3A_172 : memref<2000xi32, #tpu.memory_space<vmem_shared>>) target_semaphore(%run_scoped3A : memref<!tpu.dma_semaphore, #tpu.memory_space<semaphore_mem>>)
        %dma_wait3A = tpu.memref_slice %arg7[%mul3A_171] : memref<100000xi32, #tpu.memory_space<vmem_shared>> -> memref<2000xi32, #tpu.memory_space<vmem_shared>>
        %dma_wait3A_173 = tpu.memref_slice %arg7[%mul3A_171] : memref<100000xi32, #tpu.memory_space<vmem_shared>> -> memref<2000xi32, #tpu.memory_space<vmem_shared>>
        tpu.wait_dma2 semaphore(%run_scoped3A : memref<!tpu.dma_semaphore, #tpu.memory_space<semaphore_mem>>) src(%arg6 : memref<2000xi32, #tpu.memory_space<vmem>>) dst(%dma_wait3A_173 : memref<2000xi32, #tpu.memory_space<vmem_shared>>)
        tpu.yield
      }) : () -> ()
    } else {
    }
    %add3A_57 = arith.constant 16 : i32
    %add3A_58 = arith.addi %arg1, %add3A_57 : i32
    %lt3A_59 = arith.constant 50 : i32
    %lt3A_60 = arith.cmpi slt, %add3A_58, %lt3A_59 : i32
    %convert_element_type3A_61 = arith.extui %lt3A_60 : i1 to i32
    %cond3A_62 = arith.constant 0 : i32
    %cond3A_63 = arith.cmpi ne, %convert_element_type3A_61, %cond3A_62 : i32
    scf.if %cond3A_63 {
      %mul3A_170 = arith.constant 2000 : i32
      %mul3A_171 = arith.muli %add3A_58, %mul3A_170 : i32
      "tpu.region"() ({
        %run_scoped3A = tpu.sem_alloc : memref<!tpu.dma_semaphore, #tpu.memory_space<semaphore_mem>>
        %dma_start3A = tpu.memref_slice %arg7[%mul3A_171] : memref<100000xi32, #tpu.memory_space<vmem_shared>> -> memref<2000xi32, #tpu.memory_space<vmem_shared>>
        %dma_start3A_172 = tpu.memref_slice %arg7[%mul3A_171] : memref<100000xi32, #tpu.memory_space<vmem_shared>> -> memref<2000xi32, #tpu.memory_space<vmem_shared>>
        tpu.enqueue_dma source(%arg6 : memref<2000xi32, #tpu.memory_space<vmem>>) target(%dma_start3A_172 : memref<2000xi32, #tpu.memory_space<vmem_shared>>) target_semaphore(%run_scoped3A : memref<!tpu.dma_semaphore, #tpu.memory_space<semaphore_mem>>)
        %dma_wait3A = tpu.memref_slice %arg7[%mul3A_171] : memref<100000xi32, #tpu.memory_space<vmem_shared>> -> memref<2000xi32, #tpu.memory_space<vmem_shared>>
        %dma_wait3A_173 = tpu.memref_slice %arg7[%mul3A_171] : memref<100000xi32, #tpu.memory_space<vmem_shared>> -> memref<2000xi32, #tpu.memory_space<vmem_shared>>
        tpu.wait_dma2 semaphore(%run_scoped3A : memref<!tpu.dma_semaphore, #tpu.memory_space<semaphore_mem>>) src(%arg6 : memref<2000xi32, #tpu.memory_space<vmem>>) dst(%dma_wait3A_173 : memref<2000xi32, #tpu.memory_space<vmem_shared>>)
        tpu.yield
      }) : () -> ()
    } else {
    }
    %add3A_64 = arith.constant 32 : i32
    %add3A_65 = arith.addi %arg1, %add3A_64 : i32
    %lt3A_66 = arith.constant 50 : i32
    %lt3A_67 = arith.cmpi slt, %add3A_65, %lt3A_66 : i32
    %convert_element_type3A_68 = arith.extui %lt3A_67 : i1 to i32
    %cond3A_69 = arith.constant 0 : i32
    %cond3A_70 = arith.cmpi ne, %convert_element_type3A_68, %cond3A_69 : i32
    scf.if %cond3A_70 {
      %mul3A_170 = arith.constant 2000 : i32
      %mul3A_171 = arith.muli %add3A_65, %mul3A_170 : i32
      "tpu.region"() ({
        %run_scoped3A = tpu.sem_alloc : memref<!tpu.dma_semaphore, #tpu.memory_space<semaphore_mem>>
        %dma_start3A = tpu.memref_slice %arg7[%mul3A_171] : memref<100000xi32, #tpu.memory_space<vmem_shared>> -> memref<2000xi32, #tpu.memory_space<vmem_shared>>
        %dma_start3A_172 = tpu.memref_slice %arg7[%mul3A_171] : memref<100000xi32, #tpu.memory_space<vmem_shared>> -> memref<2000xi32, #tpu.memory_space<vmem_shared>>
        tpu.enqueue_dma source(%arg6 : memref<2000xi32, #tpu.memory_space<vmem>>) target(%dma_start3A_172 : memref<2000xi32, #tpu.memory_space<vmem_shared>>) target_semaphore(%run_scoped3A : memref<!tpu.dma_semaphore, #tpu.memory_space<semaphore_mem>>)
        %dma_wait3A = tpu.memref_slice %arg7[%mul3A_171] : memref<100000xi32, #tpu.memory_space<vmem_shared>> -> memref<2000xi32, #tpu.memory_space<vmem_shared>>
        %dma_wait3A_173 = tpu.memref_slice %arg7[%mul3A_171] : memref<100000xi32, #tpu.memory_space<vmem_shared>> -> memref<2000xi32, #tpu.memory_space<vmem_shared>>
        tpu.wait_dma2 semaphore(%run_scoped3A : memref<!tpu.dma_semaphore, #tpu.memory_space<semaphore_mem>>) src(%arg6 : memref<2000xi32, #tpu.memory_space<vmem>>) dst(%dma_wait3A_173 : memref<2000xi32, #tpu.memory_space<vmem_shared>>)
        tpu.yield
      }) : () -> ()
    } else {
    }
    %add3A_71 = arith.constant 48 : i32
    %add3A_72 = arith.addi %arg1, %add3A_71 : i32
    %lt3A_73 = arith.constant 50 : i32
    %lt3A_74 = arith.cmpi slt, %add3A_72, %lt3A_73 : i32
    %convert_element_type3A_75 = arith.extui %lt3A_74 : i1 to i32
    %cond3A_76 = arith.constant 0 : i32
    %cond3A_77 = arith.cmpi ne, %convert_element_type3A_75, %cond3A_76 : i32
    scf.if %cond3A_77 {
      %mul3A_170 = arith.constant 2000 : i32
      %mul3A_171 = arith.muli %add3A_72, %mul3A_170 : i32
      "tpu.region"() ({
        %run_scoped3A = tpu.sem_alloc : memref<!tpu.dma_semaphore, #tpu.memory_space<semaphore_mem>>
        %dma_start3A = tpu.memref_slice %arg7[%mul3A_171] : memref<100000xi32, #tpu.memory_space<vmem_shared>> -> memref<2000xi32, #tpu.memory_space<vmem_shared>>
        %dma_start3A_172 = tpu.memref_slice %arg7[%mul3A_171] : memref<100000xi32, #tpu.memory_space<vmem_shared>> -> memref<2000xi32, #tpu.memory_space<vmem_shared>>
        tpu.enqueue_dma source(%arg6 : memref<2000xi32, #tpu.memory_space<vmem>>) target(%dma_start3A_172 : memref<2000xi32, #tpu.memory_space<vmem_shared>>) target_semaphore(%run_scoped3A : memref<!tpu.dma_semaphore, #tpu.memory_space<semaphore_mem>>)
        %dma_wait3A = tpu.memref_slice %arg7[%mul3A_171] : memref<100000xi32, #tpu.memory_space<vmem_shared>> -> memref<2000xi32, #tpu.memory_space<vmem_shared>>
        %dma_wait3A_173 = tpu.memref_slice %arg7[%mul3A_171] : memref<100000xi32, #tpu.memory_space<vmem_shared>> -> memref<2000xi32, #tpu.memory_space<vmem_shared>>
        tpu.wait_dma2 semaphore(%run_scoped3A : memref<!tpu.dma_semaphore, #tpu.memory_space<semaphore_mem>>) src(%arg6 : memref<2000xi32, #tpu.memory_space<vmem>>) dst(%dma_wait3A_173 : memref<2000xi32, #tpu.memory_space<vmem_shared>>)
        tpu.yield
      }) : () -> ()
    } else {
    }
    %add3A_78 = arith.constant 0 : i32
    %add3A_79 = arith.addi %arg1, %add3A_78 : i32
    %lt3A_80 = arith.constant 50 : i32
    %lt3A_81 = arith.cmpi slt, %add3A_79, %lt3A_80 : i32
    %convert_element_type3A_82 = arith.extui %lt3A_81 : i1 to i32
    %cond3A_83 = arith.constant 0 : i32
    %cond3A_84 = arith.cmpi ne, %convert_element_type3A_82, %cond3A_83 : i32
    scf.if %cond3A_84 {
      %mul3A_170 = arith.constant 2000 : i32
      %mul3A_171 = arith.muli %add3A_79, %mul3A_170 : i32
      "tpu.region"() ({
        %run_scoped3A = tpu.sem_alloc : memref<!tpu.dma_semaphore, #tpu.memory_space<semaphore_mem>>
        %dma_start3A = tpu.memref_slice %arg8[%mul3A_171] : memref<100000xi32, #tpu.memory_space<vmem_shared>> -> memref<2000xi32, #tpu.memory_space<vmem_shared>>
        %dma_start3A_172 = tpu.memref_slice %arg8[%mul3A_171] : memref<100000xi32, #tpu.memory_space<vmem_shared>> -> memref<2000xi32, #tpu.memory_space<vmem_shared>>
        tpu.enqueue_dma source(%arg6 : memref<2000xi32, #tpu.memory_space<vmem>>) target(%dma_start3A_172 : memref<2000xi32, #tpu.memory_space<vmem_shared>>) target_semaphore(%run_scoped3A : memref<!tpu.dma_semaphore, #tpu.memory_space<semaphore_mem>>)
        %dma_wait3A = tpu.memref_slice %arg8[%mul3A_171] : memref<100000xi32, #tpu.memory_space<vmem_shared>> -> memref<2000xi32, #tpu.memory_space<vmem_shared>>
        %dma_wait3A_173 = tpu.memref_slice %arg8[%mul3A_171] : memref<100000xi32, #tpu.memory_space<vmem_shared>> -> memref<2000xi32, #tpu.memory_space<vmem_shared>>
        tpu.wait_dma2 semaphore(%run_scoped3A : memref<!tpu.dma_semaphore, #tpu.memory_space<semaphore_mem>>) src(%arg6 : memref<2000xi32, #tpu.memory_space<vmem>>) dst(%dma_wait3A_173 : memref<2000xi32, #tpu.memory_space<vmem_shared>>)
        tpu.yield
      }) : () -> ()
    } else {
    }
    %add3A_85 = arith.constant 16 : i32
    %add3A_86 = arith.addi %arg1, %add3A_85 : i32
    %lt3A_87 = arith.constant 50 : i32
    %lt3A_88 = arith.cmpi slt, %add3A_86, %lt3A_87 : i32
    %convert_element_type3A_89 = arith.extui %lt3A_88 : i1 to i32
    %cond3A_90 = arith.constant 0 : i32
    %cond3A_91 = arith.cmpi ne, %convert_element_type3A_89, %cond3A_90 : i32
    scf.if %cond3A_91 {
      %mul3A_170 = arith.constant 2000 : i32
      %mul3A_171 = arith.muli %add3A_86, %mul3A_170 : i32
      "tpu.region"() ({
        %run_scoped3A = tpu.sem_alloc : memref<!tpu.dma_semaphore, #tpu.memory_space<semaphore_mem>>
        %dma_start3A = tpu.memref_slice %arg8[%mul3A_171] : memref<100000xi32, #tpu.memory_space<vmem_shared>> -> memref<2000xi32, #tpu.memory_space<vmem_shared>>
        %dma_start3A_172 = tpu.memref_slice %arg8[%mul3A_171] : memref<100000xi32, #tpu.memory_space<vmem_shared>> -> memref<2000xi32, #tpu.memory_space<vmem_shared>>
        tpu.enqueue_dma source(%arg6 : memref<2000xi32, #tpu.memory_space<vmem>>) target(%dma_start3A_172 : memref<2000xi32, #tpu.memory_space<vmem_shared>>) target_semaphore(%run_scoped3A : memref<!tpu.dma_semaphore, #tpu.memory_space<semaphore_mem>>)
        %dma_wait3A = tpu.memref_slice %arg8[%mul3A_171] : memref<100000xi32, #tpu.memory_space<vmem_shared>> -> memref<2000xi32, #tpu.memory_space<vmem_shared>>
        %dma_wait3A_173 = tpu.memref_slice %arg8[%mul3A_171] : memref<100000xi32, #tpu.memory_space<vmem_shared>> -> memref<2000xi32, #tpu.memory_space<vmem_shared>>
        tpu.wait_dma2 semaphore(%run_scoped3A : memref<!tpu.dma_semaphore, #tpu.memory_space<semaphore_mem>>) src(%arg6 : memref<2000xi32, #tpu.memory_space<vmem>>) dst(%dma_wait3A_173 : memref<2000xi32, #tpu.memory_space<vmem_shared>>)
        tpu.yield
      }) : () -> ()
    } else {
    }
    %add3A_92 = arith.constant 32 : i32
    %add3A_93 = arith.addi %arg1, %add3A_92 : i32
    %lt3A_94 = arith.constant 50 : i32
    %lt3A_95 = arith.cmpi slt, %add3A_93, %lt3A_94 : i32
    %convert_element_type3A_96 = arith.extui %lt3A_95 : i1 to i32
    %cond3A_97 = arith.constant 0 : i32
    %cond3A_98 = arith.cmpi ne, %convert_element_type3A_96, %cond3A_97 : i32
    scf.if %cond3A_98 {
      %mul3A_170 = arith.constant 2000 : i32
      %mul3A_171 = arith.muli %add3A_93, %mul3A_170 : i32
      "tpu.region"() ({
        %run_scoped3A = tpu.sem_alloc : memref<!tpu.dma_semaphore, #tpu.memory_space<semaphore_mem>>
        %dma_start3A = tpu.memref_slice %arg8[%mul3A_171] : memref<100000xi32, #tpu.memory_space<vmem_shared>> -> memref<2000xi32, #tpu.memory_space<vmem_shared>>
        %dma_start3A_172 = tpu.memref_slice %arg8[%mul3A_171] : memref<100000xi32, #tpu.memory_space<vmem_shared>> -> memref<2000xi32, #tpu.memory_space<vmem_shared>>
        tpu.enqueue_dma source(%arg6 : memref<2000xi32, #tpu.memory_space<vmem>>) target(%dma_start3A_172 : memref<2000xi32, #tpu.memory_space<vmem_shared>>) target_semaphore(%run_scoped3A : memref<!tpu.dma_semaphore, #tpu.memory_space<semaphore_mem>>)
        %dma_wait3A = tpu.memref_slice %arg8[%mul3A_171] : memref<100000xi32, #tpu.memory_space<vmem_shared>> -> memref<2000xi32, #tpu.memory_space<vmem_shared>>
        %dma_wait3A_173 = tpu.memref_slice %arg8[%mul3A_171] : memref<100000xi32, #tpu.memory_space<vmem_shared>> -> memref<2000xi32, #tpu.memory_space<vmem_shared>>
        tpu.wait_dma2 semaphore(%run_scoped3A : memref<!tpu.dma_semaphore, #tpu.memory_space<semaphore_mem>>) src(%arg6 : memref<2000xi32, #tpu.memory_space<vmem>>) dst(%dma_wait3A_173 : memref<2000xi32, #tpu.memory_space<vmem_shared>>)
        tpu.yield
      }) : () -> ()
    } else {
    }
    %add3A_99 = arith.constant 48 : i32
    %add3A_100 = arith.addi %arg1, %add3A_99 : i32
    %lt3A_101 = arith.constant 50 : i32
    %lt3A_102 = arith.cmpi slt, %add3A_100, %lt3A_101 : i32
    %convert_element_type3A_103 = arith.extui %lt3A_102 : i1 to i32
    %cond3A_104 = arith.constant 0 : i32
    %cond3A_105 = arith.cmpi ne, %convert_element_type3A_103, %cond3A_104 : i32
    scf.if %cond3A_105 {
      %mul3A_170 = arith.constant 2000 : i32
      %mul3A_171 = arith.muli %add3A_100, %mul3A_170 : i32
      "tpu.region"() ({
        %run_scoped3A = tpu.sem_alloc : memref<!tpu.dma_semaphore, #tpu.memory_space<semaphore_mem>>
        %dma_start3A = tpu.memref_slice %arg8[%mul3A_171] : memref<100000xi32, #tpu.memory_space<vmem_shared>> -> memref<2000xi32, #tpu.memory_space<vmem_shared>>
        %dma_start3A_172 = tpu.memref_slice %arg8[%mul3A_171] : memref<100000xi32, #tpu.memory_space<vmem_shared>> -> memref<2000xi32, #tpu.memory_space<vmem_shared>>
        tpu.enqueue_dma source(%arg6 : memref<2000xi32, #tpu.memory_space<vmem>>) target(%dma_start3A_172 : memref<2000xi32, #tpu.memory_space<vmem_shared>>) target_semaphore(%run_scoped3A : memref<!tpu.dma_semaphore, #tpu.memory_space<semaphore_mem>>)
        %dma_wait3A = tpu.memref_slice %arg8[%mul3A_171] : memref<100000xi32, #tpu.memory_space<vmem_shared>> -> memref<2000xi32, #tpu.memory_space<vmem_shared>>
        %dma_wait3A_173 = tpu.memref_slice %arg8[%mul3A_171] : memref<100000xi32, #tpu.memory_space<vmem_shared>> -> memref<2000xi32, #tpu.memory_space<vmem_shared>>
        tpu.wait_dma2 semaphore(%run_scoped3A : memref<!tpu.dma_semaphore, #tpu.memory_space<semaphore_mem>>) src(%arg6 : memref<2000xi32, #tpu.memory_space<vmem>>) dst(%dma_wait3A_173 : memref<2000xi32, #tpu.memory_space<vmem_shared>>)
        tpu.yield
      }) : () -> ()
    } else {
    }
    %barrier3A = arith.constant 0 : index
    tpu.barrier barrier_id(%barrier3A)
    %scan3A_106 = arith.constant 0 : i32
    %scan3A_107 = arith.constant 0 : i32
    %scan3A_108 = arith.constant 98 : i32
    %scan3A_109 = arith.addi %scan3A_107, %scan3A_108 : i32
    %scan3A_110 = arith.constant 1 : i32
    %scan3A_111 = scf.for %scan3A_170 = %scan3A_107 to %scan3A_109 step %scan3A_110 iter_args(%scan3A_171 = %scan3A_106) -> (i32)  : i32 {
      %mul3A_172 = arith.constant 32 : i32
      %mul3A_173 = arith.muli %scan3A_170, %mul3A_172 : i32
      %add3A_174 = arith.addi %add3A, %mul3A_173 : i32
      %lt3A_175 = arith.constant 3125 : i32
      %lt3A_176 = arith.cmpi slt, %add3A_174, %lt3A_175 : i32
      %convert_element_type3A_177 = arith.extui %lt3A_176 : i1 to i32
      %cond3A_178 = arith.constant 0 : i32
      %cond3A_179 = arith.cmpi ne, %convert_element_type3A_177, %cond3A_178 : i32
      scf.if %cond3A_179 {
        %mul3A_181 = arith.constant 8 : i32
        %mul3A_182 = arith.muli %add3A_174, %mul3A_181 : i32
        %run_scoped3A = arith.constant 1 : i32
        "tpu.region"() ({
          %run_scoped3A_202 = tpu.sem_alloc : memref<!tpu.dma_semaphore, #tpu.memory_space<semaphore_mem>>
          %dma_start3A = arith.constant 0 : i32
          %dma_start3A_203 = tpu.memref_slice %arg2[%run_scoped3A, %mul3A_182, %dma_start3A] : memref<2x25000x128xi32, #tpu.memory_space<hbm>> -> memref<1x8x128xi32, #tpu.memory_space<hbm>>
          %dma_start3A_204 = tpu.memref_squeeze %dma_start3A_203 : memref<1x8x128xi32, #tpu.memory_space<hbm>> -> memref<8x128xi32, #tpu.memory_space<hbm>>
          %dma_start3A_205 = arith.constant 0 : i32
          %dma_start3A_206 = tpu.memref_slice %arg2[%run_scoped3A, %mul3A_182, %dma_start3A_205] : memref<2x25000x128xi32, #tpu.memory_space<hbm>> -> memref<1x8x128xi32, #tpu.memory_space<hbm>>
          %dma_start3A_207 = tpu.memref_squeeze %dma_start3A_206 : memref<1x8x128xi32, #tpu.memory_space<hbm>> -> memref<8x128xi32, #tpu.memory_space<hbm>>
          tpu.enqueue_dma source(%dma_start3A_207 : memref<8x128xi32, #tpu.memory_space<hbm>>) target(%arg4 : memref<8x128xi32, #tpu.memory_space<vmem>>) target_semaphore(%run_scoped3A_202 : memref<!tpu.dma_semaphore, #tpu.memory_space<semaphore_mem>>)
          %dma_wait3A = arith.constant 0 : i32
          %dma_wait3A_208 = tpu.memref_slice %arg2[%run_scoped3A, %mul3A_182, %dma_wait3A] : memref<2x25000x128xi32, #tpu.memory_space<hbm>> -> memref<1x8x128xi32, #tpu.memory_space<hbm>>
          %dma_wait3A_209 = tpu.memref_squeeze %dma_wait3A_208 : memref<1x8x128xi32, #tpu.memory_space<hbm>> -> memref<8x128xi32, #tpu.memory_space<hbm>>
          %dma_wait3A_210 = arith.constant 0 : i32
          %dma_wait3A_211 = tpu.memref_slice %arg2[%run_scoped3A, %mul3A_182, %dma_wait3A_210] : memref<2x25000x128xi32, #tpu.memory_space<hbm>> -> memref<1x8x128xi32, #tpu.memory_space<hbm>>
          %dma_wait3A_212 = tpu.memref_squeeze %dma_wait3A_211 : memref<1x8x128xi32, #tpu.memory_space<hbm>> -> memref<8x128xi32, #tpu.memory_space<hbm>>
          tpu.wait_dma2 semaphore(%run_scoped3A_202 : memref<!tpu.dma_semaphore, #tpu.memory_space<semaphore_mem>>) src(%dma_wait3A_212 : memref<8x128xi32, #tpu.memory_space<hbm>>) dst(%arg4 : memref<8x128xi32, #tpu.memory_space<vmem>>)
          tpu.yield
        }) : () -> ()
        %run_scoped3A_183 = arith.constant 0 : i32
        "tpu.region"() ({
          %run_scoped3A_202 = tpu.sem_alloc : memref<!tpu.dma_semaphore, #tpu.memory_space<semaphore_mem>>
          %dma_start3A = arith.constant 0 : i32
          %dma_start3A_203 = tpu.memref_slice %arg4[%run_scoped3A_183, %dma_start3A] : memref<8x128xi32, #tpu.memory_space<vmem>> -> memref<1x128xi32, #tpu.memory_space<vmem>>
          %dma_start3A_204 = tpu.memref_squeeze %dma_start3A_203 : memref<1x128xi32, #tpu.memory_space<vmem>> -> memref<128xi32, #tpu.memory_space<vmem>>
          %dma_start3A_205 = arith.constant 0 : i32
          %dma_start3A_206 = tpu.memref_slice %arg7[%dma_start3A_205] : memref<100000xi32, #tpu.memory_space<vmem_shared>> -> memref<100000xi32, #tpu.memory_space<vmem_shared>>
          tpu.enqueue_indirect_dma source(%arg5 : memref<128xi32, #tpu.memory_space<vmem>>) target(%dma_start3A_206 : memref<100000xi32, #tpu.memory_space<vmem_shared>>) offsets(%dma_start3A_204 : memref<128xi32, #tpu.memory_space<vmem>>) semaphore(%run_scoped3A_202 : memref<!tpu.dma_semaphore, #tpu.memory_space<semaphore_mem>>) {add = true}
          %dma_wait3A = arith.constant 0 : i32
          %dma_wait3A_207 = tpu.memref_slice %arg4[%run_scoped3A_183, %dma_wait3A] : memref<8x128xi32, #tpu.memory_space<vmem>> -> memref<1x128xi32, #tpu.memory_space<vmem>>
          %dma_wait3A_208 = tpu.memref_squeeze %dma_wait3A_207 : memref<1x128xi32, #tpu.memory_space<vmem>> -> memref<128xi32, #tpu.memory_space<vmem>>
          %dma_wait3A_209 = arith.constant 0 : i32
          %dma_wait3A_210 = tpu.memref_slice %arg7[%dma_wait3A_209] : memref<100000xi32, #tpu.memory_space<vmem_shared>> -> memref<100000xi32, #tpu.memory_space<vmem_shared>>
          tpu.wait_indirect_dma semaphore(%run_scoped3A_202 : memref<!tpu.dma_semaphore, #tpu.memory_space<semaphore_mem>>) src(%arg5 : memref<128xi32, #tpu.memory_space<vmem>>) dst(%dma_wait3A_210 : memref<100000xi32, #tpu.memory_space<vmem_shared>>)
          tpu.yield
        }) : () -> ()
        %run_scoped3A_184 = arith.constant 1 : i32
        "tpu.region"() ({
          %run_scoped3A_202 = tpu.sem_alloc : memref<!tpu.dma_semaphore, #tpu.memory_space<semaphore_mem>>
          %dma_start3A = arith.constant 0 : i32
          %dma_start3A_203 = tpu.memref_slice %arg4[%run_scoped3A_184, %dma_start3A] : memref<8x128xi32, #tpu.memory_space<vmem>> -> memref<1x128xi32, #tpu.memory_space<vmem>>
          %dma_start3A_204 = tpu.memref_squeeze %dma_start3A_203 : memref<1x128xi32, #tpu.memory_space<vmem>> -> memref<128xi32, #tpu.memory_space<vmem>>
          %dma_start3A_205 = arith.constant 0 : i32
          %dma_start3A_206 = tpu.memref_slice %arg7[%dma_start3A_205] : memref<100000xi32, #tpu.memory_space<vmem_shared>> -> memref<100000xi32, #tpu.memory_space<vmem_shared>>
          tpu.enqueue_indirect_dma source(%arg5 : memref<128xi32, #tpu.memory_space<vmem>>) target(%dma_start3A_206 : memref<100000xi32, #tpu.memory_space<vmem_shared>>) offsets(%dma_start3A_204 : memref<128xi32, #tpu.memory_space<vmem>>) semaphore(%run_scoped3A_202 : memref<!tpu.dma_semaphore, #tpu.memory_space<semaphore_mem>>) {add = true}
          %dma_wait3A = arith.constant 0 : i32
          %dma_wait3A_207 = tpu.memref_slice %arg4[%run_scoped3A_184, %dma_wait3A] : memref<8x128xi32, #tpu.memory_space<vmem>> -> memref<1x128xi32, #tpu.memory_space<vmem>>
          %dma_wait3A_208 = tpu.memref_squeeze %dma_wait3A_207 : memref<1x128xi32, #tpu.memory_space<vmem>> -> memref<128xi32, #tpu.memory_space<vmem>>
          %dma_wait3A_209 = arith.constant 0 : i32
          %dma_wait3A_210 = tpu.memref_slice %arg7[%dma_wait3A_209] : memref<100000xi32, #tpu.memory_space<vmem_shared>> -> memref<100000xi32, #tpu.memory_space<vmem_shared>>
          tpu.wait_indirect_dma semaphore(%run_scoped3A_202 : memref<!tpu.dma_semaphore, #tpu.memory_space<semaphore_mem>>) src(%arg5 : memref<128xi32, #tpu.memory_space<vmem>>) dst(%dma_wait3A_210 : memref<100000xi32, #tpu.memory_space<vmem_shared>>)
          tpu.yield
        }) : () -> ()
        %run_scoped3A_185 = arith.constant 2 : i32
        "tpu.region"() ({
          %run_scoped3A_202 = tpu.sem_alloc : memref<!tpu.dma_semaphore, #tpu.memory_space<semaphore_mem>>
          %dma_start3A = arith.constant 0 : i32
          %dma_start3A_203 = tpu.memref_slice %arg4[%run_scoped3A_185, %dma_start3A] : memref<8x128xi32, #tpu.memory_space<vmem>> -> memref<1x128xi32, #tpu.memory_space<vmem>>
          %dma_start3A_204 = tpu.memref_squeeze %dma_start3A_203 : memref<1x128xi32, #tpu.memory_space<vmem>> -> memref<128xi32, #tpu.memory_space<vmem>>
          %dma_start3A_205 = arith.constant 0 : i32
          %dma_start3A_206 = tpu.memref_slice %arg7[%dma_start3A_205] : memref<100000xi32, #tpu.memory_space<vmem_shared>> -> memref<100000xi32, #tpu.memory_space<vmem_shared>>
          tpu.enqueue_indirect_dma source(%arg5 : memref<128xi32, #tpu.memory_space<vmem>>) target(%dma_start3A_206 : memref<100000xi32, #tpu.memory_space<vmem_shared>>) offsets(%dma_start3A_204 : memref<128xi32, #tpu.memory_space<vmem>>) semaphore(%run_scoped3A_202 : memref<!tpu.dma_semaphore, #tpu.memory_space<semaphore_mem>>) {add = true}
          %dma_wait3A = arith.constant 0 : i32
          %dma_wait3A_207 = tpu.memref_slice %arg4[%run_scoped3A_185, %dma_wait3A] : memref<8x128xi32, #tpu.memory_space<vmem>> -> memref<1x128xi32, #tpu.memory_space<vmem>>
          %dma_wait3A_208 = tpu.memref_squeeze %dma_wait3A_207 : memref<1x128xi32, #tpu.memory_space<vmem>> -> memref<128xi32, #tpu.memory_space<vmem>>
          %dma_wait3A_209 = arith.constant 0 : i32
          %dma_wait3A_210 = tpu.memref_slice %arg7[%dma_wait3A_209] : memref<100000xi32, #tpu.memory_space<vmem_shared>> -> memref<100000xi32, #tpu.memory_space<vmem_shared>>
          tpu.wait_indirect_dma semaphore(%run_scoped3A_202 : memref<!tpu.dma_semaphore, #tpu.memory_space<semaphore_mem>>) src(%arg5 : memref<128xi32, #tpu.memory_space<vmem>>) dst(%dma_wait3A_210 : memref<100000xi32, #tpu.memory_space<vmem_shared>>)
          tpu.yield
        }) : () -> ()
        %run_scoped3A_186 = arith.constant 3 : i32
        "tpu.region"() ({
          %run_scoped3A_202 = tpu.sem_alloc : memref<!tpu.dma_semaphore, #tpu.memory_space<semaphore_mem>>
          %dma_start3A = arith.constant 0 : i32
          %dma_start3A_203 = tpu.memref_slice %arg4[%run_scoped3A_186, %dma_start3A] : memref<8x128xi32, #tpu.memory_space<vmem>> -> memref<1x128xi32, #tpu.memory_space<vmem>>
          %dma_start3A_204 = tpu.memref_squeeze %dma_start3A_203 : memref<1x128xi32, #tpu.memory_space<vmem>> -> memref<128xi32, #tpu.memory_space<vmem>>
          %dma_start3A_205 = arith.constant 0 : i32
          %dma_start3A_206 = tpu.memref_slice %arg7[%dma_start3A_205] : memref<100000xi32, #tpu.memory_space<vmem_shared>> -> memref<100000xi32, #tpu.memory_space<vmem_shared>>
          tpu.enqueue_indirect_dma source(%arg5 : memref<128xi32, #tpu.memory_space<vmem>>) target(%dma_start3A_206 : memref<100000xi32, #tpu.memory_space<vmem_shared>>) offsets(%dma_start3A_204 : memref<128xi32, #tpu.memory_space<vmem>>) semaphore(%run_scoped3A_202 : memref<!tpu.dma_semaphore, #tpu.memory_space<semaphore_mem>>) {add = true}
          %dma_wait3A = arith.constant 0 : i32
          %dma_wait3A_207 = tpu.memref_slice %arg4[%run_scoped3A_186, %dma_wait3A] : memref<8x128xi32, #tpu.memory_space<vmem>> -> memref<1x128xi32, #tpu.memory_space<vmem>>
          %dma_wait3A_208 = tpu.memref_squeeze %dma_wait3A_207 : memref<1x128xi32, #tpu.memory_space<vmem>> -> memref<128xi32, #tpu.memory_space<vmem>>
          %dma_wait3A_209 = arith.constant 0 : i32
          %dma_wait3A_210 = tpu.memref_slice %arg7[%dma_wait3A_209] : memref<100000xi32, #tpu.memory_space<vmem_shared>> -> memref<100000xi32, #tpu.memory_space<vmem_shared>>
          tpu.wait_indirect_dma semaphore(%run_scoped3A_202 : memref<!tpu.dma_semaphore, #tpu.memory_space<semaphore_mem>>) src(%arg5 : memref<128xi32, #tpu.memory_space<vmem>>) dst(%dma_wait3A_210 : memref<100000xi32, #tpu.memory_space<vmem_shared>>)
          tpu.yield
        }) : () -> ()
        %run_scoped3A_187 = arith.constant 4 : i32
        "tpu.region"() ({
          %run_scoped3A_202 = tpu.sem_alloc : memref<!tpu.dma_semaphore, #tpu.memory_space<semaphore_mem>>
          %dma_start3A = arith.constant 0 : i32
          %dma_start3A_203 = tpu.memref_slice %arg4[%run_scoped3A_187, %dma_start3A] : memref<8x128xi32, #tpu.memory_space<vmem>> -> memref<1x128xi32, #tpu.memory_space<vmem>>
          %dma_start3A_204 = tpu.memref_squeeze %dma_start3A_203 : memref<1x128xi32, #tpu.memory_space<vmem>> -> memref<128xi32, #tpu.memory_space<vmem>>
          %dma_start3A_205 = arith.constant 0 : i32
          %dma_start3A_206 = tpu.memref_slice %arg7[%dma_start3A_205] : memref<100000xi32, #tpu.memory_space<vmem_shared>> -> memref<100000xi32, #tpu.memory_space<vmem_shared>>
          tpu.enqueue_indirect_dma source(%arg5 : memref<128xi32, #tpu.memory_space<vmem>>) target(%dma_start3A_206 : memref<100000xi32, #tpu.memory_space<vmem_shared>>) offsets(%dma_start3A_204 : memref<128xi32, #tpu.memory_space<vmem>>) semaphore(%run_scoped3A_202 : memref<!tpu.dma_semaphore, #tpu.memory_space<semaphore_mem>>) {add = true}
          %dma_wait3A = arith.constant 0 : i32
          %dma_wait3A_207 = tpu.memref_slice %arg4[%run_scoped3A_187, %dma_wait3A] : memref<8x128xi32, #tpu.memory_space<vmem>> -> memref<1x128xi32, #tpu.memory_space<vmem>>
          %dma_wait3A_208 = tpu.memref_squeeze %dma_wait3A_207 : memref<1x128xi32, #tpu.memory_space<vmem>> -> memref<128xi32, #tpu.memory_space<vmem>>
          %dma_wait3A_209 = arith.constant 0 : i32
          %dma_wait3A_210 = tpu.memref_slice %arg7[%dma_wait3A_209] : memref<100000xi32, #tpu.memory_space<vmem_shared>> -> memref<100000xi32, #tpu.memory_space<vmem_shared>>
          tpu.wait_indirect_dma semaphore(%run_scoped3A_202 : memref<!tpu.dma_semaphore, #tpu.memory_space<semaphore_mem>>) src(%arg5 : memref<128xi32, #tpu.memory_space<vmem>>) dst(%dma_wait3A_210 : memref<100000xi32, #tpu.memory_space<vmem_shared>>)
          tpu.yield
        }) : () -> ()
        %run_scoped3A_188 = arith.constant 5 : i32
        "tpu.region"() ({
          %run_scoped3A_202 = tpu.sem_alloc : memref<!tpu.dma_semaphore, #tpu.memory_space<semaphore_mem>>
          %dma_start3A = arith.constant 0 : i32
          %dma_start3A_203 = tpu.memref_slice %arg4[%run_scoped3A_188, %dma_start3A] : memref<8x128xi32, #tpu.memory_space<vmem>> -> memref<1x128xi32, #tpu.memory_space<vmem>>
          %dma_start3A_204 = tpu.memref_squeeze %dma_start3A_203 : memref<1x128xi32, #tpu.memory_space<vmem>> -> memref<128xi32, #tpu.memory_space<vmem>>
          %dma_start3A_205 = arith.constant 0 : i32
          %dma_start3A_206 = tpu.memref_slice %arg7[%dma_start3A_205] : memref<100000xi32, #tpu.memory_space<vmem_shared>> -> memref<100000xi32, #tpu.memory_space<vmem_shared>>
          tpu.enqueue_indirect_dma source(%arg5 : memref<128xi32, #tpu.memory_space<vmem>>) target(%dma_start3A_206 : memref<100000xi32, #tpu.memory_space<vmem_shared>>) offsets(%dma_start3A_204 : memref<128xi32, #tpu.memory_space<vmem>>) semaphore(%run_scoped3A_202 : memref<!tpu.dma_semaphore, #tpu.memory_space<semaphore_mem>>) {add = true}
          %dma_wait3A = arith.constant 0 : i32
          %dma_wait3A_207 = tpu.memref_slice %arg4[%run_scoped3A_188, %dma_wait3A] : memref<8x128xi32, #tpu.memory_space<vmem>> -> memref<1x128xi32, #tpu.memory_space<vmem>>
          %dma_wait3A_208 = tpu.memref_squeeze %dma_wait3A_207 : memref<1x128xi32, #tpu.memory_space<vmem>> -> memref<128xi32, #tpu.memory_space<vmem>>
          %dma_wait3A_209 = arith.constant 0 : i32
          %dma_wait3A_210 = tpu.memref_slice %arg7[%dma_wait3A_209] : memref<100000xi32, #tpu.memory_space<vmem_shared>> -> memref<100000xi32, #tpu.memory_space<vmem_shared>>
          tpu.wait_indirect_dma semaphore(%run_scoped3A_202 : memref<!tpu.dma_semaphore, #tpu.memory_space<semaphore_mem>>) src(%arg5 : memref<128xi32, #tpu.memory_space<vmem>>) dst(%dma_wait3A_210 : memref<100000xi32, #tpu.memory_space<vmem_shared>>)
          tpu.yield
        }) : () -> ()
        %run_scoped3A_189 = arith.constant 6 : i32
        "tpu.region"() ({
          %run_scoped3A_202 = tpu.sem_alloc : memref<!tpu.dma_semaphore, #tpu.memory_space<semaphore_mem>>
          %dma_start3A = arith.constant 0 : i32
          %dma_start3A_203 = tpu.memref_slice %arg4[%run_scoped3A_189, %dma_start3A] : memref<8x128xi32, #tpu.memory_space<vmem>> -> memref<1x128xi32, #tpu.memory_space<vmem>>
          %dma_start3A_204 = tpu.memref_squeeze %dma_start3A_203 : memref<1x128xi32, #tpu.memory_space<vmem>> -> memref<128xi32, #tpu.memory_space<vmem>>
          %dma_start3A_205 = arith.constant 0 : i32
          %dma_start3A_206 = tpu.memref_slice %arg7[%dma_start3A_205] : memref<100000xi32, #tpu.memory_space<vmem_shared>> -> memref<100000xi32, #tpu.memory_space<vmem_shared>>
          tpu.enqueue_indirect_dma source(%arg5 : memref<128xi32, #tpu.memory_space<vmem>>) target(%dma_start3A_206 : memref<100000xi32, #tpu.memory_space<vmem_shared>>) offsets(%dma_start3A_204 : memref<128xi32, #tpu.memory_space<vmem>>) semaphore(%run_scoped3A_202 : memref<!tpu.dma_semaphore, #tpu.memory_space<semaphore_mem>>) {add = true}
          %dma_wait3A = arith.constant 0 : i32
          %dma_wait3A_207 = tpu.memref_slice %arg4[%run_scoped3A_189, %dma_wait3A] : memref<8x128xi32, #tpu.memory_space<vmem>> -> memref<1x128xi32, #tpu.memory_space<vmem>>
          %dma_wait3A_208 = tpu.memref_squeeze %dma_wait3A_207 : memref<1x128xi32, #tpu.memory_space<vmem>> -> memref<128xi32, #tpu.memory_space<vmem>>
          %dma_wait3A_209 = arith.constant 0 : i32
          %dma_wait3A_210 = tpu.memref_slice %arg7[%dma_wait3A_209] : memref<100000xi32, #tpu.memory_space<vmem_shared>> -> memref<100000xi32, #tpu.memory_space<vmem_shared>>
          tpu.wait_indirect_dma semaphore(%run_scoped3A_202 : memref<!tpu.dma_semaphore, #tpu.memory_space<semaphore_mem>>) src(%arg5 : memref<128xi32, #tpu.memory_space<vmem>>) dst(%dma_wait3A_210 : memref<100000xi32, #tpu.memory_space<vmem_shared>>)
          tpu.yield
        }) : () -> ()
        %run_scoped3A_190 = arith.constant 7 : i32
        "tpu.region"() ({
          %run_scoped3A_202 = tpu.sem_alloc : memref<!tpu.dma_semaphore, #tpu.memory_space<semaphore_mem>>
          %dma_start3A = arith.constant 0 : i32
          %dma_start3A_203 = tpu.memref_slice %arg4[%run_scoped3A_190, %dma_start3A] : memref<8x128xi32, #tpu.memory_space<vmem>> -> memref<1x128xi32, #tpu.memory_space<vmem>>
          %dma_start3A_204 = tpu.memref_squeeze %dma_start3A_203 : memref<1x128xi32, #tpu.memory_space<vmem>> -> memref<128xi32, #tpu.memory_space<vmem>>
          %dma_start3A_205 = arith.constant 0 : i32
          %dma_start3A_206 = tpu.memref_slice %arg7[%dma_start3A_205] : memref<100000xi32, #tpu.memory_space<vmem_shared>> -> memref<100000xi32, #tpu.memory_space<vmem_shared>>
          tpu.enqueue_indirect_dma source(%arg5 : memref<128xi32, #tpu.memory_space<vmem>>) target(%dma_start3A_206 : memref<100000xi32, #tpu.memory_space<vmem_shared>>) offsets(%dma_start3A_204 : memref<128xi32, #tpu.memory_space<vmem>>) semaphore(%run_scoped3A_202 : memref<!tpu.dma_semaphore, #tpu.memory_space<semaphore_mem>>) {add = true}
          %dma_wait3A = arith.constant 0 : i32
          %dma_wait3A_207 = tpu.memref_slice %arg4[%run_scoped3A_190, %dma_wait3A] : memref<8x128xi32, #tpu.memory_space<vmem>> -> memref<1x128xi32, #tpu.memory_space<vmem>>
          %dma_wait3A_208 = tpu.memref_squeeze %dma_wait3A_207 : memref<1x128xi32, #tpu.memory_space<vmem>> -> memref<128xi32, #tpu.memory_space<vmem>>
          %dma_wait3A_209 = arith.constant 0 : i32
          %dma_wait3A_210 = tpu.memref_slice %arg7[%dma_wait3A_209] : memref<100000xi32, #tpu.memory_space<vmem_shared>> -> memref<100000xi32, #tpu.memory_space<vmem_shared>>
          tpu.wait_indirect_dma semaphore(%run_scoped3A_202 : memref<!tpu.dma_semaphore, #tpu.memory_space<semaphore_mem>>) src(%arg5 : memref<128xi32, #tpu.memory_space<vmem>>) dst(%dma_wait3A_210 : memref<100000xi32, #tpu.memory_space<vmem_shared>>)
          tpu.yield
        }) : () -> ()
        %mul3A_191 = arith.constant 8 : i32
        %mul3A_192 = arith.muli %add3A_174, %mul3A_191 : i32
        %run_scoped3A_193 = arith.constant 0 : i32
        "tpu.region"() ({
          %run_scoped3A_202 = tpu.sem_alloc : memref<!tpu.dma_semaphore, #tpu.memory_space<semaphore_mem>>
          %dma_start3A = arith.constant 0 : i32
          %dma_start3A_203 = tpu.memref_slice %arg2[%run_scoped3A_193, %mul3A_192, %dma_start3A] : memref<2x25000x128xi32, #tpu.memory_space<hbm>> -> memref<1x8x128xi32, #tpu.memory_space<hbm>>
          %dma_start3A_204 = tpu.memref_squeeze %dma_start3A_203 : memref<1x8x128xi32, #tpu.memory_space<hbm>> -> memref<8x128xi32, #tpu.memory_space<hbm>>
          %dma_start3A_205 = arith.constant 0 : i32
          %dma_start3A_206 = tpu.memref_slice %arg2[%run_scoped3A_193, %mul3A_192, %dma_start3A_205] : memref<2x25000x128xi32, #tpu.memory_space<hbm>> -> memref<1x8x128xi32, #tpu.memory_space<hbm>>
          %dma_start3A_207 = tpu.memref_squeeze %dma_start3A_206 : memref<1x8x128xi32, #tpu.memory_space<hbm>> -> memref<8x128xi32, #tpu.memory_space<hbm>>
          tpu.enqueue_dma source(%dma_start3A_207 : memref<8x128xi32, #tpu.memory_space<hbm>>) target(%arg4 : memref<8x128xi32, #tpu.memory_space<vmem>>) target_semaphore(%run_scoped3A_202 : memref<!tpu.dma_semaphore, #tpu.memory_space<semaphore_mem>>)
          %dma_wait3A = arith.constant 0 : i32
          %dma_wait3A_208 = tpu.memref_slice %arg2[%run_scoped3A_193, %mul3A_192, %dma_wait3A] : memref<2x25000x128xi32, #tpu.memory_space<hbm>> -> memref<1x8x128xi32, #tpu.memory_space<hbm>>
          %dma_wait3A_209 = tpu.memref_squeeze %dma_wait3A_208 : memref<1x8x128xi32, #tpu.memory_space<hbm>> -> memref<8x128xi32, #tpu.memory_space<hbm>>
          %dma_wait3A_210 = arith.constant 0 : i32
          %dma_wait3A_211 = tpu.memref_slice %arg2[%run_scoped3A_193, %mul3A_192, %dma_wait3A_210] : memref<2x25000x128xi32, #tpu.memory_space<hbm>> -> memref<1x8x128xi32, #tpu.memory_space<hbm>>
          %dma_wait3A_212 = tpu.memref_squeeze %dma_wait3A_211 : memref<1x8x128xi32, #tpu.memory_space<hbm>> -> memref<8x128xi32, #tpu.memory_space<hbm>>
          tpu.wait_dma2 semaphore(%run_scoped3A_202 : memref<!tpu.dma_semaphore, #tpu.memory_space<semaphore_mem>>) src(%dma_wait3A_212 : memref<8x128xi32, #tpu.memory_space<hbm>>) dst(%arg4 : memref<8x128xi32, #tpu.memory_space<vmem>>)
          tpu.yield
        }) : () -> ()
        %run_scoped3A_194 = arith.constant 0 : i32
        "tpu.region"() ({
          %run_scoped3A_202 = tpu.sem_alloc : memref<!tpu.dma_semaphore, #tpu.memory_space<semaphore_mem>>
          %dma_start3A = arith.constant 0 : i32
          %dma_start3A_203 = tpu.memref_slice %arg4[%run_scoped3A_194, %dma_start3A] : memref<8x128xi32, #tpu.memory_space<vmem>> -> memref<1x128xi32, #tpu.memory_space<vmem>>
          %dma_start3A_204 = tpu.memref_squeeze %dma_start3A_203 : memref<1x128xi32, #tpu.memory_space<vmem>> -> memref<128xi32, #tpu.memory_space<vmem>>
          %dma_start3A_205 = arith.constant 0 : i32
          %dma_start3A_206 = tpu.memref_slice %arg8[%dma_start3A_205] : memref<100000xi32, #tpu.memory_space<vmem_shared>> -> memref<100000xi32, #tpu.memory_space<vmem_shared>>
          tpu.enqueue_indirect_dma source(%arg5 : memref<128xi32, #tpu.memory_space<vmem>>) target(%dma_start3A_206 : memref<100000xi32, #tpu.memory_space<vmem_shared>>) offsets(%dma_start3A_204 : memref<128xi32, #tpu.memory_space<vmem>>) semaphore(%run_scoped3A_202 : memref<!tpu.dma_semaphore, #tpu.memory_space<semaphore_mem>>) {add = true}
          %dma_wait3A = arith.constant 0 : i32
          %dma_wait3A_207 = tpu.memref_slice %arg4[%run_scoped3A_194, %dma_wait3A] : memref<8x128xi32, #tpu.memory_space<vmem>> -> memref<1x128xi32, #tpu.memory_space<vmem>>
          %dma_wait3A_208 = tpu.memref_squeeze %dma_wait3A_207 : memref<1x128xi32, #tpu.memory_space<vmem>> -> memref<128xi32, #tpu.memory_space<vmem>>
          %dma_wait3A_209 = arith.constant 0 : i32
          %dma_wait3A_210 = tpu.memref_slice %arg8[%dma_wait3A_209] : memref<100000xi32, #tpu.memory_space<vmem_shared>> -> memref<100000xi32, #tpu.memory_space<vmem_shared>>
          tpu.wait_indirect_dma semaphore(%run_scoped3A_202 : memref<!tpu.dma_semaphore, #tpu.memory_space<semaphore_mem>>) src(%arg5 : memref<128xi32, #tpu.memory_space<vmem>>) dst(%dma_wait3A_210 : memref<100000xi32, #tpu.memory_space<vmem_shared>>)
          tpu.yield
        }) : () -> ()
        %run_scoped3A_195 = arith.constant 1 : i32
        "tpu.region"() ({
          %run_scoped3A_202 = tpu.sem_alloc : memref<!tpu.dma_semaphore, #tpu.memory_space<semaphore_mem>>
          %dma_start3A = arith.constant 0 : i32
          %dma_start3A_203 = tpu.memref_slice %arg4[%run_scoped3A_195, %dma_start3A] : memref<8x128xi32, #tpu.memory_space<vmem>> -> memref<1x128xi32, #tpu.memory_space<vmem>>
          %dma_start3A_204 = tpu.memref_squeeze %dma_start3A_203 : memref<1x128xi32, #tpu.memory_space<vmem>> -> memref<128xi32, #tpu.memory_space<vmem>>
          %dma_start3A_205 = arith.constant 0 : i32
          %dma_start3A_206 = tpu.memref_slice %arg8[%dma_start3A_205] : memref<100000xi32, #tpu.memory_space<vmem_shared>> -> memref<100000xi32, #tpu.memory_space<vmem_shared>>
          tpu.enqueue_indirect_dma source(%arg5 : memref<128xi32, #tpu.memory_space<vmem>>) target(%dma_start3A_206 : memref<100000xi32, #tpu.memory_space<vmem_shared>>) offsets(%dma_start3A_204 : memref<128xi32, #tpu.memory_space<vmem>>) semaphore(%run_scoped3A_202 : memref<!tpu.dma_semaphore, #tpu.memory_space<semaphore_mem>>) {add = true}
          %dma_wait3A = arith.constant 0 : i32
          %dma_wait3A_207 = tpu.memref_slice %arg4[%run_scoped3A_195, %dma_wait3A] : memref<8x128xi32, #tpu.memory_space<vmem>> -> memref<1x128xi32, #tpu.memory_space<vmem>>
          %dma_wait3A_208 = tpu.memref_squeeze %dma_wait3A_207 : memref<1x128xi32, #tpu.memory_space<vmem>> -> memref<128xi32, #tpu.memory_space<vmem>>
          %dma_wait3A_209 = arith.constant 0 : i32
          %dma_wait3A_210 = tpu.memref_slice %arg8[%dma_wait3A_209] : memref<100000xi32, #tpu.memory_space<vmem_shared>> -> memref<100000xi32, #tpu.memory_space<vmem_shared>>
          tpu.wait_indirect_dma semaphore(%run_scoped3A_202 : memref<!tpu.dma_semaphore, #tpu.memory_space<semaphore_mem>>) src(%arg5 : memref<128xi32, #tpu.memory_space<vmem>>) dst(%dma_wait3A_210 : memref<100000xi32, #tpu.memory_space<vmem_shared>>)
          tpu.yield
        }) : () -> ()
        %run_scoped3A_196 = arith.constant 2 : i32
        "tpu.region"() ({
          %run_scoped3A_202 = tpu.sem_alloc : memref<!tpu.dma_semaphore, #tpu.memory_space<semaphore_mem>>
          %dma_start3A = arith.constant 0 : i32
          %dma_start3A_203 = tpu.memref_slice %arg4[%run_scoped3A_196, %dma_start3A] : memref<8x128xi32, #tpu.memory_space<vmem>> -> memref<1x128xi32, #tpu.memory_space<vmem>>
          %dma_start3A_204 = tpu.memref_squeeze %dma_start3A_203 : memref<1x128xi32, #tpu.memory_space<vmem>> -> memref<128xi32, #tpu.memory_space<vmem>>
          %dma_start3A_205 = arith.constant 0 : i32
          %dma_start3A_206 = tpu.memref_slice %arg8[%dma_start3A_205] : memref<100000xi32, #tpu.memory_space<vmem_shared>> -> memref<100000xi32, #tpu.memory_space<vmem_shared>>
          tpu.enqueue_indirect_dma source(%arg5 : memref<128xi32, #tpu.memory_space<vmem>>) target(%dma_start3A_206 : memref<100000xi32, #tpu.memory_space<vmem_shared>>) offsets(%dma_start3A_204 : memref<128xi32, #tpu.memory_space<vmem>>) semaphore(%run_scoped3A_202 : memref<!tpu.dma_semaphore, #tpu.memory_space<semaphore_mem>>) {add = true}
          %dma_wait3A = arith.constant 0 : i32
          %dma_wait3A_207 = tpu.memref_slice %arg4[%run_scoped3A_196, %dma_wait3A] : memref<8x128xi32, #tpu.memory_space<vmem>> -> memref<1x128xi32, #tpu.memory_space<vmem>>
          %dma_wait3A_208 = tpu.memref_squeeze %dma_wait3A_207 : memref<1x128xi32, #tpu.memory_space<vmem>> -> memref<128xi32, #tpu.memory_space<vmem>>
          %dma_wait3A_209 = arith.constant 0 : i32
          %dma_wait3A_210 = tpu.memref_slice %arg8[%dma_wait3A_209] : memref<100000xi32, #tpu.memory_space<vmem_shared>> -> memref<100000xi32, #tpu.memory_space<vmem_shared>>
          tpu.wait_indirect_dma semaphore(%run_scoped3A_202 : memref<!tpu.dma_semaphore, #tpu.memory_space<semaphore_mem>>) src(%arg5 : memref<128xi32, #tpu.memory_space<vmem>>) dst(%dma_wait3A_210 : memref<100000xi32, #tpu.memory_space<vmem_shared>>)
          tpu.yield
        }) : () -> ()
        %run_scoped3A_197 = arith.constant 3 : i32
        "tpu.region"() ({
          %run_scoped3A_202 = tpu.sem_alloc : memref<!tpu.dma_semaphore, #tpu.memory_space<semaphore_mem>>
          %dma_start3A = arith.constant 0 : i32
          %dma_start3A_203 = tpu.memref_slice %arg4[%run_scoped3A_197, %dma_start3A] : memref<8x128xi32, #tpu.memory_space<vmem>> -> memref<1x128xi32, #tpu.memory_space<vmem>>
          %dma_start3A_204 = tpu.memref_squeeze %dma_start3A_203 : memref<1x128xi32, #tpu.memory_space<vmem>> -> memref<128xi32, #tpu.memory_space<vmem>>
          %dma_start3A_205 = arith.constant 0 : i32
          %dma_start3A_206 = tpu.memref_slice %arg8[%dma_start3A_205] : memref<100000xi32, #tpu.memory_space<vmem_shared>> -> memref<100000xi32, #tpu.memory_space<vmem_shared>>
          tpu.enqueue_indirect_dma source(%arg5 : memref<128xi32, #tpu.memory_space<vmem>>) target(%dma_start3A_206 : memref<100000xi32, #tpu.memory_space<vmem_shared>>) offsets(%dma_start3A_204 : memref<128xi32, #tpu.memory_space<vmem>>) semaphore(%run_scoped3A_202 : memref<!tpu.dma_semaphore, #tpu.memory_space<semaphore_mem>>) {add = true}
          %dma_wait3A = arith.constant 0 : i32
          %dma_wait3A_207 = tpu.memref_slice %arg4[%run_scoped3A_197, %dma_wait3A] : memref<8x128xi32, #tpu.memory_space<vmem>> -> memref<1x128xi32, #tpu.memory_space<vmem>>
          %dma_wait3A_208 = tpu.memref_squeeze %dma_wait3A_207 : memref<1x128xi32, #tpu.memory_space<vmem>> -> memref<128xi32, #tpu.memory_space<vmem>>
          %dma_wait3A_209 = arith.constant 0 : i32
          %dma_wait3A_210 = tpu.memref_slice %arg8[%dma_wait3A_209] : memref<100000xi32, #tpu.memory_space<vmem_shared>> -> memref<100000xi32, #tpu.memory_space<vmem_shared>>
          tpu.wait_indirect_dma semaphore(%run_scoped3A_202 : memref<!tpu.dma_semaphore, #tpu.memory_space<semaphore_mem>>) src(%arg5 : memref<128xi32, #tpu.memory_space<vmem>>) dst(%dma_wait3A_210 : memref<100000xi32, #tpu.memory_space<vmem_shared>>)
          tpu.yield
        }) : () -> ()
        %run_scoped3A_198 = arith.constant 4 : i32
        "tpu.region"() ({
          %run_scoped3A_202 = tpu.sem_alloc : memref<!tpu.dma_semaphore, #tpu.memory_space<semaphore_mem>>
          %dma_start3A = arith.constant 0 : i32
          %dma_start3A_203 = tpu.memref_slice %arg4[%run_scoped3A_198, %dma_start3A] : memref<8x128xi32, #tpu.memory_space<vmem>> -> memref<1x128xi32, #tpu.memory_space<vmem>>
          %dma_start3A_204 = tpu.memref_squeeze %dma_start3A_203 : memref<1x128xi32, #tpu.memory_space<vmem>> -> memref<128xi32, #tpu.memory_space<vmem>>
          %dma_start3A_205 = arith.constant 0 : i32
          %dma_start3A_206 = tpu.memref_slice %arg8[%dma_start3A_205] : memref<100000xi32, #tpu.memory_space<vmem_shared>> -> memref<100000xi32, #tpu.memory_space<vmem_shared>>
          tpu.enqueue_indirect_dma source(%arg5 : memref<128xi32, #tpu.memory_space<vmem>>) target(%dma_start3A_206 : memref<100000xi32, #tpu.memory_space<vmem_shared>>) offsets(%dma_start3A_204 : memref<128xi32, #tpu.memory_space<vmem>>) semaphore(%run_scoped3A_202 : memref<!tpu.dma_semaphore, #tpu.memory_space<semaphore_mem>>) {add = true}
          %dma_wait3A = arith.constant 0 : i32
          %dma_wait3A_207 = tpu.memref_slice %arg4[%run_scoped3A_198, %dma_wait3A] : memref<8x128xi32, #tpu.memory_space<vmem>> -> memref<1x128xi32, #tpu.memory_space<vmem>>
          %dma_wait3A_208 = tpu.memref_squeeze %dma_wait3A_207 : memref<1x128xi32, #tpu.memory_space<vmem>> -> memref<128xi32, #tpu.memory_space<vmem>>
          %dma_wait3A_209 = arith.constant 0 : i32
          %dma_wait3A_210 = tpu.memref_slice %arg8[%dma_wait3A_209] : memref<100000xi32, #tpu.memory_space<vmem_shared>> -> memref<100000xi32, #tpu.memory_space<vmem_shared>>
          tpu.wait_indirect_dma semaphore(%run_scoped3A_202 : memref<!tpu.dma_semaphore, #tpu.memory_space<semaphore_mem>>) src(%arg5 : memref<128xi32, #tpu.memory_space<vmem>>) dst(%dma_wait3A_210 : memref<100000xi32, #tpu.memory_space<vmem_shared>>)
          tpu.yield
        }) : () -> ()
        %run_scoped3A_199 = arith.constant 5 : i32
        "tpu.region"() ({
          %run_scoped3A_202 = tpu.sem_alloc : memref<!tpu.dma_semaphore, #tpu.memory_space<semaphore_mem>>
          %dma_start3A = arith.constant 0 : i32
          %dma_start3A_203 = tpu.memref_slice %arg4[%run_scoped3A_199, %dma_start3A] : memref<8x128xi32, #tpu.memory_space<vmem>> -> memref<1x128xi32, #tpu.memory_space<vmem>>
          %dma_start3A_204 = tpu.memref_squeeze %dma_start3A_203 : memref<1x128xi32, #tpu.memory_space<vmem>> -> memref<128xi32, #tpu.memory_space<vmem>>
          %dma_start3A_205 = arith.constant 0 : i32
          %dma_start3A_206 = tpu.memref_slice %arg8[%dma_start3A_205] : memref<100000xi32, #tpu.memory_space<vmem_shared>> -> memref<100000xi32, #tpu.memory_space<vmem_shared>>
          tpu.enqueue_indirect_dma source(%arg5 : memref<128xi32, #tpu.memory_space<vmem>>) target(%dma_start3A_206 : memref<100000xi32, #tpu.memory_space<vmem_shared>>) offsets(%dma_start3A_204 : memref<128xi32, #tpu.memory_space<vmem>>) semaphore(%run_scoped3A_202 : memref<!tpu.dma_semaphore, #tpu.memory_space<semaphore_mem>>) {add = true}
          %dma_wait3A = arith.constant 0 : i32
          %dma_wait3A_207 = tpu.memref_slice %arg4[%run_scoped3A_199, %dma_wait3A] : memref<8x128xi32, #tpu.memory_space<vmem>> -> memref<1x128xi32, #tpu.memory_space<vmem>>
          %dma_wait3A_208 = tpu.memref_squeeze %dma_wait3A_207 : memref<1x128xi32, #tpu.memory_space<vmem>> -> memref<128xi32, #tpu.memory_space<vmem>>
          %dma_wait3A_209 = arith.constant 0 : i32
          %dma_wait3A_210 = tpu.memref_slice %arg8[%dma_wait3A_209] : memref<100000xi32, #tpu.memory_space<vmem_shared>> -> memref<100000xi32, #tpu.memory_space<vmem_shared>>
          tpu.wait_indirect_dma semaphore(%run_scoped3A_202 : memref<!tpu.dma_semaphore, #tpu.memory_space<semaphore_mem>>) src(%arg5 : memref<128xi32, #tpu.memory_space<vmem>>) dst(%dma_wait3A_210 : memref<100000xi32, #tpu.memory_space<vmem_shared>>)
          tpu.yield
        }) : () -> ()
        %run_scoped3A_200 = arith.constant 6 : i32
        "tpu.region"() ({
          %run_scoped3A_202 = tpu.sem_alloc : memref<!tpu.dma_semaphore, #tpu.memory_space<semaphore_mem>>
          %dma_start3A = arith.constant 0 : i32
          %dma_start3A_203 = tpu.memref_slice %arg4[%run_scoped3A_200, %dma_start3A] : memref<8x128xi32, #tpu.memory_space<vmem>> -> memref<1x128xi32, #tpu.memory_space<vmem>>
          %dma_start3A_204 = tpu.memref_squeeze %dma_start3A_203 : memref<1x128xi32, #tpu.memory_space<vmem>> -> memref<128xi32, #tpu.memory_space<vmem>>
          %dma_start3A_205 = arith.constant 0 : i32
          %dma_start3A_206 = tpu.memref_slice %arg8[%dma_start3A_205] : memref<100000xi32, #tpu.memory_space<vmem_shared>> -> memref<100000xi32, #tpu.memory_space<vmem_shared>>
          tpu.enqueue_indirect_dma source(%arg5 : memref<128xi32, #tpu.memory_space<vmem>>) target(%dma_start3A_206 : memref<100000xi32, #tpu.memory_space<vmem_shared>>) offsets(%dma_start3A_204 : memref<128xi32, #tpu.memory_space<vmem>>) semaphore(%run_scoped3A_202 : memref<!tpu.dma_semaphore, #tpu.memory_space<semaphore_mem>>) {add = true}
          %dma_wait3A = arith.constant 0 : i32
          %dma_wait3A_207 = tpu.memref_slice %arg4[%run_scoped3A_200, %dma_wait3A] : memref<8x128xi32, #tpu.memory_space<vmem>> -> memref<1x128xi32, #tpu.memory_space<vmem>>
          %dma_wait3A_208 = tpu.memref_squeeze %dma_wait3A_207 : memref<1x128xi32, #tpu.memory_space<vmem>> -> memref<128xi32, #tpu.memory_space<vmem>>
          %dma_wait3A_209 = arith.constant 0 : i32
          %dma_wait3A_210 = tpu.memref_slice %arg8[%dma_wait3A_209] : memref<100000xi32, #tpu.memory_space<vmem_shared>> -> memref<100000xi32, #tpu.memory_space<vmem_shared>>
          tpu.wait_indirect_dma semaphore(%run_scoped3A_202 : memref<!tpu.dma_semaphore, #tpu.memory_space<semaphore_mem>>) src(%arg5 : memref<128xi32, #tpu.memory_space<vmem>>) dst(%dma_wait3A_210 : memref<100000xi32, #tpu.memory_space<vmem_shared>>)
          tpu.yield
        }) : () -> ()
        %run_scoped3A_201 = arith.constant 7 : i32
        "tpu.region"() ({
          %run_scoped3A_202 = tpu.sem_alloc : memref<!tpu.dma_semaphore, #tpu.memory_space<semaphore_mem>>
          %dma_start3A = arith.constant 0 : i32
          %dma_start3A_203 = tpu.memref_slice %arg4[%run_scoped3A_201, %dma_start3A] : memref<8x128xi32, #tpu.memory_space<vmem>> -> memref<1x128xi32, #tpu.memory_space<vmem>>
          %dma_start3A_204 = tpu.memref_squeeze %dma_start3A_203 : memref<1x128xi32, #tpu.memory_space<vmem>> -> memref<128xi32, #tpu.memory_space<vmem>>
          %dma_start3A_205 = arith.constant 0 : i32
          %dma_start3A_206 = tpu.memref_slice %arg8[%dma_start3A_205] : memref<100000xi32, #tpu.memory_space<vmem_shared>> -> memref<100000xi32, #tpu.memory_space<vmem_shared>>
          tpu.enqueue_indirect_dma source(%arg5 : memref<128xi32, #tpu.memory_space<vmem>>) target(%dma_start3A_206 : memref<100000xi32, #tpu.memory_space<vmem_shared>>) offsets(%dma_start3A_204 : memref<128xi32, #tpu.memory_space<vmem>>) semaphore(%run_scoped3A_202 : memref<!tpu.dma_semaphore, #tpu.memory_space<semaphore_mem>>) {add = true}
          %dma_wait3A = arith.constant 0 : i32
          %dma_wait3A_207 = tpu.memref_slice %arg4[%run_scoped3A_201, %dma_wait3A] : memref<8x128xi32, #tpu.memory_space<vmem>> -> memref<1x128xi32, #tpu.memory_space<vmem>>
          %dma_wait3A_208 = tpu.memref_squeeze %dma_wait3A_207 : memref<1x128xi32, #tpu.memory_space<vmem>> -> memref<128xi32, #tpu.memory_space<vmem>>
          %dma_wait3A_209 = arith.constant 0 : i32
          %dma_wait3A_210 = tpu.memref_slice %arg8[%dma_wait3A_209] : memref<100000xi32, #tpu.memory_space<vmem_shared>> -> memref<100000xi32, #tpu.memory_space<vmem_shared>>
          tpu.wait_indirect_dma semaphore(%run_scoped3A_202 : memref<!tpu.dma_semaphore, #tpu.memory_space<semaphore_mem>>) src(%arg5 : memref<128xi32, #tpu.memory_space<vmem>>) dst(%dma_wait3A_210 : memref<100000xi32, #tpu.memory_space<vmem_shared>>)
          tpu.yield
        }) : () -> ()
      } else {
      }
      %scan3A_180 = arith.constant 0 : i32
      scf.yield %scan3A_180 : i32
    }
    %scan3A_112 = arith.constant 98 : i32
    %barrier3A_113 = arith.constant 0 : index
    tpu.barrier barrier_id(%barrier3A_113)
    %add3A_114 = arith.constant 0 : i32
    %add3A_115 = arith.addi %arg1, %add3A_114 : i32
    %lt3A_116 = arith.constant 50 : i32
    %lt3A_117 = arith.cmpi slt, %add3A_115, %lt3A_116 : i32
    %convert_element_type3A_118 = arith.extui %lt3A_117 : i1 to i32
    %cond3A_119 = arith.constant 0 : i32
    %cond3A_120 = arith.cmpi ne, %convert_element_type3A_118, %cond3A_119 : i32
    scf.if %cond3A_120 {
      %mul3A_170 = arith.constant 2000 : i32
      %mul3A_171 = arith.muli %add3A_115, %mul3A_170 : i32
      "tpu.region"() ({
        %run_scoped3A = tpu.sem_alloc : memref<!tpu.dma_semaphore, #tpu.memory_space<semaphore_mem>>
        %dma_start3A = tpu.memref_slice %arg7[%mul3A_171] : memref<100000xi32, #tpu.memory_space<vmem_shared>> -> memref<2000xi32, #tpu.memory_space<vmem_shared>>
        %dma_start3A_181 = tpu.memref_slice %arg7[%mul3A_171] : memref<100000xi32, #tpu.memory_space<vmem_shared>> -> memref<2000xi32, #tpu.memory_space<vmem_shared>>
        tpu.enqueue_dma source(%dma_start3A_181 : memref<2000xi32, #tpu.memory_space<vmem_shared>>) target(%arg6 : memref<2000xi32, #tpu.memory_space<vmem>>) target_semaphore(%run_scoped3A : memref<!tpu.dma_semaphore, #tpu.memory_space<semaphore_mem>>)
        %dma_wait3A = tpu.memref_slice %arg7[%mul3A_171] : memref<100000xi32, #tpu.memory_space<vmem_shared>> -> memref<2000xi32, #tpu.memory_space<vmem_shared>>
        %dma_wait3A_182 = tpu.memref_slice %arg7[%mul3A_171] : memref<100000xi32, #tpu.memory_space<vmem_shared>> -> memref<2000xi32, #tpu.memory_space<vmem_shared>>
        tpu.wait_dma2 semaphore(%run_scoped3A : memref<!tpu.dma_semaphore, #tpu.memory_space<semaphore_mem>>) src(%dma_wait3A_182 : memref<2000xi32, #tpu.memory_space<vmem_shared>>) dst(%arg6 : memref<2000xi32, #tpu.memory_space<vmem>>)
        tpu.yield
      }) : () -> ()
      %mul3A_172 = arith.constant 2 : i32
      %mul3A_173 = arith.muli %arg0, %mul3A_172 : i32
      %add3A_174 = arith.constant 0 : i32
      %add3A_175 = arith.addi %mul3A_173, %add3A_174 : i32
      %mul3A_176 = arith.constant 100000 : i32
      %mul3A_177 = arith.muli %add3A_175, %mul3A_176 : i32
      %mul3A_178 = arith.constant 2000 : i32
      %mul3A_179 = arith.muli %add3A_115, %mul3A_178 : i32
      %add3A_180 = arith.addi %mul3A_177, %mul3A_179 : i32
      "tpu.region"() ({
        %run_scoped3A = tpu.sem_alloc : memref<!tpu.dma_semaphore, #tpu.memory_space<semaphore_mem>>
        %dma_start3A = tpu.memref_slice %arg3[%add3A_180] : memref<400000xi32, #tpu.memory_space<hbm>> -> memref<2000xi32, #tpu.memory_space<hbm>>
        %dma_start3A_181 = tpu.memref_slice %arg3[%add3A_180] : memref<400000xi32, #tpu.memory_space<hbm>> -> memref<2000xi32, #tpu.memory_space<hbm>>
        tpu.enqueue_dma source(%arg6 : memref<2000xi32, #tpu.memory_space<vmem>>) target(%dma_start3A_181 : memref<2000xi32, #tpu.memory_space<hbm>>) target_semaphore(%run_scoped3A : memref<!tpu.dma_semaphore, #tpu.memory_space<semaphore_mem>>)
        %dma_wait3A = tpu.memref_slice %arg3[%add3A_180] : memref<400000xi32, #tpu.memory_space<hbm>> -> memref<2000xi32, #tpu.memory_space<hbm>>
        %dma_wait3A_182 = tpu.memref_slice %arg3[%add3A_180] : memref<400000xi32, #tpu.memory_space<hbm>> -> memref<2000xi32, #tpu.memory_space<hbm>>
        tpu.wait_dma2 semaphore(%run_scoped3A : memref<!tpu.dma_semaphore, #tpu.memory_space<semaphore_mem>>) src(%arg6 : memref<2000xi32, #tpu.memory_space<vmem>>) dst(%dma_wait3A_182 : memref<2000xi32, #tpu.memory_space<hbm>>)
        tpu.yield
      }) : () -> ()
    } else {
    }
    %add3A_121 = arith.constant 16 : i32
    %add3A_122 = arith.addi %arg1, %add3A_121 : i32
    %lt3A_123 = arith.constant 50 : i32
    %lt3A_124 = arith.cmpi slt, %add3A_122, %lt3A_123 : i32
    %convert_element_type3A_125 = arith.extui %lt3A_124 : i1 to i32
    %cond3A_126 = arith.constant 0 : i32
    %cond3A_127 = arith.cmpi ne, %convert_element_type3A_125, %cond3A_126 : i32
    scf.if %cond3A_127 {
      %mul3A_170 = arith.constant 2000 : i32
      %mul3A_171 = arith.muli %add3A_122, %mul3A_170 : i32
      "tpu.region"() ({
        %run_scoped3A = tpu.sem_alloc : memref<!tpu.dma_semaphore, #tpu.memory_space<semaphore_mem>>
        %dma_start3A = tpu.memref_slice %arg7[%mul3A_171] : memref<100000xi32, #tpu.memory_space<vmem_shared>> -> memref<2000xi32, #tpu.memory_space<vmem_shared>>
        %dma_start3A_181 = tpu.memref_slice %arg7[%mul3A_171] : memref<100000xi32, #tpu.memory_space<vmem_shared>> -> memref<2000xi32, #tpu.memory_space<vmem_shared>>
        tpu.enqueue_dma source(%dma_start3A_181 : memref<2000xi32, #tpu.memory_space<vmem_shared>>) target(%arg6 : memref<2000xi32, #tpu.memory_space<vmem>>) target_semaphore(%run_scoped3A : memref<!tpu.dma_semaphore, #tpu.memory_space<semaphore_mem>>)
        %dma_wait3A = tpu.memref_slice %arg7[%mul3A_171] : memref<100000xi32, #tpu.memory_space<vmem_shared>> -> memref<2000xi32, #tpu.memory_space<vmem_shared>>
        %dma_wait3A_182 = tpu.memref_slice %arg7[%mul3A_171] : memref<100000xi32, #tpu.memory_space<vmem_shared>> -> memref<2000xi32, #tpu.memory_space<vmem_shared>>
        tpu.wait_dma2 semaphore(%run_scoped3A : memref<!tpu.dma_semaphore, #tpu.memory_space<semaphore_mem>>) src(%dma_wait3A_182 : memref<2000xi32, #tpu.memory_space<vmem_shared>>) dst(%arg6 : memref<2000xi32, #tpu.memory_space<vmem>>)
        tpu.yield
      }) : () -> ()
      %mul3A_172 = arith.constant 2 : i32
      %mul3A_173 = arith.muli %arg0, %mul3A_172 : i32
      %add3A_174 = arith.constant 0 : i32
      %add3A_175 = arith.addi %mul3A_173, %add3A_174 : i32
      %mul3A_176 = arith.constant 100000 : i32
      %mul3A_177 = arith.muli %add3A_175, %mul3A_176 : i32
      %mul3A_178 = arith.constant 2000 : i32
      %mul3A_179 = arith.muli %add3A_122, %mul3A_178 : i32
      %add3A_180 = arith.addi %mul3A_177, %mul3A_179 : i32
      "tpu.region"() ({
        %run_scoped3A = tpu.sem_alloc : memref<!tpu.dma_semaphore, #tpu.memory_space<semaphore_mem>>
        %dma_start3A = tpu.memref_slice %arg3[%add3A_180] : memref<400000xi32, #tpu.memory_space<hbm>> -> memref<2000xi32, #tpu.memory_space<hbm>>
        %dma_start3A_181 = tpu.memref_slice %arg3[%add3A_180] : memref<400000xi32, #tpu.memory_space<hbm>> -> memref<2000xi32, #tpu.memory_space<hbm>>
        tpu.enqueue_dma source(%arg6 : memref<2000xi32, #tpu.memory_space<vmem>>) target(%dma_start3A_181 : memref<2000xi32, #tpu.memory_space<hbm>>) target_semaphore(%run_scoped3A : memref<!tpu.dma_semaphore, #tpu.memory_space<semaphore_mem>>)
        %dma_wait3A = tpu.memref_slice %arg3[%add3A_180] : memref<400000xi32, #tpu.memory_space<hbm>> -> memref<2000xi32, #tpu.memory_space<hbm>>
        %dma_wait3A_182 = tpu.memref_slice %arg3[%add3A_180] : memref<400000xi32, #tpu.memory_space<hbm>> -> memref<2000xi32, #tpu.memory_space<hbm>>
        tpu.wait_dma2 semaphore(%run_scoped3A : memref<!tpu.dma_semaphore, #tpu.memory_space<semaphore_mem>>) src(%arg6 : memref<2000xi32, #tpu.memory_space<vmem>>) dst(%dma_wait3A_182 : memref<2000xi32, #tpu.memory_space<hbm>>)
        tpu.yield
      }) : () -> ()
    } else {
    }
    %add3A_128 = arith.constant 32 : i32
    %add3A_129 = arith.addi %arg1, %add3A_128 : i32
    %lt3A_130 = arith.constant 50 : i32
    %lt3A_131 = arith.cmpi slt, %add3A_129, %lt3A_130 : i32
    %convert_element_type3A_132 = arith.extui %lt3A_131 : i1 to i32
    %cond3A_133 = arith.constant 0 : i32
    %cond3A_134 = arith.cmpi ne, %convert_element_type3A_132, %cond3A_133 : i32
    scf.if %cond3A_134 {
      %mul3A_170 = arith.constant 2000 : i32
      %mul3A_171 = arith.muli %add3A_129, %mul3A_170 : i32
      "tpu.region"() ({
        %run_scoped3A = tpu.sem_alloc : memref<!tpu.dma_semaphore, #tpu.memory_space<semaphore_mem>>
        %dma_start3A = tpu.memref_slice %arg7[%mul3A_171] : memref<100000xi32, #tpu.memory_space<vmem_shared>> -> memref<2000xi32, #tpu.memory_space<vmem_shared>>
        %dma_start3A_181 = tpu.memref_slice %arg7[%mul3A_171] : memref<100000xi32, #tpu.memory_space<vmem_shared>> -> memref<2000xi32, #tpu.memory_space<vmem_shared>>
        tpu.enqueue_dma source(%dma_start3A_181 : memref<2000xi32, #tpu.memory_space<vmem_shared>>) target(%arg6 : memref<2000xi32, #tpu.memory_space<vmem>>) target_semaphore(%run_scoped3A : memref<!tpu.dma_semaphore, #tpu.memory_space<semaphore_mem>>)
        %dma_wait3A = tpu.memref_slice %arg7[%mul3A_171] : memref<100000xi32, #tpu.memory_space<vmem_shared>> -> memref<2000xi32, #tpu.memory_space<vmem_shared>>
        %dma_wait3A_182 = tpu.memref_slice %arg7[%mul3A_171] : memref<100000xi32, #tpu.memory_space<vmem_shared>> -> memref<2000xi32, #tpu.memory_space<vmem_shared>>
        tpu.wait_dma2 semaphore(%run_scoped3A : memref<!tpu.dma_semaphore, #tpu.memory_space<semaphore_mem>>) src(%dma_wait3A_182 : memref<2000xi32, #tpu.memory_space<vmem_shared>>) dst(%arg6 : memref<2000xi32, #tpu.memory_space<vmem>>)
        tpu.yield
      }) : () -> ()
      %mul3A_172 = arith.constant 2 : i32
      %mul3A_173 = arith.muli %arg0, %mul3A_172 : i32
      %add3A_174 = arith.constant 0 : i32
      %add3A_175 = arith.addi %mul3A_173, %add3A_174 : i32
      %mul3A_176 = arith.constant 100000 : i32
      %mul3A_177 = arith.muli %add3A_175, %mul3A_176 : i32
      %mul3A_178 = arith.constant 2000 : i32
      %mul3A_179 = arith.muli %add3A_129, %mul3A_178 : i32
      %add3A_180 = arith.addi %mul3A_177, %mul3A_179 : i32
      "tpu.region"() ({
        %run_scoped3A = tpu.sem_alloc : memref<!tpu.dma_semaphore, #tpu.memory_space<semaphore_mem>>
        %dma_start3A = tpu.memref_slice %arg3[%add3A_180] : memref<400000xi32, #tpu.memory_space<hbm>> -> memref<2000xi32, #tpu.memory_space<hbm>>
        %dma_start3A_181 = tpu.memref_slice %arg3[%add3A_180] : memref<400000xi32, #tpu.memory_space<hbm>> -> memref<2000xi32, #tpu.memory_space<hbm>>
        tpu.enqueue_dma source(%arg6 : memref<2000xi32, #tpu.memory_space<vmem>>) target(%dma_start3A_181 : memref<2000xi32, #tpu.memory_space<hbm>>) target_semaphore(%run_scoped3A : memref<!tpu.dma_semaphore, #tpu.memory_space<semaphore_mem>>)
        %dma_wait3A = tpu.memref_slice %arg3[%add3A_180] : memref<400000xi32, #tpu.memory_space<hbm>> -> memref<2000xi32, #tpu.memory_space<hbm>>
        %dma_wait3A_182 = tpu.memref_slice %arg3[%add3A_180] : memref<400000xi32, #tpu.memory_space<hbm>> -> memref<2000xi32, #tpu.memory_space<hbm>>
        tpu.wait_dma2 semaphore(%run_scoped3A : memref<!tpu.dma_semaphore, #tpu.memory_space<semaphore_mem>>) src(%arg6 : memref<2000xi32, #tpu.memory_space<vmem>>) dst(%dma_wait3A_182 : memref<2000xi32, #tpu.memory_space<hbm>>)
        tpu.yield
      }) : () -> ()
    } else {
    }
    %add3A_135 = arith.constant 48 : i32
    %add3A_136 = arith.addi %arg1, %add3A_135 : i32
    %lt3A_137 = arith.constant 50 : i32
    %lt3A_138 = arith.cmpi slt, %add3A_136, %lt3A_137 : i32
    %convert_element_type3A_139 = arith.extui %lt3A_138 : i1 to i32
    %cond3A_140 = arith.constant 0 : i32
    %cond3A_141 = arith.cmpi ne, %convert_element_type3A_139, %cond3A_140 : i32
    scf.if %cond3A_141 {
      %mul3A_170 = arith.constant 2000 : i32
      %mul3A_171 = arith.muli %add3A_136, %mul3A_170 : i32
      "tpu.region"() ({
        %run_scoped3A = tpu.sem_alloc : memref<!tpu.dma_semaphore, #tpu.memory_space<semaphore_mem>>
        %dma_start3A = tpu.memref_slice %arg7[%mul3A_171] : memref<100000xi32, #tpu.memory_space<vmem_shared>> -> memref<2000xi32, #tpu.memory_space<vmem_shared>>
        %dma_start3A_181 = tpu.memref_slice %arg7[%mul3A_171] : memref<100000xi32, #tpu.memory_space<vmem_shared>> -> memref<2000xi32, #tpu.memory_space<vmem_shared>>
        tpu.enqueue_dma source(%dma_start3A_181 : memref<2000xi32, #tpu.memory_space<vmem_shared>>) target(%arg6 : memref<2000xi32, #tpu.memory_space<vmem>>) target_semaphore(%run_scoped3A : memref<!tpu.dma_semaphore, #tpu.memory_space<semaphore_mem>>)
        %dma_wait3A = tpu.memref_slice %arg7[%mul3A_171] : memref<100000xi32, #tpu.memory_space<vmem_shared>> -> memref<2000xi32, #tpu.memory_space<vmem_shared>>
        %dma_wait3A_182 = tpu.memref_slice %arg7[%mul3A_171] : memref<100000xi32, #tpu.memory_space<vmem_shared>> -> memref<2000xi32, #tpu.memory_space<vmem_shared>>
        tpu.wait_dma2 semaphore(%run_scoped3A : memref<!tpu.dma_semaphore, #tpu.memory_space<semaphore_mem>>) src(%dma_wait3A_182 : memref<2000xi32, #tpu.memory_space<vmem_shared>>) dst(%arg6 : memref<2000xi32, #tpu.memory_space<vmem>>)
        tpu.yield
      }) : () -> ()
      %mul3A_172 = arith.constant 2 : i32
      %mul3A_173 = arith.muli %arg0, %mul3A_172 : i32
      %add3A_174 = arith.constant 0 : i32
      %add3A_175 = arith.addi %mul3A_173, %add3A_174 : i32
      %mul3A_176 = arith.constant 100000 : i32
      %mul3A_177 = arith.muli %add3A_175, %mul3A_176 : i32
      %mul3A_178 = arith.constant 2000 : i32
      %mul3A_179 = arith.muli %add3A_136, %mul3A_178 : i32
      %add3A_180 = arith.addi %mul3A_177, %mul3A_179 : i32
      "tpu.region"() ({
        %run_scoped3A = tpu.sem_alloc : memref<!tpu.dma_semaphore, #tpu.memory_space<semaphore_mem>>
        %dma_start3A = tpu.memref_slice %arg3[%add3A_180] : memref<400000xi32, #tpu.memory_space<hbm>> -> memref<2000xi32, #tpu.memory_space<hbm>>
        %dma_start3A_181 = tpu.memref_slice %arg3[%add3A_180] : memref<400000xi32, #tpu.memory_space<hbm>> -> memref<2000xi32, #tpu.memory_space<hbm>>
        tpu.enqueue_dma source(%arg6 : memref<2000xi32, #tpu.memory_space<vmem>>) target(%dma_start3A_181 : memref<2000xi32, #tpu.memory_space<hbm>>) target_semaphore(%run_scoped3A : memref<!tpu.dma_semaphore, #tpu.memory_space<semaphore_mem>>)
        %dma_wait3A = tpu.memref_slice %arg3[%add3A_180] : memref<400000xi32, #tpu.memory_space<hbm>> -> memref<2000xi32, #tpu.memory_space<hbm>>
        %dma_wait3A_182 = tpu.memref_slice %arg3[%add3A_180] : memref<400000xi32, #tpu.memory_space<hbm>> -> memref<2000xi32, #tpu.memory_space<hbm>>
        tpu.wait_dma2 semaphore(%run_scoped3A : memref<!tpu.dma_semaphore, #tpu.memory_space<semaphore_mem>>) src(%arg6 : memref<2000xi32, #tpu.memory_space<vmem>>) dst(%dma_wait3A_182 : memref<2000xi32, #tpu.memory_space<hbm>>)
        tpu.yield
      }) : () -> ()
    } else {
    }
    %add3A_142 = arith.constant 0 : i32
    %add3A_143 = arith.addi %arg1, %add3A_142 : i32
    %lt3A_144 = arith.constant 50 : i32
    %lt3A_145 = arith.cmpi slt, %add3A_143, %lt3A_144 : i32
    %convert_element_type3A_146 = arith.extui %lt3A_145 : i1 to i32
    %cond3A_147 = arith.constant 0 : i32
    %cond3A_148 = arith.cmpi ne, %convert_element_type3A_146, %cond3A_147 : i32
    scf.if %cond3A_148 {
      %mul3A_170 = arith.constant 2000 : i32
      %mul3A_171 = arith.muli %add3A_143, %mul3A_170 : i32
      "tpu.region"() ({
        %run_scoped3A = tpu.sem_alloc : memref<!tpu.dma_semaphore, #tpu.memory_space<semaphore_mem>>
        %dma_start3A = tpu.memref_slice %arg8[%mul3A_171] : memref<100000xi32, #tpu.memory_space<vmem_shared>> -> memref<2000xi32, #tpu.memory_space<vmem_shared>>
        %dma_start3A_181 = tpu.memref_slice %arg8[%mul3A_171] : memref<100000xi32, #tpu.memory_space<vmem_shared>> -> memref<2000xi32, #tpu.memory_space<vmem_shared>>
        tpu.enqueue_dma source(%dma_start3A_181 : memref<2000xi32, #tpu.memory_space<vmem_shared>>) target(%arg6 : memref<2000xi32, #tpu.memory_space<vmem>>) target_semaphore(%run_scoped3A : memref<!tpu.dma_semaphore, #tpu.memory_space<semaphore_mem>>)
        %dma_wait3A = tpu.memref_slice %arg8[%mul3A_171] : memref<100000xi32, #tpu.memory_space<vmem_shared>> -> memref<2000xi32, #tpu.memory_space<vmem_shared>>
        %dma_wait3A_182 = tpu.memref_slice %arg8[%mul3A_171] : memref<100000xi32, #tpu.memory_space<vmem_shared>> -> memref<2000xi32, #tpu.memory_space<vmem_shared>>
        tpu.wait_dma2 semaphore(%run_scoped3A : memref<!tpu.dma_semaphore, #tpu.memory_space<semaphore_mem>>) src(%dma_wait3A_182 : memref<2000xi32, #tpu.memory_space<vmem_shared>>) dst(%arg6 : memref<2000xi32, #tpu.memory_space<vmem>>)
        tpu.yield
      }) : () -> ()
      %mul3A_172 = arith.constant 2 : i32
      %mul3A_173 = arith.muli %arg0, %mul3A_172 : i32
      %add3A_174 = arith.constant 1 : i32
      %add3A_175 = arith.addi %mul3A_173, %add3A_174 : i32
      %mul3A_176 = arith.constant 100000 : i32
      %mul3A_177 = arith.muli %add3A_175, %mul3A_176 : i32
      %mul3A_178 = arith.constant 2000 : i32
      %mul3A_179 = arith.muli %add3A_143, %mul3A_178 : i32
      %add3A_180 = arith.addi %mul3A_177, %mul3A_179 : i32
      "tpu.region"() ({
        %run_scoped3A = tpu.sem_alloc : memref<!tpu.dma_semaphore, #tpu.memory_space<semaphore_mem>>
        %dma_start3A = tpu.memref_slice %arg3[%add3A_180] : memref<400000xi32, #tpu.memory_space<hbm>> -> memref<2000xi32, #tpu.memory_space<hbm>>
        %dma_start3A_181 = tpu.memref_slice %arg3[%add3A_180] : memref<400000xi32, #tpu.memory_space<hbm>> -> memref<2000xi32, #tpu.memory_space<hbm>>
        tpu.enqueue_dma source(%arg6 : memref<2000xi32, #tpu.memory_space<vmem>>) target(%dma_start3A_181 : memref<2000xi32, #tpu.memory_space<hbm>>) target_semaphore(%run_scoped3A : memref<!tpu.dma_semaphore, #tpu.memory_space<semaphore_mem>>)
        %dma_wait3A = tpu.memref_slice %arg3[%add3A_180] : memref<400000xi32, #tpu.memory_space<hbm>> -> memref<2000xi32, #tpu.memory_space<hbm>>
        %dma_wait3A_182 = tpu.memref_slice %arg3[%add3A_180] : memref<400000xi32, #tpu.memory_space<hbm>> -> memref<2000xi32, #tpu.memory_space<hbm>>
        tpu.wait_dma2 semaphore(%run_scoped3A : memref<!tpu.dma_semaphore, #tpu.memory_space<semaphore_mem>>) src(%arg6 : memref<2000xi32, #tpu.memory_space<vmem>>) dst(%dma_wait3A_182 : memref<2000xi32, #tpu.memory_space<hbm>>)
        tpu.yield
      }) : () -> ()
    } else {
    }
    %add3A_149 = arith.constant 16 : i32
    %add3A_150 = arith.addi %arg1, %add3A_149 : i32
    %lt3A_151 = arith.constant 50 : i32
    %lt3A_152 = arith.cmpi slt, %add3A_150, %lt3A_151 : i32
    %convert_element_type3A_153 = arith.extui %lt3A_152 : i1 to i32
    %cond3A_154 = arith.constant 0 : i32
    %cond3A_155 = arith.cmpi ne, %convert_element_type3A_153, %cond3A_154 : i32
    scf.if %cond3A_155 {
      %mul3A_170 = arith.constant 2000 : i32
      %mul3A_171 = arith.muli %add3A_150, %mul3A_170 : i32
      "tpu.region"() ({
        %run_scoped3A = tpu.sem_alloc : memref<!tpu.dma_semaphore, #tpu.memory_space<semaphore_mem>>
        %dma_start3A = tpu.memref_slice %arg8[%mul3A_171] : memref<100000xi32, #tpu.memory_space<vmem_shared>> -> memref<2000xi32, #tpu.memory_space<vmem_shared>>
        %dma_start3A_181 = tpu.memref_slice %arg8[%mul3A_171] : memref<100000xi32, #tpu.memory_space<vmem_shared>> -> memref<2000xi32, #tpu.memory_space<vmem_shared>>
        tpu.enqueue_dma source(%dma_start3A_181 : memref<2000xi32, #tpu.memory_space<vmem_shared>>) target(%arg6 : memref<2000xi32, #tpu.memory_space<vmem>>) target_semaphore(%run_scoped3A : memref<!tpu.dma_semaphore, #tpu.memory_space<semaphore_mem>>)
        %dma_wait3A = tpu.memref_slice %arg8[%mul3A_171] : memref<100000xi32, #tpu.memory_space<vmem_shared>> -> memref<2000xi32, #tpu.memory_space<vmem_shared>>
        %dma_wait3A_182 = tpu.memref_slice %arg8[%mul3A_171] : memref<100000xi32, #tpu.memory_space<vmem_shared>> -> memref<2000xi32, #tpu.memory_space<vmem_shared>>
        tpu.wait_dma2 semaphore(%run_scoped3A : memref<!tpu.dma_semaphore, #tpu.memory_space<semaphore_mem>>) src(%dma_wait3A_182 : memref<2000xi32, #tpu.memory_space<vmem_shared>>) dst(%arg6 : memref<2000xi32, #tpu.memory_space<vmem>>)
        tpu.yield
      }) : () -> ()
      %mul3A_172 = arith.constant 2 : i32
      %mul3A_173 = arith.muli %arg0, %mul3A_172 : i32
      %add3A_174 = arith.constant 1 : i32
      %add3A_175 = arith.addi %mul3A_173, %add3A_174 : i32
      %mul3A_176 = arith.constant 100000 : i32
      %mul3A_177 = arith.muli %add3A_175, %mul3A_176 : i32
      %mul3A_178 = arith.constant 2000 : i32
      %mul3A_179 = arith.muli %add3A_150, %mul3A_178 : i32
      %add3A_180 = arith.addi %mul3A_177, %mul3A_179 : i32
      "tpu.region"() ({
        %run_scoped3A = tpu.sem_alloc : memref<!tpu.dma_semaphore, #tpu.memory_space<semaphore_mem>>
        %dma_start3A = tpu.memref_slice %arg3[%add3A_180] : memref<400000xi32, #tpu.memory_space<hbm>> -> memref<2000xi32, #tpu.memory_space<hbm>>
        %dma_start3A_181 = tpu.memref_slice %arg3[%add3A_180] : memref<400000xi32, #tpu.memory_space<hbm>> -> memref<2000xi32, #tpu.memory_space<hbm>>
        tpu.enqueue_dma source(%arg6 : memref<2000xi32, #tpu.memory_space<vmem>>) target(%dma_start3A_181 : memref<2000xi32, #tpu.memory_space<hbm>>) target_semaphore(%run_scoped3A : memref<!tpu.dma_semaphore, #tpu.memory_space<semaphore_mem>>)
        %dma_wait3A = tpu.memref_slice %arg3[%add3A_180] : memref<400000xi32, #tpu.memory_space<hbm>> -> memref<2000xi32, #tpu.memory_space<hbm>>
        %dma_wait3A_182 = tpu.memref_slice %arg3[%add3A_180] : memref<400000xi32, #tpu.memory_space<hbm>> -> memref<2000xi32, #tpu.memory_space<hbm>>
        tpu.wait_dma2 semaphore(%run_scoped3A : memref<!tpu.dma_semaphore, #tpu.memory_space<semaphore_mem>>) src(%arg6 : memref<2000xi32, #tpu.memory_space<vmem>>) dst(%dma_wait3A_182 : memref<2000xi32, #tpu.memory_space<hbm>>)
        tpu.yield
      }) : () -> ()
    } else {
    }
    %add3A_156 = arith.constant 32 : i32
    %add3A_157 = arith.addi %arg1, %add3A_156 : i32
    %lt3A_158 = arith.constant 50 : i32
    %lt3A_159 = arith.cmpi slt, %add3A_157, %lt3A_158 : i32
    %convert_element_type3A_160 = arith.extui %lt3A_159 : i1 to i32
    %cond3A_161 = arith.constant 0 : i32
    %cond3A_162 = arith.cmpi ne, %convert_element_type3A_160, %cond3A_161 : i32
    scf.if %cond3A_162 {
      %mul3A_170 = arith.constant 2000 : i32
      %mul3A_171 = arith.muli %add3A_157, %mul3A_170 : i32
      "tpu.region"() ({
        %run_scoped3A = tpu.sem_alloc : memref<!tpu.dma_semaphore, #tpu.memory_space<semaphore_mem>>
        %dma_start3A = tpu.memref_slice %arg8[%mul3A_171] : memref<100000xi32, #tpu.memory_space<vmem_shared>> -> memref<2000xi32, #tpu.memory_space<vmem_shared>>
        %dma_start3A_181 = tpu.memref_slice %arg8[%mul3A_171] : memref<100000xi32, #tpu.memory_space<vmem_shared>> -> memref<2000xi32, #tpu.memory_space<vmem_shared>>
        tpu.enqueue_dma source(%dma_start3A_181 : memref<2000xi32, #tpu.memory_space<vmem_shared>>) target(%arg6 : memref<2000xi32, #tpu.memory_space<vmem>>) target_semaphore(%run_scoped3A : memref<!tpu.dma_semaphore, #tpu.memory_space<semaphore_mem>>)
        %dma_wait3A = tpu.memref_slice %arg8[%mul3A_171] : memref<100000xi32, #tpu.memory_space<vmem_shared>> -> memref<2000xi32, #tpu.memory_space<vmem_shared>>
        %dma_wait3A_182 = tpu.memref_slice %arg8[%mul3A_171] : memref<100000xi32, #tpu.memory_space<vmem_shared>> -> memref<2000xi32, #tpu.memory_space<vmem_shared>>
        tpu.wait_dma2 semaphore(%run_scoped3A : memref<!tpu.dma_semaphore, #tpu.memory_space<semaphore_mem>>) src(%dma_wait3A_182 : memref<2000xi32, #tpu.memory_space<vmem_shared>>) dst(%arg6 : memref<2000xi32, #tpu.memory_space<vmem>>)
        tpu.yield
      }) : () -> ()
      %mul3A_172 = arith.constant 2 : i32
      %mul3A_173 = arith.muli %arg0, %mul3A_172 : i32
      %add3A_174 = arith.constant 1 : i32
      %add3A_175 = arith.addi %mul3A_173, %add3A_174 : i32
      %mul3A_176 = arith.constant 100000 : i32
      %mul3A_177 = arith.muli %add3A_175, %mul3A_176 : i32
      %mul3A_178 = arith.constant 2000 : i32
      %mul3A_179 = arith.muli %add3A_157, %mul3A_178 : i32
      %add3A_180 = arith.addi %mul3A_177, %mul3A_179 : i32
      "tpu.region"() ({
        %run_scoped3A = tpu.sem_alloc : memref<!tpu.dma_semaphore, #tpu.memory_space<semaphore_mem>>
        %dma_start3A = tpu.memref_slice %arg3[%add3A_180] : memref<400000xi32, #tpu.memory_space<hbm>> -> memref<2000xi32, #tpu.memory_space<hbm>>
        %dma_start3A_181 = tpu.memref_slice %arg3[%add3A_180] : memref<400000xi32, #tpu.memory_space<hbm>> -> memref<2000xi32, #tpu.memory_space<hbm>>
        tpu.enqueue_dma source(%arg6 : memref<2000xi32, #tpu.memory_space<vmem>>) target(%dma_start3A_181 : memref<2000xi32, #tpu.memory_space<hbm>>) target_semaphore(%run_scoped3A : memref<!tpu.dma_semaphore, #tpu.memory_space<semaphore_mem>>)
        %dma_wait3A = tpu.memref_slice %arg3[%add3A_180] : memref<400000xi32, #tpu.memory_space<hbm>> -> memref<2000xi32, #tpu.memory_space<hbm>>
        %dma_wait3A_182 = tpu.memref_slice %arg3[%add3A_180] : memref<400000xi32, #tpu.memory_space<hbm>> -> memref<2000xi32, #tpu.memory_space<hbm>>
        tpu.wait_dma2 semaphore(%run_scoped3A : memref<!tpu.dma_semaphore, #tpu.memory_space<semaphore_mem>>) src(%arg6 : memref<2000xi32, #tpu.memory_space<vmem>>) dst(%dma_wait3A_182 : memref<2000xi32, #tpu.memory_space<hbm>>)
        tpu.yield
      }) : () -> ()
    } else {
    }
    %add3A_163 = arith.constant 48 : i32
    %add3A_164 = arith.addi %arg1, %add3A_163 : i32
    %lt3A_165 = arith.constant 50 : i32
    %lt3A_166 = arith.cmpi slt, %add3A_164, %lt3A_165 : i32
    %convert_element_type3A_167 = arith.extui %lt3A_166 : i1 to i32
    %cond3A_168 = arith.constant 0 : i32
    %cond3A_169 = arith.cmpi ne, %convert_element_type3A_167, %cond3A_168 : i32
    scf.if %cond3A_169 {
      %mul3A_170 = arith.constant 2000 : i32
      %mul3A_171 = arith.muli %add3A_164, %mul3A_170 : i32
      "tpu.region"() ({
        %run_scoped3A = tpu.sem_alloc : memref<!tpu.dma_semaphore, #tpu.memory_space<semaphore_mem>>
        %dma_start3A = tpu.memref_slice %arg8[%mul3A_171] : memref<100000xi32, #tpu.memory_space<vmem_shared>> -> memref<2000xi32, #tpu.memory_space<vmem_shared>>
        %dma_start3A_181 = tpu.memref_slice %arg8[%mul3A_171] : memref<100000xi32, #tpu.memory_space<vmem_shared>> -> memref<2000xi32, #tpu.memory_space<vmem_shared>>
        tpu.enqueue_dma source(%dma_start3A_181 : memref<2000xi32, #tpu.memory_space<vmem_shared>>) target(%arg6 : memref<2000xi32, #tpu.memory_space<vmem>>) target_semaphore(%run_scoped3A : memref<!tpu.dma_semaphore, #tpu.memory_space<semaphore_mem>>)
        %dma_wait3A = tpu.memref_slice %arg8[%mul3A_171] : memref<100000xi32, #tpu.memory_space<vmem_shared>> -> memref<2000xi32, #tpu.memory_space<vmem_shared>>
        %dma_wait3A_182 = tpu.memref_slice %arg8[%mul3A_171] : memref<100000xi32, #tpu.memory_space<vmem_shared>> -> memref<2000xi32, #tpu.memory_space<vmem_shared>>
        tpu.wait_dma2 semaphore(%run_scoped3A : memref<!tpu.dma_semaphore, #tpu.memory_space<semaphore_mem>>) src(%dma_wait3A_182 : memref<2000xi32, #tpu.memory_space<vmem_shared>>) dst(%arg6 : memref<2000xi32, #tpu.memory_space<vmem>>)
        tpu.yield
      }) : () -> ()
      %mul3A_172 = arith.constant 2 : i32
      %mul3A_173 = arith.muli %arg0, %mul3A_172 : i32
      %add3A_174 = arith.constant 1 : i32
      %add3A_175 = arith.addi %mul3A_173, %add3A_174 : i32
      %mul3A_176 = arith.constant 100000 : i32
      %mul3A_177 = arith.muli %add3A_175, %mul3A_176 : i32
      %mul3A_178 = arith.constant 2000 : i32
      %mul3A_179 = arith.muli %add3A_164, %mul3A_178 : i32
      %add3A_180 = arith.addi %mul3A_177, %mul3A_179 : i32
      "tpu.region"() ({
        %run_scoped3A = tpu.sem_alloc : memref<!tpu.dma_semaphore, #tpu.memory_space<semaphore_mem>>
        %dma_start3A = tpu.memref_slice %arg3[%add3A_180] : memref<400000xi32, #tpu.memory_space<hbm>> -> memref<2000xi32, #tpu.memory_space<hbm>>
        %dma_start3A_181 = tpu.memref_slice %arg3[%add3A_180] : memref<400000xi32, #tpu.memory_space<hbm>> -> memref<2000xi32, #tpu.memory_space<hbm>>
        tpu.enqueue_dma source(%arg6 : memref<2000xi32, #tpu.memory_space<vmem>>) target(%dma_start3A_181 : memref<2000xi32, #tpu.memory_space<hbm>>) target_semaphore(%run_scoped3A : memref<!tpu.dma_semaphore, #tpu.memory_space<semaphore_mem>>)
        %dma_wait3A = tpu.memref_slice %arg3[%add3A_180] : memref<400000xi32, #tpu.memory_space<hbm>> -> memref<2000xi32, #tpu.memory_space<hbm>>
        %dma_wait3A_182 = tpu.memref_slice %arg3[%add3A_180] : memref<400000xi32, #tpu.memory_space<hbm>> -> memref<2000xi32, #tpu.memory_space<hbm>>
        tpu.wait_dma2 semaphore(%run_scoped3A : memref<!tpu.dma_semaphore, #tpu.memory_space<semaphore_mem>>) src(%arg6 : memref<2000xi32, #tpu.memory_space<vmem>>) dst(%dma_wait3A_182 : memref<2000xi32, #tpu.memory_space<hbm>>)
        tpu.yield
      }) : () -> ()
    } else {
    }
    return
  }
}

#map = affine_map<(d0, d1) -> (0)>
module attributes {stable_mosaic.version = 14 : i64} {
  func.func @_encode_kernel(%arg0: i32, %arg1: i32, %arg2: memref<400000xi32, #tpu.memory_space<hbm>>, %arg3: memref<2048xf32, #tpu.memory_space<hbm>>, %arg4: memref<2048xf32, #tpu.memory_space<hbm>>, %arg5: memref<3200000xf32, #tpu.memory_space<hbm>>, %arg6: memref<2048xf32, #tpu.memory_space<vmem>>, %arg7: memref<2048xf32, #tpu.memory_space<vmem>>, %arg8: memref<800xi32, #tpu.memory_space<vmem>>, %arg9: memref<800xi32, #tpu.memory_space<vmem>>, %arg10: memref<800xi32, #tpu.memory_space<vmem>>, %arg11: memref<800xi32, #tpu.memory_space<vmem>>, %arg12: memref<25600xf32, #tpu.memory_space<vmem>>) attributes {dimension_semantics = [#tpu.dimension_semantics<core_parallel>, #tpu.dimension_semantics<subcore_parallel>], iteration_bounds = array<i64: 2, 16>, scalar_prefetch = 0 : i64, scratch_operands = 7 : i64, tpu.core_type = #tpu.core_type<sc_vector_subcore>, window_params = [{transform_indices = #map}, {transform_indices = #map}, {transform_indices = #map}, {transform_indices = #map}]} {
    %mul3A = arith.constant 16 : i32
    %mul3A_0 = arith.muli %arg0, %mul3A : i32
    %add3A = arith.addi %mul3A_0, %arg1 : i32
    "tpu.region"() ({
      %run_scoped3A = tpu.sem_alloc : memref<!tpu.dma_semaphore, #tpu.memory_space<semaphore_mem>>
      tpu.enqueue_dma source(%arg3 : memref<2048xf32, #tpu.memory_space<hbm>>) target(%arg6 : memref<2048xf32, #tpu.memory_space<vmem>>) target_semaphore(%run_scoped3A : memref<!tpu.dma_semaphore, #tpu.memory_space<semaphore_mem>>)
      tpu.wait_dma2 semaphore(%run_scoped3A : memref<!tpu.dma_semaphore, #tpu.memory_space<semaphore_mem>>) src(%arg3 : memref<2048xf32, #tpu.memory_space<hbm>>) dst(%arg6 : memref<2048xf32, #tpu.memory_space<vmem>>)
      tpu.yield
    }) : () -> ()
    "tpu.region"() ({
      %run_scoped3A = tpu.sem_alloc : memref<!tpu.dma_semaphore, #tpu.memory_space<semaphore_mem>>
      tpu.enqueue_dma source(%arg4 : memref<2048xf32, #tpu.memory_space<hbm>>) target(%arg7 : memref<2048xf32, #tpu.memory_space<vmem>>) target_semaphore(%run_scoped3A : memref<!tpu.dma_semaphore, #tpu.memory_space<semaphore_mem>>)
      tpu.wait_dma2 semaphore(%run_scoped3A : memref<!tpu.dma_semaphore, #tpu.memory_space<semaphore_mem>>) src(%arg4 : memref<2048xf32, #tpu.memory_space<hbm>>) dst(%arg7 : memref<2048xf32, #tpu.memory_space<vmem>>)
      tpu.yield
    }) : () -> ()
    %add3A_1 = arith.constant 0 : i32
    %add3A_2 = arith.addi %add3A, %add3A_1 : i32
    %lt3A = arith.constant 125 : i32
    %lt3A_3 = arith.cmpi slt, %add3A_2, %lt3A : i32
    %convert_element_type3A = arith.extui %lt3A_3 : i1 to i32
    %cond3A = arith.constant 0 : i32
    %cond3A_4 = arith.cmpi ne, %convert_element_type3A, %cond3A : i32
    scf.if %cond3A_4 {
      %mul3A_26 = arith.constant 800 : i32
      %mul3A_27 = arith.muli %add3A_2, %mul3A_26 : i32
      %add3A_28 = arith.constant 0 : i32
      %add3A_29 = arith.addi %add3A_28, %mul3A_27 : i32
      "tpu.region"() ({
        %run_scoped3A = tpu.sem_alloc : memref<!tpu.dma_semaphore, #tpu.memory_space<semaphore_mem>>
        %dma_start3A = tpu.memref_slice %arg2[%add3A_29] : memref<400000xi32, #tpu.memory_space<hbm>> -> memref<800xi32, #tpu.memory_space<hbm>>
        %dma_start3A_44 = tpu.memref_slice %arg2[%add3A_29] : memref<400000xi32, #tpu.memory_space<hbm>> -> memref<800xi32, #tpu.memory_space<hbm>>
        tpu.enqueue_dma source(%dma_start3A_44 : memref<800xi32, #tpu.memory_space<hbm>>) target(%arg8 : memref<800xi32, #tpu.memory_space<vmem>>) target_semaphore(%run_scoped3A : memref<!tpu.dma_semaphore, #tpu.memory_space<semaphore_mem>>)
        %dma_wait3A = tpu.memref_slice %arg2[%add3A_29] : memref<400000xi32, #tpu.memory_space<hbm>> -> memref<800xi32, #tpu.memory_space<hbm>>
        %dma_wait3A_45 = tpu.memref_slice %arg2[%add3A_29] : memref<400000xi32, #tpu.memory_space<hbm>> -> memref<800xi32, #tpu.memory_space<hbm>>
        tpu.wait_dma2 semaphore(%run_scoped3A : memref<!tpu.dma_semaphore, #tpu.memory_space<semaphore_mem>>) src(%dma_wait3A_45 : memref<800xi32, #tpu.memory_space<hbm>>) dst(%arg8 : memref<800xi32, #tpu.memory_space<vmem>>)
        tpu.yield
      }) : () -> ()
      %add3A_30 = arith.constant 200000 : i32
      %add3A_31 = arith.addi %add3A_30, %mul3A_27 : i32
      "tpu.region"() ({
        %run_scoped3A = tpu.sem_alloc : memref<!tpu.dma_semaphore, #tpu.memory_space<semaphore_mem>>
        %dma_start3A = tpu.memref_slice %arg2[%add3A_31] : memref<400000xi32, #tpu.memory_space<hbm>> -> memref<800xi32, #tpu.memory_space<hbm>>
        %dma_start3A_44 = tpu.memref_slice %arg2[%add3A_31] : memref<400000xi32, #tpu.memory_space<hbm>> -> memref<800xi32, #tpu.memory_space<hbm>>
        tpu.enqueue_dma source(%dma_start3A_44 : memref<800xi32, #tpu.memory_space<hbm>>) target(%arg9 : memref<800xi32, #tpu.memory_space<vmem>>) target_semaphore(%run_scoped3A : memref<!tpu.dma_semaphore, #tpu.memory_space<semaphore_mem>>)
        %dma_wait3A = tpu.memref_slice %arg2[%add3A_31] : memref<400000xi32, #tpu.memory_space<hbm>> -> memref<800xi32, #tpu.memory_space<hbm>>
        %dma_wait3A_45 = tpu.memref_slice %arg2[%add3A_31] : memref<400000xi32, #tpu.memory_space<hbm>> -> memref<800xi32, #tpu.memory_space<hbm>>
        tpu.wait_dma2 semaphore(%run_scoped3A : memref<!tpu.dma_semaphore, #tpu.memory_space<semaphore_mem>>) src(%dma_wait3A_45 : memref<800xi32, #tpu.memory_space<hbm>>) dst(%arg9 : memref<800xi32, #tpu.memory_space<vmem>>)
        tpu.yield
      }) : () -> ()
      %add3A_32 = arith.constant 100000 : i32
      %add3A_33 = arith.addi %add3A_32, %mul3A_27 : i32
      "tpu.region"() ({
        %run_scoped3A = tpu.sem_alloc : memref<!tpu.dma_semaphore, #tpu.memory_space<semaphore_mem>>
        %dma_start3A = tpu.memref_slice %arg2[%add3A_33] : memref<400000xi32, #tpu.memory_space<hbm>> -> memref<800xi32, #tpu.memory_space<hbm>>
        %dma_start3A_44 = tpu.memref_slice %arg2[%add3A_33] : memref<400000xi32, #tpu.memory_space<hbm>> -> memref<800xi32, #tpu.memory_space<hbm>>
        tpu.enqueue_dma source(%dma_start3A_44 : memref<800xi32, #tpu.memory_space<hbm>>) target(%arg10 : memref<800xi32, #tpu.memory_space<vmem>>) target_semaphore(%run_scoped3A : memref<!tpu.dma_semaphore, #tpu.memory_space<semaphore_mem>>)
        %dma_wait3A = tpu.memref_slice %arg2[%add3A_33] : memref<400000xi32, #tpu.memory_space<hbm>> -> memref<800xi32, #tpu.memory_space<hbm>>
        %dma_wait3A_45 = tpu.memref_slice %arg2[%add3A_33] : memref<400000xi32, #tpu.memory_space<hbm>> -> memref<800xi32, #tpu.memory_space<hbm>>
        tpu.wait_dma2 semaphore(%run_scoped3A : memref<!tpu.dma_semaphore, #tpu.memory_space<semaphore_mem>>) src(%dma_wait3A_45 : memref<800xi32, #tpu.memory_space<hbm>>) dst(%arg10 : memref<800xi32, #tpu.memory_space<vmem>>)
        tpu.yield
      }) : () -> ()
      %add3A_34 = arith.constant 300000 : i32
      %add3A_35 = arith.addi %add3A_34, %mul3A_27 : i32
      "tpu.region"() ({
        %run_scoped3A = tpu.sem_alloc : memref<!tpu.dma_semaphore, #tpu.memory_space<semaphore_mem>>
        %dma_start3A = tpu.memref_slice %arg2[%add3A_35] : memref<400000xi32, #tpu.memory_space<hbm>> -> memref<800xi32, #tpu.memory_space<hbm>>
        %dma_start3A_44 = tpu.memref_slice %arg2[%add3A_35] : memref<400000xi32, #tpu.memory_space<hbm>> -> memref<800xi32, #tpu.memory_space<hbm>>
        tpu.enqueue_dma source(%dma_start3A_44 : memref<800xi32, #tpu.memory_space<hbm>>) target(%arg11 : memref<800xi32, #tpu.memory_space<vmem>>) target_semaphore(%run_scoped3A : memref<!tpu.dma_semaphore, #tpu.memory_space<semaphore_mem>>)
        %dma_wait3A = tpu.memref_slice %arg2[%add3A_35] : memref<400000xi32, #tpu.memory_space<hbm>> -> memref<800xi32, #tpu.memory_space<hbm>>
        %dma_wait3A_45 = tpu.memref_slice %arg2[%add3A_35] : memref<400000xi32, #tpu.memory_space<hbm>> -> memref<800xi32, #tpu.memory_space<hbm>>
        tpu.wait_dma2 semaphore(%run_scoped3A : memref<!tpu.dma_semaphore, #tpu.memory_space<semaphore_mem>>) src(%dma_wait3A_45 : memref<800xi32, #tpu.memory_space<hbm>>) dst(%arg11 : memref<800xi32, #tpu.memory_space<vmem>>)
        tpu.yield
      }) : () -> ()
      %scan3A = arith.constant 0 : i32
      %scan3A_36 = arith.constant 0 : i32
      %scan3A_37 = arith.constant 50 : i32
      %scan3A_38 = arith.addi %scan3A_36, %scan3A_37 : i32
      %scan3A_39 = arith.constant 1 : i32
      %scan3A_40 = scf.for %scan3A_44 = %scan3A_36 to %scan3A_38 step %scan3A_39 iter_args(%scan3A_45 = %scan3A) -> (i32)  : i32 {
        %mul3A_46 = arith.constant 16 : i32
        %mul3A_47 = arith.muli %scan3A_44, %mul3A_46 : i32
        %get3A = arith.index_cast %mul3A_47 : i32 to index
        %get3A_48 = tpu.vector_load %arg8[%get3A] {strides = array<i32>} : memref<800xi32, #tpu.memory_space<vmem>>, vector<16xi32>,
        %get3A_49 = arith.index_cast %mul3A_47 : i32 to index
        %get3A_50 = tpu.vector_load %arg9[%get3A_49] {strides = array<i32>} : memref<800xi32, #tpu.memory_space<vmem>>, vector<16xi32>,
        %add3A_51 = arith.addi %get3A_48, %get3A_50 : vector<16xi32>
        %min3A = arith.constant 63 : i32
        %min3A_52 = vector.broadcast %min3A : i32 to vector<16xi32>
        %min3A_53 = arith.minsi %add3A_51, %min3A_52 : vector<16xi32>
        %mul3A_54 = arith.constant 32 : i32
        %mul3A_55 = vector.broadcast %mul3A_54 : i32 to vector<16xi32>
        %mul3A_56 = arith.muli %min3A_53, %mul3A_55 : vector<16xi32>
        %get3A_57 = arith.index_cast %mul3A_47 : i32 to index
        %get3A_58 = tpu.vector_load %arg10[%get3A_57] {strides = array<i32>} : memref<800xi32, #tpu.memory_space<vmem>>, vector<16xi32>,
        %get3A_59 = arith.index_cast %mul3A_47 : i32 to index
        %get3A_60 = tpu.vector_load %arg11[%get3A_59] {strides = array<i32>} : memref<800xi32, #tpu.memory_space<vmem>>, vector<16xi32>,
        %add3A_61 = arith.addi %get3A_58, %get3A_60 : vector<16xi32>
        %min3A_62 = arith.constant 63 : i32
        %min3A_63 = vector.broadcast %min3A_62 : i32 to vector<16xi32>
        %min3A_64 = arith.minsi %add3A_61, %min3A_63 : vector<16xi32>
        %mul3A_65 = arith.constant 32 : i32
        %mul3A_66 = vector.broadcast %mul3A_65 : i32 to vector<16xi32>
        %mul3A_67 = arith.muli %min3A_64, %mul3A_66 : vector<16xi32>
        %iota3A = tpu.iota {dimensions = array<i32: 0>} : vector<16xi32>
        %add3A_68 = vector.broadcast %mul3A_47 : i32 to vector<16xi32>
        %add3A_69 = arith.addi %iota3A, %add3A_68 : vector<16xi32>
        %mul3A_70 = arith.constant 32 : i32
        %mul3A_71 = vector.broadcast %mul3A_70 : i32 to vector<16xi32>
        %mul3A_72 = arith.muli %add3A_69, %mul3A_71 : vector<16xi32>
        %add3A_73 = arith.constant 0 : i32
        %add3A_74 = vector.broadcast %add3A_73 : i32 to vector<16xi32>
        %add3A_75 = arith.addi %mul3A_56, %add3A_74 : vector<16xi32>
        %gather3A = tpu.vector_load_idx %arg6[%add3A_75] : memref<2048xf32, #tpu.memory_space<vmem>>[vector<16xi32>], vector<16xf32>,
        %add3A_76 = arith.constant 0 : i32
        %add3A_77 = vector.broadcast %add3A_76 : i32 to vector<16xi32>
        %add3A_78 = arith.addi %mul3A_67, %add3A_77 : vector<16xi32>
        %gather3A_79 = tpu.vector_load_idx %arg7[%add3A_78] : memref<2048xf32, #tpu.memory_space<vmem>>[vector<16xi32>], vector<16xf32>,
        %add3A_80 = arith.constant 0 : i32
        %add3A_81 = vector.broadcast %add3A_80 : i32 to vector<16xi32>
        %add3A_82 = arith.addi %mul3A_72, %add3A_81 : vector<16xi32>
        %add3A_83 = arith.addf %gather3A, %gather3A_79 : vector<16xf32>
        tpu.vector_store_idx %arg12[%add3A_82], %add3A_83 : memref<25600xf32, #tpu.memory_space<vmem>>[vector<16xi32>], vector<16xf32>,
        %add3A_84 = arith.constant 1 : i32
        %add3A_85 = vector.broadcast %add3A_84 : i32 to vector<16xi32>
        %add3A_86 = arith.addi %mul3A_56, %add3A_85 : vector<16xi32>
        %gather3A_87 = tpu.vector_load_idx %arg6[%add3A_86] : memref<2048xf32, #tpu.memory_space<vmem>>[vector<16xi32>], vector<16xf32>,
        %add3A_88 = arith.constant 1 : i32
        %add3A_89 = vector.broadcast %add3A_88 : i32 to vector<16xi32>
        %add3A_90 = arith.addi %mul3A_67, %add3A_89 : vector<16xi32>
        %gather3A_91 = tpu.vector_load_idx %arg7[%add3A_90] : memref<2048xf32, #tpu.memory_space<vmem>>[vector<16xi32>], vector<16xf32>,
        %add3A_92 = arith.constant 1 : i32
        %add3A_93 = vector.broadcast %add3A_92 : i32 to vector<16xi32>
        %add3A_94 = arith.addi %mul3A_72, %add3A_93 : vector<16xi32>
        %add3A_95 = arith.addf %gather3A_87, %gather3A_91 : vector<16xf32>
        tpu.vector_store_idx %arg12[%add3A_94], %add3A_95 : memref<25600xf32, #tpu.memory_space<vmem>>[vector<16xi32>], vector<16xf32>,
        %add3A_96 = arith.constant 2 : i32
        %add3A_97 = vector.broadcast %add3A_96 : i32 to vector<16xi32>
        %add3A_98 = arith.addi %mul3A_56, %add3A_97 : vector<16xi32>
        %gather3A_99 = tpu.vector_load_idx %arg6[%add3A_98] : memref<2048xf32, #tpu.memory_space<vmem>>[vector<16xi32>], vector<16xf32>,
        %add3A_100 = arith.constant 2 : i32
        %add3A_101 = vector.broadcast %add3A_100 : i32 to vector<16xi32>
        %add3A_102 = arith.addi %mul3A_67, %add3A_101 : vector<16xi32>
        %gather3A_103 = tpu.vector_load_idx %arg7[%add3A_102] : memref<2048xf32, #tpu.memory_space<vmem>>[vector<16xi32>], vector<16xf32>,
        %add3A_104 = arith.constant 2 : i32
        %add3A_105 = vector.broadcast %add3A_104 : i32 to vector<16xi32>
        %add3A_106 = arith.addi %mul3A_72, %add3A_105 : vector<16xi32>
        %add3A_107 = arith.addf %gather3A_99, %gather3A_103 : vector<16xf32>
        tpu.vector_store_idx %arg12[%add3A_106], %add3A_107 : memref<25600xf32, #tpu.memory_space<vmem>>[vector<16xi32>], vector<16xf32>,
        %add3A_108 = arith.constant 3 : i32
        %add3A_109 = vector.broadcast %add3A_108 : i32 to vector<16xi32>
        %add3A_110 = arith.addi %mul3A_56, %add3A_109 : vector<16xi32>
        %gather3A_111 = tpu.vector_load_idx %arg6[%add3A_110] : memref<2048xf32, #tpu.memory_space<vmem>>[vector<16xi32>], vector<16xf32>,
        %add3A_112 = arith.constant 3 : i32
        %add3A_113 = vector.broadcast %add3A_112 : i32 to vector<16xi32>
        %add3A_114 = arith.addi %mul3A_67, %add3A_113 : vector<16xi32>
        %gather3A_115 = tpu.vector_load_idx %arg7[%add3A_114] : memref<2048xf32, #tpu.memory_space<vmem>>[vector<16xi32>], vector<16xf32>,
        %add3A_116 = arith.constant 3 : i32
        %add3A_117 = vector.broadcast %add3A_116 : i32 to vector<16xi32>
        %add3A_118 = arith.addi %mul3A_72, %add3A_117 : vector<16xi32>
        %add3A_119 = arith.addf %gather3A_111, %gather3A_115 : vector<16xf32>
        tpu.vector_store_idx %arg12[%add3A_118], %add3A_119 : memref<25600xf32, #tpu.memory_space<vmem>>[vector<16xi32>], vector<16xf32>,
        %add3A_120 = arith.constant 4 : i32
        %add3A_121 = vector.broadcast %add3A_120 : i32 to vector<16xi32>
        %add3A_122 = arith.addi %mul3A_56, %add3A_121 : vector<16xi32>
        %gather3A_123 = tpu.vector_load_idx %arg6[%add3A_122] : memref<2048xf32, #tpu.memory_space<vmem>>[vector<16xi32>], vector<16xf32>,
        %add3A_124 = arith.constant 4 : i32
        %add3A_125 = vector.broadcast %add3A_124 : i32 to vector<16xi32>
        %add3A_126 = arith.addi %mul3A_67, %add3A_125 : vector<16xi32>
        %gather3A_127 = tpu.vector_load_idx %arg7[%add3A_126] : memref<2048xf32, #tpu.memory_space<vmem>>[vector<16xi32>], vector<16xf32>,
        %add3A_128 = arith.constant 4 : i32
        %add3A_129 = vector.broadcast %add3A_128 : i32 to vector<16xi32>
        %add3A_130 = arith.addi %mul3A_72, %add3A_129 : vector<16xi32>
        %add3A_131 = arith.addf %gather3A_123, %gather3A_127 : vector<16xf32>
        tpu.vector_store_idx %arg12[%add3A_130], %add3A_131 : memref<25600xf32, #tpu.memory_space<vmem>>[vector<16xi32>], vector<16xf32>,
        %add3A_132 = arith.constant 5 : i32
        %add3A_133 = vector.broadcast %add3A_132 : i32 to vector<16xi32>
        %add3A_134 = arith.addi %mul3A_56, %add3A_133 : vector<16xi32>
        %gather3A_135 = tpu.vector_load_idx %arg6[%add3A_134] : memref<2048xf32, #tpu.memory_space<vmem>>[vector<16xi32>], vector<16xf32>,
        %add3A_136 = arith.constant 5 : i32
        %add3A_137 = vector.broadcast %add3A_136 : i32 to vector<16xi32>
        %add3A_138 = arith.addi %mul3A_67, %add3A_137 : vector<16xi32>
        %gather3A_139 = tpu.vector_load_idx %arg7[%add3A_138] : memref<2048xf32, #tpu.memory_space<vmem>>[vector<16xi32>], vector<16xf32>,
        %add3A_140 = arith.constant 5 : i32
        %add3A_141 = vector.broadcast %add3A_140 : i32 to vector<16xi32>
        %add3A_142 = arith.addi %mul3A_72, %add3A_141 : vector<16xi32>
        %add3A_143 = arith.addf %gather3A_135, %gather3A_139 : vector<16xf32>
        tpu.vector_store_idx %arg12[%add3A_142], %add3A_143 : memref<25600xf32, #tpu.memory_space<vmem>>[vector<16xi32>], vector<16xf32>,
        %add3A_144 = arith.constant 6 : i32
        %add3A_145 = vector.broadcast %add3A_144 : i32 to vector<16xi32>
        %add3A_146 = arith.addi %mul3A_56, %add3A_145 : vector<16xi32>
        %gather3A_147 = tpu.vector_load_idx %arg6[%add3A_146] : memref<2048xf32, #tpu.memory_space<vmem>>[vector<16xi32>], vector<16xf32>,
        %add3A_148 = arith.constant 6 : i32
        %add3A_149 = vector.broadcast %add3A_148 : i32 to vector<16xi32>
        %add3A_150 = arith.addi %mul3A_67, %add3A_149 : vector<16xi32>
        %gather3A_151 = tpu.vector_load_idx %arg7[%add3A_150] : memref<2048xf32, #tpu.memory_space<vmem>>[vector<16xi32>], vector<16xf32>,
        %add3A_152 = arith.constant 6 : i32
        %add3A_153 = vector.broadcast %add3A_152 : i32 to vector<16xi32>
        %add3A_154 = arith.addi %mul3A_72, %add3A_153 : vector<16xi32>
        %add3A_155 = arith.addf %gather3A_147, %gather3A_151 : vector<16xf32>
        tpu.vector_store_idx %arg12[%add3A_154], %add3A_155 : memref<25600xf32, #tpu.memory_space<vmem>>[vector<16xi32>], vector<16xf32>,
        %add3A_156 = arith.constant 7 : i32
        %add3A_157 = vector.broadcast %add3A_156 : i32 to vector<16xi32>
        %add3A_158 = arith.addi %mul3A_56, %add3A_157 : vector<16xi32>
        %gather3A_159 = tpu.vector_load_idx %arg6[%add3A_158] : memref<2048xf32, #tpu.memory_space<vmem>>[vector<16xi32>], vector<16xf32>,
        %add3A_160 = arith.constant 7 : i32
        %add3A_161 = vector.broadcast %add3A_160 : i32 to vector<16xi32>
        %add3A_162 = arith.addi %mul3A_67, %add3A_161 : vector<16xi32>
        %gather3A_163 = tpu.vector_load_idx %arg7[%add3A_162] : memref<2048xf32, #tpu.memory_space<vmem>>[vector<16xi32>], vector<16xf32>,
        %add3A_164 = arith.constant 7 : i32
        %add3A_165 = vector.broadcast %add3A_164 : i32 to vector<16xi32>
        %add3A_166 = arith.addi %mul3A_72, %add3A_165 : vector<16xi32>
        %add3A_167 = arith.addf %gather3A_159, %gather3A_163 : vector<16xf32>
        tpu.vector_store_idx %arg12[%add3A_166], %add3A_167 : memref<25600xf32, #tpu.memory_space<vmem>>[vector<16xi32>], vector<16xf32>,
        %add3A_168 = arith.constant 8 : i32
        %add3A_169 = vector.broadcast %add3A_168 : i32 to vector<16xi32>
        %add3A_170 = arith.addi %mul3A_56, %add3A_169 : vector<16xi32>
        %gather3A_171 = tpu.vector_load_idx %arg6[%add3A_170] : memref<2048xf32, #tpu.memory_space<vmem>>[vector<16xi32>], vector<16xf32>,
        %add3A_172 = arith.constant 8 : i32
        %add3A_173 = vector.broadcast %add3A_172 : i32 to vector<16xi32>
        %add3A_174 = arith.addi %mul3A_67, %add3A_173 : vector<16xi32>
        %gather3A_175 = tpu.vector_load_idx %arg7[%add3A_174] : memref<2048xf32, #tpu.memory_space<vmem>>[vector<16xi32>], vector<16xf32>,
        %add3A_176 = arith.constant 8 : i32
        %add3A_177 = vector.broadcast %add3A_176 : i32 to vector<16xi32>
        %add3A_178 = arith.addi %mul3A_72, %add3A_177 : vector<16xi32>
        %add3A_179 = arith.addf %gather3A_171, %gather3A_175 : vector<16xf32>
        tpu.vector_store_idx %arg12[%add3A_178], %add3A_179 : memref<25600xf32, #tpu.memory_space<vmem>>[vector<16xi32>], vector<16xf32>,
        %add3A_180 = arith.constant 9 : i32
        %add3A_181 = vector.broadcast %add3A_180 : i32 to vector<16xi32>
        %add3A_182 = arith.addi %mul3A_56, %add3A_181 : vector<16xi32>
        %gather3A_183 = tpu.vector_load_idx %arg6[%add3A_182] : memref<2048xf32, #tpu.memory_space<vmem>>[vector<16xi32>], vector<16xf32>,
        %add3A_184 = arith.constant 9 : i32
        %add3A_185 = vector.broadcast %add3A_184 : i32 to vector<16xi32>
        %add3A_186 = arith.addi %mul3A_67, %add3A_185 : vector<16xi32>
        %gather3A_187 = tpu.vector_load_idx %arg7[%add3A_186] : memref<2048xf32, #tpu.memory_space<vmem>>[vector<16xi32>], vector<16xf32>,
        %add3A_188 = arith.constant 9 : i32
        %add3A_189 = vector.broadcast %add3A_188 : i32 to vector<16xi32>
        %add3A_190 = arith.addi %mul3A_72, %add3A_189 : vector<16xi32>
        %add3A_191 = arith.addf %gather3A_183, %gather3A_187 : vector<16xf32>
        tpu.vector_store_idx %arg12[%add3A_190], %add3A_191 : memref<25600xf32, #tpu.memory_space<vmem>>[vector<16xi32>], vector<16xf32>,
        %add3A_192 = arith.constant 10 : i32
        %add3A_193 = vector.broadcast %add3A_192 : i32 to vector<16xi32>
        %add3A_194 = arith.addi %mul3A_56, %add3A_193 : vector<16xi32>
        %gather3A_195 = tpu.vector_load_idx %arg6[%add3A_194] : memref<2048xf32, #tpu.memory_space<vmem>>[vector<16xi32>], vector<16xf32>,
        %add3A_196 = arith.constant 10 : i32
        %add3A_197 = vector.broadcast %add3A_196 : i32 to vector<16xi32>
        %add3A_198 = arith.addi %mul3A_67, %add3A_197 : vector<16xi32>
        %gather3A_199 = tpu.vector_load_idx %arg7[%add3A_198] : memref<2048xf32, #tpu.memory_space<vmem>>[vector<16xi32>], vector<16xf32>,
        %add3A_200 = arith.constant 10 : i32
        %add3A_201 = vector.broadcast %add3A_200 : i32 to vector<16xi32>
        %add3A_202 = arith.addi %mul3A_72, %add3A_201 : vector<16xi32>
        %add3A_203 = arith.addf %gather3A_195, %gather3A_199 : vector<16xf32>
        tpu.vector_store_idx %arg12[%add3A_202], %add3A_203 : memref<25600xf32, #tpu.memory_space<vmem>>[vector<16xi32>], vector<16xf32>,
        %add3A_204 = arith.constant 11 : i32
        %add3A_205 = vector.broadcast %add3A_204 : i32 to vector<16xi32>
        %add3A_206 = arith.addi %mul3A_56, %add3A_205 : vector<16xi32>
        %gather3A_207 = tpu.vector_load_idx %arg6[%add3A_206] : memref<2048xf32, #tpu.memory_space<vmem>>[vector<16xi32>], vector<16xf32>,
        %add3A_208 = arith.constant 11 : i32
        %add3A_209 = vector.broadcast %add3A_208 : i32 to vector<16xi32>
        %add3A_210 = arith.addi %mul3A_67, %add3A_209 : vector<16xi32>
        %gather3A_211 = tpu.vector_load_idx %arg7[%add3A_210] : memref<2048xf32, #tpu.memory_space<vmem>>[vector<16xi32>], vector<16xf32>,
        %add3A_212 = arith.constant 11 : i32
        %add3A_213 = vector.broadcast %add3A_212 : i32 to vector<16xi32>
        %add3A_214 = arith.addi %mul3A_72, %add3A_213 : vector<16xi32>
        %add3A_215 = arith.addf %gather3A_207, %gather3A_211 : vector<16xf32>
        tpu.vector_store_idx %arg12[%add3A_214], %add3A_215 : memref<25600xf32, #tpu.memory_space<vmem>>[vector<16xi32>], vector<16xf32>,
        %add3A_216 = arith.constant 12 : i32
        %add3A_217 = vector.broadcast %add3A_216 : i32 to vector<16xi32>
        %add3A_218 = arith.addi %mul3A_56, %add3A_217 : vector<16xi32>
        %gather3A_219 = tpu.vector_load_idx %arg6[%add3A_218] : memref<2048xf32, #tpu.memory_space<vmem>>[vector<16xi32>], vector<16xf32>,
        %add3A_220 = arith.constant 12 : i32
        %add3A_221 = vector.broadcast %add3A_220 : i32 to vector<16xi32>
        %add3A_222 = arith.addi %mul3A_67, %add3A_221 : vector<16xi32>
        %gather3A_223 = tpu.vector_load_idx %arg7[%add3A_222] : memref<2048xf32, #tpu.memory_space<vmem>>[vector<16xi32>], vector<16xf32>,
        %add3A_224 = arith.constant 12 : i32
        %add3A_225 = vector.broadcast %add3A_224 : i32 to vector<16xi32>
        %add3A_226 = arith.addi %mul3A_72, %add3A_225 : vector<16xi32>
        %add3A_227 = arith.addf %gather3A_219, %gather3A_223 : vector<16xf32>
        tpu.vector_store_idx %arg12[%add3A_226], %add3A_227 : memref<25600xf32, #tpu.memory_space<vmem>>[vector<16xi32>], vector<16xf32>,
        %add3A_228 = arith.constant 13 : i32
        %add3A_229 = vector.broadcast %add3A_228 : i32 to vector<16xi32>
        %add3A_230 = arith.addi %mul3A_56, %add3A_229 : vector<16xi32>
        %gather3A_231 = tpu.vector_load_idx %arg6[%add3A_230] : memref<2048xf32, #tpu.memory_space<vmem>>[vector<16xi32>], vector<16xf32>,
        %add3A_232 = arith.constant 13 : i32
        %add3A_233 = vector.broadcast %add3A_232 : i32 to vector<16xi32>
        %add3A_234 = arith.addi %mul3A_67, %add3A_233 : vector<16xi32>
        %gather3A_235 = tpu.vector_load_idx %arg7[%add3A_234] : memref<2048xf32, #tpu.memory_space<vmem>>[vector<16xi32>], vector<16xf32>,
        %add3A_236 = arith.constant 13 : i32
        %add3A_237 = vector.broadcast %add3A_236 : i32 to vector<16xi32>
        %add3A_238 = arith.addi %mul3A_72, %add3A_237 : vector<16xi32>
        %add3A_239 = arith.addf %gather3A_231, %gather3A_235 : vector<16xf32>
        tpu.vector_store_idx %arg12[%add3A_238], %add3A_239 : memref<25600xf32, #tpu.memory_space<vmem>>[vector<16xi32>], vector<16xf32>,
        %add3A_240 = arith.constant 14 : i32
        %add3A_241 = vector.broadcast %add3A_240 : i32 to vector<16xi32>
        %add3A_242 = arith.addi %mul3A_56, %add3A_241 : vector<16xi32>
        %gather3A_243 = tpu.vector_load_idx %arg6[%add3A_242] : memref<2048xf32, #tpu.memory_space<vmem>>[vector<16xi32>], vector<16xf32>,
        %add3A_244 = arith.constant 14 : i32
        %add3A_245 = vector.broadcast %add3A_244 : i32 to vector<16xi32>
        %add3A_246 = arith.addi %mul3A_67, %add3A_245 : vector<16xi32>
        %gather3A_247 = tpu.vector_load_idx %arg7[%add3A_246] : memref<2048xf32, #tpu.memory_space<vmem>>[vector<16xi32>], vector<16xf32>,
        %add3A_248 = arith.constant 14 : i32
        %add3A_249 = vector.broadcast %add3A_248 : i32 to vector<16xi32>
        %add3A_250 = arith.addi %mul3A_72, %add3A_249 : vector<16xi32>
        %add3A_251 = arith.addf %gather3A_243, %gather3A_247 : vector<16xf32>
        tpu.vector_store_idx %arg12[%add3A_250], %add3A_251 : memref<25600xf32, #tpu.memory_space<vmem>>[vector<16xi32>], vector<16xf32>,
        %add3A_252 = arith.constant 15 : i32
        %add3A_253 = vector.broadcast %add3A_252 : i32 to vector<16xi32>
        %add3A_254 = arith.addi %mul3A_56, %add3A_253 : vector<16xi32>
        %gather3A_255 = tpu.vector_load_idx %arg6[%add3A_254] : memref<2048xf32, #tpu.memory_space<vmem>>[vector<16xi32>], vector<16xf32>,
        %add3A_256 = arith.constant 15 : i32
        %add3A_257 = vector.broadcast %add3A_256 : i32 to vector<16xi32>
        %add3A_258 = arith.addi %mul3A_67, %add3A_257 : vector<16xi32>
        %gather3A_259 = tpu.vector_load_idx %arg7[%add3A_258] : memref<2048xf32, #tpu.memory_space<vmem>>[vector<16xi32>], vector<16xf32>,
        %add3A_260 = arith.constant 15 : i32
        %add3A_261 = vector.broadcast %add3A_260 : i32 to vector<16xi32>
        %add3A_262 = arith.addi %mul3A_72, %add3A_261 : vector<16xi32>
        %add3A_263 = arith.addf %gather3A_255, %gather3A_259 : vector<16xf32>
        tpu.vector_store_idx %arg12[%add3A_262], %add3A_263 : memref<25600xf32, #tpu.memory_space<vmem>>[vector<16xi32>], vector<16xf32>,
        %add3A_264 = arith.constant 16 : i32
        %add3A_265 = vector.broadcast %add3A_264 : i32 to vector<16xi32>
        %add3A_266 = arith.addi %mul3A_56, %add3A_265 : vector<16xi32>
        %gather3A_267 = tpu.vector_load_idx %arg6[%add3A_266] : memref<2048xf32, #tpu.memory_space<vmem>>[vector<16xi32>], vector<16xf32>,
        %add3A_268 = arith.constant 16 : i32
        %add3A_269 = vector.broadcast %add3A_268 : i32 to vector<16xi32>
        %add3A_270 = arith.addi %mul3A_67, %add3A_269 : vector<16xi32>
        %gather3A_271 = tpu.vector_load_idx %arg7[%add3A_270] : memref<2048xf32, #tpu.memory_space<vmem>>[vector<16xi32>], vector<16xf32>,
        %add3A_272 = arith.constant 16 : i32
        %add3A_273 = vector.broadcast %add3A_272 : i32 to vector<16xi32>
        %add3A_274 = arith.addi %mul3A_72, %add3A_273 : vector<16xi32>
        %add3A_275 = arith.addf %gather3A_267, %gather3A_271 : vector<16xf32>
        tpu.vector_store_idx %arg12[%add3A_274], %add3A_275 : memref<25600xf32, #tpu.memory_space<vmem>>[vector<16xi32>], vector<16xf32>,
        %add3A_276 = arith.constant 17 : i32
        %add3A_277 = vector.broadcast %add3A_276 : i32 to vector<16xi32>
        %add3A_278 = arith.addi %mul3A_56, %add3A_277 : vector<16xi32>
        %gather3A_279 = tpu.vector_load_idx %arg6[%add3A_278] : memref<2048xf32, #tpu.memory_space<vmem>>[vector<16xi32>], vector<16xf32>,
        %add3A_280 = arith.constant 17 : i32
        %add3A_281 = vector.broadcast %add3A_280 : i32 to vector<16xi32>
        %add3A_282 = arith.addi %mul3A_67, %add3A_281 : vector<16xi32>
        %gather3A_283 = tpu.vector_load_idx %arg7[%add3A_282] : memref<2048xf32, #tpu.memory_space<vmem>>[vector<16xi32>], vector<16xf32>,
        %add3A_284 = arith.constant 17 : i32
        %add3A_285 = vector.broadcast %add3A_284 : i32 to vector<16xi32>
        %add3A_286 = arith.addi %mul3A_72, %add3A_285 : vector<16xi32>
        %add3A_287 = arith.addf %gather3A_279, %gather3A_283 : vector<16xf32>
        tpu.vector_store_idx %arg12[%add3A_286], %add3A_287 : memref<25600xf32, #tpu.memory_space<vmem>>[vector<16xi32>], vector<16xf32>,
        %add3A_288 = arith.constant 18 : i32
        %add3A_289 = vector.broadcast %add3A_288 : i32 to vector<16xi32>
        %add3A_290 = arith.addi %mul3A_56, %add3A_289 : vector<16xi32>
        %gather3A_291 = tpu.vector_load_idx %arg6[%add3A_290] : memref<2048xf32, #tpu.memory_space<vmem>>[vector<16xi32>], vector<16xf32>,
        %add3A_292 = arith.constant 18 : i32
        %add3A_293 = vector.broadcast %add3A_292 : i32 to vector<16xi32>
        %add3A_294 = arith.addi %mul3A_67, %add3A_293 : vector<16xi32>
        %gather3A_295 = tpu.vector_load_idx %arg7[%add3A_294] : memref<2048xf32, #tpu.memory_space<vmem>>[vector<16xi32>], vector<16xf32>,
        %add3A_296 = arith.constant 18 : i32
        %add3A_297 = vector.broadcast %add3A_296 : i32 to vector<16xi32>
        %add3A_298 = arith.addi %mul3A_72, %add3A_297 : vector<16xi32>
        %add3A_299 = arith.addf %gather3A_291, %gather3A_295 : vector<16xf32>
        tpu.vector_store_idx %arg12[%add3A_298], %add3A_299 : memref<25600xf32, #tpu.memory_space<vmem>>[vector<16xi32>], vector<16xf32>,
        %add3A_300 = arith.constant 19 : i32
        %add3A_301 = vector.broadcast %add3A_300 : i32 to vector<16xi32>
        %add3A_302 = arith.addi %mul3A_56, %add3A_301 : vector<16xi32>
        %gather3A_303 = tpu.vector_load_idx %arg6[%add3A_302] : memref<2048xf32, #tpu.memory_space<vmem>>[vector<16xi32>], vector<16xf32>,
        %add3A_304 = arith.constant 19 : i32
        %add3A_305 = vector.broadcast %add3A_304 : i32 to vector<16xi32>
        %add3A_306 = arith.addi %mul3A_67, %add3A_305 : vector<16xi32>
        %gather3A_307 = tpu.vector_load_idx %arg7[%add3A_306] : memref<2048xf32, #tpu.memory_space<vmem>>[vector<16xi32>], vector<16xf32>,
        %add3A_308 = arith.constant 19 : i32
        %add3A_309 = vector.broadcast %add3A_308 : i32 to vector<16xi32>
        %add3A_310 = arith.addi %mul3A_72, %add3A_309 : vector<16xi32>
        %add3A_311 = arith.addf %gather3A_303, %gather3A_307 : vector<16xf32>
        tpu.vector_store_idx %arg12[%add3A_310], %add3A_311 : memref<25600xf32, #tpu.memory_space<vmem>>[vector<16xi32>], vector<16xf32>,
        %add3A_312 = arith.constant 20 : i32
        %add3A_313 = vector.broadcast %add3A_312 : i32 to vector<16xi32>
        %add3A_314 = arith.addi %mul3A_56, %add3A_313 : vector<16xi32>
        %gather3A_315 = tpu.vector_load_idx %arg6[%add3A_314] : memref<2048xf32, #tpu.memory_space<vmem>>[vector<16xi32>], vector<16xf32>,
        %add3A_316 = arith.constant 20 : i32
        %add3A_317 = vector.broadcast %add3A_316 : i32 to vector<16xi32>
        %add3A_318 = arith.addi %mul3A_67, %add3A_317 : vector<16xi32>
        %gather3A_319 = tpu.vector_load_idx %arg7[%add3A_318] : memref<2048xf32, #tpu.memory_space<vmem>>[vector<16xi32>], vector<16xf32>,
        %add3A_320 = arith.constant 20 : i32
        %add3A_321 = vector.broadcast %add3A_320 : i32 to vector<16xi32>
        %add3A_322 = arith.addi %mul3A_72, %add3A_321 : vector<16xi32>
        %add3A_323 = arith.addf %gather3A_315, %gather3A_319 : vector<16xf32>
        tpu.vector_store_idx %arg12[%add3A_322], %add3A_323 : memref<25600xf32, #tpu.memory_space<vmem>>[vector<16xi32>], vector<16xf32>,
        %add3A_324 = arith.constant 21 : i32
        %add3A_325 = vector.broadcast %add3A_324 : i32 to vector<16xi32>
        %add3A_326 = arith.addi %mul3A_56, %add3A_325 : vector<16xi32>
        %gather3A_327 = tpu.vector_load_idx %arg6[%add3A_326] : memref<2048xf32, #tpu.memory_space<vmem>>[vector<16xi32>], vector<16xf32>,
        %add3A_328 = arith.constant 21 : i32
        %add3A_329 = vector.broadcast %add3A_328 : i32 to vector<16xi32>
        %add3A_330 = arith.addi %mul3A_67, %add3A_329 : vector<16xi32>
        %gather3A_331 = tpu.vector_load_idx %arg7[%add3A_330] : memref<2048xf32, #tpu.memory_space<vmem>>[vector<16xi32>], vector<16xf32>,
        %add3A_332 = arith.constant 21 : i32
        %add3A_333 = vector.broadcast %add3A_332 : i32 to vector<16xi32>
        %add3A_334 = arith.addi %mul3A_72, %add3A_333 : vector<16xi32>
        %add3A_335 = arith.addf %gather3A_327, %gather3A_331 : vector<16xf32>
        tpu.vector_store_idx %arg12[%add3A_334], %add3A_335 : memref<25600xf32, #tpu.memory_space<vmem>>[vector<16xi32>], vector<16xf32>,
        %add3A_336 = arith.constant 22 : i32
        %add3A_337 = vector.broadcast %add3A_336 : i32 to vector<16xi32>
        %add3A_338 = arith.addi %mul3A_56, %add3A_337 : vector<16xi32>
        %gather3A_339 = tpu.vector_load_idx %arg6[%add3A_338] : memref<2048xf32, #tpu.memory_space<vmem>>[vector<16xi32>], vector<16xf32>,
        %add3A_340 = arith.constant 22 : i32
        %add3A_341 = vector.broadcast %add3A_340 : i32 to vector<16xi32>
        %add3A_342 = arith.addi %mul3A_67, %add3A_341 : vector<16xi32>
        %gather3A_343 = tpu.vector_load_idx %arg7[%add3A_342] : memref<2048xf32, #tpu.memory_space<vmem>>[vector<16xi32>], vector<16xf32>,
        %add3A_344 = arith.constant 22 : i32
        %add3A_345 = vector.broadcast %add3A_344 : i32 to vector<16xi32>
        %add3A_346 = arith.addi %mul3A_72, %add3A_345 : vector<16xi32>
        %add3A_347 = arith.addf %gather3A_339, %gather3A_343 : vector<16xf32>
        tpu.vector_store_idx %arg12[%add3A_346], %add3A_347 : memref<25600xf32, #tpu.memory_space<vmem>>[vector<16xi32>], vector<16xf32>,
        %add3A_348 = arith.constant 23 : i32
        %add3A_349 = vector.broadcast %add3A_348 : i32 to vector<16xi32>
        %add3A_350 = arith.addi %mul3A_56, %add3A_349 : vector<16xi32>
        %gather3A_351 = tpu.vector_load_idx %arg6[%add3A_350] : memref<2048xf32, #tpu.memory_space<vmem>>[vector<16xi32>], vector<16xf32>,
        %add3A_352 = arith.constant 23 : i32
        %add3A_353 = vector.broadcast %add3A_352 : i32 to vector<16xi32>
        %add3A_354 = arith.addi %mul3A_67, %add3A_353 : vector<16xi32>
        %gather3A_355 = tpu.vector_load_idx %arg7[%add3A_354] : memref<2048xf32, #tpu.memory_space<vmem>>[vector<16xi32>], vector<16xf32>,
        %add3A_356 = arith.constant 23 : i32
        %add3A_357 = vector.broadcast %add3A_356 : i32 to vector<16xi32>
        %add3A_358 = arith.addi %mul3A_72, %add3A_357 : vector<16xi32>
        %add3A_359 = arith.addf %gather3A_351, %gather3A_355 : vector<16xf32>
        tpu.vector_store_idx %arg12[%add3A_358], %add3A_359 : memref<25600xf32, #tpu.memory_space<vmem>>[vector<16xi32>], vector<16xf32>,
        %add3A_360 = arith.constant 24 : i32
        %add3A_361 = vector.broadcast %add3A_360 : i32 to vector<16xi32>
        %add3A_362 = arith.addi %mul3A_56, %add3A_361 : vector<16xi32>
        %gather3A_363 = tpu.vector_load_idx %arg6[%add3A_362] : memref<2048xf32, #tpu.memory_space<vmem>>[vector<16xi32>], vector<16xf32>,
        %add3A_364 = arith.constant 24 : i32
        %add3A_365 = vector.broadcast %add3A_364 : i32 to vector<16xi32>
        %add3A_366 = arith.addi %mul3A_67, %add3A_365 : vector<16xi32>
        %gather3A_367 = tpu.vector_load_idx %arg7[%add3A_366] : memref<2048xf32, #tpu.memory_space<vmem>>[vector<16xi32>], vector<16xf32>,
        %add3A_368 = arith.constant 24 : i32
        %add3A_369 = vector.broadcast %add3A_368 : i32 to vector<16xi32>
        %add3A_370 = arith.addi %mul3A_72, %add3A_369 : vector<16xi32>
        %add3A_371 = arith.addf %gather3A_363, %gather3A_367 : vector<16xf32>
        tpu.vector_store_idx %arg12[%add3A_370], %add3A_371 : memref<25600xf32, #tpu.memory_space<vmem>>[vector<16xi32>], vector<16xf32>,
        %add3A_372 = arith.constant 25 : i32
        %add3A_373 = vector.broadcast %add3A_372 : i32 to vector<16xi32>
        %add3A_374 = arith.addi %mul3A_56, %add3A_373 : vector<16xi32>
        %gather3A_375 = tpu.vector_load_idx %arg6[%add3A_374] : memref<2048xf32, #tpu.memory_space<vmem>>[vector<16xi32>], vector<16xf32>,
        %add3A_376 = arith.constant 25 : i32
        %add3A_377 = vector.broadcast %add3A_376 : i32 to vector<16xi32>
        %add3A_378 = arith.addi %mul3A_67, %add3A_377 : vector<16xi32>
        %gather3A_379 = tpu.vector_load_idx %arg7[%add3A_378] : memref<2048xf32, #tpu.memory_space<vmem>>[vector<16xi32>], vector<16xf32>,
        %add3A_380 = arith.constant 25 : i32
        %add3A_381 = vector.broadcast %add3A_380 : i32 to vector<16xi32>
        %add3A_382 = arith.addi %mul3A_72, %add3A_381 : vector<16xi32>
        %add3A_383 = arith.addf %gather3A_375, %gather3A_379 : vector<16xf32>
        tpu.vector_store_idx %arg12[%add3A_382], %add3A_383 : memref<25600xf32, #tpu.memory_space<vmem>>[vector<16xi32>], vector<16xf32>,
        %add3A_384 = arith.constant 26 : i32
        %add3A_385 = vector.broadcast %add3A_384 : i32 to vector<16xi32>
        %add3A_386 = arith.addi %mul3A_56, %add3A_385 : vector<16xi32>
        %gather3A_387 = tpu.vector_load_idx %arg6[%add3A_386] : memref<2048xf32, #tpu.memory_space<vmem>>[vector<16xi32>], vector<16xf32>,
        %add3A_388 = arith.constant 26 : i32
        %add3A_389 = vector.broadcast %add3A_388 : i32 to vector<16xi32>
        %add3A_390 = arith.addi %mul3A_67, %add3A_389 : vector<16xi32>
        %gather3A_391 = tpu.vector_load_idx %arg7[%add3A_390] : memref<2048xf32, #tpu.memory_space<vmem>>[vector<16xi32>], vector<16xf32>,
        %add3A_392 = arith.constant 26 : i32
        %add3A_393 = vector.broadcast %add3A_392 : i32 to vector<16xi32>
        %add3A_394 = arith.addi %mul3A_72, %add3A_393 : vector<16xi32>
        %add3A_395 = arith.addf %gather3A_387, %gather3A_391 : vector<16xf32>
        tpu.vector_store_idx %arg12[%add3A_394], %add3A_395 : memref<25600xf32, #tpu.memory_space<vmem>>[vector<16xi32>], vector<16xf32>,
        %add3A_396 = arith.constant 27 : i32
        %add3A_397 = vector.broadcast %add3A_396 : i32 to vector<16xi32>
        %add3A_398 = arith.addi %mul3A_56, %add3A_397 : vector<16xi32>
        %gather3A_399 = tpu.vector_load_idx %arg6[%add3A_398] : memref<2048xf32, #tpu.memory_space<vmem>>[vector<16xi32>], vector<16xf32>,
        %add3A_400 = arith.constant 27 : i32
        %add3A_401 = vector.broadcast %add3A_400 : i32 to vector<16xi32>
        %add3A_402 = arith.addi %mul3A_67, %add3A_401 : vector<16xi32>
        %gather3A_403 = tpu.vector_load_idx %arg7[%add3A_402] : memref<2048xf32, #tpu.memory_space<vmem>>[vector<16xi32>], vector<16xf32>,
        %add3A_404 = arith.constant 27 : i32
        %add3A_405 = vector.broadcast %add3A_404 : i32 to vector<16xi32>
        %add3A_406 = arith.addi %mul3A_72, %add3A_405 : vector<16xi32>
        %add3A_407 = arith.addf %gather3A_399, %gather3A_403 : vector<16xf32>
        tpu.vector_store_idx %arg12[%add3A_406], %add3A_407 : memref<25600xf32, #tpu.memory_space<vmem>>[vector<16xi32>], vector<16xf32>,
        %add3A_408 = arith.constant 28 : i32
        %add3A_409 = vector.broadcast %add3A_408 : i32 to vector<16xi32>
        %add3A_410 = arith.addi %mul3A_56, %add3A_409 : vector<16xi32>
        %gather3A_411 = tpu.vector_load_idx %arg6[%add3A_410] : memref<2048xf32, #tpu.memory_space<vmem>>[vector<16xi32>], vector<16xf32>,
        %add3A_412 = arith.constant 28 : i32
        %add3A_413 = vector.broadcast %add3A_412 : i32 to vector<16xi32>
        %add3A_414 = arith.addi %mul3A_67, %add3A_413 : vector<16xi32>
        %gather3A_415 = tpu.vector_load_idx %arg7[%add3A_414] : memref<2048xf32, #tpu.memory_space<vmem>>[vector<16xi32>], vector<16xf32>,
        %add3A_416 = arith.constant 28 : i32
        %add3A_417 = vector.broadcast %add3A_416 : i32 to vector<16xi32>
        %add3A_418 = arith.addi %mul3A_72, %add3A_417 : vector<16xi32>
        %add3A_419 = arith.addf %gather3A_411, %gather3A_415 : vector<16xf32>
        tpu.vector_store_idx %arg12[%add3A_418], %add3A_419 : memref<25600xf32, #tpu.memory_space<vmem>>[vector<16xi32>], vector<16xf32>,
        %add3A_420 = arith.constant 29 : i32
        %add3A_421 = vector.broadcast %add3A_420 : i32 to vector<16xi32>
        %add3A_422 = arith.addi %mul3A_56, %add3A_421 : vector<16xi32>
        %gather3A_423 = tpu.vector_load_idx %arg6[%add3A_422] : memref<2048xf32, #tpu.memory_space<vmem>>[vector<16xi32>], vector<16xf32>,
        %add3A_424 = arith.constant 29 : i32
        %add3A_425 = vector.broadcast %add3A_424 : i32 to vector<16xi32>
        %add3A_426 = arith.addi %mul3A_67, %add3A_425 : vector<16xi32>
        %gather3A_427 = tpu.vector_load_idx %arg7[%add3A_426] : memref<2048xf32, #tpu.memory_space<vmem>>[vector<16xi32>], vector<16xf32>,
        %add3A_428 = arith.constant 29 : i32
        %add3A_429 = vector.broadcast %add3A_428 : i32 to vector<16xi32>
        %add3A_430 = arith.addi %mul3A_72, %add3A_429 : vector<16xi32>
        %add3A_431 = arith.addf %gather3A_423, %gather3A_427 : vector<16xf32>
        tpu.vector_store_idx %arg12[%add3A_430], %add3A_431 : memref<25600xf32, #tpu.memory_space<vmem>>[vector<16xi32>], vector<16xf32>,
        %add3A_432 = arith.constant 30 : i32
        %add3A_433 = vector.broadcast %add3A_432 : i32 to vector<16xi32>
        %add3A_434 = arith.addi %mul3A_56, %add3A_433 : vector<16xi32>
        %gather3A_435 = tpu.vector_load_idx %arg6[%add3A_434] : memref<2048xf32, #tpu.memory_space<vmem>>[vector<16xi32>], vector<16xf32>,
        %add3A_436 = arith.constant 30 : i32
        %add3A_437 = vector.broadcast %add3A_436 : i32 to vector<16xi32>
        %add3A_438 = arith.addi %mul3A_67, %add3A_437 : vector<16xi32>
        %gather3A_439 = tpu.vector_load_idx %arg7[%add3A_438] : memref<2048xf32, #tpu.memory_space<vmem>>[vector<16xi32>], vector<16xf32>,
        %add3A_440 = arith.constant 30 : i32
        %add3A_441 = vector.broadcast %add3A_440 : i32 to vector<16xi32>
        %add3A_442 = arith.addi %mul3A_72, %add3A_441 : vector<16xi32>
        %add3A_443 = arith.addf %gather3A_435, %gather3A_439 : vector<16xf32>
        tpu.vector_store_idx %arg12[%add3A_442], %add3A_443 : memref<25600xf32, #tpu.memory_space<vmem>>[vector<16xi32>], vector<16xf32>,
        %add3A_444 = arith.constant 31 : i32
        %add3A_445 = vector.broadcast %add3A_444 : i32 to vector<16xi32>
        %add3A_446 = arith.addi %mul3A_56, %add3A_445 : vector<16xi32>
        %gather3A_447 = tpu.vector_load_idx %arg6[%add3A_446] : memref<2048xf32, #tpu.memory_space<vmem>>[vector<16xi32>], vector<16xf32>,
        %add3A_448 = arith.constant 31 : i32
        %add3A_449 = vector.broadcast %add3A_448 : i32 to vector<16xi32>
        %add3A_450 = arith.addi %mul3A_67, %add3A_449 : vector<16xi32>
        %gather3A_451 = tpu.vector_load_idx %arg7[%add3A_450] : memref<2048xf32, #tpu.memory_space<vmem>>[vector<16xi32>], vector<16xf32>,
        %add3A_452 = arith.constant 31 : i32
        %add3A_453 = vector.broadcast %add3A_452 : i32 to vector<16xi32>
        %add3A_454 = arith.addi %mul3A_72, %add3A_453 : vector<16xi32>
        %add3A_455 = arith.addf %gather3A_447, %gather3A_451 : vector<16xf32>
        tpu.vector_store_idx %arg12[%add3A_454], %add3A_455 : memref<25600xf32, #tpu.memory_space<vmem>>[vector<16xi32>], vector<16xf32>,
        %scan3A_456 = arith.constant 0 : i32
        scf.yield %scan3A_456 : i32
      }
      %scan3A_41 = arith.constant 50 : i32
      %mul3A_42 = arith.constant 32 : i32
      %mul3A_43 = arith.muli %mul3A_27, %mul3A_42 : i32
      "tpu.region"() ({
        %run_scoped3A = tpu.sem_alloc : memref<!tpu.dma_semaphore, #tpu.memory_space<semaphore_mem>>
        %dma_start3A = tpu.memref_slice %arg5[%mul3A_43] : memref<3200000xf32, #tpu.memory_space<hbm>> -> memref<25600xf32, #tpu.memory_space<hbm>>
        %dma_start3A_44 = tpu.memref_slice %arg5[%mul3A_43] : memref<3200000xf32, #tpu.memory_space<hbm>> -> memref<25600xf32, #tpu.memory_space<hbm>>
        tpu.enqueue_dma source(%arg12 : memref<25600xf32, #tpu.memory_space<vmem>>) target(%dma_start3A_44 : memref<25600xf32, #tpu.memory_space<hbm>>) target_semaphore(%run_scoped3A : memref<!tpu.dma_semaphore, #tpu.memory_space<semaphore_mem>>)
        %dma_wait3A = tpu.memref_slice %arg5[%mul3A_43] : memref<3200000xf32, #tpu.memory_space<hbm>> -> memref<25600xf32, #tpu.memory_space<hbm>>
        %dma_wait3A_45 = tpu.memref_slice %arg5[%mul3A_43] : memref<3200000xf32, #tpu.memory_space<hbm>> -> memref<25600xf32, #tpu.memory_space<hbm>>
        tpu.wait_dma2 semaphore(%run_scoped3A : memref<!tpu.dma_semaphore, #tpu.memory_space<semaphore_mem>>) src(%arg12 : memref<25600xf32, #tpu.memory_space<vmem>>) dst(%dma_wait3A_45 : memref<25600xf32, #tpu.memory_space<hbm>>)
        tpu.yield
      }) : () -> ()
    } else {
    }
    %add3A_5 = arith.constant 32 : i32
    %add3A_6 = arith.addi %add3A, %add3A_5 : i32
    %lt3A_7 = arith.constant 125 : i32
    %lt3A_8 = arith.cmpi slt, %add3A_6, %lt3A_7 : i32
    %convert_element_type3A_9 = arith.extui %lt3A_8 : i1 to i32
    %cond3A_10 = arith.constant 0 : i32
    %cond3A_11 = arith.cmpi ne, %convert_element_type3A_9, %cond3A_10 : i32
    scf.if %cond3A_11 {
      %mul3A_26 = arith.constant 800 : i32
      %mul3A_27 = arith.muli %add3A_6, %mul3A_26 : i32
      %add3A_28 = arith.constant 0 : i32
      %add3A_29 = arith.addi %add3A_28, %mul3A_27 : i32
      "tpu.region"() ({
        %run_scoped3A = tpu.sem_alloc : memref<!tpu.dma_semaphore, #tpu.memory_space<semaphore_mem>>
        %dma_start3A = tpu.memref_slice %arg2[%add3A_29] : memref<400000xi32, #tpu.memory_space<hbm>> -> memref<800xi32, #tpu.memory_space<hbm>>
        %dma_start3A_44 = tpu.memref_slice %arg2[%add3A_29] : memref<400000xi32, #tpu.memory_space<hbm>> -> memref<800xi32, #tpu.memory_space<hbm>>
        tpu.enqueue_dma source(%dma_start3A_44 : memref<800xi32, #tpu.memory_space<hbm>>) target(%arg8 : memref<800xi32, #tpu.memory_space<vmem>>) target_semaphore(%run_scoped3A : memref<!tpu.dma_semaphore, #tpu.memory_space<semaphore_mem>>)
        %dma_wait3A = tpu.memref_slice %arg2[%add3A_29] : memref<400000xi32, #tpu.memory_space<hbm>> -> memref<800xi32, #tpu.memory_space<hbm>>
        %dma_wait3A_45 = tpu.memref_slice %arg2[%add3A_29] : memref<400000xi32, #tpu.memory_space<hbm>> -> memref<800xi32, #tpu.memory_space<hbm>>
        tpu.wait_dma2 semaphore(%run_scoped3A : memref<!tpu.dma_semaphore, #tpu.memory_space<semaphore_mem>>) src(%dma_wait3A_45 : memref<800xi32, #tpu.memory_space<hbm>>) dst(%arg8 : memref<800xi32, #tpu.memory_space<vmem>>)
        tpu.yield
      }) : () -> ()
      %add3A_30 = arith.constant 200000 : i32
      %add3A_31 = arith.addi %add3A_30, %mul3A_27 : i32
      "tpu.region"() ({
        %run_scoped3A = tpu.sem_alloc : memref<!tpu.dma_semaphore, #tpu.memory_space<semaphore_mem>>
        %dma_start3A = tpu.memref_slice %arg2[%add3A_31] : memref<400000xi32, #tpu.memory_space<hbm>> -> memref<800xi32, #tpu.memory_space<hbm>>
        %dma_start3A_44 = tpu.memref_slice %arg2[%add3A_31] : memref<400000xi32, #tpu.memory_space<hbm>> -> memref<800xi32, #tpu.memory_space<hbm>>
        tpu.enqueue_dma source(%dma_start3A_44 : memref<800xi32, #tpu.memory_space<hbm>>) target(%arg9 : memref<800xi32, #tpu.memory_space<vmem>>) target_semaphore(%run_scoped3A : memref<!tpu.dma_semaphore, #tpu.memory_space<semaphore_mem>>)
        %dma_wait3A = tpu.memref_slice %arg2[%add3A_31] : memref<400000xi32, #tpu.memory_space<hbm>> -> memref<800xi32, #tpu.memory_space<hbm>>
        %dma_wait3A_45 = tpu.memref_slice %arg2[%add3A_31] : memref<400000xi32, #tpu.memory_space<hbm>> -> memref<800xi32, #tpu.memory_space<hbm>>
        tpu.wait_dma2 semaphore(%run_scoped3A : memref<!tpu.dma_semaphore, #tpu.memory_space<semaphore_mem>>) src(%dma_wait3A_45 : memref<800xi32, #tpu.memory_space<hbm>>) dst(%arg9 : memref<800xi32, #tpu.memory_space<vmem>>)
        tpu.yield
      }) : () -> ()
      %add3A_32 = arith.constant 100000 : i32
      %add3A_33 = arith.addi %add3A_32, %mul3A_27 : i32
      "tpu.region"() ({
        %run_scoped3A = tpu.sem_alloc : memref<!tpu.dma_semaphore, #tpu.memory_space<semaphore_mem>>
        %dma_start3A = tpu.memref_slice %arg2[%add3A_33] : memref<400000xi32, #tpu.memory_space<hbm>> -> memref<800xi32, #tpu.memory_space<hbm>>
        %dma_start3A_44 = tpu.memref_slice %arg2[%add3A_33] : memref<400000xi32, #tpu.memory_space<hbm>> -> memref<800xi32, #tpu.memory_space<hbm>>
        tpu.enqueue_dma source(%dma_start3A_44 : memref<800xi32, #tpu.memory_space<hbm>>) target(%arg10 : memref<800xi32, #tpu.memory_space<vmem>>) target_semaphore(%run_scoped3A : memref<!tpu.dma_semaphore, #tpu.memory_space<semaphore_mem>>)
        %dma_wait3A = tpu.memref_slice %arg2[%add3A_33] : memref<400000xi32, #tpu.memory_space<hbm>> -> memref<800xi32, #tpu.memory_space<hbm>>
        %dma_wait3A_45 = tpu.memref_slice %arg2[%add3A_33] : memref<400000xi32, #tpu.memory_space<hbm>> -> memref<800xi32, #tpu.memory_space<hbm>>
        tpu.wait_dma2 semaphore(%run_scoped3A : memref<!tpu.dma_semaphore, #tpu.memory_space<semaphore_mem>>) src(%dma_wait3A_45 : memref<800xi32, #tpu.memory_space<hbm>>) dst(%arg10 : memref<800xi32, #tpu.memory_space<vmem>>)
        tpu.yield
      }) : () -> ()
      %add3A_34 = arith.constant 300000 : i32
      %add3A_35 = arith.addi %add3A_34, %mul3A_27 : i32
      "tpu.region"() ({
        %run_scoped3A = tpu.sem_alloc : memref<!tpu.dma_semaphore, #tpu.memory_space<semaphore_mem>>
        %dma_start3A = tpu.memref_slice %arg2[%add3A_35] : memref<400000xi32, #tpu.memory_space<hbm>> -> memref<800xi32, #tpu.memory_space<hbm>>
        %dma_start3A_44 = tpu.memref_slice %arg2[%add3A_35] : memref<400000xi32, #tpu.memory_space<hbm>> -> memref<800xi32, #tpu.memory_space<hbm>>
        tpu.enqueue_dma source(%dma_start3A_44 : memref<800xi32, #tpu.memory_space<hbm>>) target(%arg11 : memref<800xi32, #tpu.memory_space<vmem>>) target_semaphore(%run_scoped3A : memref<!tpu.dma_semaphore, #tpu.memory_space<semaphore_mem>>)
        %dma_wait3A = tpu.memref_slice %arg2[%add3A_35] : memref<400000xi32, #tpu.memory_space<hbm>> -> memref<800xi32, #tpu.memory_space<hbm>>
        %dma_wait3A_45 = tpu.memref_slice %arg2[%add3A_35] : memref<400000xi32, #tpu.memory_space<hbm>> -> memref<800xi32, #tpu.memory_space<hbm>>
        tpu.wait_dma2 semaphore(%run_scoped3A : memref<!tpu.dma_semaphore, #tpu.memory_space<semaphore_mem>>) src(%dma_wait3A_45 : memref<800xi32, #tpu.memory_space<hbm>>) dst(%arg11 : memref<800xi32, #tpu.memory_space<vmem>>)
        tpu.yield
      }) : () -> ()
      %scan3A = arith.constant 0 : i32
      %scan3A_36 = arith.constant 0 : i32
      %scan3A_37 = arith.constant 50 : i32
      %scan3A_38 = arith.addi %scan3A_36, %scan3A_37 : i32
      %scan3A_39 = arith.constant 1 : i32
      %scan3A_40 = scf.for %scan3A_44 = %scan3A_36 to %scan3A_38 step %scan3A_39 iter_args(%scan3A_45 = %scan3A) -> (i32)  : i32 {
        %mul3A_46 = arith.constant 16 : i32
        %mul3A_47 = arith.muli %scan3A_44, %mul3A_46 : i32
        %get3A = arith.index_cast %mul3A_47 : i32 to index
        %get3A_48 = tpu.vector_load %arg8[%get3A] {strides = array<i32>} : memref<800xi32, #tpu.memory_space<vmem>>, vector<16xi32>,
        %get3A_49 = arith.index_cast %mul3A_47 : i32 to index
        %get3A_50 = tpu.vector_load %arg9[%get3A_49] {strides = array<i32>} : memref<800xi32, #tpu.memory_space<vmem>>, vector<16xi32>,
        %add3A_51 = arith.addi %get3A_48, %get3A_50 : vector<16xi32>
        %min3A = arith.constant 63 : i32
        %min3A_52 = vector.broadcast %min3A : i32 to vector<16xi32>
        %min3A_53 = arith.minsi %add3A_51, %min3A_52 : vector<16xi32>
        %mul3A_54 = arith.constant 32 : i32
        %mul3A_55 = vector.broadcast %mul3A_54 : i32 to vector<16xi32>
        %mul3A_56 = arith.muli %min3A_53, %mul3A_55 : vector<16xi32>
        %get3A_57 = arith.index_cast %mul3A_47 : i32 to index
        %get3A_58 = tpu.vector_load %arg10[%get3A_57] {strides = array<i32>} : memref<800xi32, #tpu.memory_space<vmem>>, vector<16xi32>,
        %get3A_59 = arith.index_cast %mul3A_47 : i32 to index
        %get3A_60 = tpu.vector_load %arg11[%get3A_59] {strides = array<i32>} : memref<800xi32, #tpu.memory_space<vmem>>, vector<16xi32>,
        %add3A_61 = arith.addi %get3A_58, %get3A_60 : vector<16xi32>
        %min3A_62 = arith.constant 63 : i32
        %min3A_63 = vector.broadcast %min3A_62 : i32 to vector<16xi32>
        %min3A_64 = arith.minsi %add3A_61, %min3A_63 : vector<16xi32>
        %mul3A_65 = arith.constant 32 : i32
        %mul3A_66 = vector.broadcast %mul3A_65 : i32 to vector<16xi32>
        %mul3A_67 = arith.muli %min3A_64, %mul3A_66 : vector<16xi32>
        %iota3A = tpu.iota {dimensions = array<i32: 0>} : vector<16xi32>
        %add3A_68 = vector.broadcast %mul3A_47 : i32 to vector<16xi32>
        %add3A_69 = arith.addi %iota3A, %add3A_68 : vector<16xi32>
        %mul3A_70 = arith.constant 32 : i32
        %mul3A_71 = vector.broadcast %mul3A_70 : i32 to vector<16xi32>
        %mul3A_72 = arith.muli %add3A_69, %mul3A_71 : vector<16xi32>
        %add3A_73 = arith.constant 0 : i32
        %add3A_74 = vector.broadcast %add3A_73 : i32 to vector<16xi32>
        %add3A_75 = arith.addi %mul3A_56, %add3A_74 : vector<16xi32>
        %gather3A = tpu.vector_load_idx %arg6[%add3A_75] : memref<2048xf32, #tpu.memory_space<vmem>>[vector<16xi32>], vector<16xf32>,
        %add3A_76 = arith.constant 0 : i32
        %add3A_77 = vector.broadcast %add3A_76 : i32 to vector<16xi32>
        %add3A_78 = arith.addi %mul3A_67, %add3A_77 : vector<16xi32>
        %gather3A_79 = tpu.vector_load_idx %arg7[%add3A_78] : memref<2048xf32, #tpu.memory_space<vmem>>[vector<16xi32>], vector<16xf32>,
        %add3A_80 = arith.constant 0 : i32
        %add3A_81 = vector.broadcast %add3A_80 : i32 to vector<16xi32>
        %add3A_82 = arith.addi %mul3A_72, %add3A_81 : vector<16xi32>
        %add3A_83 = arith.addf %gather3A, %gather3A_79 : vector<16xf32>
        tpu.vector_store_idx %arg12[%add3A_82], %add3A_83 : memref<25600xf32, #tpu.memory_space<vmem>>[vector<16xi32>], vector<16xf32>,
        %add3A_84 = arith.constant 1 : i32
        %add3A_85 = vector.broadcast %add3A_84 : i32 to vector<16xi32>
        %add3A_86 = arith.addi %mul3A_56, %add3A_85 : vector<16xi32>
        %gather3A_87 = tpu.vector_load_idx %arg6[%add3A_86] : memref<2048xf32, #tpu.memory_space<vmem>>[vector<16xi32>], vector<16xf32>,
        %add3A_88 = arith.constant 1 : i32
        %add3A_89 = vector.broadcast %add3A_88 : i32 to vector<16xi32>
        %add3A_90 = arith.addi %mul3A_67, %add3A_89 : vector<16xi32>
        %gather3A_91 = tpu.vector_load_idx %arg7[%add3A_90] : memref<2048xf32, #tpu.memory_space<vmem>>[vector<16xi32>], vector<16xf32>,
        %add3A_92 = arith.constant 1 : i32
        %add3A_93 = vector.broadcast %add3A_92 : i32 to vector<16xi32>
        %add3A_94 = arith.addi %mul3A_72, %add3A_93 : vector<16xi32>
        %add3A_95 = arith.addf %gather3A_87, %gather3A_91 : vector<16xf32>
        tpu.vector_store_idx %arg12[%add3A_94], %add3A_95 : memref<25600xf32, #tpu.memory_space<vmem>>[vector<16xi32>], vector<16xf32>,
        %add3A_96 = arith.constant 2 : i32
        %add3A_97 = vector.broadcast %add3A_96 : i32 to vector<16xi32>
        %add3A_98 = arith.addi %mul3A_56, %add3A_97 : vector<16xi32>
        %gather3A_99 = tpu.vector_load_idx %arg6[%add3A_98] : memref<2048xf32, #tpu.memory_space<vmem>>[vector<16xi32>], vector<16xf32>,
        %add3A_100 = arith.constant 2 : i32
        %add3A_101 = vector.broadcast %add3A_100 : i32 to vector<16xi32>
        %add3A_102 = arith.addi %mul3A_67, %add3A_101 : vector<16xi32>
        %gather3A_103 = tpu.vector_load_idx %arg7[%add3A_102] : memref<2048xf32, #tpu.memory_space<vmem>>[vector<16xi32>], vector<16xf32>,
        %add3A_104 = arith.constant 2 : i32
        %add3A_105 = vector.broadcast %add3A_104 : i32 to vector<16xi32>
        %add3A_106 = arith.addi %mul3A_72, %add3A_105 : vector<16xi32>
        %add3A_107 = arith.addf %gather3A_99, %gather3A_103 : vector<16xf32>
        tpu.vector_store_idx %arg12[%add3A_106], %add3A_107 : memref<25600xf32, #tpu.memory_space<vmem>>[vector<16xi32>], vector<16xf32>,
        %add3A_108 = arith.constant 3 : i32
        %add3A_109 = vector.broadcast %add3A_108 : i32 to vector<16xi32>
        %add3A_110 = arith.addi %mul3A_56, %add3A_109 : vector<16xi32>
        %gather3A_111 = tpu.vector_load_idx %arg6[%add3A_110] : memref<2048xf32, #tpu.memory_space<vmem>>[vector<16xi32>], vector<16xf32>,
        %add3A_112 = arith.constant 3 : i32
        %add3A_113 = vector.broadcast %add3A_112 : i32 to vector<16xi32>
        %add3A_114 = arith.addi %mul3A_67, %add3A_113 : vector<16xi32>
        %gather3A_115 = tpu.vector_load_idx %arg7[%add3A_114] : memref<2048xf32, #tpu.memory_space<vmem>>[vector<16xi32>], vector<16xf32>,
        %add3A_116 = arith.constant 3 : i32
        %add3A_117 = vector.broadcast %add3A_116 : i32 to vector<16xi32>
        %add3A_118 = arith.addi %mul3A_72, %add3A_117 : vector<16xi32>
        %add3A_119 = arith.addf %gather3A_111, %gather3A_115 : vector<16xf32>
        tpu.vector_store_idx %arg12[%add3A_118], %add3A_119 : memref<25600xf32, #tpu.memory_space<vmem>>[vector<16xi32>], vector<16xf32>,
        %add3A_120 = arith.constant 4 : i32
        %add3A_121 = vector.broadcast %add3A_120 : i32 to vector<16xi32>
        %add3A_122 = arith.addi %mul3A_56, %add3A_121 : vector<16xi32>
        %gather3A_123 = tpu.vector_load_idx %arg6[%add3A_122] : memref<2048xf32, #tpu.memory_space<vmem>>[vector<16xi32>], vector<16xf32>,
        %add3A_124 = arith.constant 4 : i32
        %add3A_125 = vector.broadcast %add3A_124 : i32 to vector<16xi32>
        %add3A_126 = arith.addi %mul3A_67, %add3A_125 : vector<16xi32>
        %gather3A_127 = tpu.vector_load_idx %arg7[%add3A_126] : memref<2048xf32, #tpu.memory_space<vmem>>[vector<16xi32>], vector<16xf32>,
        %add3A_128 = arith.constant 4 : i32
        %add3A_129 = vector.broadcast %add3A_128 : i32 to vector<16xi32>
        %add3A_130 = arith.addi %mul3A_72, %add3A_129 : vector<16xi32>
        %add3A_131 = arith.addf %gather3A_123, %gather3A_127 : vector<16xf32>
        tpu.vector_store_idx %arg12[%add3A_130], %add3A_131 : memref<25600xf32, #tpu.memory_space<vmem>>[vector<16xi32>], vector<16xf32>,
        %add3A_132 = arith.constant 5 : i32
        %add3A_133 = vector.broadcast %add3A_132 : i32 to vector<16xi32>
        %add3A_134 = arith.addi %mul3A_56, %add3A_133 : vector<16xi32>
        %gather3A_135 = tpu.vector_load_idx %arg6[%add3A_134] : memref<2048xf32, #tpu.memory_space<vmem>>[vector<16xi32>], vector<16xf32>,
        %add3A_136 = arith.constant 5 : i32
        %add3A_137 = vector.broadcast %add3A_136 : i32 to vector<16xi32>
        %add3A_138 = arith.addi %mul3A_67, %add3A_137 : vector<16xi32>
        %gather3A_139 = tpu.vector_load_idx %arg7[%add3A_138] : memref<2048xf32, #tpu.memory_space<vmem>>[vector<16xi32>], vector<16xf32>,
        %add3A_140 = arith.constant 5 : i32
        %add3A_141 = vector.broadcast %add3A_140 : i32 to vector<16xi32>
        %add3A_142 = arith.addi %mul3A_72, %add3A_141 : vector<16xi32>
        %add3A_143 = arith.addf %gather3A_135, %gather3A_139 : vector<16xf32>
        tpu.vector_store_idx %arg12[%add3A_142], %add3A_143 : memref<25600xf32, #tpu.memory_space<vmem>>[vector<16xi32>], vector<16xf32>,
        %add3A_144 = arith.constant 6 : i32
        %add3A_145 = vector.broadcast %add3A_144 : i32 to vector<16xi32>
        %add3A_146 = arith.addi %mul3A_56, %add3A_145 : vector<16xi32>
        %gather3A_147 = tpu.vector_load_idx %arg6[%add3A_146] : memref<2048xf32, #tpu.memory_space<vmem>>[vector<16xi32>], vector<16xf32>,
        %add3A_148 = arith.constant 6 : i32
        %add3A_149 = vector.broadcast %add3A_148 : i32 to vector<16xi32>
        %add3A_150 = arith.addi %mul3A_67, %add3A_149 : vector<16xi32>
        %gather3A_151 = tpu.vector_load_idx %arg7[%add3A_150] : memref<2048xf32, #tpu.memory_space<vmem>>[vector<16xi32>], vector<16xf32>,
        %add3A_152 = arith.constant 6 : i32
        %add3A_153 = vector.broadcast %add3A_152 : i32 to vector<16xi32>
        %add3A_154 = arith.addi %mul3A_72, %add3A_153 : vector<16xi32>
        %add3A_155 = arith.addf %gather3A_147, %gather3A_151 : vector<16xf32>
        tpu.vector_store_idx %arg12[%add3A_154], %add3A_155 : memref<25600xf32, #tpu.memory_space<vmem>>[vector<16xi32>], vector<16xf32>,
        %add3A_156 = arith.constant 7 : i32
        %add3A_157 = vector.broadcast %add3A_156 : i32 to vector<16xi32>
        %add3A_158 = arith.addi %mul3A_56, %add3A_157 : vector<16xi32>
        %gather3A_159 = tpu.vector_load_idx %arg6[%add3A_158] : memref<2048xf32, #tpu.memory_space<vmem>>[vector<16xi32>], vector<16xf32>,
        %add3A_160 = arith.constant 7 : i32
        %add3A_161 = vector.broadcast %add3A_160 : i32 to vector<16xi32>
        %add3A_162 = arith.addi %mul3A_67, %add3A_161 : vector<16xi32>
        %gather3A_163 = tpu.vector_load_idx %arg7[%add3A_162] : memref<2048xf32, #tpu.memory_space<vmem>>[vector<16xi32>], vector<16xf32>,
        %add3A_164 = arith.constant 7 : i32
        %add3A_165 = vector.broadcast %add3A_164 : i32 to vector<16xi32>
        %add3A_166 = arith.addi %mul3A_72, %add3A_165 : vector<16xi32>
        %add3A_167 = arith.addf %gather3A_159, %gather3A_163 : vector<16xf32>
        tpu.vector_store_idx %arg12[%add3A_166], %add3A_167 : memref<25600xf32, #tpu.memory_space<vmem>>[vector<16xi32>], vector<16xf32>,
        %add3A_168 = arith.constant 8 : i32
        %add3A_169 = vector.broadcast %add3A_168 : i32 to vector<16xi32>
        %add3A_170 = arith.addi %mul3A_56, %add3A_169 : vector<16xi32>
        %gather3A_171 = tpu.vector_load_idx %arg6[%add3A_170] : memref<2048xf32, #tpu.memory_space<vmem>>[vector<16xi32>], vector<16xf32>,
        %add3A_172 = arith.constant 8 : i32
        %add3A_173 = vector.broadcast %add3A_172 : i32 to vector<16xi32>
        %add3A_174 = arith.addi %mul3A_67, %add3A_173 : vector<16xi32>
        %gather3A_175 = tpu.vector_load_idx %arg7[%add3A_174] : memref<2048xf32, #tpu.memory_space<vmem>>[vector<16xi32>], vector<16xf32>,
        %add3A_176 = arith.constant 8 : i32
        %add3A_177 = vector.broadcast %add3A_176 : i32 to vector<16xi32>
        %add3A_178 = arith.addi %mul3A_72, %add3A_177 : vector<16xi32>
        %add3A_179 = arith.addf %gather3A_171, %gather3A_175 : vector<16xf32>
        tpu.vector_store_idx %arg12[%add3A_178], %add3A_179 : memref<25600xf32, #tpu.memory_space<vmem>>[vector<16xi32>], vector<16xf32>,
        %add3A_180 = arith.constant 9 : i32
        %add3A_181 = vector.broadcast %add3A_180 : i32 to vector<16xi32>
        %add3A_182 = arith.addi %mul3A_56, %add3A_181 : vector<16xi32>
        %gather3A_183 = tpu.vector_load_idx %arg6[%add3A_182] : memref<2048xf32, #tpu.memory_space<vmem>>[vector<16xi32>], vector<16xf32>,
        %add3A_184 = arith.constant 9 : i32
        %add3A_185 = vector.broadcast %add3A_184 : i32 to vector<16xi32>
        %add3A_186 = arith.addi %mul3A_67, %add3A_185 : vector<16xi32>
        %gather3A_187 = tpu.vector_load_idx %arg7[%add3A_186] : memref<2048xf32, #tpu.memory_space<vmem>>[vector<16xi32>], vector<16xf32>,
        %add3A_188 = arith.constant 9 : i32
        %add3A_189 = vector.broadcast %add3A_188 : i32 to vector<16xi32>
        %add3A_190 = arith.addi %mul3A_72, %add3A_189 : vector<16xi32>
        %add3A_191 = arith.addf %gather3A_183, %gather3A_187 : vector<16xf32>
        tpu.vector_store_idx %arg12[%add3A_190], %add3A_191 : memref<25600xf32, #tpu.memory_space<vmem>>[vector<16xi32>], vector<16xf32>,
        %add3A_192 = arith.constant 10 : i32
        %add3A_193 = vector.broadcast %add3A_192 : i32 to vector<16xi32>
        %add3A_194 = arith.addi %mul3A_56, %add3A_193 : vector<16xi32>
        %gather3A_195 = tpu.vector_load_idx %arg6[%add3A_194] : memref<2048xf32, #tpu.memory_space<vmem>>[vector<16xi32>], vector<16xf32>,
        %add3A_196 = arith.constant 10 : i32
        %add3A_197 = vector.broadcast %add3A_196 : i32 to vector<16xi32>
        %add3A_198 = arith.addi %mul3A_67, %add3A_197 : vector<16xi32>
        %gather3A_199 = tpu.vector_load_idx %arg7[%add3A_198] : memref<2048xf32, #tpu.memory_space<vmem>>[vector<16xi32>], vector<16xf32>,
        %add3A_200 = arith.constant 10 : i32
        %add3A_201 = vector.broadcast %add3A_200 : i32 to vector<16xi32>
        %add3A_202 = arith.addi %mul3A_72, %add3A_201 : vector<16xi32>
        %add3A_203 = arith.addf %gather3A_195, %gather3A_199 : vector<16xf32>
        tpu.vector_store_idx %arg12[%add3A_202], %add3A_203 : memref<25600xf32, #tpu.memory_space<vmem>>[vector<16xi32>], vector<16xf32>,
        %add3A_204 = arith.constant 11 : i32
        %add3A_205 = vector.broadcast %add3A_204 : i32 to vector<16xi32>
        %add3A_206 = arith.addi %mul3A_56, %add3A_205 : vector<16xi32>
        %gather3A_207 = tpu.vector_load_idx %arg6[%add3A_206] : memref<2048xf32, #tpu.memory_space<vmem>>[vector<16xi32>], vector<16xf32>,
        %add3A_208 = arith.constant 11 : i32
        %add3A_209 = vector.broadcast %add3A_208 : i32 to vector<16xi32>
        %add3A_210 = arith.addi %mul3A_67, %add3A_209 : vector<16xi32>
        %gather3A_211 = tpu.vector_load_idx %arg7[%add3A_210] : memref<2048xf32, #tpu.memory_space<vmem>>[vector<16xi32>], vector<16xf32>,
        %add3A_212 = arith.constant 11 : i32
        %add3A_213 = vector.broadcast %add3A_212 : i32 to vector<16xi32>
        %add3A_214 = arith.addi %mul3A_72, %add3A_213 : vector<16xi32>
        %add3A_215 = arith.addf %gather3A_207, %gather3A_211 : vector<16xf32>
        tpu.vector_store_idx %arg12[%add3A_214], %add3A_215 : memref<25600xf32, #tpu.memory_space<vmem>>[vector<16xi32>], vector<16xf32>,
        %add3A_216 = arith.constant 12 : i32
        %add3A_217 = vector.broadcast %add3A_216 : i32 to vector<16xi32>
        %add3A_218 = arith.addi %mul3A_56, %add3A_217 : vector<16xi32>
        %gather3A_219 = tpu.vector_load_idx %arg6[%add3A_218] : memref<2048xf32, #tpu.memory_space<vmem>>[vector<16xi32>], vector<16xf32>,
        %add3A_220 = arith.constant 12 : i32
        %add3A_221 = vector.broadcast %add3A_220 : i32 to vector<16xi32>
        %add3A_222 = arith.addi %mul3A_67, %add3A_221 : vector<16xi32>
        %gather3A_223 = tpu.vector_load_idx %arg7[%add3A_222] : memref<2048xf32, #tpu.memory_space<vmem>>[vector<16xi32>], vector<16xf32>,
        %add3A_224 = arith.constant 12 : i32
        %add3A_225 = vector.broadcast %add3A_224 : i32 to vector<16xi32>
        %add3A_226 = arith.addi %mul3A_72, %add3A_225 : vector<16xi32>
        %add3A_227 = arith.addf %gather3A_219, %gather3A_223 : vector<16xf32>
        tpu.vector_store_idx %arg12[%add3A_226], %add3A_227 : memref<25600xf32, #tpu.memory_space<vmem>>[vector<16xi32>], vector<16xf32>,
        %add3A_228 = arith.constant 13 : i32
        %add3A_229 = vector.broadcast %add3A_228 : i32 to vector<16xi32>
        %add3A_230 = arith.addi %mul3A_56, %add3A_229 : vector<16xi32>
        %gather3A_231 = tpu.vector_load_idx %arg6[%add3A_230] : memref<2048xf32, #tpu.memory_space<vmem>>[vector<16xi32>], vector<16xf32>,
        %add3A_232 = arith.constant 13 : i32
        %add3A_233 = vector.broadcast %add3A_232 : i32 to vector<16xi32>
        %add3A_234 = arith.addi %mul3A_67, %add3A_233 : vector<16xi32>
        %gather3A_235 = tpu.vector_load_idx %arg7[%add3A_234] : memref<2048xf32, #tpu.memory_space<vmem>>[vector<16xi32>], vector<16xf32>,
        %add3A_236 = arith.constant 13 : i32
        %add3A_237 = vector.broadcast %add3A_236 : i32 to vector<16xi32>
        %add3A_238 = arith.addi %mul3A_72, %add3A_237 : vector<16xi32>
        %add3A_239 = arith.addf %gather3A_231, %gather3A_235 : vector<16xf32>
        tpu.vector_store_idx %arg12[%add3A_238], %add3A_239 : memref<25600xf32, #tpu.memory_space<vmem>>[vector<16xi32>], vector<16xf32>,
        %add3A_240 = arith.constant 14 : i32
        %add3A_241 = vector.broadcast %add3A_240 : i32 to vector<16xi32>
        %add3A_242 = arith.addi %mul3A_56, %add3A_241 : vector<16xi32>
        %gather3A_243 = tpu.vector_load_idx %arg6[%add3A_242] : memref<2048xf32, #tpu.memory_space<vmem>>[vector<16xi32>], vector<16xf32>,
        %add3A_244 = arith.constant 14 : i32
        %add3A_245 = vector.broadcast %add3A_244 : i32 to vector<16xi32>
        %add3A_246 = arith.addi %mul3A_67, %add3A_245 : vector<16xi32>
        %gather3A_247 = tpu.vector_load_idx %arg7[%add3A_246] : memref<2048xf32, #tpu.memory_space<vmem>>[vector<16xi32>], vector<16xf32>,
        %add3A_248 = arith.constant 14 : i32
        %add3A_249 = vector.broadcast %add3A_248 : i32 to vector<16xi32>
        %add3A_250 = arith.addi %mul3A_72, %add3A_249 : vector<16xi32>
        %add3A_251 = arith.addf %gather3A_243, %gather3A_247 : vector<16xf32>
        tpu.vector_store_idx %arg12[%add3A_250], %add3A_251 : memref<25600xf32, #tpu.memory_space<vmem>>[vector<16xi32>], vector<16xf32>,
        %add3A_252 = arith.constant 15 : i32
        %add3A_253 = vector.broadcast %add3A_252 : i32 to vector<16xi32>
        %add3A_254 = arith.addi %mul3A_56, %add3A_253 : vector<16xi32>
        %gather3A_255 = tpu.vector_load_idx %arg6[%add3A_254] : memref<2048xf32, #tpu.memory_space<vmem>>[vector<16xi32>], vector<16xf32>,
        %add3A_256 = arith.constant 15 : i32
        %add3A_257 = vector.broadcast %add3A_256 : i32 to vector<16xi32>
        %add3A_258 = arith.addi %mul3A_67, %add3A_257 : vector<16xi32>
        %gather3A_259 = tpu.vector_load_idx %arg7[%add3A_258] : memref<2048xf32, #tpu.memory_space<vmem>>[vector<16xi32>], vector<16xf32>,
        %add3A_260 = arith.constant 15 : i32
        %add3A_261 = vector.broadcast %add3A_260 : i32 to vector<16xi32>
        %add3A_262 = arith.addi %mul3A_72, %add3A_261 : vector<16xi32>
        %add3A_263 = arith.addf %gather3A_255, %gather3A_259 : vector<16xf32>
        tpu.vector_store_idx %arg12[%add3A_262], %add3A_263 : memref<25600xf32, #tpu.memory_space<vmem>>[vector<16xi32>], vector<16xf32>,
        %add3A_264 = arith.constant 16 : i32
        %add3A_265 = vector.broadcast %add3A_264 : i32 to vector<16xi32>
        %add3A_266 = arith.addi %mul3A_56, %add3A_265 : vector<16xi32>
        %gather3A_267 = tpu.vector_load_idx %arg6[%add3A_266] : memref<2048xf32, #tpu.memory_space<vmem>>[vector<16xi32>], vector<16xf32>,
        %add3A_268 = arith.constant 16 : i32
        %add3A_269 = vector.broadcast %add3A_268 : i32 to vector<16xi32>
        %add3A_270 = arith.addi %mul3A_67, %add3A_269 : vector<16xi32>
        %gather3A_271 = tpu.vector_load_idx %arg7[%add3A_270] : memref<2048xf32, #tpu.memory_space<vmem>>[vector<16xi32>], vector<16xf32>,
        %add3A_272 = arith.constant 16 : i32
        %add3A_273 = vector.broadcast %add3A_272 : i32 to vector<16xi32>
        %add3A_274 = arith.addi %mul3A_72, %add3A_273 : vector<16xi32>
        %add3A_275 = arith.addf %gather3A_267, %gather3A_271 : vector<16xf32>
        tpu.vector_store_idx %arg12[%add3A_274], %add3A_275 : memref<25600xf32, #tpu.memory_space<vmem>>[vector<16xi32>], vector<16xf32>,
        %add3A_276 = arith.constant 17 : i32
        %add3A_277 = vector.broadcast %add3A_276 : i32 to vector<16xi32>
        %add3A_278 = arith.addi %mul3A_56, %add3A_277 : vector<16xi32>
        %gather3A_279 = tpu.vector_load_idx %arg6[%add3A_278] : memref<2048xf32, #tpu.memory_space<vmem>>[vector<16xi32>], vector<16xf32>,
        %add3A_280 = arith.constant 17 : i32
        %add3A_281 = vector.broadcast %add3A_280 : i32 to vector<16xi32>
        %add3A_282 = arith.addi %mul3A_67, %add3A_281 : vector<16xi32>
        %gather3A_283 = tpu.vector_load_idx %arg7[%add3A_282] : memref<2048xf32, #tpu.memory_space<vmem>>[vector<16xi32>], vector<16xf32>,
        %add3A_284 = arith.constant 17 : i32
        %add3A_285 = vector.broadcast %add3A_284 : i32 to vector<16xi32>
        %add3A_286 = arith.addi %mul3A_72, %add3A_285 : vector<16xi32>
        %add3A_287 = arith.addf %gather3A_279, %gather3A_283 : vector<16xf32>
        tpu.vector_store_idx %arg12[%add3A_286], %add3A_287 : memref<25600xf32, #tpu.memory_space<vmem>>[vector<16xi32>], vector<16xf32>,
        %add3A_288 = arith.constant 18 : i32
        %add3A_289 = vector.broadcast %add3A_288 : i32 to vector<16xi32>
        %add3A_290 = arith.addi %mul3A_56, %add3A_289 : vector<16xi32>
        %gather3A_291 = tpu.vector_load_idx %arg6[%add3A_290] : memref<2048xf32, #tpu.memory_space<vmem>>[vector<16xi32>], vector<16xf32>,
        %add3A_292 = arith.constant 18 : i32
        %add3A_293 = vector.broadcast %add3A_292 : i32 to vector<16xi32>
        %add3A_294 = arith.addi %mul3A_67, %add3A_293 : vector<16xi32>
        %gather3A_295 = tpu.vector_load_idx %arg7[%add3A_294] : memref<2048xf32, #tpu.memory_space<vmem>>[vector<16xi32>], vector<16xf32>,
        %add3A_296 = arith.constant 18 : i32
        %add3A_297 = vector.broadcast %add3A_296 : i32 to vector<16xi32>
        %add3A_298 = arith.addi %mul3A_72, %add3A_297 : vector<16xi32>
        %add3A_299 = arith.addf %gather3A_291, %gather3A_295 : vector<16xf32>
        tpu.vector_store_idx %arg12[%add3A_298], %add3A_299 : memref<25600xf32, #tpu.memory_space<vmem>>[vector<16xi32>], vector<16xf32>,
        %add3A_300 = arith.constant 19 : i32
        %add3A_301 = vector.broadcast %add3A_300 : i32 to vector<16xi32>
        %add3A_302 = arith.addi %mul3A_56, %add3A_301 : vector<16xi32>
        %gather3A_303 = tpu.vector_load_idx %arg6[%add3A_302] : memref<2048xf32, #tpu.memory_space<vmem>>[vector<16xi32>], vector<16xf32>,
        %add3A_304 = arith.constant 19 : i32
        %add3A_305 = vector.broadcast %add3A_304 : i32 to vector<16xi32>
        %add3A_306 = arith.addi %mul3A_67, %add3A_305 : vector<16xi32>
        %gather3A_307 = tpu.vector_load_idx %arg7[%add3A_306] : memref<2048xf32, #tpu.memory_space<vmem>>[vector<16xi32>], vector<16xf32>,
        %add3A_308 = arith.constant 19 : i32
        %add3A_309 = vector.broadcast %add3A_308 : i32 to vector<16xi32>
        %add3A_310 = arith.addi %mul3A_72, %add3A_309 : vector<16xi32>
        %add3A_311 = arith.addf %gather3A_303, %gather3A_307 : vector<16xf32>
        tpu.vector_store_idx %arg12[%add3A_310], %add3A_311 : memref<25600xf32, #tpu.memory_space<vmem>>[vector<16xi32>], vector<16xf32>,
        %add3A_312 = arith.constant 20 : i32
        %add3A_313 = vector.broadcast %add3A_312 : i32 to vector<16xi32>
        %add3A_314 = arith.addi %mul3A_56, %add3A_313 : vector<16xi32>
        %gather3A_315 = tpu.vector_load_idx %arg6[%add3A_314] : memref<2048xf32, #tpu.memory_space<vmem>>[vector<16xi32>], vector<16xf32>,
        %add3A_316 = arith.constant 20 : i32
        %add3A_317 = vector.broadcast %add3A_316 : i32 to vector<16xi32>
        %add3A_318 = arith.addi %mul3A_67, %add3A_317 : vector<16xi32>
        %gather3A_319 = tpu.vector_load_idx %arg7[%add3A_318] : memref<2048xf32, #tpu.memory_space<vmem>>[vector<16xi32>], vector<16xf32>,
        %add3A_320 = arith.constant 20 : i32
        %add3A_321 = vector.broadcast %add3A_320 : i32 to vector<16xi32>
        %add3A_322 = arith.addi %mul3A_72, %add3A_321 : vector<16xi32>
        %add3A_323 = arith.addf %gather3A_315, %gather3A_319 : vector<16xf32>
        tpu.vector_store_idx %arg12[%add3A_322], %add3A_323 : memref<25600xf32, #tpu.memory_space<vmem>>[vector<16xi32>], vector<16xf32>,
        %add3A_324 = arith.constant 21 : i32
        %add3A_325 = vector.broadcast %add3A_324 : i32 to vector<16xi32>
        %add3A_326 = arith.addi %mul3A_56, %add3A_325 : vector<16xi32>
        %gather3A_327 = tpu.vector_load_idx %arg6[%add3A_326] : memref<2048xf32, #tpu.memory_space<vmem>>[vector<16xi32>], vector<16xf32>,
        %add3A_328 = arith.constant 21 : i32
        %add3A_329 = vector.broadcast %add3A_328 : i32 to vector<16xi32>
        %add3A_330 = arith.addi %mul3A_67, %add3A_329 : vector<16xi32>
        %gather3A_331 = tpu.vector_load_idx %arg7[%add3A_330] : memref<2048xf32, #tpu.memory_space<vmem>>[vector<16xi32>], vector<16xf32>,
        %add3A_332 = arith.constant 21 : i32
        %add3A_333 = vector.broadcast %add3A_332 : i32 to vector<16xi32>
        %add3A_334 = arith.addi %mul3A_72, %add3A_333 : vector<16xi32>
        %add3A_335 = arith.addf %gather3A_327, %gather3A_331 : vector<16xf32>
        tpu.vector_store_idx %arg12[%add3A_334], %add3A_335 : memref<25600xf32, #tpu.memory_space<vmem>>[vector<16xi32>], vector<16xf32>,
        %add3A_336 = arith.constant 22 : i32
        %add3A_337 = vector.broadcast %add3A_336 : i32 to vector<16xi32>
        %add3A_338 = arith.addi %mul3A_56, %add3A_337 : vector<16xi32>
        %gather3A_339 = tpu.vector_load_idx %arg6[%add3A_338] : memref<2048xf32, #tpu.memory_space<vmem>>[vector<16xi32>], vector<16xf32>,
        %add3A_340 = arith.constant 22 : i32
        %add3A_341 = vector.broadcast %add3A_340 : i32 to vector<16xi32>
        %add3A_342 = arith.addi %mul3A_67, %add3A_341 : vector<16xi32>
        %gather3A_343 = tpu.vector_load_idx %arg7[%add3A_342] : memref<2048xf32, #tpu.memory_space<vmem>>[vector<16xi32>], vector<16xf32>,
        %add3A_344 = arith.constant 22 : i32
        %add3A_345 = vector.broadcast %add3A_344 : i32 to vector<16xi32>
        %add3A_346 = arith.addi %mul3A_72, %add3A_345 : vector<16xi32>
        %add3A_347 = arith.addf %gather3A_339, %gather3A_343 : vector<16xf32>
        tpu.vector_store_idx %arg12[%add3A_346], %add3A_347 : memref<25600xf32, #tpu.memory_space<vmem>>[vector<16xi32>], vector<16xf32>,
        %add3A_348 = arith.constant 23 : i32
        %add3A_349 = vector.broadcast %add3A_348 : i32 to vector<16xi32>
        %add3A_350 = arith.addi %mul3A_56, %add3A_349 : vector<16xi32>
        %gather3A_351 = tpu.vector_load_idx %arg6[%add3A_350] : memref<2048xf32, #tpu.memory_space<vmem>>[vector<16xi32>], vector<16xf32>,
        %add3A_352 = arith.constant 23 : i32
        %add3A_353 = vector.broadcast %add3A_352 : i32 to vector<16xi32>
        %add3A_354 = arith.addi %mul3A_67, %add3A_353 : vector<16xi32>
        %gather3A_355 = tpu.vector_load_idx %arg7[%add3A_354] : memref<2048xf32, #tpu.memory_space<vmem>>[vector<16xi32>], vector<16xf32>,
        %add3A_356 = arith.constant 23 : i32
        %add3A_357 = vector.broadcast %add3A_356 : i32 to vector<16xi32>
        %add3A_358 = arith.addi %mul3A_72, %add3A_357 : vector<16xi32>
        %add3A_359 = arith.addf %gather3A_351, %gather3A_355 : vector<16xf32>
        tpu.vector_store_idx %arg12[%add3A_358], %add3A_359 : memref<25600xf32, #tpu.memory_space<vmem>>[vector<16xi32>], vector<16xf32>,
        %add3A_360 = arith.constant 24 : i32
        %add3A_361 = vector.broadcast %add3A_360 : i32 to vector<16xi32>
        %add3A_362 = arith.addi %mul3A_56, %add3A_361 : vector<16xi32>
        %gather3A_363 = tpu.vector_load_idx %arg6[%add3A_362] : memref<2048xf32, #tpu.memory_space<vmem>>[vector<16xi32>], vector<16xf32>,
        %add3A_364 = arith.constant 24 : i32
        %add3A_365 = vector.broadcast %add3A_364 : i32 to vector<16xi32>
        %add3A_366 = arith.addi %mul3A_67, %add3A_365 : vector<16xi32>
        %gather3A_367 = tpu.vector_load_idx %arg7[%add3A_366] : memref<2048xf32, #tpu.memory_space<vmem>>[vector<16xi32>], vector<16xf32>,
        %add3A_368 = arith.constant 24 : i32
        %add3A_369 = vector.broadcast %add3A_368 : i32 to vector<16xi32>
        %add3A_370 = arith.addi %mul3A_72, %add3A_369 : vector<16xi32>
        %add3A_371 = arith.addf %gather3A_363, %gather3A_367 : vector<16xf32>
        tpu.vector_store_idx %arg12[%add3A_370], %add3A_371 : memref<25600xf32, #tpu.memory_space<vmem>>[vector<16xi32>], vector<16xf32>,
        %add3A_372 = arith.constant 25 : i32
        %add3A_373 = vector.broadcast %add3A_372 : i32 to vector<16xi32>
        %add3A_374 = arith.addi %mul3A_56, %add3A_373 : vector<16xi32>
        %gather3A_375 = tpu.vector_load_idx %arg6[%add3A_374] : memref<2048xf32, #tpu.memory_space<vmem>>[vector<16xi32>], vector<16xf32>,
        %add3A_376 = arith.constant 25 : i32
        %add3A_377 = vector.broadcast %add3A_376 : i32 to vector<16xi32>
        %add3A_378 = arith.addi %mul3A_67, %add3A_377 : vector<16xi32>
        %gather3A_379 = tpu.vector_load_idx %arg7[%add3A_378] : memref<2048xf32, #tpu.memory_space<vmem>>[vector<16xi32>], vector<16xf32>,
        %add3A_380 = arith.constant 25 : i32
        %add3A_381 = vector.broadcast %add3A_380 : i32 to vector<16xi32>
        %add3A_382 = arith.addi %mul3A_72, %add3A_381 : vector<16xi32>
        %add3A_383 = arith.addf %gather3A_375, %gather3A_379 : vector<16xf32>
        tpu.vector_store_idx %arg12[%add3A_382], %add3A_383 : memref<25600xf32, #tpu.memory_space<vmem>>[vector<16xi32>], vector<16xf32>,
        %add3A_384 = arith.constant 26 : i32
        %add3A_385 = vector.broadcast %add3A_384 : i32 to vector<16xi32>
        %add3A_386 = arith.addi %mul3A_56, %add3A_385 : vector<16xi32>
        %gather3A_387 = tpu.vector_load_idx %arg6[%add3A_386] : memref<2048xf32, #tpu.memory_space<vmem>>[vector<16xi32>], vector<16xf32>,
        %add3A_388 = arith.constant 26 : i32
        %add3A_389 = vector.broadcast %add3A_388 : i32 to vector<16xi32>
        %add3A_390 = arith.addi %mul3A_67, %add3A_389 : vector<16xi32>
        %gather3A_391 = tpu.vector_load_idx %arg7[%add3A_390] : memref<2048xf32, #tpu.memory_space<vmem>>[vector<16xi32>], vector<16xf32>,
        %add3A_392 = arith.constant 26 : i32
        %add3A_393 = vector.broadcast %add3A_392 : i32 to vector<16xi32>
        %add3A_394 = arith.addi %mul3A_72, %add3A_393 : vector<16xi32>
        %add3A_395 = arith.addf %gather3A_387, %gather3A_391 : vector<16xf32>
        tpu.vector_store_idx %arg12[%add3A_394], %add3A_395 : memref<25600xf32, #tpu.memory_space<vmem>>[vector<16xi32>], vector<16xf32>,
        %add3A_396 = arith.constant 27 : i32
        %add3A_397 = vector.broadcast %add3A_396 : i32 to vector<16xi32>
        %add3A_398 = arith.addi %mul3A_56, %add3A_397 : vector<16xi32>
        %gather3A_399 = tpu.vector_load_idx %arg6[%add3A_398] : memref<2048xf32, #tpu.memory_space<vmem>>[vector<16xi32>], vector<16xf32>,
        %add3A_400 = arith.constant 27 : i32
        %add3A_401 = vector.broadcast %add3A_400 : i32 to vector<16xi32>
        %add3A_402 = arith.addi %mul3A_67, %add3A_401 : vector<16xi32>
        %gather3A_403 = tpu.vector_load_idx %arg7[%add3A_402] : memref<2048xf32, #tpu.memory_space<vmem>>[vector<16xi32>], vector<16xf32>,
        %add3A_404 = arith.constant 27 : i32
        %add3A_405 = vector.broadcast %add3A_404 : i32 to vector<16xi32>
        %add3A_406 = arith.addi %mul3A_72, %add3A_405 : vector<16xi32>
        %add3A_407 = arith.addf %gather3A_399, %gather3A_403 : vector<16xf32>
        tpu.vector_store_idx %arg12[%add3A_406], %add3A_407 : memref<25600xf32, #tpu.memory_space<vmem>>[vector<16xi32>], vector<16xf32>,
        %add3A_408 = arith.constant 28 : i32
        %add3A_409 = vector.broadcast %add3A_408 : i32 to vector<16xi32>
        %add3A_410 = arith.addi %mul3A_56, %add3A_409 : vector<16xi32>
        %gather3A_411 = tpu.vector_load_idx %arg6[%add3A_410] : memref<2048xf32, #tpu.memory_space<vmem>>[vector<16xi32>], vector<16xf32>,
        %add3A_412 = arith.constant 28 : i32
        %add3A_413 = vector.broadcast %add3A_412 : i32 to vector<16xi32>
        %add3A_414 = arith.addi %mul3A_67, %add3A_413 : vector<16xi32>
        %gather3A_415 = tpu.vector_load_idx %arg7[%add3A_414] : memref<2048xf32, #tpu.memory_space<vmem>>[vector<16xi32>], vector<16xf32>,
        %add3A_416 = arith.constant 28 : i32
        %add3A_417 = vector.broadcast %add3A_416 : i32 to vector<16xi32>
        %add3A_418 = arith.addi %mul3A_72, %add3A_417 : vector<16xi32>
        %add3A_419 = arith.addf %gather3A_411, %gather3A_415 : vector<16xf32>
        tpu.vector_store_idx %arg12[%add3A_418], %add3A_419 : memref<25600xf32, #tpu.memory_space<vmem>>[vector<16xi32>], vector<16xf32>,
        %add3A_420 = arith.constant 29 : i32
        %add3A_421 = vector.broadcast %add3A_420 : i32 to vector<16xi32>
        %add3A_422 = arith.addi %mul3A_56, %add3A_421 : vector<16xi32>
        %gather3A_423 = tpu.vector_load_idx %arg6[%add3A_422] : memref<2048xf32, #tpu.memory_space<vmem>>[vector<16xi32>], vector<16xf32>,
        %add3A_424 = arith.constant 29 : i32
        %add3A_425 = vector.broadcast %add3A_424 : i32 to vector<16xi32>
        %add3A_426 = arith.addi %mul3A_67, %add3A_425 : vector<16xi32>
        %gather3A_427 = tpu.vector_load_idx %arg7[%add3A_426] : memref<2048xf32, #tpu.memory_space<vmem>>[vector<16xi32>], vector<16xf32>,
        %add3A_428 = arith.constant 29 : i32
        %add3A_429 = vector.broadcast %add3A_428 : i32 to vector<16xi32>
        %add3A_430 = arith.addi %mul3A_72, %add3A_429 : vector<16xi32>
        %add3A_431 = arith.addf %gather3A_423, %gather3A_427 : vector<16xf32>
        tpu.vector_store_idx %arg12[%add3A_430], %add3A_431 : memref<25600xf32, #tpu.memory_space<vmem>>[vector<16xi32>], vector<16xf32>,
        %add3A_432 = arith.constant 30 : i32
        %add3A_433 = vector.broadcast %add3A_432 : i32 to vector<16xi32>
        %add3A_434 = arith.addi %mul3A_56, %add3A_433 : vector<16xi32>
        %gather3A_435 = tpu.vector_load_idx %arg6[%add3A_434] : memref<2048xf32, #tpu.memory_space<vmem>>[vector<16xi32>], vector<16xf32>,
        %add3A_436 = arith.constant 30 : i32
        %add3A_437 = vector.broadcast %add3A_436 : i32 to vector<16xi32>
        %add3A_438 = arith.addi %mul3A_67, %add3A_437 : vector<16xi32>
        %gather3A_439 = tpu.vector_load_idx %arg7[%add3A_438] : memref<2048xf32, #tpu.memory_space<vmem>>[vector<16xi32>], vector<16xf32>,
        %add3A_440 = arith.constant 30 : i32
        %add3A_441 = vector.broadcast %add3A_440 : i32 to vector<16xi32>
        %add3A_442 = arith.addi %mul3A_72, %add3A_441 : vector<16xi32>
        %add3A_443 = arith.addf %gather3A_435, %gather3A_439 : vector<16xf32>
        tpu.vector_store_idx %arg12[%add3A_442], %add3A_443 : memref<25600xf32, #tpu.memory_space<vmem>>[vector<16xi32>], vector<16xf32>,
        %add3A_444 = arith.constant 31 : i32
        %add3A_445 = vector.broadcast %add3A_444 : i32 to vector<16xi32>
        %add3A_446 = arith.addi %mul3A_56, %add3A_445 : vector<16xi32>
        %gather3A_447 = tpu.vector_load_idx %arg6[%add3A_446] : memref<2048xf32, #tpu.memory_space<vmem>>[vector<16xi32>], vector<16xf32>,
        %add3A_448 = arith.constant 31 : i32
        %add3A_449 = vector.broadcast %add3A_448 : i32 to vector<16xi32>
        %add3A_450 = arith.addi %mul3A_67, %add3A_449 : vector<16xi32>
        %gather3A_451 = tpu.vector_load_idx %arg7[%add3A_450] : memref<2048xf32, #tpu.memory_space<vmem>>[vector<16xi32>], vector<16xf32>,
        %add3A_452 = arith.constant 31 : i32
        %add3A_453 = vector.broadcast %add3A_452 : i32 to vector<16xi32>
        %add3A_454 = arith.addi %mul3A_72, %add3A_453 : vector<16xi32>
        %add3A_455 = arith.addf %gather3A_447, %gather3A_451 : vector<16xf32>
        tpu.vector_store_idx %arg12[%add3A_454], %add3A_455 : memref<25600xf32, #tpu.memory_space<vmem>>[vector<16xi32>], vector<16xf32>,
        %scan3A_456 = arith.constant 0 : i32
        scf.yield %scan3A_456 : i32
      }
      %scan3A_41 = arith.constant 50 : i32
      %mul3A_42 = arith.constant 32 : i32
      %mul3A_43 = arith.muli %mul3A_27, %mul3A_42 : i32
      "tpu.region"() ({
        %run_scoped3A = tpu.sem_alloc : memref<!tpu.dma_semaphore, #tpu.memory_space<semaphore_mem>>
        %dma_start3A = tpu.memref_slice %arg5[%mul3A_43] : memref<3200000xf32, #tpu.memory_space<hbm>> -> memref<25600xf32, #tpu.memory_space<hbm>>
        %dma_start3A_44 = tpu.memref_slice %arg5[%mul3A_43] : memref<3200000xf32, #tpu.memory_space<hbm>> -> memref<25600xf32, #tpu.memory_space<hbm>>
        tpu.enqueue_dma source(%arg12 : memref<25600xf32, #tpu.memory_space<vmem>>) target(%dma_start3A_44 : memref<25600xf32, #tpu.memory_space<hbm>>) target_semaphore(%run_scoped3A : memref<!tpu.dma_semaphore, #tpu.memory_space<semaphore_mem>>)
        %dma_wait3A = tpu.memref_slice %arg5[%mul3A_43] : memref<3200000xf32, #tpu.memory_space<hbm>> -> memref<25600xf32, #tpu.memory_space<hbm>>
        %dma_wait3A_45 = tpu.memref_slice %arg5[%mul3A_43] : memref<3200000xf32, #tpu.memory_space<hbm>> -> memref<25600xf32, #tpu.memory_space<hbm>>
        tpu.wait_dma2 semaphore(%run_scoped3A : memref<!tpu.dma_semaphore, #tpu.memory_space<semaphore_mem>>) src(%arg12 : memref<25600xf32, #tpu.memory_space<vmem>>) dst(%dma_wait3A_45 : memref<25600xf32, #tpu.memory_space<hbm>>)
        tpu.yield
      }) : () -> ()
    } else {
    }
    %add3A_12 = arith.constant 64 : i32
    %add3A_13 = arith.addi %add3A, %add3A_12 : i32
    %lt3A_14 = arith.constant 125 : i32
    %lt3A_15 = arith.cmpi slt, %add3A_13, %lt3A_14 : i32
    %convert_element_type3A_16 = arith.extui %lt3A_15 : i1 to i32
    %cond3A_17 = arith.constant 0 : i32
    %cond3A_18 = arith.cmpi ne, %convert_element_type3A_16, %cond3A_17 : i32
    scf.if %cond3A_18 {
      %mul3A_26 = arith.constant 800 : i32
      %mul3A_27 = arith.muli %add3A_13, %mul3A_26 : i32
      %add3A_28 = arith.constant 0 : i32
      %add3A_29 = arith.addi %add3A_28, %mul3A_27 : i32
      "tpu.region"() ({
        %run_scoped3A = tpu.sem_alloc : memref<!tpu.dma_semaphore, #tpu.memory_space<semaphore_mem>>
        %dma_start3A = tpu.memref_slice %arg2[%add3A_29] : memref<400000xi32, #tpu.memory_space<hbm>> -> memref<800xi32, #tpu.memory_space<hbm>>
        %dma_start3A_44 = tpu.memref_slice %arg2[%add3A_29] : memref<400000xi32, #tpu.memory_space<hbm>> -> memref<800xi32, #tpu.memory_space<hbm>>
        tpu.enqueue_dma source(%dma_start3A_44 : memref<800xi32, #tpu.memory_space<hbm>>) target(%arg8 : memref<800xi32, #tpu.memory_space<vmem>>) target_semaphore(%run_scoped3A : memref<!tpu.dma_semaphore, #tpu.memory_space<semaphore_mem>>)
        %dma_wait3A = tpu.memref_slice %arg2[%add3A_29] : memref<400000xi32, #tpu.memory_space<hbm>> -> memref<800xi32, #tpu.memory_space<hbm>>
        %dma_wait3A_45 = tpu.memref_slice %arg2[%add3A_29] : memref<400000xi32, #tpu.memory_space<hbm>> -> memref<800xi32, #tpu.memory_space<hbm>>
        tpu.wait_dma2 semaphore(%run_scoped3A : memref<!tpu.dma_semaphore, #tpu.memory_space<semaphore_mem>>) src(%dma_wait3A_45 : memref<800xi32, #tpu.memory_space<hbm>>) dst(%arg8 : memref<800xi32, #tpu.memory_space<vmem>>)
        tpu.yield
      }) : () -> ()
      %add3A_30 = arith.constant 200000 : i32
      %add3A_31 = arith.addi %add3A_30, %mul3A_27 : i32
      "tpu.region"() ({
        %run_scoped3A = tpu.sem_alloc : memref<!tpu.dma_semaphore, #tpu.memory_space<semaphore_mem>>
        %dma_start3A = tpu.memref_slice %arg2[%add3A_31] : memref<400000xi32, #tpu.memory_space<hbm>> -> memref<800xi32, #tpu.memory_space<hbm>>
        %dma_start3A_44 = tpu.memref_slice %arg2[%add3A_31] : memref<400000xi32, #tpu.memory_space<hbm>> -> memref<800xi32, #tpu.memory_space<hbm>>
        tpu.enqueue_dma source(%dma_start3A_44 : memref<800xi32, #tpu.memory_space<hbm>>) target(%arg9 : memref<800xi32, #tpu.memory_space<vmem>>) target_semaphore(%run_scoped3A : memref<!tpu.dma_semaphore, #tpu.memory_space<semaphore_mem>>)
        %dma_wait3A = tpu.memref_slice %arg2[%add3A_31] : memref<400000xi32, #tpu.memory_space<hbm>> -> memref<800xi32, #tpu.memory_space<hbm>>
        %dma_wait3A_45 = tpu.memref_slice %arg2[%add3A_31] : memref<400000xi32, #tpu.memory_space<hbm>> -> memref<800xi32, #tpu.memory_space<hbm>>
        tpu.wait_dma2 semaphore(%run_scoped3A : memref<!tpu.dma_semaphore, #tpu.memory_space<semaphore_mem>>) src(%dma_wait3A_45 : memref<800xi32, #tpu.memory_space<hbm>>) dst(%arg9 : memref<800xi32, #tpu.memory_space<vmem>>)
        tpu.yield
      }) : () -> ()
      %add3A_32 = arith.constant 100000 : i32
      %add3A_33 = arith.addi %add3A_32, %mul3A_27 : i32
      "tpu.region"() ({
        %run_scoped3A = tpu.sem_alloc : memref<!tpu.dma_semaphore, #tpu.memory_space<semaphore_mem>>
        %dma_start3A = tpu.memref_slice %arg2[%add3A_33] : memref<400000xi32, #tpu.memory_space<hbm>> -> memref<800xi32, #tpu.memory_space<hbm>>
        %dma_start3A_44 = tpu.memref_slice %arg2[%add3A_33] : memref<400000xi32, #tpu.memory_space<hbm>> -> memref<800xi32, #tpu.memory_space<hbm>>
        tpu.enqueue_dma source(%dma_start3A_44 : memref<800xi32, #tpu.memory_space<hbm>>) target(%arg10 : memref<800xi32, #tpu.memory_space<vmem>>) target_semaphore(%run_scoped3A : memref<!tpu.dma_semaphore, #tpu.memory_space<semaphore_mem>>)
        %dma_wait3A = tpu.memref_slice %arg2[%add3A_33] : memref<400000xi32, #tpu.memory_space<hbm>> -> memref<800xi32, #tpu.memory_space<hbm>>
        %dma_wait3A_45 = tpu.memref_slice %arg2[%add3A_33] : memref<400000xi32, #tpu.memory_space<hbm>> -> memref<800xi32, #tpu.memory_space<hbm>>
        tpu.wait_dma2 semaphore(%run_scoped3A : memref<!tpu.dma_semaphore, #tpu.memory_space<semaphore_mem>>) src(%dma_wait3A_45 : memref<800xi32, #tpu.memory_space<hbm>>) dst(%arg10 : memref<800xi32, #tpu.memory_space<vmem>>)
        tpu.yield
      }) : () -> ()
      %add3A_34 = arith.constant 300000 : i32
      %add3A_35 = arith.addi %add3A_34, %mul3A_27 : i32
      "tpu.region"() ({
        %run_scoped3A = tpu.sem_alloc : memref<!tpu.dma_semaphore, #tpu.memory_space<semaphore_mem>>
        %dma_start3A = tpu.memref_slice %arg2[%add3A_35] : memref<400000xi32, #tpu.memory_space<hbm>> -> memref<800xi32, #tpu.memory_space<hbm>>
        %dma_start3A_44 = tpu.memref_slice %arg2[%add3A_35] : memref<400000xi32, #tpu.memory_space<hbm>> -> memref<800xi32, #tpu.memory_space<hbm>>
        tpu.enqueue_dma source(%dma_start3A_44 : memref<800xi32, #tpu.memory_space<hbm>>) target(%arg11 : memref<800xi32, #tpu.memory_space<vmem>>) target_semaphore(%run_scoped3A : memref<!tpu.dma_semaphore, #tpu.memory_space<semaphore_mem>>)
        %dma_wait3A = tpu.memref_slice %arg2[%add3A_35] : memref<400000xi32, #tpu.memory_space<hbm>> -> memref<800xi32, #tpu.memory_space<hbm>>
        %dma_wait3A_45 = tpu.memref_slice %arg2[%add3A_35] : memref<400000xi32, #tpu.memory_space<hbm>> -> memref<800xi32, #tpu.memory_space<hbm>>
        tpu.wait_dma2 semaphore(%run_scoped3A : memref<!tpu.dma_semaphore, #tpu.memory_space<semaphore_mem>>) src(%dma_wait3A_45 : memref<800xi32, #tpu.memory_space<hbm>>) dst(%arg11 : memref<800xi32, #tpu.memory_space<vmem>>)
        tpu.yield
      }) : () -> ()
      %scan3A = arith.constant 0 : i32
      %scan3A_36 = arith.constant 0 : i32
      %scan3A_37 = arith.constant 50 : i32
      %scan3A_38 = arith.addi %scan3A_36, %scan3A_37 : i32
      %scan3A_39 = arith.constant 1 : i32
      %scan3A_40 = scf.for %scan3A_44 = %scan3A_36 to %scan3A_38 step %scan3A_39 iter_args(%scan3A_45 = %scan3A) -> (i32)  : i32 {
        %mul3A_46 = arith.constant 16 : i32
        %mul3A_47 = arith.muli %scan3A_44, %mul3A_46 : i32
        %get3A = arith.index_cast %mul3A_47 : i32 to index
        %get3A_48 = tpu.vector_load %arg8[%get3A] {strides = array<i32>} : memref<800xi32, #tpu.memory_space<vmem>>, vector<16xi32>,
        %get3A_49 = arith.index_cast %mul3A_47 : i32 to index
        %get3A_50 = tpu.vector_load %arg9[%get3A_49] {strides = array<i32>} : memref<800xi32, #tpu.memory_space<vmem>>, vector<16xi32>,
        %add3A_51 = arith.addi %get3A_48, %get3A_50 : vector<16xi32>
        %min3A = arith.constant 63 : i32
        %min3A_52 = vector.broadcast %min3A : i32 to vector<16xi32>
        %min3A_53 = arith.minsi %add3A_51, %min3A_52 : vector<16xi32>
        %mul3A_54 = arith.constant 32 : i32
        %mul3A_55 = vector.broadcast %mul3A_54 : i32 to vector<16xi32>
        %mul3A_56 = arith.muli %min3A_53, %mul3A_55 : vector<16xi32>
        %get3A_57 = arith.index_cast %mul3A_47 : i32 to index
        %get3A_58 = tpu.vector_load %arg10[%get3A_57] {strides = array<i32>} : memref<800xi32, #tpu.memory_space<vmem>>, vector<16xi32>,
        %get3A_59 = arith.index_cast %mul3A_47 : i32 to index
        %get3A_60 = tpu.vector_load %arg11[%get3A_59] {strides = array<i32>} : memref<800xi32, #tpu.memory_space<vmem>>, vector<16xi32>,
        %add3A_61 = arith.addi %get3A_58, %get3A_60 : vector<16xi32>
        %min3A_62 = arith.constant 63 : i32
        %min3A_63 = vector.broadcast %min3A_62 : i32 to vector<16xi32>
        %min3A_64 = arith.minsi %add3A_61, %min3A_63 : vector<16xi32>
        %mul3A_65 = arith.constant 32 : i32
        %mul3A_66 = vector.broadcast %mul3A_65 : i32 to vector<16xi32>
        %mul3A_67 = arith.muli %min3A_64, %mul3A_66 : vector<16xi32>
        %iota3A = tpu.iota {dimensions = array<i32: 0>} : vector<16xi32>
        %add3A_68 = vector.broadcast %mul3A_47 : i32 to vector<16xi32>
        %add3A_69 = arith.addi %iota3A, %add3A_68 : vector<16xi32>
        %mul3A_70 = arith.constant 32 : i32
        %mul3A_71 = vector.broadcast %mul3A_70 : i32 to vector<16xi32>
        %mul3A_72 = arith.muli %add3A_69, %mul3A_71 : vector<16xi32>
        %add3A_73 = arith.constant 0 : i32
        %add3A_74 = vector.broadcast %add3A_73 : i32 to vector<16xi32>
        %add3A_75 = arith.addi %mul3A_56, %add3A_74 : vector<16xi32>
        %gather3A = tpu.vector_load_idx %arg6[%add3A_75] : memref<2048xf32, #tpu.memory_space<vmem>>[vector<16xi32>], vector<16xf32>,
        %add3A_76 = arith.constant 0 : i32
        %add3A_77 = vector.broadcast %add3A_76 : i32 to vector<16xi32>
        %add3A_78 = arith.addi %mul3A_67, %add3A_77 : vector<16xi32>
        %gather3A_79 = tpu.vector_load_idx %arg7[%add3A_78] : memref<2048xf32, #tpu.memory_space<vmem>>[vector<16xi32>], vector<16xf32>,
        %add3A_80 = arith.constant 0 : i32
        %add3A_81 = vector.broadcast %add3A_80 : i32 to vector<16xi32>
        %add3A_82 = arith.addi %mul3A_72, %add3A_81 : vector<16xi32>
        %add3A_83 = arith.addf %gather3A, %gather3A_79 : vector<16xf32>
        tpu.vector_store_idx %arg12[%add3A_82], %add3A_83 : memref<25600xf32, #tpu.memory_space<vmem>>[vector<16xi32>], vector<16xf32>,
        %add3A_84 = arith.constant 1 : i32
        %add3A_85 = vector.broadcast %add3A_84 : i32 to vector<16xi32>
        %add3A_86 = arith.addi %mul3A_56, %add3A_85 : vector<16xi32>
        %gather3A_87 = tpu.vector_load_idx %arg6[%add3A_86] : memref<2048xf32, #tpu.memory_space<vmem>>[vector<16xi32>], vector<16xf32>,
        %add3A_88 = arith.constant 1 : i32
        %add3A_89 = vector.broadcast %add3A_88 : i32 to vector<16xi32>
        %add3A_90 = arith.addi %mul3A_67, %add3A_89 : vector<16xi32>
        %gather3A_91 = tpu.vector_load_idx %arg7[%add3A_90] : memref<2048xf32, #tpu.memory_space<vmem>>[vector<16xi32>], vector<16xf32>,
        %add3A_92 = arith.constant 1 : i32
        %add3A_93 = vector.broadcast %add3A_92 : i32 to vector<16xi32>
        %add3A_94 = arith.addi %mul3A_72, %add3A_93 : vector<16xi32>
        %add3A_95 = arith.addf %gather3A_87, %gather3A_91 : vector<16xf32>
        tpu.vector_store_idx %arg12[%add3A_94], %add3A_95 : memref<25600xf32, #tpu.memory_space<vmem>>[vector<16xi32>], vector<16xf32>,
        %add3A_96 = arith.constant 2 : i32
        %add3A_97 = vector.broadcast %add3A_96 : i32 to vector<16xi32>
        %add3A_98 = arith.addi %mul3A_56, %add3A_97 : vector<16xi32>
        %gather3A_99 = tpu.vector_load_idx %arg6[%add3A_98] : memref<2048xf32, #tpu.memory_space<vmem>>[vector<16xi32>], vector<16xf32>,
        %add3A_100 = arith.constant 2 : i32
        %add3A_101 = vector.broadcast %add3A_100 : i32 to vector<16xi32>
        %add3A_102 = arith.addi %mul3A_67, %add3A_101 : vector<16xi32>
        %gather3A_103 = tpu.vector_load_idx %arg7[%add3A_102] : memref<2048xf32, #tpu.memory_space<vmem>>[vector<16xi32>], vector<16xf32>,
        %add3A_104 = arith.constant 2 : i32
        %add3A_105 = vector.broadcast %add3A_104 : i32 to vector<16xi32>
        %add3A_106 = arith.addi %mul3A_72, %add3A_105 : vector<16xi32>
        %add3A_107 = arith.addf %gather3A_99, %gather3A_103 : vector<16xf32>
        tpu.vector_store_idx %arg12[%add3A_106], %add3A_107 : memref<25600xf32, #tpu.memory_space<vmem>>[vector<16xi32>], vector<16xf32>,
        %add3A_108 = arith.constant 3 : i32
        %add3A_109 = vector.broadcast %add3A_108 : i32 to vector<16xi32>
        %add3A_110 = arith.addi %mul3A_56, %add3A_109 : vector<16xi32>
        %gather3A_111 = tpu.vector_load_idx %arg6[%add3A_110] : memref<2048xf32, #tpu.memory_space<vmem>>[vector<16xi32>], vector<16xf32>,
        %add3A_112 = arith.constant 3 : i32
        %add3A_113 = vector.broadcast %add3A_112 : i32 to vector<16xi32>
        %add3A_114 = arith.addi %mul3A_67, %add3A_113 : vector<16xi32>
        %gather3A_115 = tpu.vector_load_idx %arg7[%add3A_114] : memref<2048xf32, #tpu.memory_space<vmem>>[vector<16xi32>], vector<16xf32>,
        %add3A_116 = arith.constant 3 : i32
        %add3A_117 = vector.broadcast %add3A_116 : i32 to vector<16xi32>
        %add3A_118 = arith.addi %mul3A_72, %add3A_117 : vector<16xi32>
        %add3A_119 = arith.addf %gather3A_111, %gather3A_115 : vector<16xf32>
        tpu.vector_store_idx %arg12[%add3A_118], %add3A_119 : memref<25600xf32, #tpu.memory_space<vmem>>[vector<16xi32>], vector<16xf32>,
        %add3A_120 = arith.constant 4 : i32
        %add3A_121 = vector.broadcast %add3A_120 : i32 to vector<16xi32>
        %add3A_122 = arith.addi %mul3A_56, %add3A_121 : vector<16xi32>
        %gather3A_123 = tpu.vector_load_idx %arg6[%add3A_122] : memref<2048xf32, #tpu.memory_space<vmem>>[vector<16xi32>], vector<16xf32>,
        %add3A_124 = arith.constant 4 : i32
        %add3A_125 = vector.broadcast %add3A_124 : i32 to vector<16xi32>
        %add3A_126 = arith.addi %mul3A_67, %add3A_125 : vector<16xi32>
        %gather3A_127 = tpu.vector_load_idx %arg7[%add3A_126] : memref<2048xf32, #tpu.memory_space<vmem>>[vector<16xi32>], vector<16xf32>,
        %add3A_128 = arith.constant 4 : i32
        %add3A_129 = vector.broadcast %add3A_128 : i32 to vector<16xi32>
        %add3A_130 = arith.addi %mul3A_72, %add3A_129 : vector<16xi32>
        %add3A_131 = arith.addf %gather3A_123, %gather3A_127 : vector<16xf32>
        tpu.vector_store_idx %arg12[%add3A_130], %add3A_131 : memref<25600xf32, #tpu.memory_space<vmem>>[vector<16xi32>], vector<16xf32>,
        %add3A_132 = arith.constant 5 : i32
        %add3A_133 = vector.broadcast %add3A_132 : i32 to vector<16xi32>
        %add3A_134 = arith.addi %mul3A_56, %add3A_133 : vector<16xi32>
        %gather3A_135 = tpu.vector_load_idx %arg6[%add3A_134] : memref<2048xf32, #tpu.memory_space<vmem>>[vector<16xi32>], vector<16xf32>,
        %add3A_136 = arith.constant 5 : i32
        %add3A_137 = vector.broadcast %add3A_136 : i32 to vector<16xi32>
        %add3A_138 = arith.addi %mul3A_67, %add3A_137 : vector<16xi32>
        %gather3A_139 = tpu.vector_load_idx %arg7[%add3A_138] : memref<2048xf32, #tpu.memory_space<vmem>>[vector<16xi32>], vector<16xf32>,
        %add3A_140 = arith.constant 5 : i32
        %add3A_141 = vector.broadcast %add3A_140 : i32 to vector<16xi32>
        %add3A_142 = arith.addi %mul3A_72, %add3A_141 : vector<16xi32>
        %add3A_143 = arith.addf %gather3A_135, %gather3A_139 : vector<16xf32>
        tpu.vector_store_idx %arg12[%add3A_142], %add3A_143 : memref<25600xf32, #tpu.memory_space<vmem>>[vector<16xi32>], vector<16xf32>,
        %add3A_144 = arith.constant 6 : i32
        %add3A_145 = vector.broadcast %add3A_144 : i32 to vector<16xi32>
        %add3A_146 = arith.addi %mul3A_56, %add3A_145 : vector<16xi32>
        %gather3A_147 = tpu.vector_load_idx %arg6[%add3A_146] : memref<2048xf32, #tpu.memory_space<vmem>>[vector<16xi32>], vector<16xf32>,
        %add3A_148 = arith.constant 6 : i32
        %add3A_149 = vector.broadcast %add3A_148 : i32 to vector<16xi32>
        %add3A_150 = arith.addi %mul3A_67, %add3A_149 : vector<16xi32>
        %gather3A_151 = tpu.vector_load_idx %arg7[%add3A_150] : memref<2048xf32, #tpu.memory_space<vmem>>[vector<16xi32>], vector<16xf32>,
        %add3A_152 = arith.constant 6 : i32
        %add3A_153 = vector.broadcast %add3A_152 : i32 to vector<16xi32>
        %add3A_154 = arith.addi %mul3A_72, %add3A_153 : vector<16xi32>
        %add3A_155 = arith.addf %gather3A_147, %gather3A_151 : vector<16xf32>
        tpu.vector_store_idx %arg12[%add3A_154], %add3A_155 : memref<25600xf32, #tpu.memory_space<vmem>>[vector<16xi32>], vector<16xf32>,
        %add3A_156 = arith.constant 7 : i32
        %add3A_157 = vector.broadcast %add3A_156 : i32 to vector<16xi32>
        %add3A_158 = arith.addi %mul3A_56, %add3A_157 : vector<16xi32>
        %gather3A_159 = tpu.vector_load_idx %arg6[%add3A_158] : memref<2048xf32, #tpu.memory_space<vmem>>[vector<16xi32>], vector<16xf32>,
        %add3A_160 = arith.constant 7 : i32
        %add3A_161 = vector.broadcast %add3A_160 : i32 to vector<16xi32>
        %add3A_162 = arith.addi %mul3A_67, %add3A_161 : vector<16xi32>
        %gather3A_163 = tpu.vector_load_idx %arg7[%add3A_162] : memref<2048xf32, #tpu.memory_space<vmem>>[vector<16xi32>], vector<16xf32>,
        %add3A_164 = arith.constant 7 : i32
        %add3A_165 = vector.broadcast %add3A_164 : i32 to vector<16xi32>
        %add3A_166 = arith.addi %mul3A_72, %add3A_165 : vector<16xi32>
        %add3A_167 = arith.addf %gather3A_159, %gather3A_163 : vector<16xf32>
        tpu.vector_store_idx %arg12[%add3A_166], %add3A_167 : memref<25600xf32, #tpu.memory_space<vmem>>[vector<16xi32>], vector<16xf32>,
        %add3A_168 = arith.constant 8 : i32
        %add3A_169 = vector.broadcast %add3A_168 : i32 to vector<16xi32>
        %add3A_170 = arith.addi %mul3A_56, %add3A_169 : vector<16xi32>
        %gather3A_171 = tpu.vector_load_idx %arg6[%add3A_170] : memref<2048xf32, #tpu.memory_space<vmem>>[vector<16xi32>], vector<16xf32>,
        %add3A_172 = arith.constant 8 : i32
        %add3A_173 = vector.broadcast %add3A_172 : i32 to vector<16xi32>
        %add3A_174 = arith.addi %mul3A_67, %add3A_173 : vector<16xi32>
        %gather3A_175 = tpu.vector_load_idx %arg7[%add3A_174] : memref<2048xf32, #tpu.memory_space<vmem>>[vector<16xi32>], vector<16xf32>,
        %add3A_176 = arith.constant 8 : i32
        %add3A_177 = vector.broadcast %add3A_176 : i32 to vector<16xi32>
        %add3A_178 = arith.addi %mul3A_72, %add3A_177 : vector<16xi32>
        %add3A_179 = arith.addf %gather3A_171, %gather3A_175 : vector<16xf32>
        tpu.vector_store_idx %arg12[%add3A_178], %add3A_179 : memref<25600xf32, #tpu.memory_space<vmem>>[vector<16xi32>], vector<16xf32>,
        %add3A_180 = arith.constant 9 : i32
        %add3A_181 = vector.broadcast %add3A_180 : i32 to vector<16xi32>
        %add3A_182 = arith.addi %mul3A_56, %add3A_181 : vector<16xi32>
        %gather3A_183 = tpu.vector_load_idx %arg6[%add3A_182] : memref<2048xf32, #tpu.memory_space<vmem>>[vector<16xi32>], vector<16xf32>,
        %add3A_184 = arith.constant 9 : i32
        %add3A_185 = vector.broadcast %add3A_184 : i32 to vector<16xi32>
        %add3A_186 = arith.addi %mul3A_67, %add3A_185 : vector<16xi32>
        %gather3A_187 = tpu.vector_load_idx %arg7[%add3A_186] : memref<2048xf32, #tpu.memory_space<vmem>>[vector<16xi32>], vector<16xf32>,
        %add3A_188 = arith.constant 9 : i32
        %add3A_189 = vector.broadcast %add3A_188 : i32 to vector<16xi32>
        %add3A_190 = arith.addi %mul3A_72, %add3A_189 : vector<16xi32>
        %add3A_191 = arith.addf %gather3A_183, %gather3A_187 : vector<16xf32>
        tpu.vector_store_idx %arg12[%add3A_190], %add3A_191 : memref<25600xf32, #tpu.memory_space<vmem>>[vector<16xi32>], vector<16xf32>,
        %add3A_192 = arith.constant 10 : i32
        %add3A_193 = vector.broadcast %add3A_192 : i32 to vector<16xi32>
        %add3A_194 = arith.addi %mul3A_56, %add3A_193 : vector<16xi32>
        %gather3A_195 = tpu.vector_load_idx %arg6[%add3A_194] : memref<2048xf32, #tpu.memory_space<vmem>>[vector<16xi32>], vector<16xf32>,
        %add3A_196 = arith.constant 10 : i32
        %add3A_197 = vector.broadcast %add3A_196 : i32 to vector<16xi32>
        %add3A_198 = arith.addi %mul3A_67, %add3A_197 : vector<16xi32>
        %gather3A_199 = tpu.vector_load_idx %arg7[%add3A_198] : memref<2048xf32, #tpu.memory_space<vmem>>[vector<16xi32>], vector<16xf32>,
        %add3A_200 = arith.constant 10 : i32
        %add3A_201 = vector.broadcast %add3A_200 : i32 to vector<16xi32>
        %add3A_202 = arith.addi %mul3A_72, %add3A_201 : vector<16xi32>
        %add3A_203 = arith.addf %gather3A_195, %gather3A_199 : vector<16xf32>
        tpu.vector_store_idx %arg12[%add3A_202], %add3A_203 : memref<25600xf32, #tpu.memory_space<vmem>>[vector<16xi32>], vector<16xf32>,
        %add3A_204 = arith.constant 11 : i32
        %add3A_205 = vector.broadcast %add3A_204 : i32 to vector<16xi32>
        %add3A_206 = arith.addi %mul3A_56, %add3A_205 : vector<16xi32>
        %gather3A_207 = tpu.vector_load_idx %arg6[%add3A_206] : memref<2048xf32, #tpu.memory_space<vmem>>[vector<16xi32>], vector<16xf32>,
        %add3A_208 = arith.constant 11 : i32
        %add3A_209 = vector.broadcast %add3A_208 : i32 to vector<16xi32>
        %add3A_210 = arith.addi %mul3A_67, %add3A_209 : vector<16xi32>
        %gather3A_211 = tpu.vector_load_idx %arg7[%add3A_210] : memref<2048xf32, #tpu.memory_space<vmem>>[vector<16xi32>], vector<16xf32>,
        %add3A_212 = arith.constant 11 : i32
        %add3A_213 = vector.broadcast %add3A_212 : i32 to vector<16xi32>
        %add3A_214 = arith.addi %mul3A_72, %add3A_213 : vector<16xi32>
        %add3A_215 = arith.addf %gather3A_207, %gather3A_211 : vector<16xf32>
        tpu.vector_store_idx %arg12[%add3A_214], %add3A_215 : memref<25600xf32, #tpu.memory_space<vmem>>[vector<16xi32>], vector<16xf32>,
        %add3A_216 = arith.constant 12 : i32
        %add3A_217 = vector.broadcast %add3A_216 : i32 to vector<16xi32>
        %add3A_218 = arith.addi %mul3A_56, %add3A_217 : vector<16xi32>
        %gather3A_219 = tpu.vector_load_idx %arg6[%add3A_218] : memref<2048xf32, #tpu.memory_space<vmem>>[vector<16xi32>], vector<16xf32>,
        %add3A_220 = arith.constant 12 : i32
        %add3A_221 = vector.broadcast %add3A_220 : i32 to vector<16xi32>
        %add3A_222 = arith.addi %mul3A_67, %add3A_221 : vector<16xi32>
        %gather3A_223 = tpu.vector_load_idx %arg7[%add3A_222] : memref<2048xf32, #tpu.memory_space<vmem>>[vector<16xi32>], vector<16xf32>,
        %add3A_224 = arith.constant 12 : i32
        %add3A_225 = vector.broadcast %add3A_224 : i32 to vector<16xi32>
        %add3A_226 = arith.addi %mul3A_72, %add3A_225 : vector<16xi32>
        %add3A_227 = arith.addf %gather3A_219, %gather3A_223 : vector<16xf32>
        tpu.vector_store_idx %arg12[%add3A_226], %add3A_227 : memref<25600xf32, #tpu.memory_space<vmem>>[vector<16xi32>], vector<16xf32>,
        %add3A_228 = arith.constant 13 : i32
        %add3A_229 = vector.broadcast %add3A_228 : i32 to vector<16xi32>
        %add3A_230 = arith.addi %mul3A_56, %add3A_229 : vector<16xi32>
        %gather3A_231 = tpu.vector_load_idx %arg6[%add3A_230] : memref<2048xf32, #tpu.memory_space<vmem>>[vector<16xi32>], vector<16xf32>,
        %add3A_232 = arith.constant 13 : i32
        %add3A_233 = vector.broadcast %add3A_232 : i32 to vector<16xi32>
        %add3A_234 = arith.addi %mul3A_67, %add3A_233 : vector<16xi32>
        %gather3A_235 = tpu.vector_load_idx %arg7[%add3A_234] : memref<2048xf32, #tpu.memory_space<vmem>>[vector<16xi32>], vector<16xf32>,
        %add3A_236 = arith.constant 13 : i32
        %add3A_237 = vector.broadcast %add3A_236 : i32 to vector<16xi32>
        %add3A_238 = arith.addi %mul3A_72, %add3A_237 : vector<16xi32>
        %add3A_239 = arith.addf %gather3A_231, %gather3A_235 : vector<16xf32>
        tpu.vector_store_idx %arg12[%add3A_238], %add3A_239 : memref<25600xf32, #tpu.memory_space<vmem>>[vector<16xi32>], vector<16xf32>,
        %add3A_240 = arith.constant 14 : i32
        %add3A_241 = vector.broadcast %add3A_240 : i32 to vector<16xi32>
        %add3A_242 = arith.addi %mul3A_56, %add3A_241 : vector<16xi32>
        %gather3A_243 = tpu.vector_load_idx %arg6[%add3A_242] : memref<2048xf32, #tpu.memory_space<vmem>>[vector<16xi32>], vector<16xf32>,
        %add3A_244 = arith.constant 14 : i32
        %add3A_245 = vector.broadcast %add3A_244 : i32 to vector<16xi32>
        %add3A_246 = arith.addi %mul3A_67, %add3A_245 : vector<16xi32>
        %gather3A_247 = tpu.vector_load_idx %arg7[%add3A_246] : memref<2048xf32, #tpu.memory_space<vmem>>[vector<16xi32>], vector<16xf32>,
        %add3A_248 = arith.constant 14 : i32
        %add3A_249 = vector.broadcast %add3A_248 : i32 to vector<16xi32>
        %add3A_250 = arith.addi %mul3A_72, %add3A_249 : vector<16xi32>
        %add3A_251 = arith.addf %gather3A_243, %gather3A_247 : vector<16xf32>
        tpu.vector_store_idx %arg12[%add3A_250], %add3A_251 : memref<25600xf32, #tpu.memory_space<vmem>>[vector<16xi32>], vector<16xf32>,
        %add3A_252 = arith.constant 15 : i32
        %add3A_253 = vector.broadcast %add3A_252 : i32 to vector<16xi32>
        %add3A_254 = arith.addi %mul3A_56, %add3A_253 : vector<16xi32>
        %gather3A_255 = tpu.vector_load_idx %arg6[%add3A_254] : memref<2048xf32, #tpu.memory_space<vmem>>[vector<16xi32>], vector<16xf32>,
        %add3A_256 = arith.constant 15 : i32
        %add3A_257 = vector.broadcast %add3A_256 : i32 to vector<16xi32>
        %add3A_258 = arith.addi %mul3A_67, %add3A_257 : vector<16xi32>
        %gather3A_259 = tpu.vector_load_idx %arg7[%add3A_258] : memref<2048xf32, #tpu.memory_space<vmem>>[vector<16xi32>], vector<16xf32>,
        %add3A_260 = arith.constant 15 : i32
        %add3A_261 = vector.broadcast %add3A_260 : i32 to vector<16xi32>
        %add3A_262 = arith.addi %mul3A_72, %add3A_261 : vector<16xi32>
        %add3A_263 = arith.addf %gather3A_255, %gather3A_259 : vector<16xf32>
        tpu.vector_store_idx %arg12[%add3A_262], %add3A_263 : memref<25600xf32, #tpu.memory_space<vmem>>[vector<16xi32>], vector<16xf32>,
        %add3A_264 = arith.constant 16 : i32
        %add3A_265 = vector.broadcast %add3A_264 : i32 to vector<16xi32>
        %add3A_266 = arith.addi %mul3A_56, %add3A_265 : vector<16xi32>
        %gather3A_267 = tpu.vector_load_idx %arg6[%add3A_266] : memref<2048xf32, #tpu.memory_space<vmem>>[vector<16xi32>], vector<16xf32>,
        %add3A_268 = arith.constant 16 : i32
        %add3A_269 = vector.broadcast %add3A_268 : i32 to vector<16xi32>
        %add3A_270 = arith.addi %mul3A_67, %add3A_269 : vector<16xi32>
        %gather3A_271 = tpu.vector_load_idx %arg7[%add3A_270] : memref<2048xf32, #tpu.memory_space<vmem>>[vector<16xi32>], vector<16xf32>,
        %add3A_272 = arith.constant 16 : i32
        %add3A_273 = vector.broadcast %add3A_272 : i32 to vector<16xi32>
        %add3A_274 = arith.addi %mul3A_72, %add3A_273 : vector<16xi32>
        %add3A_275 = arith.addf %gather3A_267, %gather3A_271 : vector<16xf32>
        tpu.vector_store_idx %arg12[%add3A_274], %add3A_275 : memref<25600xf32, #tpu.memory_space<vmem>>[vector<16xi32>], vector<16xf32>,
        %add3A_276 = arith.constant 17 : i32
        %add3A_277 = vector.broadcast %add3A_276 : i32 to vector<16xi32>
        %add3A_278 = arith.addi %mul3A_56, %add3A_277 : vector<16xi32>
        %gather3A_279 = tpu.vector_load_idx %arg6[%add3A_278] : memref<2048xf32, #tpu.memory_space<vmem>>[vector<16xi32>], vector<16xf32>,
        %add3A_280 = arith.constant 17 : i32
        %add3A_281 = vector.broadcast %add3A_280 : i32 to vector<16xi32>
        %add3A_282 = arith.addi %mul3A_67, %add3A_281 : vector<16xi32>
        %gather3A_283 = tpu.vector_load_idx %arg7[%add3A_282] : memref<2048xf32, #tpu.memory_space<vmem>>[vector<16xi32>], vector<16xf32>,
        %add3A_284 = arith.constant 17 : i32
        %add3A_285 = vector.broadcast %add3A_284 : i32 to vector<16xi32>
        %add3A_286 = arith.addi %mul3A_72, %add3A_285 : vector<16xi32>
        %add3A_287 = arith.addf %gather3A_279, %gather3A_283 : vector<16xf32>
        tpu.vector_store_idx %arg12[%add3A_286], %add3A_287 : memref<25600xf32, #tpu.memory_space<vmem>>[vector<16xi32>], vector<16xf32>,
        %add3A_288 = arith.constant 18 : i32
        %add3A_289 = vector.broadcast %add3A_288 : i32 to vector<16xi32>
        %add3A_290 = arith.addi %mul3A_56, %add3A_289 : vector<16xi32>
        %gather3A_291 = tpu.vector_load_idx %arg6[%add3A_290] : memref<2048xf32, #tpu.memory_space<vmem>>[vector<16xi32>], vector<16xf32>,
        %add3A_292 = arith.constant 18 : i32
        %add3A_293 = vector.broadcast %add3A_292 : i32 to vector<16xi32>
        %add3A_294 = arith.addi %mul3A_67, %add3A_293 : vector<16xi32>
        %gather3A_295 = tpu.vector_load_idx %arg7[%add3A_294] : memref<2048xf32, #tpu.memory_space<vmem>>[vector<16xi32>], vector<16xf32>,
        %add3A_296 = arith.constant 18 : i32
        %add3A_297 = vector.broadcast %add3A_296 : i32 to vector<16xi32>
        %add3A_298 = arith.addi %mul3A_72, %add3A_297 : vector<16xi32>
        %add3A_299 = arith.addf %gather3A_291, %gather3A_295 : vector<16xf32>
        tpu.vector_store_idx %arg12[%add3A_298], %add3A_299 : memref<25600xf32, #tpu.memory_space<vmem>>[vector<16xi32>], vector<16xf32>,
        %add3A_300 = arith.constant 19 : i32
        %add3A_301 = vector.broadcast %add3A_300 : i32 to vector<16xi32>
        %add3A_302 = arith.addi %mul3A_56, %add3A_301 : vector<16xi32>
        %gather3A_303 = tpu.vector_load_idx %arg6[%add3A_302] : memref<2048xf32, #tpu.memory_space<vmem>>[vector<16xi32>], vector<16xf32>,
        %add3A_304 = arith.constant 19 : i32
        %add3A_305 = vector.broadcast %add3A_304 : i32 to vector<16xi32>
        %add3A_306 = arith.addi %mul3A_67, %add3A_305 : vector<16xi32>
        %gather3A_307 = tpu.vector_load_idx %arg7[%add3A_306] : memref<2048xf32, #tpu.memory_space<vmem>>[vector<16xi32>], vector<16xf32>,
        %add3A_308 = arith.constant 19 : i32
        %add3A_309 = vector.broadcast %add3A_308 : i32 to vector<16xi32>
        %add3A_310 = arith.addi %mul3A_72, %add3A_309 : vector<16xi32>
        %add3A_311 = arith.addf %gather3A_303, %gather3A_307 : vector<16xf32>
        tpu.vector_store_idx %arg12[%add3A_310], %add3A_311 : memref<25600xf32, #tpu.memory_space<vmem>>[vector<16xi32>], vector<16xf32>,
        %add3A_312 = arith.constant 20 : i32
        %add3A_313 = vector.broadcast %add3A_312 : i32 to vector<16xi32>
        %add3A_314 = arith.addi %mul3A_56, %add3A_313 : vector<16xi32>
        %gather3A_315 = tpu.vector_load_idx %arg6[%add3A_314] : memref<2048xf32, #tpu.memory_space<vmem>>[vector<16xi32>], vector<16xf32>,
        %add3A_316 = arith.constant 20 : i32
        %add3A_317 = vector.broadcast %add3A_316 : i32 to vector<16xi32>
        %add3A_318 = arith.addi %mul3A_67, %add3A_317 : vector<16xi32>
        %gather3A_319 = tpu.vector_load_idx %arg7[%add3A_318] : memref<2048xf32, #tpu.memory_space<vmem>>[vector<16xi32>], vector<16xf32>,
        %add3A_320 = arith.constant 20 : i32
        %add3A_321 = vector.broadcast %add3A_320 : i32 to vector<16xi32>
        %add3A_322 = arith.addi %mul3A_72, %add3A_321 : vector<16xi32>
        %add3A_323 = arith.addf %gather3A_315, %gather3A_319 : vector<16xf32>
        tpu.vector_store_idx %arg12[%add3A_322], %add3A_323 : memref<25600xf32, #tpu.memory_space<vmem>>[vector<16xi32>], vector<16xf32>,
        %add3A_324 = arith.constant 21 : i32
        %add3A_325 = vector.broadcast %add3A_324 : i32 to vector<16xi32>
        %add3A_326 = arith.addi %mul3A_56, %add3A_325 : vector<16xi32>
        %gather3A_327 = tpu.vector_load_idx %arg6[%add3A_326] : memref<2048xf32, #tpu.memory_space<vmem>>[vector<16xi32>], vector<16xf32>,
        %add3A_328 = arith.constant 21 : i32
        %add3A_329 = vector.broadcast %add3A_328 : i32 to vector<16xi32>
        %add3A_330 = arith.addi %mul3A_67, %add3A_329 : vector<16xi32>
        %gather3A_331 = tpu.vector_load_idx %arg7[%add3A_330] : memref<2048xf32, #tpu.memory_space<vmem>>[vector<16xi32>], vector<16xf32>,
        %add3A_332 = arith.constant 21 : i32
        %add3A_333 = vector.broadcast %add3A_332 : i32 to vector<16xi32>
        %add3A_334 = arith.addi %mul3A_72, %add3A_333 : vector<16xi32>
        %add3A_335 = arith.addf %gather3A_327, %gather3A_331 : vector<16xf32>
        tpu.vector_store_idx %arg12[%add3A_334], %add3A_335 : memref<25600xf32, #tpu.memory_space<vmem>>[vector<16xi32>], vector<16xf32>,
        %add3A_336 = arith.constant 22 : i32
        %add3A_337 = vector.broadcast %add3A_336 : i32 to vector<16xi32>
        %add3A_338 = arith.addi %mul3A_56, %add3A_337 : vector<16xi32>
        %gather3A_339 = tpu.vector_load_idx %arg6[%add3A_338] : memref<2048xf32, #tpu.memory_space<vmem>>[vector<16xi32>], vector<16xf32>,
        %add3A_340 = arith.constant 22 : i32
        %add3A_341 = vector.broadcast %add3A_340 : i32 to vector<16xi32>
        %add3A_342 = arith.addi %mul3A_67, %add3A_341 : vector<16xi32>
        %gather3A_343 = tpu.vector_load_idx %arg7[%add3A_342] : memref<2048xf32, #tpu.memory_space<vmem>>[vector<16xi32>], vector<16xf32>,
        %add3A_344 = arith.constant 22 : i32
        %add3A_345 = vector.broadcast %add3A_344 : i32 to vector<16xi32>
        %add3A_346 = arith.addi %mul3A_72, %add3A_345 : vector<16xi32>
        %add3A_347 = arith.addf %gather3A_339, %gather3A_343 : vector<16xf32>
        tpu.vector_store_idx %arg12[%add3A_346], %add3A_347 : memref<25600xf32, #tpu.memory_space<vmem>>[vector<16xi32>], vector<16xf32>,
        %add3A_348 = arith.constant 23 : i32
        %add3A_349 = vector.broadcast %add3A_348 : i32 to vector<16xi32>
        %add3A_350 = arith.addi %mul3A_56, %add3A_349 : vector<16xi32>
        %gather3A_351 = tpu.vector_load_idx %arg6[%add3A_350] : memref<2048xf32, #tpu.memory_space<vmem>>[vector<16xi32>], vector<16xf32>,
        %add3A_352 = arith.constant 23 : i32
        %add3A_353 = vector.broadcast %add3A_352 : i32 to vector<16xi32>
        %add3A_354 = arith.addi %mul3A_67, %add3A_353 : vector<16xi32>
        %gather3A_355 = tpu.vector_load_idx %arg7[%add3A_354] : memref<2048xf32, #tpu.memory_space<vmem>>[vector<16xi32>], vector<16xf32>,
        %add3A_356 = arith.constant 23 : i32
        %add3A_357 = vector.broadcast %add3A_356 : i32 to vector<16xi32>
        %add3A_358 = arith.addi %mul3A_72, %add3A_357 : vector<16xi32>
        %add3A_359 = arith.addf %gather3A_351, %gather3A_355 : vector<16xf32>
        tpu.vector_store_idx %arg12[%add3A_358], %add3A_359 : memref<25600xf32, #tpu.memory_space<vmem>>[vector<16xi32>], vector<16xf32>,
        %add3A_360 = arith.constant 24 : i32
        %add3A_361 = vector.broadcast %add3A_360 : i32 to vector<16xi32>
        %add3A_362 = arith.addi %mul3A_56, %add3A_361 : vector<16xi32>
        %gather3A_363 = tpu.vector_load_idx %arg6[%add3A_362] : memref<2048xf32, #tpu.memory_space<vmem>>[vector<16xi32>], vector<16xf32>,
        %add3A_364 = arith.constant 24 : i32
        %add3A_365 = vector.broadcast %add3A_364 : i32 to vector<16xi32>
        %add3A_366 = arith.addi %mul3A_67, %add3A_365 : vector<16xi32>
        %gather3A_367 = tpu.vector_load_idx %arg7[%add3A_366] : memref<2048xf32, #tpu.memory_space<vmem>>[vector<16xi32>], vector<16xf32>,
        %add3A_368 = arith.constant 24 : i32
        %add3A_369 = vector.broadcast %add3A_368 : i32 to vector<16xi32>
        %add3A_370 = arith.addi %mul3A_72, %add3A_369 : vector<16xi32>
        %add3A_371 = arith.addf %gather3A_363, %gather3A_367 : vector<16xf32>
        tpu.vector_store_idx %arg12[%add3A_370], %add3A_371 : memref<25600xf32, #tpu.memory_space<vmem>>[vector<16xi32>], vector<16xf32>,
        %add3A_372 = arith.constant 25 : i32
        %add3A_373 = vector.broadcast %add3A_372 : i32 to vector<16xi32>
        %add3A_374 = arith.addi %mul3A_56, %add3A_373 : vector<16xi32>
        %gather3A_375 = tpu.vector_load_idx %arg6[%add3A_374] : memref<2048xf32, #tpu.memory_space<vmem>>[vector<16xi32>], vector<16xf32>,
        %add3A_376 = arith.constant 25 : i32
        %add3A_377 = vector.broadcast %add3A_376 : i32 to vector<16xi32>
        %add3A_378 = arith.addi %mul3A_67, %add3A_377 : vector<16xi32>
        %gather3A_379 = tpu.vector_load_idx %arg7[%add3A_378] : memref<2048xf32, #tpu.memory_space<vmem>>[vector<16xi32>], vector<16xf32>,
        %add3A_380 = arith.constant 25 : i32
        %add3A_381 = vector.broadcast %add3A_380 : i32 to vector<16xi32>
        %add3A_382 = arith.addi %mul3A_72, %add3A_381 : vector<16xi32>
        %add3A_383 = arith.addf %gather3A_375, %gather3A_379 : vector<16xf32>
        tpu.vector_store_idx %arg12[%add3A_382], %add3A_383 : memref<25600xf32, #tpu.memory_space<vmem>>[vector<16xi32>], vector<16xf32>,
        %add3A_384 = arith.constant 26 : i32
        %add3A_385 = vector.broadcast %add3A_384 : i32 to vector<16xi32>
        %add3A_386 = arith.addi %mul3A_56, %add3A_385 : vector<16xi32>
        %gather3A_387 = tpu.vector_load_idx %arg6[%add3A_386] : memref<2048xf32, #tpu.memory_space<vmem>>[vector<16xi32>], vector<16xf32>,
        %add3A_388 = arith.constant 26 : i32
        %add3A_389 = vector.broadcast %add3A_388 : i32 to vector<16xi32>
        %add3A_390 = arith.addi %mul3A_67, %add3A_389 : vector<16xi32>
        %gather3A_391 = tpu.vector_load_idx %arg7[%add3A_390] : memref<2048xf32, #tpu.memory_space<vmem>>[vector<16xi32>], vector<16xf32>,
        %add3A_392 = arith.constant 26 : i32
        %add3A_393 = vector.broadcast %add3A_392 : i32 to vector<16xi32>
        %add3A_394 = arith.addi %mul3A_72, %add3A_393 : vector<16xi32>
        %add3A_395 = arith.addf %gather3A_387, %gather3A_391 : vector<16xf32>
        tpu.vector_store_idx %arg12[%add3A_394], %add3A_395 : memref<25600xf32, #tpu.memory_space<vmem>>[vector<16xi32>], vector<16xf32>,
        %add3A_396 = arith.constant 27 : i32
        %add3A_397 = vector.broadcast %add3A_396 : i32 to vector<16xi32>
        %add3A_398 = arith.addi %mul3A_56, %add3A_397 : vector<16xi32>
        %gather3A_399 = tpu.vector_load_idx %arg6[%add3A_398] : memref<2048xf32, #tpu.memory_space<vmem>>[vector<16xi32>], vector<16xf32>,
        %add3A_400 = arith.constant 27 : i32
        %add3A_401 = vector.broadcast %add3A_400 : i32 to vector<16xi32>
        %add3A_402 = arith.addi %mul3A_67, %add3A_401 : vector<16xi32>
        %gather3A_403 = tpu.vector_load_idx %arg7[%add3A_402] : memref<2048xf32, #tpu.memory_space<vmem>>[vector<16xi32>], vector<16xf32>,
        %add3A_404 = arith.constant 27 : i32
        %add3A_405 = vector.broadcast %add3A_404 : i32 to vector<16xi32>
        %add3A_406 = arith.addi %mul3A_72, %add3A_405 : vector<16xi32>
        %add3A_407 = arith.addf %gather3A_399, %gather3A_403 : vector<16xf32>
        tpu.vector_store_idx %arg12[%add3A_406], %add3A_407 : memref<25600xf32, #tpu.memory_space<vmem>>[vector<16xi32>], vector<16xf32>,
        %add3A_408 = arith.constant 28 : i32
        %add3A_409 = vector.broadcast %add3A_408 : i32 to vector<16xi32>
        %add3A_410 = arith.addi %mul3A_56, %add3A_409 : vector<16xi32>
        %gather3A_411 = tpu.vector_load_idx %arg6[%add3A_410] : memref<2048xf32, #tpu.memory_space<vmem>>[vector<16xi32>], vector<16xf32>,
        %add3A_412 = arith.constant 28 : i32
        %add3A_413 = vector.broadcast %add3A_412 : i32 to vector<16xi32>
        %add3A_414 = arith.addi %mul3A_67, %add3A_413 : vector<16xi32>
        %gather3A_415 = tpu.vector_load_idx %arg7[%add3A_414] : memref<2048xf32, #tpu.memory_space<vmem>>[vector<16xi32>], vector<16xf32>,
        %add3A_416 = arith.constant 28 : i32
        %add3A_417 = vector.broadcast %add3A_416 : i32 to vector<16xi32>
        %add3A_418 = arith.addi %mul3A_72, %add3A_417 : vector<16xi32>
        %add3A_419 = arith.addf %gather3A_411, %gather3A_415 : vector<16xf32>
        tpu.vector_store_idx %arg12[%add3A_418], %add3A_419 : memref<25600xf32, #tpu.memory_space<vmem>>[vector<16xi32>], vector<16xf32>,
        %add3A_420 = arith.constant 29 : i32
        %add3A_421 = vector.broadcast %add3A_420 : i32 to vector<16xi32>
        %add3A_422 = arith.addi %mul3A_56, %add3A_421 : vector<16xi32>
        %gather3A_423 = tpu.vector_load_idx %arg6[%add3A_422] : memref<2048xf32, #tpu.memory_space<vmem>>[vector<16xi32>], vector<16xf32>,
        %add3A_424 = arith.constant 29 : i32
        %add3A_425 = vector.broadcast %add3A_424 : i32 to vector<16xi32>
        %add3A_426 = arith.addi %mul3A_67, %add3A_425 : vector<16xi32>
        %gather3A_427 = tpu.vector_load_idx %arg7[%add3A_426] : memref<2048xf32, #tpu.memory_space<vmem>>[vector<16xi32>], vector<16xf32>,
        %add3A_428 = arith.constant 29 : i32
        %add3A_429 = vector.broadcast %add3A_428 : i32 to vector<16xi32>
        %add3A_430 = arith.addi %mul3A_72, %add3A_429 : vector<16xi32>
        %add3A_431 = arith.addf %gather3A_423, %gather3A_427 : vector<16xf32>
        tpu.vector_store_idx %arg12[%add3A_430], %add3A_431 : memref<25600xf32, #tpu.memory_space<vmem>>[vector<16xi32>], vector<16xf32>,
        %add3A_432 = arith.constant 30 : i32
        %add3A_433 = vector.broadcast %add3A_432 : i32 to vector<16xi32>
        %add3A_434 = arith.addi %mul3A_56, %add3A_433 : vector<16xi32>
        %gather3A_435 = tpu.vector_load_idx %arg6[%add3A_434] : memref<2048xf32, #tpu.memory_space<vmem>>[vector<16xi32>], vector<16xf32>,
        %add3A_436 = arith.constant 30 : i32
        %add3A_437 = vector.broadcast %add3A_436 : i32 to vector<16xi32>
        %add3A_438 = arith.addi %mul3A_67, %add3A_437 : vector<16xi32>
        %gather3A_439 = tpu.vector_load_idx %arg7[%add3A_438] : memref<2048xf32, #tpu.memory_space<vmem>>[vector<16xi32>], vector<16xf32>,
        %add3A_440 = arith.constant 30 : i32
        %add3A_441 = vector.broadcast %add3A_440 : i32 to vector<16xi32>
        %add3A_442 = arith.addi %mul3A_72, %add3A_441 : vector<16xi32>
        %add3A_443 = arith.addf %gather3A_435, %gather3A_439 : vector<16xf32>
        tpu.vector_store_idx %arg12[%add3A_442], %add3A_443 : memref<25600xf32, #tpu.memory_space<vmem>>[vector<16xi32>], vector<16xf32>,
        %add3A_444 = arith.constant 31 : i32
        %add3A_445 = vector.broadcast %add3A_444 : i32 to vector<16xi32>
        %add3A_446 = arith.addi %mul3A_56, %add3A_445 : vector<16xi32>
        %gather3A_447 = tpu.vector_load_idx %arg6[%add3A_446] : memref<2048xf32, #tpu.memory_space<vmem>>[vector<16xi32>], vector<16xf32>,
        %add3A_448 = arith.constant 31 : i32
        %add3A_449 = vector.broadcast %add3A_448 : i32 to vector<16xi32>
        %add3A_450 = arith.addi %mul3A_67, %add3A_449 : vector<16xi32>
        %gather3A_451 = tpu.vector_load_idx %arg7[%add3A_450] : memref<2048xf32, #tpu.memory_space<vmem>>[vector<16xi32>], vector<16xf32>,
        %add3A_452 = arith.constant 31 : i32
        %add3A_453 = vector.broadcast %add3A_452 : i32 to vector<16xi32>
        %add3A_454 = arith.addi %mul3A_72, %add3A_453 : vector<16xi32>
        %add3A_455 = arith.addf %gather3A_447, %gather3A_451 : vector<16xf32>
        tpu.vector_store_idx %arg12[%add3A_454], %add3A_455 : memref<25600xf32, #tpu.memory_space<vmem>>[vector<16xi32>], vector<16xf32>,
        %scan3A_456 = arith.constant 0 : i32
        scf.yield %scan3A_456 : i32
      }
      %scan3A_41 = arith.constant 50 : i32
      %mul3A_42 = arith.constant 32 : i32
      %mul3A_43 = arith.muli %mul3A_27, %mul3A_42 : i32
      "tpu.region"() ({
        %run_scoped3A = tpu.sem_alloc : memref<!tpu.dma_semaphore, #tpu.memory_space<semaphore_mem>>
        %dma_start3A = tpu.memref_slice %arg5[%mul3A_43] : memref<3200000xf32, #tpu.memory_space<hbm>> -> memref<25600xf32, #tpu.memory_space<hbm>>
        %dma_start3A_44 = tpu.memref_slice %arg5[%mul3A_43] : memref<3200000xf32, #tpu.memory_space<hbm>> -> memref<25600xf32, #tpu.memory_space<hbm>>
        tpu.enqueue_dma source(%arg12 : memref<25600xf32, #tpu.memory_space<vmem>>) target(%dma_start3A_44 : memref<25600xf32, #tpu.memory_space<hbm>>) target_semaphore(%run_scoped3A : memref<!tpu.dma_semaphore, #tpu.memory_space<semaphore_mem>>)
        %dma_wait3A = tpu.memref_slice %arg5[%mul3A_43] : memref<3200000xf32, #tpu.memory_space<hbm>> -> memref<25600xf32, #tpu.memory_space<hbm>>
        %dma_wait3A_45 = tpu.memref_slice %arg5[%mul3A_43] : memref<3200000xf32, #tpu.memory_space<hbm>> -> memref<25600xf32, #tpu.memory_space<hbm>>
        tpu.wait_dma2 semaphore(%run_scoped3A : memref<!tpu.dma_semaphore, #tpu.memory_space<semaphore_mem>>) src(%arg12 : memref<25600xf32, #tpu.memory_space<vmem>>) dst(%dma_wait3A_45 : memref<25600xf32, #tpu.memory_space<hbm>>)
        tpu.yield
      }) : () -> ()
    } else {
    }
    %add3A_19 = arith.constant 96 : i32
    %add3A_20 = arith.addi %add3A, %add3A_19 : i32
    %lt3A_21 = arith.constant 125 : i32
    %lt3A_22 = arith.cmpi slt, %add3A_20, %lt3A_21 : i32
    %convert_element_type3A_23 = arith.extui %lt3A_22 : i1 to i32
    %cond3A_24 = arith.constant 0 : i32
    %cond3A_25 = arith.cmpi ne, %convert_element_type3A_23, %cond3A_24 : i32
    scf.if %cond3A_25 {
      %mul3A_26 = arith.constant 800 : i32
      %mul3A_27 = arith.muli %add3A_20, %mul3A_26 : i32
      %add3A_28 = arith.constant 0 : i32
      %add3A_29 = arith.addi %add3A_28, %mul3A_27 : i32
      "tpu.region"() ({
        %run_scoped3A = tpu.sem_alloc : memref<!tpu.dma_semaphore, #tpu.memory_space<semaphore_mem>>
        %dma_start3A = tpu.memref_slice %arg2[%add3A_29] : memref<400000xi32, #tpu.memory_space<hbm>> -> memref<800xi32, #tpu.memory_space<hbm>>
        %dma_start3A_44 = tpu.memref_slice %arg2[%add3A_29] : memref<400000xi32, #tpu.memory_space<hbm>> -> memref<800xi32, #tpu.memory_space<hbm>>
        tpu.enqueue_dma source(%dma_start3A_44 : memref<800xi32, #tpu.memory_space<hbm>>) target(%arg8 : memref<800xi32, #tpu.memory_space<vmem>>) target_semaphore(%run_scoped3A : memref<!tpu.dma_semaphore, #tpu.memory_space<semaphore_mem>>)
        %dma_wait3A = tpu.memref_slice %arg2[%add3A_29] : memref<400000xi32, #tpu.memory_space<hbm>> -> memref<800xi32, #tpu.memory_space<hbm>>
        %dma_wait3A_45 = tpu.memref_slice %arg2[%add3A_29] : memref<400000xi32, #tpu.memory_space<hbm>> -> memref<800xi32, #tpu.memory_space<hbm>>
        tpu.wait_dma2 semaphore(%run_scoped3A : memref<!tpu.dma_semaphore, #tpu.memory_space<semaphore_mem>>) src(%dma_wait3A_45 : memref<800xi32, #tpu.memory_space<hbm>>) dst(%arg8 : memref<800xi32, #tpu.memory_space<vmem>>)
        tpu.yield
      }) : () -> ()
      %add3A_30 = arith.constant 200000 : i32
      %add3A_31 = arith.addi %add3A_30, %mul3A_27 : i32
      "tpu.region"() ({
        %run_scoped3A = tpu.sem_alloc : memref<!tpu.dma_semaphore, #tpu.memory_space<semaphore_mem>>
        %dma_start3A = tpu.memref_slice %arg2[%add3A_31] : memref<400000xi32, #tpu.memory_space<hbm>> -> memref<800xi32, #tpu.memory_space<hbm>>
        %dma_start3A_44 = tpu.memref_slice %arg2[%add3A_31] : memref<400000xi32, #tpu.memory_space<hbm>> -> memref<800xi32, #tpu.memory_space<hbm>>
        tpu.enqueue_dma source(%dma_start3A_44 : memref<800xi32, #tpu.memory_space<hbm>>) target(%arg9 : memref<800xi32, #tpu.memory_space<vmem>>) target_semaphore(%run_scoped3A : memref<!tpu.dma_semaphore, #tpu.memory_space<semaphore_mem>>)
        %dma_wait3A = tpu.memref_slice %arg2[%add3A_31] : memref<400000xi32, #tpu.memory_space<hbm>> -> memref<800xi32, #tpu.memory_space<hbm>>
        %dma_wait3A_45 = tpu.memref_slice %arg2[%add3A_31] : memref<400000xi32, #tpu.memory_space<hbm>> -> memref<800xi32, #tpu.memory_space<hbm>>
        tpu.wait_dma2 semaphore(%run_scoped3A : memref<!tpu.dma_semaphore, #tpu.memory_space<semaphore_mem>>) src(%dma_wait3A_45 : memref<800xi32, #tpu.memory_space<hbm>>) dst(%arg9 : memref<800xi32, #tpu.memory_space<vmem>>)
        tpu.yield
      }) : () -> ()
      %add3A_32 = arith.constant 100000 : i32
      %add3A_33 = arith.addi %add3A_32, %mul3A_27 : i32
      "tpu.region"() ({
        %run_scoped3A = tpu.sem_alloc : memref<!tpu.dma_semaphore, #tpu.memory_space<semaphore_mem>>
        %dma_start3A = tpu.memref_slice %arg2[%add3A_33] : memref<400000xi32, #tpu.memory_space<hbm>> -> memref<800xi32, #tpu.memory_space<hbm>>
        %dma_start3A_44 = tpu.memref_slice %arg2[%add3A_33] : memref<400000xi32, #tpu.memory_space<hbm>> -> memref<800xi32, #tpu.memory_space<hbm>>
        tpu.enqueue_dma source(%dma_start3A_44 : memref<800xi32, #tpu.memory_space<hbm>>) target(%arg10 : memref<800xi32, #tpu.memory_space<vmem>>) target_semaphore(%run_scoped3A : memref<!tpu.dma_semaphore, #tpu.memory_space<semaphore_mem>>)
        %dma_wait3A = tpu.memref_slice %arg2[%add3A_33] : memref<400000xi32, #tpu.memory_space<hbm>> -> memref<800xi32, #tpu.memory_space<hbm>>
        %dma_wait3A_45 = tpu.memref_slice %arg2[%add3A_33] : memref<400000xi32, #tpu.memory_space<hbm>> -> memref<800xi32, #tpu.memory_space<hbm>>
        tpu.wait_dma2 semaphore(%run_scoped3A : memref<!tpu.dma_semaphore, #tpu.memory_space<semaphore_mem>>) src(%dma_wait3A_45 : memref<800xi32, #tpu.memory_space<hbm>>) dst(%arg10 : memref<800xi32, #tpu.memory_space<vmem>>)
        tpu.yield
      }) : () -> ()
      %add3A_34 = arith.constant 300000 : i32
      %add3A_35 = arith.addi %add3A_34, %mul3A_27 : i32
      "tpu.region"() ({
        %run_scoped3A = tpu.sem_alloc : memref<!tpu.dma_semaphore, #tpu.memory_space<semaphore_mem>>
        %dma_start3A = tpu.memref_slice %arg2[%add3A_35] : memref<400000xi32, #tpu.memory_space<hbm>> -> memref<800xi32, #tpu.memory_space<hbm>>
        %dma_start3A_44 = tpu.memref_slice %arg2[%add3A_35] : memref<400000xi32, #tpu.memory_space<hbm>> -> memref<800xi32, #tpu.memory_space<hbm>>
        tpu.enqueue_dma source(%dma_start3A_44 : memref<800xi32, #tpu.memory_space<hbm>>) target(%arg11 : memref<800xi32, #tpu.memory_space<vmem>>) target_semaphore(%run_scoped3A : memref<!tpu.dma_semaphore, #tpu.memory_space<semaphore_mem>>)
        %dma_wait3A = tpu.memref_slice %arg2[%add3A_35] : memref<400000xi32, #tpu.memory_space<hbm>> -> memref<800xi32, #tpu.memory_space<hbm>>
        %dma_wait3A_45 = tpu.memref_slice %arg2[%add3A_35] : memref<400000xi32, #tpu.memory_space<hbm>> -> memref<800xi32, #tpu.memory_space<hbm>>
        tpu.wait_dma2 semaphore(%run_scoped3A : memref<!tpu.dma_semaphore, #tpu.memory_space<semaphore_mem>>) src(%dma_wait3A_45 : memref<800xi32, #tpu.memory_space<hbm>>) dst(%arg11 : memref<800xi32, #tpu.memory_space<vmem>>)
        tpu.yield
      }) : () -> ()
      %scan3A = arith.constant 0 : i32
      %scan3A_36 = arith.constant 0 : i32
      %scan3A_37 = arith.constant 50 : i32
      %scan3A_38 = arith.addi %scan3A_36, %scan3A_37 : i32
      %scan3A_39 = arith.constant 1 : i32
      %scan3A_40 = scf.for %scan3A_44 = %scan3A_36 to %scan3A_38 step %scan3A_39 iter_args(%scan3A_45 = %scan3A) -> (i32)  : i32 {
        %mul3A_46 = arith.constant 16 : i32
        %mul3A_47 = arith.muli %scan3A_44, %mul3A_46 : i32
        %get3A = arith.index_cast %mul3A_47 : i32 to index
        %get3A_48 = tpu.vector_load %arg8[%get3A] {strides = array<i32>} : memref<800xi32, #tpu.memory_space<vmem>>, vector<16xi32>,
        %get3A_49 = arith.index_cast %mul3A_47 : i32 to index
        %get3A_50 = tpu.vector_load %arg9[%get3A_49] {strides = array<i32>} : memref<800xi32, #tpu.memory_space<vmem>>, vector<16xi32>,
        %add3A_51 = arith.addi %get3A_48, %get3A_50 : vector<16xi32>
        %min3A = arith.constant 63 : i32
        %min3A_52 = vector.broadcast %min3A : i32 to vector<16xi32>
        %min3A_53 = arith.minsi %add3A_51, %min3A_52 : vector<16xi32>
        %mul3A_54 = arith.constant 32 : i32
        %mul3A_55 = vector.broadcast %mul3A_54 : i32 to vector<16xi32>
        %mul3A_56 = arith.muli %min3A_53, %mul3A_55 : vector<16xi32>
        %get3A_57 = arith.index_cast %mul3A_47 : i32 to index
        %get3A_58 = tpu.vector_load %arg10[%get3A_57] {strides = array<i32>} : memref<800xi32, #tpu.memory_space<vmem>>, vector<16xi32>,
        %get3A_59 = arith.index_cast %mul3A_47 : i32 to index
        %get3A_60 = tpu.vector_load %arg11[%get3A_59] {strides = array<i32>} : memref<800xi32, #tpu.memory_space<vmem>>, vector<16xi32>,
        %add3A_61 = arith.addi %get3A_58, %get3A_60 : vector<16xi32>
        %min3A_62 = arith.constant 63 : i32
        %min3A_63 = vector.broadcast %min3A_62 : i32 to vector<16xi32>
        %min3A_64 = arith.minsi %add3A_61, %min3A_63 : vector<16xi32>
        %mul3A_65 = arith.constant 32 : i32
        %mul3A_66 = vector.broadcast %mul3A_65 : i32 to vector<16xi32>
        %mul3A_67 = arith.muli %min3A_64, %mul3A_66 : vector<16xi32>
        %iota3A = tpu.iota {dimensions = array<i32: 0>} : vector<16xi32>
        %add3A_68 = vector.broadcast %mul3A_47 : i32 to vector<16xi32>
        %add3A_69 = arith.addi %iota3A, %add3A_68 : vector<16xi32>
        %mul3A_70 = arith.constant 32 : i32
        %mul3A_71 = vector.broadcast %mul3A_70 : i32 to vector<16xi32>
        %mul3A_72 = arith.muli %add3A_69, %mul3A_71 : vector<16xi32>
        %add3A_73 = arith.constant 0 : i32
        %add3A_74 = vector.broadcast %add3A_73 : i32 to vector<16xi32>
        %add3A_75 = arith.addi %mul3A_56, %add3A_74 : vector<16xi32>
        %gather3A = tpu.vector_load_idx %arg6[%add3A_75] : memref<2048xf32, #tpu.memory_space<vmem>>[vector<16xi32>], vector<16xf32>,
        %add3A_76 = arith.constant 0 : i32
        %add3A_77 = vector.broadcast %add3A_76 : i32 to vector<16xi32>
        %add3A_78 = arith.addi %mul3A_67, %add3A_77 : vector<16xi32>
        %gather3A_79 = tpu.vector_load_idx %arg7[%add3A_78] : memref<2048xf32, #tpu.memory_space<vmem>>[vector<16xi32>], vector<16xf32>,
        %add3A_80 = arith.constant 0 : i32
        %add3A_81 = vector.broadcast %add3A_80 : i32 to vector<16xi32>
        %add3A_82 = arith.addi %mul3A_72, %add3A_81 : vector<16xi32>
        %add3A_83 = arith.addf %gather3A, %gather3A_79 : vector<16xf32>
        tpu.vector_store_idx %arg12[%add3A_82], %add3A_83 : memref<25600xf32, #tpu.memory_space<vmem>>[vector<16xi32>], vector<16xf32>,
        %add3A_84 = arith.constant 1 : i32
        %add3A_85 = vector.broadcast %add3A_84 : i32 to vector<16xi32>
        %add3A_86 = arith.addi %mul3A_56, %add3A_85 : vector<16xi32>
        %gather3A_87 = tpu.vector_load_idx %arg6[%add3A_86] : memref<2048xf32, #tpu.memory_space<vmem>>[vector<16xi32>], vector<16xf32>,
        %add3A_88 = arith.constant 1 : i32
        %add3A_89 = vector.broadcast %add3A_88 : i32 to vector<16xi32>
        %add3A_90 = arith.addi %mul3A_67, %add3A_89 : vector<16xi32>
        %gather3A_91 = tpu.vector_load_idx %arg7[%add3A_90] : memref<2048xf32, #tpu.memory_space<vmem>>[vector<16xi32>], vector<16xf32>,
        %add3A_92 = arith.constant 1 : i32
        %add3A_93 = vector.broadcast %add3A_92 : i32 to vector<16xi32>
        %add3A_94 = arith.addi %mul3A_72, %add3A_93 : vector<16xi32>
        %add3A_95 = arith.addf %gather3A_87, %gather3A_91 : vector<16xf32>
        tpu.vector_store_idx %arg12[%add3A_94], %add3A_95 : memref<25600xf32, #tpu.memory_space<vmem>>[vector<16xi32>], vector<16xf32>,
        %add3A_96 = arith.constant 2 : i32
        %add3A_97 = vector.broadcast %add3A_96 : i32 to vector<16xi32>
        %add3A_98 = arith.addi %mul3A_56, %add3A_97 : vector<16xi32>
        %gather3A_99 = tpu.vector_load_idx %arg6[%add3A_98] : memref<2048xf32, #tpu.memory_space<vmem>>[vector<16xi32>], vector<16xf32>,
        %add3A_100 = arith.constant 2 : i32
        %add3A_101 = vector.broadcast %add3A_100 : i32 to vector<16xi32>
        %add3A_102 = arith.addi %mul3A_67, %add3A_101 : vector<16xi32>
        %gather3A_103 = tpu.vector_load_idx %arg7[%add3A_102] : memref<2048xf32, #tpu.memory_space<vmem>>[vector<16xi32>], vector<16xf32>,
        %add3A_104 = arith.constant 2 : i32
        %add3A_105 = vector.broadcast %add3A_104 : i32 to vector<16xi32>
        %add3A_106 = arith.addi %mul3A_72, %add3A_105 : vector<16xi32>
        %add3A_107 = arith.addf %gather3A_99, %gather3A_103 : vector<16xf32>
        tpu.vector_store_idx %arg12[%add3A_106], %add3A_107 : memref<25600xf32, #tpu.memory_space<vmem>>[vector<16xi32>], vector<16xf32>,
        %add3A_108 = arith.constant 3 : i32
        %add3A_109 = vector.broadcast %add3A_108 : i32 to vector<16xi32>
        %add3A_110 = arith.addi %mul3A_56, %add3A_109 : vector<16xi32>
        %gather3A_111 = tpu.vector_load_idx %arg6[%add3A_110] : memref<2048xf32, #tpu.memory_space<vmem>>[vector<16xi32>], vector<16xf32>,
        %add3A_112 = arith.constant 3 : i32
        %add3A_113 = vector.broadcast %add3A_112 : i32 to vector<16xi32>
        %add3A_114 = arith.addi %mul3A_67, %add3A_113 : vector<16xi32>
        %gather3A_115 = tpu.vector_load_idx %arg7[%add3A_114] : memref<2048xf32, #tpu.memory_space<vmem>>[vector<16xi32>], vector<16xf32>,
        %add3A_116 = arith.constant 3 : i32
        %add3A_117 = vector.broadcast %add3A_116 : i32 to vector<16xi32>
        %add3A_118 = arith.addi %mul3A_72, %add3A_117 : vector<16xi32>
        %add3A_119 = arith.addf %gather3A_111, %gather3A_115 : vector<16xf32>
        tpu.vector_store_idx %arg12[%add3A_118], %add3A_119 : memref<25600xf32, #tpu.memory_space<vmem>>[vector<16xi32>], vector<16xf32>,
        %add3A_120 = arith.constant 4 : i32
        %add3A_121 = vector.broadcast %add3A_120 : i32 to vector<16xi32>
        %add3A_122 = arith.addi %mul3A_56, %add3A_121 : vector<16xi32>
        %gather3A_123 = tpu.vector_load_idx %arg6[%add3A_122] : memref<2048xf32, #tpu.memory_space<vmem>>[vector<16xi32>], vector<16xf32>,
        %add3A_124 = arith.constant 4 : i32
        %add3A_125 = vector.broadcast %add3A_124 : i32 to vector<16xi32>
        %add3A_126 = arith.addi %mul3A_67, %add3A_125 : vector<16xi32>
        %gather3A_127 = tpu.vector_load_idx %arg7[%add3A_126] : memref<2048xf32, #tpu.memory_space<vmem>>[vector<16xi32>], vector<16xf32>,
        %add3A_128 = arith.constant 4 : i32
        %add3A_129 = vector.broadcast %add3A_128 : i32 to vector<16xi32>
        %add3A_130 = arith.addi %mul3A_72, %add3A_129 : vector<16xi32>
        %add3A_131 = arith.addf %gather3A_123, %gather3A_127 : vector<16xf32>
        tpu.vector_store_idx %arg12[%add3A_130], %add3A_131 : memref<25600xf32, #tpu.memory_space<vmem>>[vector<16xi32>], vector<16xf32>,
        %add3A_132 = arith.constant 5 : i32
        %add3A_133 = vector.broadcast %add3A_132 : i32 to vector<16xi32>
        %add3A_134 = arith.addi %mul3A_56, %add3A_133 : vector<16xi32>
        %gather3A_135 = tpu.vector_load_idx %arg6[%add3A_134] : memref<2048xf32, #tpu.memory_space<vmem>>[vector<16xi32>], vector<16xf32>,
        %add3A_136 = arith.constant 5 : i32
        %add3A_137 = vector.broadcast %add3A_136 : i32 to vector<16xi32>
        %add3A_138 = arith.addi %mul3A_67, %add3A_137 : vector<16xi32>
        %gather3A_139 = tpu.vector_load_idx %arg7[%add3A_138] : memref<2048xf32, #tpu.memory_space<vmem>>[vector<16xi32>], vector<16xf32>,
        %add3A_140 = arith.constant 5 : i32
        %add3A_141 = vector.broadcast %add3A_140 : i32 to vector<16xi32>
        %add3A_142 = arith.addi %mul3A_72, %add3A_141 : vector<16xi32>
        %add3A_143 = arith.addf %gather3A_135, %gather3A_139 : vector<16xf32>
        tpu.vector_store_idx %arg12[%add3A_142], %add3A_143 : memref<25600xf32, #tpu.memory_space<vmem>>[vector<16xi32>], vector<16xf32>,
        %add3A_144 = arith.constant 6 : i32
        %add3A_145 = vector.broadcast %add3A_144 : i32 to vector<16xi32>
        %add3A_146 = arith.addi %mul3A_56, %add3A_145 : vector<16xi32>
        %gather3A_147 = tpu.vector_load_idx %arg6[%add3A_146] : memref<2048xf32, #tpu.memory_space<vmem>>[vector<16xi32>], vector<16xf32>,
        %add3A_148 = arith.constant 6 : i32
        %add3A_149 = vector.broadcast %add3A_148 : i32 to vector<16xi32>
        %add3A_150 = arith.addi %mul3A_67, %add3A_149 : vector<16xi32>
        %gather3A_151 = tpu.vector_load_idx %arg7[%add3A_150] : memref<2048xf32, #tpu.memory_space<vmem>>[vector<16xi32>], vector<16xf32>,
        %add3A_152 = arith.constant 6 : i32
        %add3A_153 = vector.broadcast %add3A_152 : i32 to vector<16xi32>
        %add3A_154 = arith.addi %mul3A_72, %add3A_153 : vector<16xi32>
        %add3A_155 = arith.addf %gather3A_147, %gather3A_151 : vector<16xf32>
        tpu.vector_store_idx %arg12[%add3A_154], %add3A_155 : memref<25600xf32, #tpu.memory_space<vmem>>[vector<16xi32>], vector<16xf32>,
        %add3A_156 = arith.constant 7 : i32
        %add3A_157 = vector.broadcast %add3A_156 : i32 to vector<16xi32>
        %add3A_158 = arith.addi %mul3A_56, %add3A_157 : vector<16xi32>
        %gather3A_159 = tpu.vector_load_idx %arg6[%add3A_158] : memref<2048xf32, #tpu.memory_space<vmem>>[vector<16xi32>], vector<16xf32>,
        %add3A_160 = arith.constant 7 : i32
        %add3A_161 = vector.broadcast %add3A_160 : i32 to vector<16xi32>
        %add3A_162 = arith.addi %mul3A_67, %add3A_161 : vector<16xi32>
        %gather3A_163 = tpu.vector_load_idx %arg7[%add3A_162] : memref<2048xf32, #tpu.memory_space<vmem>>[vector<16xi32>], vector<16xf32>,
        %add3A_164 = arith.constant 7 : i32
        %add3A_165 = vector.broadcast %add3A_164 : i32 to vector<16xi32>
        %add3A_166 = arith.addi %mul3A_72, %add3A_165 : vector<16xi32>
        %add3A_167 = arith.addf %gather3A_159, %gather3A_163 : vector<16xf32>
        tpu.vector_store_idx %arg12[%add3A_166], %add3A_167 : memref<25600xf32, #tpu.memory_space<vmem>>[vector<16xi32>], vector<16xf32>,
        %add3A_168 = arith.constant 8 : i32
        %add3A_169 = vector.broadcast %add3A_168 : i32 to vector<16xi32>
        %add3A_170 = arith.addi %mul3A_56, %add3A_169 : vector<16xi32>
        %gather3A_171 = tpu.vector_load_idx %arg6[%add3A_170] : memref<2048xf32, #tpu.memory_space<vmem>>[vector<16xi32>], vector<16xf32>,
        %add3A_172 = arith.constant 8 : i32
        %add3A_173 = vector.broadcast %add3A_172 : i32 to vector<16xi32>
        %add3A_174 = arith.addi %mul3A_67, %add3A_173 : vector<16xi32>
        %gather3A_175 = tpu.vector_load_idx %arg7[%add3A_174] : memref<2048xf32, #tpu.memory_space<vmem>>[vector<16xi32>], vector<16xf32>,
        %add3A_176 = arith.constant 8 : i32
        %add3A_177 = vector.broadcast %add3A_176 : i32 to vector<16xi32>
        %add3A_178 = arith.addi %mul3A_72, %add3A_177 : vector<16xi32>
        %add3A_179 = arith.addf %gather3A_171, %gather3A_175 : vector<16xf32>
        tpu.vector_store_idx %arg12[%add3A_178], %add3A_179 : memref<25600xf32, #tpu.memory_space<vmem>>[vector<16xi32>], vector<16xf32>,
        %add3A_180 = arith.constant 9 : i32
        %add3A_181 = vector.broadcast %add3A_180 : i32 to vector<16xi32>
        %add3A_182 = arith.addi %mul3A_56, %add3A_181 : vector<16xi32>
        %gather3A_183 = tpu.vector_load_idx %arg6[%add3A_182] : memref<2048xf32, #tpu.memory_space<vmem>>[vector<16xi32>], vector<16xf32>,
        %add3A_184 = arith.constant 9 : i32
        %add3A_185 = vector.broadcast %add3A_184 : i32 to vector<16xi32>
        %add3A_186 = arith.addi %mul3A_67, %add3A_185 : vector<16xi32>
        %gather3A_187 = tpu.vector_load_idx %arg7[%add3A_186] : memref<2048xf32, #tpu.memory_space<vmem>>[vector<16xi32>], vector<16xf32>,
        %add3A_188 = arith.constant 9 : i32
        %add3A_189 = vector.broadcast %add3A_188 : i32 to vector<16xi32>
        %add3A_190 = arith.addi %mul3A_72, %add3A_189 : vector<16xi32>
        %add3A_191 = arith.addf %gather3A_183, %gather3A_187 : vector<16xf32>
        tpu.vector_store_idx %arg12[%add3A_190], %add3A_191 : memref<25600xf32, #tpu.memory_space<vmem>>[vector<16xi32>], vector<16xf32>,
        %add3A_192 = arith.constant 10 : i32
        %add3A_193 = vector.broadcast %add3A_192 : i32 to vector<16xi32>
        %add3A_194 = arith.addi %mul3A_56, %add3A_193 : vector<16xi32>
        %gather3A_195 = tpu.vector_load_idx %arg6[%add3A_194] : memref<2048xf32, #tpu.memory_space<vmem>>[vector<16xi32>], vector<16xf32>,
        %add3A_196 = arith.constant 10 : i32
        %add3A_197 = vector.broadcast %add3A_196 : i32 to vector<16xi32>
        %add3A_198 = arith.addi %mul3A_67, %add3A_197 : vector<16xi32>
        %gather3A_199 = tpu.vector_load_idx %arg7[%add3A_198] : memref<2048xf32, #tpu.memory_space<vmem>>[vector<16xi32>], vector<16xf32>,
        %add3A_200 = arith.constant 10 : i32
        %add3A_201 = vector.broadcast %add3A_200 : i32 to vector<16xi32>
        %add3A_202 = arith.addi %mul3A_72, %add3A_201 : vector<16xi32>
        %add3A_203 = arith.addf %gather3A_195, %gather3A_199 : vector<16xf32>
        tpu.vector_store_idx %arg12[%add3A_202], %add3A_203 : memref<25600xf32, #tpu.memory_space<vmem>>[vector<16xi32>], vector<16xf32>,
        %add3A_204 = arith.constant 11 : i32
        %add3A_205 = vector.broadcast %add3A_204 : i32 to vector<16xi32>
        %add3A_206 = arith.addi %mul3A_56, %add3A_205 : vector<16xi32>
        %gather3A_207 = tpu.vector_load_idx %arg6[%add3A_206] : memref<2048xf32, #tpu.memory_space<vmem>>[vector<16xi32>], vector<16xf32>,
        %add3A_208 = arith.constant 11 : i32
        %add3A_209 = vector.broadcast %add3A_208 : i32 to vector<16xi32>
        %add3A_210 = arith.addi %mul3A_67, %add3A_209 : vector<16xi32>
        %gather3A_211 = tpu.vector_load_idx %arg7[%add3A_210] : memref<2048xf32, #tpu.memory_space<vmem>>[vector<16xi32>], vector<16xf32>,
        %add3A_212 = arith.constant 11 : i32
        %add3A_213 = vector.broadcast %add3A_212 : i32 to vector<16xi32>
        %add3A_214 = arith.addi %mul3A_72, %add3A_213 : vector<16xi32>
        %add3A_215 = arith.addf %gather3A_207, %gather3A_211 : vector<16xf32>
        tpu.vector_store_idx %arg12[%add3A_214], %add3A_215 : memref<25600xf32, #tpu.memory_space<vmem>>[vector<16xi32>], vector<16xf32>,
        %add3A_216 = arith.constant 12 : i32
        %add3A_217 = vector.broadcast %add3A_216 : i32 to vector<16xi32>
        %add3A_218 = arith.addi %mul3A_56, %add3A_217 : vector<16xi32>
        %gather3A_219 = tpu.vector_load_idx %arg6[%add3A_218] : memref<2048xf32, #tpu.memory_space<vmem>>[vector<16xi32>], vector<16xf32>,
        %add3A_220 = arith.constant 12 : i32
        %add3A_221 = vector.broadcast %add3A_220 : i32 to vector<16xi32>
        %add3A_222 = arith.addi %mul3A_67, %add3A_221 : vector<16xi32>
        %gather3A_223 = tpu.vector_load_idx %arg7[%add3A_222] : memref<2048xf32, #tpu.memory_space<vmem>>[vector<16xi32>], vector<16xf32>,
        %add3A_224 = arith.constant 12 : i32
        %add3A_225 = vector.broadcast %add3A_224 : i32 to vector<16xi32>
        %add3A_226 = arith.addi %mul3A_72, %add3A_225 : vector<16xi32>
        %add3A_227 = arith.addf %gather3A_219, %gather3A_223 : vector<16xf32>
        tpu.vector_store_idx %arg12[%add3A_226], %add3A_227 : memref<25600xf32, #tpu.memory_space<vmem>>[vector<16xi32>], vector<16xf32>,
        %add3A_228 = arith.constant 13 : i32
        %add3A_229 = vector.broadcast %add3A_228 : i32 to vector<16xi32>
        %add3A_230 = arith.addi %mul3A_56, %add3A_229 : vector<16xi32>
        %gather3A_231 = tpu.vector_load_idx %arg6[%add3A_230] : memref<2048xf32, #tpu.memory_space<vmem>>[vector<16xi32>], vector<16xf32>,
        %add3A_232 = arith.constant 13 : i32
        %add3A_233 = vector.broadcast %add3A_232 : i32 to vector<16xi32>
        %add3A_234 = arith.addi %mul3A_67, %add3A_233 : vector<16xi32>
        %gather3A_235 = tpu.vector_load_idx %arg7[%add3A_234] : memref<2048xf32, #tpu.memory_space<vmem>>[vector<16xi32>], vector<16xf32>,
        %add3A_236 = arith.constant 13 : i32
        %add3A_237 = vector.broadcast %add3A_236 : i32 to vector<16xi32>
        %add3A_238 = arith.addi %mul3A_72, %add3A_237 : vector<16xi32>
        %add3A_239 = arith.addf %gather3A_231, %gather3A_235 : vector<16xf32>
        tpu.vector_store_idx %arg12[%add3A_238], %add3A_239 : memref<25600xf32, #tpu.memory_space<vmem>>[vector<16xi32>], vector<16xf32>,
        %add3A_240 = arith.constant 14 : i32
        %add3A_241 = vector.broadcast %add3A_240 : i32 to vector<16xi32>
        %add3A_242 = arith.addi %mul3A_56, %add3A_241 : vector<16xi32>
        %gather3A_243 = tpu.vector_load_idx %arg6[%add3A_242] : memref<2048xf32, #tpu.memory_space<vmem>>[vector<16xi32>], vector<16xf32>,
        %add3A_244 = arith.constant 14 : i32
        %add3A_245 = vector.broadcast %add3A_244 : i32 to vector<16xi32>
        %add3A_246 = arith.addi %mul3A_67, %add3A_245 : vector<16xi32>
        %gather3A_247 = tpu.vector_load_idx %arg7[%add3A_246] : memref<2048xf32, #tpu.memory_space<vmem>>[vector<16xi32>], vector<16xf32>,
        %add3A_248 = arith.constant 14 : i32
        %add3A_249 = vector.broadcast %add3A_248 : i32 to vector<16xi32>
        %add3A_250 = arith.addi %mul3A_72, %add3A_249 : vector<16xi32>
        %add3A_251 = arith.addf %gather3A_243, %gather3A_247 : vector<16xf32>
        tpu.vector_store_idx %arg12[%add3A_250], %add3A_251 : memref<25600xf32, #tpu.memory_space<vmem>>[vector<16xi32>], vector<16xf32>,
        %add3A_252 = arith.constant 15 : i32
        %add3A_253 = vector.broadcast %add3A_252 : i32 to vector<16xi32>
        %add3A_254 = arith.addi %mul3A_56, %add3A_253 : vector<16xi32>
        %gather3A_255 = tpu.vector_load_idx %arg6[%add3A_254] : memref<2048xf32, #tpu.memory_space<vmem>>[vector<16xi32>], vector<16xf32>,
        %add3A_256 = arith.constant 15 : i32
        %add3A_257 = vector.broadcast %add3A_256 : i32 to vector<16xi32>
        %add3A_258 = arith.addi %mul3A_67, %add3A_257 : vector<16xi32>
        %gather3A_259 = tpu.vector_load_idx %arg7[%add3A_258] : memref<2048xf32, #tpu.memory_space<vmem>>[vector<16xi32>], vector<16xf32>,
        %add3A_260 = arith.constant 15 : i32
        %add3A_261 = vector.broadcast %add3A_260 : i32 to vector<16xi32>
        %add3A_262 = arith.addi %mul3A_72, %add3A_261 : vector<16xi32>
        %add3A_263 = arith.addf %gather3A_255, %gather3A_259 : vector<16xf32>
        tpu.vector_store_idx %arg12[%add3A_262], %add3A_263 : memref<25600xf32, #tpu.memory_space<vmem>>[vector<16xi32>], vector<16xf32>,
        %add3A_264 = arith.constant 16 : i32
        %add3A_265 = vector.broadcast %add3A_264 : i32 to vector<16xi32>
        %add3A_266 = arith.addi %mul3A_56, %add3A_265 : vector<16xi32>
        %gather3A_267 = tpu.vector_load_idx %arg6[%add3A_266] : memref<2048xf32, #tpu.memory_space<vmem>>[vector<16xi32>], vector<16xf32>,
        %add3A_268 = arith.constant 16 : i32
        %add3A_269 = vector.broadcast %add3A_268 : i32 to vector<16xi32>
        %add3A_270 = arith.addi %mul3A_67, %add3A_269 : vector<16xi32>
        %gather3A_271 = tpu.vector_load_idx %arg7[%add3A_270] : memref<2048xf32, #tpu.memory_space<vmem>>[vector<16xi32>], vector<16xf32>,
        %add3A_272 = arith.constant 16 : i32
        %add3A_273 = vector.broadcast %add3A_272 : i32 to vector<16xi32>
        %add3A_274 = arith.addi %mul3A_72, %add3A_273 : vector<16xi32>
        %add3A_275 = arith.addf %gather3A_267, %gather3A_271 : vector<16xf32>
        tpu.vector_store_idx %arg12[%add3A_274], %add3A_275 : memref<25600xf32, #tpu.memory_space<vmem>>[vector<16xi32>], vector<16xf32>,
        %add3A_276 = arith.constant 17 : i32
        %add3A_277 = vector.broadcast %add3A_276 : i32 to vector<16xi32>
        %add3A_278 = arith.addi %mul3A_56, %add3A_277 : vector<16xi32>
        %gather3A_279 = tpu.vector_load_idx %arg6[%add3A_278] : memref<2048xf32, #tpu.memory_space<vmem>>[vector<16xi32>], vector<16xf32>,
        %add3A_280 = arith.constant 17 : i32
        %add3A_281 = vector.broadcast %add3A_280 : i32 to vector<16xi32>
        %add3A_282 = arith.addi %mul3A_67, %add3A_281 : vector<16xi32>
        %gather3A_283 = tpu.vector_load_idx %arg7[%add3A_282] : memref<2048xf32, #tpu.memory_space<vmem>>[vector<16xi32>], vector<16xf32>,
        %add3A_284 = arith.constant 17 : i32
        %add3A_285 = vector.broadcast %add3A_284 : i32 to vector<16xi32>
        %add3A_286 = arith.addi %mul3A_72, %add3A_285 : vector<16xi32>
        %add3A_287 = arith.addf %gather3A_279, %gather3A_283 : vector<16xf32>
        tpu.vector_store_idx %arg12[%add3A_286], %add3A_287 : memref<25600xf32, #tpu.memory_space<vmem>>[vector<16xi32>], vector<16xf32>,
        %add3A_288 = arith.constant 18 : i32
        %add3A_289 = vector.broadcast %add3A_288 : i32 to vector<16xi32>
        %add3A_290 = arith.addi %mul3A_56, %add3A_289 : vector<16xi32>
        %gather3A_291 = tpu.vector_load_idx %arg6[%add3A_290] : memref<2048xf32, #tpu.memory_space<vmem>>[vector<16xi32>], vector<16xf32>,
        %add3A_292 = arith.constant 18 : i32
        %add3A_293 = vector.broadcast %add3A_292 : i32 to vector<16xi32>
        %add3A_294 = arith.addi %mul3A_67, %add3A_293 : vector<16xi32>
        %gather3A_295 = tpu.vector_load_idx %arg7[%add3A_294] : memref<2048xf32, #tpu.memory_space<vmem>>[vector<16xi32>], vector<16xf32>,
        %add3A_296 = arith.constant 18 : i32
        %add3A_297 = vector.broadcast %add3A_296 : i32 to vector<16xi32>
        %add3A_298 = arith.addi %mul3A_72, %add3A_297 : vector<16xi32>
        %add3A_299 = arith.addf %gather3A_291, %gather3A_295 : vector<16xf32>
        tpu.vector_store_idx %arg12[%add3A_298], %add3A_299 : memref<25600xf32, #tpu.memory_space<vmem>>[vector<16xi32>], vector<16xf32>,
        %add3A_300 = arith.constant 19 : i32
        %add3A_301 = vector.broadcast %add3A_300 : i32 to vector<16xi32>
        %add3A_302 = arith.addi %mul3A_56, %add3A_301 : vector<16xi32>
        %gather3A_303 = tpu.vector_load_idx %arg6[%add3A_302] : memref<2048xf32, #tpu.memory_space<vmem>>[vector<16xi32>], vector<16xf32>,
        %add3A_304 = arith.constant 19 : i32
        %add3A_305 = vector.broadcast %add3A_304 : i32 to vector<16xi32>
        %add3A_306 = arith.addi %mul3A_67, %add3A_305 : vector<16xi32>
        %gather3A_307 = tpu.vector_load_idx %arg7[%add3A_306] : memref<2048xf32, #tpu.memory_space<vmem>>[vector<16xi32>], vector<16xf32>,
        %add3A_308 = arith.constant 19 : i32
        %add3A_309 = vector.broadcast %add3A_308 : i32 to vector<16xi32>
        %add3A_310 = arith.addi %mul3A_72, %add3A_309 : vector<16xi32>
        %add3A_311 = arith.addf %gather3A_303, %gather3A_307 : vector<16xf32>
        tpu.vector_store_idx %arg12[%add3A_310], %add3A_311 : memref<25600xf32, #tpu.memory_space<vmem>>[vector<16xi32>], vector<16xf32>,
        %add3A_312 = arith.constant 20 : i32
        %add3A_313 = vector.broadcast %add3A_312 : i32 to vector<16xi32>
        %add3A_314 = arith.addi %mul3A_56, %add3A_313 : vector<16xi32>
        %gather3A_315 = tpu.vector_load_idx %arg6[%add3A_314] : memref<2048xf32, #tpu.memory_space<vmem>>[vector<16xi32>], vector<16xf32>,
        %add3A_316 = arith.constant 20 : i32
        %add3A_317 = vector.broadcast %add3A_316 : i32 to vector<16xi32>
        %add3A_318 = arith.addi %mul3A_67, %add3A_317 : vector<16xi32>
        %gather3A_319 = tpu.vector_load_idx %arg7[%add3A_318] : memref<2048xf32, #tpu.memory_space<vmem>>[vector<16xi32>], vector<16xf32>,
        %add3A_320 = arith.constant 20 : i32
        %add3A_321 = vector.broadcast %add3A_320 : i32 to vector<16xi32>
        %add3A_322 = arith.addi %mul3A_72, %add3A_321 : vector<16xi32>
        %add3A_323 = arith.addf %gather3A_315, %gather3A_319 : vector<16xf32>
        tpu.vector_store_idx %arg12[%add3A_322], %add3A_323 : memref<25600xf32, #tpu.memory_space<vmem>>[vector<16xi32>], vector<16xf32>,
        %add3A_324 = arith.constant 21 : i32
        %add3A_325 = vector.broadcast %add3A_324 : i32 to vector<16xi32>
        %add3A_326 = arith.addi %mul3A_56, %add3A_325 : vector<16xi32>
        %gather3A_327 = tpu.vector_load_idx %arg6[%add3A_326] : memref<2048xf32, #tpu.memory_space<vmem>>[vector<16xi32>], vector<16xf32>,
        %add3A_328 = arith.constant 21 : i32
        %add3A_329 = vector.broadcast %add3A_328 : i32 to vector<16xi32>
        %add3A_330 = arith.addi %mul3A_67, %add3A_329 : vector<16xi32>
        %gather3A_331 = tpu.vector_load_idx %arg7[%add3A_330] : memref<2048xf32, #tpu.memory_space<vmem>>[vector<16xi32>], vector<16xf32>,
        %add3A_332 = arith.constant 21 : i32
        %add3A_333 = vector.broadcast %add3A_332 : i32 to vector<16xi32>
        %add3A_334 = arith.addi %mul3A_72, %add3A_333 : vector<16xi32>
        %add3A_335 = arith.addf %gather3A_327, %gather3A_331 : vector<16xf32>
        tpu.vector_store_idx %arg12[%add3A_334], %add3A_335 : memref<25600xf32, #tpu.memory_space<vmem>>[vector<16xi32>], vector<16xf32>,
        %add3A_336 = arith.constant 22 : i32
        %add3A_337 = vector.broadcast %add3A_336 : i32 to vector<16xi32>
        %add3A_338 = arith.addi %mul3A_56, %add3A_337 : vector<16xi32>
        %gather3A_339 = tpu.vector_load_idx %arg6[%add3A_338] : memref<2048xf32, #tpu.memory_space<vmem>>[vector<16xi32>], vector<16xf32>,
        %add3A_340 = arith.constant 22 : i32
        %add3A_341 = vector.broadcast %add3A_340 : i32 to vector<16xi32>
        %add3A_342 = arith.addi %mul3A_67, %add3A_341 : vector<16xi32>
        %gather3A_343 = tpu.vector_load_idx %arg7[%add3A_342] : memref<2048xf32, #tpu.memory_space<vmem>>[vector<16xi32>], vector<16xf32>,
        %add3A_344 = arith.constant 22 : i32
        %add3A_345 = vector.broadcast %add3A_344 : i32 to vector<16xi32>
        %add3A_346 = arith.addi %mul3A_72, %add3A_345 : vector<16xi32>
        %add3A_347 = arith.addf %gather3A_339, %gather3A_343 : vector<16xf32>
        tpu.vector_store_idx %arg12[%add3A_346], %add3A_347 : memref<25600xf32, #tpu.memory_space<vmem>>[vector<16xi32>], vector<16xf32>,
        %add3A_348 = arith.constant 23 : i32
        %add3A_349 = vector.broadcast %add3A_348 : i32 to vector<16xi32>
        %add3A_350 = arith.addi %mul3A_56, %add3A_349 : vector<16xi32>
        %gather3A_351 = tpu.vector_load_idx %arg6[%add3A_350] : memref<2048xf32, #tpu.memory_space<vmem>>[vector<16xi32>], vector<16xf32>,
        %add3A_352 = arith.constant 23 : i32
        %add3A_353 = vector.broadcast %add3A_352 : i32 to vector<16xi32>
        %add3A_354 = arith.addi %mul3A_67, %add3A_353 : vector<16xi32>
        %gather3A_355 = tpu.vector_load_idx %arg7[%add3A_354] : memref<2048xf32, #tpu.memory_space<vmem>>[vector<16xi32>], vector<16xf32>,
        %add3A_356 = arith.constant 23 : i32
        %add3A_357 = vector.broadcast %add3A_356 : i32 to vector<16xi32>
        %add3A_358 = arith.addi %mul3A_72, %add3A_357 : vector<16xi32>
        %add3A_359 = arith.addf %gather3A_351, %gather3A_355 : vector<16xf32>
        tpu.vector_store_idx %arg12[%add3A_358], %add3A_359 : memref<25600xf32, #tpu.memory_space<vmem>>[vector<16xi32>], vector<16xf32>,
        %add3A_360 = arith.constant 24 : i32
        %add3A_361 = vector.broadcast %add3A_360 : i32 to vector<16xi32>
        %add3A_362 = arith.addi %mul3A_56, %add3A_361 : vector<16xi32>
        %gather3A_363 = tpu.vector_load_idx %arg6[%add3A_362] : memref<2048xf32, #tpu.memory_space<vmem>>[vector<16xi32>], vector<16xf32>,
        %add3A_364 = arith.constant 24 : i32
        %add3A_365 = vector.broadcast %add3A_364 : i32 to vector<16xi32>
        %add3A_366 = arith.addi %mul3A_67, %add3A_365 : vector<16xi32>
        %gather3A_367 = tpu.vector_load_idx %arg7[%add3A_366] : memref<2048xf32, #tpu.memory_space<vmem>>[vector<16xi32>], vector<16xf32>,
        %add3A_368 = arith.constant 24 : i32
        %add3A_369 = vector.broadcast %add3A_368 : i32 to vector<16xi32>
        %add3A_370 = arith.addi %mul3A_72, %add3A_369 : vector<16xi32>
        %add3A_371 = arith.addf %gather3A_363, %gather3A_367 : vector<16xf32>
        tpu.vector_store_idx %arg12[%add3A_370], %add3A_371 : memref<25600xf32, #tpu.memory_space<vmem>>[vector<16xi32>], vector<16xf32>,
        %add3A_372 = arith.constant 25 : i32
        %add3A_373 = vector.broadcast %add3A_372 : i32 to vector<16xi32>
        %add3A_374 = arith.addi %mul3A_56, %add3A_373 : vector<16xi32>
        %gather3A_375 = tpu.vector_load_idx %arg6[%add3A_374] : memref<2048xf32, #tpu.memory_space<vmem>>[vector<16xi32>], vector<16xf32>,
        %add3A_376 = arith.constant 25 : i32
        %add3A_377 = vector.broadcast %add3A_376 : i32 to vector<16xi32>
        %add3A_378 = arith.addi %mul3A_67, %add3A_377 : vector<16xi32>
        %gather3A_379 = tpu.vector_load_idx %arg7[%add3A_378] : memref<2048xf32, #tpu.memory_space<vmem>>[vector<16xi32>], vector<16xf32>,
        %add3A_380 = arith.constant 25 : i32
        %add3A_381 = vector.broadcast %add3A_380 : i32 to vector<16xi32>
        %add3A_382 = arith.addi %mul3A_72, %add3A_381 : vector<16xi32>
        %add3A_383 = arith.addf %gather3A_375, %gather3A_379 : vector<16xf32>
        tpu.vector_store_idx %arg12[%add3A_382], %add3A_383 : memref<25600xf32, #tpu.memory_space<vmem>>[vector<16xi32>], vector<16xf32>,
        %add3A_384 = arith.constant 26 : i32
        %add3A_385 = vector.broadcast %add3A_384 : i32 to vector<16xi32>
        %add3A_386 = arith.addi %mul3A_56, %add3A_385 : vector<16xi32>
        %gather3A_387 = tpu.vector_load_idx %arg6[%add3A_386] : memref<2048xf32, #tpu.memory_space<vmem>>[vector<16xi32>], vector<16xf32>,
        %add3A_388 = arith.constant 26 : i32
        %add3A_389 = vector.broadcast %add3A_388 : i32 to vector<16xi32>
        %add3A_390 = arith.addi %mul3A_67, %add3A_389 : vector<16xi32>
        %gather3A_391 = tpu.vector_load_idx %arg7[%add3A_390] : memref<2048xf32, #tpu.memory_space<vmem>>[vector<16xi32>], vector<16xf32>,
        %add3A_392 = arith.constant 26 : i32
        %add3A_393 = vector.broadcast %add3A_392 : i32 to vector<16xi32>
        %add3A_394 = arith.addi %mul3A_72, %add3A_393 : vector<16xi32>
        %add3A_395 = arith.addf %gather3A_387, %gather3A_391 : vector<16xf32>
        tpu.vector_store_idx %arg12[%add3A_394], %add3A_395 : memref<25600xf32, #tpu.memory_space<vmem>>[vector<16xi32>], vector<16xf32>,
        %add3A_396 = arith.constant 27 : i32
        %add3A_397 = vector.broadcast %add3A_396 : i32 to vector<16xi32>
        %add3A_398 = arith.addi %mul3A_56, %add3A_397 : vector<16xi32>
        %gather3A_399 = tpu.vector_load_idx %arg6[%add3A_398] : memref<2048xf32, #tpu.memory_space<vmem>>[vector<16xi32>], vector<16xf32>,
        %add3A_400 = arith.constant 27 : i32
        %add3A_401 = vector.broadcast %add3A_400 : i32 to vector<16xi32>
        %add3A_402 = arith.addi %mul3A_67, %add3A_401 : vector<16xi32>
        %gather3A_403 = tpu.vector_load_idx %arg7[%add3A_402] : memref<2048xf32, #tpu.memory_space<vmem>>[vector<16xi32>], vector<16xf32>,
        %add3A_404 = arith.constant 27 : i32
        %add3A_405 = vector.broadcast %add3A_404 : i32 to vector<16xi32>
        %add3A_406 = arith.addi %mul3A_72, %add3A_405 : vector<16xi32>
        %add3A_407 = arith.addf %gather3A_399, %gather3A_403 : vector<16xf32>
        tpu.vector_store_idx %arg12[%add3A_406], %add3A_407 : memref<25600xf32, #tpu.memory_space<vmem>>[vector<16xi32>], vector<16xf32>,
        %add3A_408 = arith.constant 28 : i32
        %add3A_409 = vector.broadcast %add3A_408 : i32 to vector<16xi32>
        %add3A_410 = arith.addi %mul3A_56, %add3A_409 : vector<16xi32>
        %gather3A_411 = tpu.vector_load_idx %arg6[%add3A_410] : memref<2048xf32, #tpu.memory_space<vmem>>[vector<16xi32>], vector<16xf32>,
        %add3A_412 = arith.constant 28 : i32
        %add3A_413 = vector.broadcast %add3A_412 : i32 to vector<16xi32>
        %add3A_414 = arith.addi %mul3A_67, %add3A_413 : vector<16xi32>
        %gather3A_415 = tpu.vector_load_idx %arg7[%add3A_414] : memref<2048xf32, #tpu.memory_space<vmem>>[vector<16xi32>], vector<16xf32>,
        %add3A_416 = arith.constant 28 : i32
        %add3A_417 = vector.broadcast %add3A_416 : i32 to vector<16xi32>
        %add3A_418 = arith.addi %mul3A_72, %add3A_417 : vector<16xi32>
        %add3A_419 = arith.addf %gather3A_411, %gather3A_415 : vector<16xf32>
        tpu.vector_store_idx %arg12[%add3A_418], %add3A_419 : memref<25600xf32, #tpu.memory_space<vmem>>[vector<16xi32>], vector<16xf32>,
        %add3A_420 = arith.constant 29 : i32
        %add3A_421 = vector.broadcast %add3A_420 : i32 to vector<16xi32>
        %add3A_422 = arith.addi %mul3A_56, %add3A_421 : vector<16xi32>
        %gather3A_423 = tpu.vector_load_idx %arg6[%add3A_422] : memref<2048xf32, #tpu.memory_space<vmem>>[vector<16xi32>], vector<16xf32>,
        %add3A_424 = arith.constant 29 : i32
        %add3A_425 = vector.broadcast %add3A_424 : i32 to vector<16xi32>
        %add3A_426 = arith.addi %mul3A_67, %add3A_425 : vector<16xi32>
        %gather3A_427 = tpu.vector_load_idx %arg7[%add3A_426] : memref<2048xf32, #tpu.memory_space<vmem>>[vector<16xi32>], vector<16xf32>,
        %add3A_428 = arith.constant 29 : i32
        %add3A_429 = vector.broadcast %add3A_428 : i32 to vector<16xi32>
        %add3A_430 = arith.addi %mul3A_72, %add3A_429 : vector<16xi32>
        %add3A_431 = arith.addf %gather3A_423, %gather3A_427 : vector<16xf32>
        tpu.vector_store_idx %arg12[%add3A_430], %add3A_431 : memref<25600xf32, #tpu.memory_space<vmem>>[vector<16xi32>], vector<16xf32>,
        %add3A_432 = arith.constant 30 : i32
        %add3A_433 = vector.broadcast %add3A_432 : i32 to vector<16xi32>
        %add3A_434 = arith.addi %mul3A_56, %add3A_433 : vector<16xi32>
        %gather3A_435 = tpu.vector_load_idx %arg6[%add3A_434] : memref<2048xf32, #tpu.memory_space<vmem>>[vector<16xi32>], vector<16xf32>,
        %add3A_436 = arith.constant 30 : i32
        %add3A_437 = vector.broadcast %add3A_436 : i32 to vector<16xi32>
        %add3A_438 = arith.addi %mul3A_67, %add3A_437 : vector<16xi32>
        %gather3A_439 = tpu.vector_load_idx %arg7[%add3A_438] : memref<2048xf32, #tpu.memory_space<vmem>>[vector<16xi32>], vector<16xf32>,
        %add3A_440 = arith.constant 30 : i32
        %add3A_441 = vector.broadcast %add3A_440 : i32 to vector<16xi32>
        %add3A_442 = arith.addi %mul3A_72, %add3A_441 : vector<16xi32>
        %add3A_443 = arith.addf %gather3A_435, %gather3A_439 : vector<16xf32>
        tpu.vector_store_idx %arg12[%add3A_442], %add3A_443 : memref<25600xf32, #tpu.memory_space<vmem>>[vector<16xi32>], vector<16xf32>,
        %add3A_444 = arith.constant 31 : i32
        %add3A_445 = vector.broadcast %add3A_444 : i32 to vector<16xi32>
        %add3A_446 = arith.addi %mul3A_56, %add3A_445 : vector<16xi32>
        %gather3A_447 = tpu.vector_load_idx %arg6[%add3A_446] : memref<2048xf32, #tpu.memory_space<vmem>>[vector<16xi32>], vector<16xf32>,
        %add3A_448 = arith.constant 31 : i32
        %add3A_449 = vector.broadcast %add3A_448 : i32 to vector<16xi32>
        %add3A_450 = arith.addi %mul3A_67, %add3A_449 : vector<16xi32>
        %gather3A_451 = tpu.vector_load_idx %arg7[%add3A_450] : memref<2048xf32, #tpu.memory_space<vmem>>[vector<16xi32>], vector<16xf32>,
        %add3A_452 = arith.constant 31 : i32
        %add3A_453 = vector.broadcast %add3A_452 : i32 to vector<16xi32>
        %add3A_454 = arith.addi %mul3A_72, %add3A_453 : vector<16xi32>
        %add3A_455 = arith.addf %gather3A_447, %gather3A_451 : vector<16xf32>
        tpu.vector_store_idx %arg12[%add3A_454], %add3A_455 : memref<25600xf32, #tpu.memory_space<vmem>>[vector<16xi32>], vector<16xf32>,
        %scan3A_456 = arith.constant 0 : i32
        scf.yield %scan3A_456 : i32
      }
      %scan3A_41 = arith.constant 50 : i32
      %mul3A_42 = arith.constant 32 : i32
      %mul3A_43 = arith.muli %mul3A_27, %mul3A_42 : i32
      "tpu.region"() ({
        %run_scoped3A = tpu.sem_alloc : memref<!tpu.dma_semaphore, #tpu.memory_space<semaphore_mem>>
        %dma_start3A = tpu.memref_slice %arg5[%mul3A_43] : memref<3200000xf32, #tpu.memory_space<hbm>> -> memref<25600xf32, #tpu.memory_space<hbm>>
        %dma_start3A_44 = tpu.memref_slice %arg5[%mul3A_43] : memref<3200000xf32, #tpu.memory_space<hbm>> -> memref<25600xf32, #tpu.memory_space<hbm>>
        tpu.enqueue_dma source(%arg12 : memref<25600xf32, #tpu.memory_space<vmem>>) target(%dma_start3A_44 : memref<25600xf32, #tpu.memory_space<hbm>>) target_semaphore(%run_scoped3A : memref<!tpu.dma_semaphore, #tpu.memory_space<semaphore_mem>>)
        %dma_wait3A = tpu.memref_slice %arg5[%mul3A_43] : memref<3200000xf32, #tpu.memory_space<hbm>> -> memref<25600xf32, #tpu.memory_space<hbm>>
        %dma_wait3A_45 = tpu.memref_slice %arg5[%mul3A_43] : memref<3200000xf32, #tpu.memory_space<hbm>> -> memref<25600xf32, #tpu.memory_space<hbm>>
        tpu.wait_dma2 semaphore(%run_scoped3A : memref<!tpu.dma_semaphore, #tpu.memory_space<semaphore_mem>>) src(%arg12 : memref<25600xf32, #tpu.memory_space<vmem>>) dst(%dma_wait3A_45 : memref<25600xf32, #tpu.memory_space<hbm>>)
        tpu.yield
      }) : () -> ()
    } else {
    }
    return
  }
}

</mosaic_0001>

<sc_bundles>
// kernel: kernel.4.cloned.1.call-start
scs
__scs_entry_jumppad:
0x0: {  	(pc) =	sbr.rel $0x88, $3  }
0x1: {  	(tag) =	ssettag $0x0;
	lr =	simm.s32 $0x1  }
0x2: {  	[smem:$0x3F9E] =	sst lr;
	_ =	strace $0xD0000000  }
0x3: {  	_ = 	snop  }
0x4: {  	_ = 	snop  }
0x5: {  	_ = 	snop  }
0x6: {  	_ = 	snop  }
0x7: {  	_ = 	snop  }
__scs_overlays_trampoline_lowered:
0x8: {  	[smem:$0x3FAD] =	sst s0  }
0x9: {  	[smem:$0x3FAE] =	sst s1  }
0xa: {  	[smem:$0x3FAF] =	sst s2  }
0xb: {  	[smem:$0x3FB0] =	sst s3  }
0xc: {  	[smem:$0x3FB1] =	sst s4  }
0xd: {  	[smem:$0x3FB2] =	sst s5  }
0xe: {  	[smem:$0x3FB3] =	sst s6  }
0xf: {  	[smem:$0x3FB4] =	sst s7  }
0x10: {  	[smem:$0x3FB5] =	sst s8  }
0x11: {  	[smem:$0x3FB6] =	sst s9;
	s0 =	simm.s32 @!p0 $0x0  }
0x12: {  	s1 =	sld [smem:$0x3F9C];
	s0 =	simm.s32 @p0 $0x1  }
0x13: {  	[smem:$0x3FB7] =	sst s0;
	s0 =	simm.s32 @!p1 $0x0  }
0x14: {  	s2 =	sld [smem:$0x3F9B];
	s0 =	simm.s32 @p1 $0x1  }
0x15: {  	[smem:$0x3FB8] =	sst s0;
	s0 =	simm.s32 @!p2 $0x0  }
0x16: {  	s3 =	sld [smem:$0x3FDB];
	s0 =	simm.s32 @p2 $0x1  }
0x17: {  	s4 =	simm.s32 $0x1BF5;
	[smem:$0x3FBA] =	sst s0  }
0x18: {  	s0 =	sld [smem:$0x3F9D];
	_ =	swait.ge [sflag:s4], $0x0  }
0x19: {  	s7 =	sld [smem:$0x3F9E]  }
0x1a: {  	s8 =	sadd.s32 $0xFFFFE003, lr  }
0x1b: {  	s9 =	sadd.s32 $0xFFFFFEF7, lr;
	s5 =	simm.s32 $0xFFFFFFFF;
	p2 =	slt.u32 s8, $0xFFFFF086  }
0x1c: {  	p1 =	slt.u32 s9, $0xF7A;
	s5 =	simm.s32 @!p2 $0x0  }
0x1d: {  	s5 =	simm.s32 @p1 $0x1;
	p0 =	seq.s32 s7, s2  }
0x1e: {  	s7 =	smul.u32 @!p0 $0xF7A, s2;
	p2 =	seq.s32 @!p0 s5, $0x0  }
0x1f: {  	s9 =	smul.u32 $0xF7A, s1;
	s8 =	simm.s32 @!p0 $0x1BF5;
	p2 =	por !p2, p0  }
0x20: {  	[sflag:s8] =	ssyncset.s32 @!p0 $0xFFFFF086;
	s6 =	sadd.s32 @!p0 s3, s7;
	s7 =	simm.s32 @!p0 $0x108  }
0x21: {  	s3 =	sadd.s32 s3, s9;
	s6 =	sadd.s32 @!p0 $0x88, s6;
	s7 =	simm.s32 @p2 $0x1082  }
0x22: {  	[simem:s7], [sflag:s8] =	dma.local @!p0 [hbm:s6], $0xF7A  }
0x23: {  	s9 =	sor.u32 $0xD0000000, s2;
	s6 =	simm.s32 $0x108;
	_ =	swait.ge @!p0 [sflag:s8], $0x0  }
0x24: {  	s3 =	sadd.s32 $0x88, s3;
	s6 =	simm.s32 @!p1 $0x1082;
	[sflag:s4] =	ssyncset.s32 $0xFFFFF086  }
0x25: {  	[simem:s6], [sflag:s4] =	dma.local [hbm:s3], $0xF7A  }
0x26: {  	[smem:$0x3F9E] =	sst s1;
	(tag) =	ssettag s2;
	_ =	strace s9  }
0x27: {  	s1 =	sld [smem:$0x3FAE]  }
0x28: {  	s2 =	sld [smem:$0x3FAF]  }
0x29: {  	s4 =	sld [smem:$0x3FB1]  }
0x2a: {  	p0 =	seq.s32 s5, $0x0;
	s5 =	sld [smem:$0x3FB2]  }
0x2b: {  	s6 =	sld [smem:$0x3FB3]  }
0x2c: {  	s7 =	sld [smem:$0x3FB4]  }
0x2d: {  	s3 =	simm.s32 $0x108;
	s8 =	sld [smem:$0x3FB5]  }
0x2e: {  	s3 =	simm.s32 @!p0 $0x1082;
	s9 =	sld [smem:$0x3FB6]  }
0x2f: {  	lr =	sadd.s32 s0, s3;
	s0 =	sld [smem:$0x3FAD]  }
0x30: {  	s3 =	sld [smem:$0x3FB0]  }
0x31: {  	[smem:$0x3FB9] =	sst s10  }
0x32: {  	s10 =	sld [smem:$0x3FB7];
	_ =	sdelay $0x3  }
0x33: {  	p0 =	seq.s32 s10, $0x1;
	s10 =	sld [smem:$0x3FB9];
	_ =	sdelay $0x3  }
0x34: {  	[smem:$0x3FB9] =	sst s10  }
0x35: {  	s10 =	sld [smem:$0x3FB8];
	_ =	sdelay $0x3  }
0x36: {  	p1 =	seq.s32 s10, $0x1;
	s10 =	sld [smem:$0x3FB9];
	_ =	sdelay $0x3  }
0x37: {  	[smem:$0x3FB9] =	sst s10  }
0x38: {  	s10 =	sld [smem:$0x3FBA]  }
0x39: {  	_ = 	snop;
	(pc) =	sbr.ind lr, $3  }
0x3a: {  	_ = 	snop  }
0x3b: {  	_ = 	snop  }
0x3c: {  	p2 =	seq.s32 s10, $0x1;
	s10 =	sld [smem:$0x3FB9]  }
0x3d: {  	_ =	shalt  }
0x3e: {  	_ =	shalt  }
0x3f: {  	_ =	shalt  }
0x40: {  	_ =	shalt  }
0x41: {  	_ =	shalt  }
0x42: {  	_ =	shalt  }
0x43: {  	_ =	shalt  }
0x44: {  	_ =	shalt  }
0x45: {  	_ =	shalt  }
0x46: {  	_ =	shalt  }
0x47: {  	_ =	shalt  }
0x48: {  	_ =	shalt  }
0x49: {  	_ =	shalt  }
0x4a: {  	_ =	shalt  }
0x4b: {  	_ =	shalt  }
0x4c: {  	_ =	shalt  }
0x4d: {  	_ =	shalt  }
0x4e: {  	_ =	shalt  }
0x4f: {  	_ =	shalt  }
0x50: {  	_ =	shalt  }
0x51: {  	_ =	shalt  }
0x52: {  	_ =	shalt  }
0x53: {  	_ =	shalt  }
0x54: {  	_ =	shalt  }
0x55: {  	_ =	shalt  }
0x56: {  	_ =	shalt  }
0x57: {  	_ =	shalt  }
0x58: {  	_ =	shalt  }
0x59: {  	_ =	shalt  }
0x5a: {  	_ =	shalt  }
0x5b: {  	_ =	shalt  }
0x5c: {  	_ =	shalt  }
0x5d: {  	_ =	shalt  }
0x5e: {  	_ =	shalt  }
0x5f: {  	_ =	shalt  }
0x60: {  	_ =	shalt  }
0x61: {  	_ =	shalt  }
0x62: {  	_ =	shalt  }
0x63: {  	_ =	shalt  }
0x64: {  	_ =	shalt  }
0x65: {  	_ =	shalt  }
0x66: {  	_ =	shalt  }
0x67: {  	_ =	shalt  }
0x68: {  	_ =	shalt  }
0x69: {  	_ =	shalt  }
0x6a: {  	_ =	shalt  }
0x6b: {  	_ =	shalt  }
0x6c: {  	_ =	shalt  }
0x6d: {  	_ =	shalt  }
0x6e: {  	_ =	shalt  }
0x6f: {  	_ =	shalt  }
0x70: {  	_ =	shalt  }
0x71: {  	_ =	shalt  }
0x72: {  	_ =	shalt  }
0x73: {  	_ =	shalt  }
0x74: {  	_ =	shalt  }
0x75: {  	_ =	shalt  }
0x76: {  	_ =	shalt  }
0x77: {  	_ =	shalt  }
0x78: {  	_ =	shalt  }
0x79: {  	_ =	shalt  }
0x7a: {  	_ =	shalt  }
0x7b: {  	_ =	shalt  }
0x7c: {  	_ =	shalt  }
0x7d: {  	_ =	shalt  }
0x7e: {  	_ =	shalt  }
0x7f: {  	_ =	shalt  }
0x80: {  	_ =	shalt  }
0x81: {  	_ =	shalt  }
0x82: {  	_ =	shalt  }
0x83: {  	_ =	shalt  }
0x84: {  	_ =	shalt  }
0x85: {  	_ =	shalt  }
0x86: {  	_ =	shalt  }
0x87: {  	_ =	shalt  }
.Lfunc_end0:
.L_simem_size_0:
called_computation_lowered:
.L_overlay_start_0:
0x88: {  	s2 =	sld [smem:$0x3FD9]  }
0x89: {  	s3 =	sld [smem:$0x3FFE];
	_ =	sdelay $0x1  }
0x8a: {  	s1 =	srdreg.scid  }
0x8b: {  	s0 =	sand.u32 $0x1, s1  }
0x8c: {  	s16 =	sshll.u32 s0, $0xA;
	s2 =	sadd.s32 s3, s2  }
0x8d: {  	s2 =	sadd.s32 s2, s16  }
0x8e: {  	[smem:$0x3FC5] =	sst s2  }
0x8f: {  	_ = 	snop  }
0x90: {  	(tm) =	ssettm $0x1  }
0x91: {  	s17 =	sld [smem:$0x3FFB];
	_ =	sdelay $0x3  }
0x92: {  	_ =	strace s17  }
0x93: {  	s2 =	sld [smem:$0x3FFC];
	_ =	sdelay $0x3  }
0x94: {  	_ =	strace s2  }
0x95: {  	s2 =	sld [smem:$0x3FFD];
	_ =	sdelay $0x3  }
0x96: {  	_ =	strace s2  }
0x97: {  	_ =	strace $0x8FFFFFFF  }
0x98: {  	s18 =	sld [smem:$0x3FDB];
	_ =	sdelay $0x1  }
0x99: {  	s19 =	simm.s32 $_scs_section_size  }
0x9a: {  	s4 =	simm.s32 $_size__tile_overlayer_lowered;
	s5 =	simm.s32 $_tile_overlayer_lowered  }
0x9b: {  	s22 =	simm.s32 $0x1BFF;
	s21 =	sshll.u32 s5, $0x1;
	s2 =	sadd.s32 s19, s18  }
0x9c: {  	s6 =	simm.s32 $0x0;
	s20 =	sshll.u32 s4, $0x1;
	s4 =	sadd.s32 s21, s2  }
0x9d: {  	[timem:s6], [sflag:s22] =	dma.local [hbm:s4], s20  }
0x9e: {  	_ =	swait.ge [sflag:s22], s20  }
0x9f: {  	s3 =	ssub.s32 $0x0, s20;
	[sflag:s22] =	ssyncset.done $0x0  }
0xa0: {  	[sflag:s22] =	ssyncadd.s32 s3;
	_ =	sdelay $0x1  }
0xa1: {  	s23 =	simm.s32 $0x1B8B  }
0xa2: {  	_ =	swait.ge [sflag:s23], $0x1  }
0xa3: {  	[sflag:s23] =	ssyncset.done $0x0  }
0xa4: {  	s25 =	simm.s32 $0x1B8E;
	s24 =	sld [smem:$0x3FFE];
	[sflag:s23] =	ssyncadd.s32 $0xFFFFFFFF  }
0xa5: {  	s26 =	simm.s32 $execute0_lowered;
	[smem:$0x3FD2] =	sst s25  }
0xa6: {  	s4 =	sshll.u32 s26, $0x1;
	_ =	strace $0x80000046;
	[dreg:$0x1] =	wrdreg $0xFFFFFFFF  }
0xa7: {  	s28 =	simm.s32 $_size_execute0_lowered;
	s2 =	sadd.s32 s2, s4;
	[dreg:$0x0] =	wrdreg $0x0  }
0xa8: {  	s4 =	sshll.u32 s28, $0x1;
	[dreg:$0x2] =	wrdreg s2  }
0xa9: {  	[dreg:$0x3] =	wrdreg s4  }
0xaa: {  	[dreg:$0x4] =	wrdreg $0xC0  }
0xab: {  	_ =	task [dreg:s6], $0x5FFFF  }
0xac: {  	[dreg:$0x1] =	wrdreg $0xFFFFFFFF  }
0xad: {  	[dreg:$0x0] =	wrdreg $0x60  }
0xae: {  	[dreg:$0x2] =	wrdreg s24  }
0xaf: {  	[dreg:$0x3] =	wrdreg $0xC800  }
0xb0: {  	[dreg:$0x4] =	wrdreg $0x24F00  }
0xb1: {  	[dreg:$0x5] =	wrdreg $0x9  }
0xb2: {  	_ =	task.clear_ibuf [dreg:s6], $0x6FFFF;
	_ =	strace $0x90000046  }
0xb3: {  	s29 =	simm.s32 $0x9;
	_ =	strace $0x80000048  }
0xb4: {  	_ =	swait.ge [sflag:s29], $0x1  }
0xb5: {  	[sflag:s29] =	ssyncadd.s32 $0xFFFFFFFF  }
0xb6: {  	_ =	strace $0x90000048  }
0xb7: {  	_ =	sfence  }
0xb8: {  	s30 =	sld [smem:$0x0];
	_ =	sdelay $0x2  }
0xb9: {  	s31 =	sshll.u32 s1, $0xD;
	s1 =	sshrl.u32 s1, $0x2  }
0xba: {  	s3 =	sand.u32 $0x4000, s31;
	s1 =	sadd.s32 s1, s30  }
0xbb: {  	s0 =	sor.u32 s3, s0;
	s1 =	sshll.u32 s1, $0x11  }
0xbc: {  	s0 =	sor.u32 s1, s0  }
0xbd: {  	s0 =	sadd.s32 $0x8F2B, s0  }
0xbe: {  	[sflag:s0] =	ssyncadd.remote.s32 $0x1  }
0xbf: {  	_ =	sfence.sel $0xFFFF  }
0xc0: {  	[dreg:$0x0] =	wrdreg $0xFFFFFFFF;
	(pc) =	sbr.abs _section_cstart, $3  }
0xc1: {  	[dreg:$0x1] =	wrdreg $0xFFFFFFFF  }
0xc2: {  	_ =	task.clear_ibuf [dreg:s6], $0x2FFFF;
	_ =	strace $0x9FFFFFFF  }
0xc3: {  	(tm) =	ssettm $0x7FFFFFFF  }
tec
execute0_lowered:
.L_overlay_start_1:
0x0: {  	(tag) =	ssettag $0x1  }
0x1: {  	s31 =	stileid.u32  }
0x2: {  	s5 =	smul.u32 $0x1F40, s31  }
0x3: {  	s0 =	rddreg [dreg:$0x0];
	s6 =	sor.u32 $0x10, s31;
	s13 =	smul.u32 $0x7D0, s31  }
0x4: {  	s3 =	srdreg.scid;
	s8 =	sor.u32 $0x20, s31;
	s7 =	smul.u32 $0x1F40, s6  }
0x5: {  	s1 =	rddreg [dreg:$0x1];
	s3 =	sand.u32 $0x1, s3;
	s11 =	smul.u32 $0x1F40, s8  }
0x6: {  	s2 =	rddreg [dreg:$0x2];
	s4 =	simm.s32 $0x0;
	s19 =	smul.u32 $0x30D40, s3  }
0x7: {  	[smem:$0x7FF] =	sst s4;
	s14 =	sor.u32 $0x30, s31;
	s6 =	smul.u32 $0x7D0, s6  }
0x8: {  	p0 =	sgt.u32 s31, $0x1;
	_ =	strace $0x80000047;
	s15 =	smul.u32 $0x1F40, s14  }
0x9: {  	s9 =	sshll.u32 s3, $0xB;
	s10 =	ssub.s32 $0x2, s3;
	s8 =	smul.u32 $0x7D0, s8  }
0xa: {  	s3 =	sshll.u32 s3, $0x4;
	s14 =	smul.u32 $0x7D0, s14;
	s9 =	sadd.s32 s9, s0  }
0xb: {  	s12 =	sshrl.u32 s10, $0x1;
	s0 =	sadd.s32 $0xC4200, s0;
	s5 =	sshrl.u32 s5, $0x2  }
0xc: {  	s10 =	ssub.s32 s10, s12;
	s16 =	sadd.s32 s13, s19;
	s17 =	sadd.s32 s19, s6  }
0xd: {  	s21 =	sadd.s32 s19, s8;
	s22 =	sadd.s32 $0x186A0, s19;
	s12 =	sadd.s32 s19, s14  }
0xe: {  	s19 =	sadd.s32 s5, s1;
	s7 =	sshrl.u32 s7, $0x2;
	s5 =	sadd.s32 s5, s2  }
0xf: {  	s28 =	sadd.s32 s14, s1;
	s29 =	sadd.s32 s14, s2;
	s16 =	sshrl.u32 s16, $0x3  }
0x10: {  	s20 =	sshrl.u32 s17, $0x3;
	s18 =	sadd.s32 s13, s22;
	s12 =	sshrl.u32 s12, $0x3  }
0x11: {  	s25 =	sadd.s32 s6, s22;
	s26 =	sadd.s32 s8, s22;
	[dreg:$0xc] =	wrdreg s19  }
0x12: {  	s17 =	sadd.s32 s14, s22;
	s22 =	sshrl.u32 s15, $0x2;
	[dreg:$0xe] =	wrdreg s5  }
0x13: {  	s30 =	smax.u32 s10, $0x1;
	s5 =	simm.s32 $0x1;
	s10 =	simm.s32 $0x180  }
0x14: {  	s14 =	simm.s32 $0x380;
	s15 =	simm.s32 $0x0;
	s16 =	sadd.s32 s0, s16  }
0x15: {  	s23 =	sshrl.u32 s18, $0x3;
	s12 =	sadd.s32 s0, s12;
	s17 =	sshrl.u32 s17, $0x3  }
0x16: {  	s18 =	sshll.u32 s31, $0x7;
	[dreg:$0x4] =	wrdreg s16;
	s16 =	sadd.s32 s0, s20  }
0x17: {  	[dreg:$0x7] =	wrdreg s12;
	s24 =	sadd.s32 s0, s23;
	s12 =	sshrl.u32 s25, $0x3  }
0x18: {  	s20 =	sadd.s32 s7, s1;
	s23 =	sadd.s32 s7, s2;
	[dreg:$0x5] =	wrdreg s16  }
0x19: {  	s7 =	simm.s32 $0x80;
	s16 =	sshrl.u32 s21, $0x3;
	[dreg:$0x8] =	wrdreg s24  }
0x1a: {  	s12 =	sadd.s32 s0, s12;
	[dreg:$0xd] =	wrdreg s20;
	s21 =	sshrl.u32 s11, $0x2  }
0x1b: {  	[dreg:$0xf] =	wrdreg s23;
	s20 =	sadd.s32 s22, s2;
	s23 =	sadd.s32 s6, s1  }
0x1c: {  	s11 =	simm.s32 $0x200;
	s16 =	sadd.s32 s0, s16;
	[dreg:$0x9] =	wrdreg s12  }
0x1d: {  	s24 =	sadd.s32 s21, s1;
	s25 =	sadd.s32 s21, s2;
	[dreg:$0x6] =	wrdreg s16  }
0x1e: {  	s21 =	sadd.s32 s13, s1;
	s16 =	sshrl.u32 s26, $0x3;
	[dreg:$0x10] =	wrdreg s24  }
0x1f: {  	[dreg:$0x11] =	wrdreg s25;
	s26 =	sadd.s32 s22, s1;
	s22 =	sadd.s32 s13, s2  }
0x20: {  	s24 =	sadd.s32 s6, s2;
	s25 =	sadd.s32 s8, s1;
	s6 =	simm.s32 $0x2  }
.Ltmp0:
0x21: {  	s12 =	sadd.s32 s0, s16;
	[dreg:$0x12] =	wrdreg s26;
	(pc) =	sbr.rel .LBB2_1-.Ltmp0, $4  }
0x22: {  	s13 =	simm.s32 $0x300;
	s0 =	sadd.s32 s0, s17;
	[dreg:$0xa] =	wrdreg s12  }
0x23: {  	s26 =	sadd.s32 s8, s2;
	s8 =	simm.s32 $0x400;
	[dreg:$0xb] =	wrdreg s0  }
0x24: {  	s0 =	sadd.s32 s18, s9;
	s9 =	simm.s32 $0x100;
	s12 =	simm.s32 $0x280  }
0x25: {  	v0 =	vimm.s32 $0x1;
	v1 =	vimm.s32 $0x0;
	s17 =	sadd.s32 $0xC00, s0;
	s0 =	sor.u32 s3, s31;
	s3 =	simm.s32 $0x480  }
.LBB2_7:
0x26: {  	[bflag:$0x0] =	sbarrier.arrive $0xFFFF  }
0x27: {  	[tilespmem:s3], [sflag:$0x1] =	stream.linear.gather [spmem:s21], $0x7D0, $0x38;
	[tilespmem:$0x3D60] =	vst v63  }
0x28: {  	_ =	swait.ge [sflag:s5], $0x7D0  }
0x29: {  	[sflag:s5] =	ssyncset.done $0x0  }
0x2a: {  	s16 =	rddreg [dreg:$0x4];
	[sflag:s5] =	ssyncadd.s32 $0xFFFFF830  }
0x2b: {  	[hbm4b:s16+s4] =	stream.linear.scatter [tilespmem:s3], [sflag:$0x1], $0x7D0, $0x38;
	[tilespmem:$0x3D60] =	vst v63  }
0x2c: {  	_ =	swait.ge [sflag:s5], $0x7D0  }
0x2d: {  	[sflag:s5] =	ssyncset.done $0x0  }
0x2e: {  	[sflag:s5] =	ssyncadd.s32 $0xFFFFF830  }
0x2f: {  	[tilespmem:s3], [sflag:$0x1] =	stream.linear.gather [spmem:s23], $0x7D0, $0x38;
	[tilespmem:$0x3D60] =	vst v63  }
0x30: {  	_ =	swait.ge [sflag:s5], $0x7D0  }
0x31: {  	[sflag:s5] =	ssyncset.done $0x0  }
0x32: {  	s19 =	rddreg [dreg:$0x5];
	[sflag:s5] =	ssyncadd.s32 $0xFFFFF830  }
0x33: {  	[hbm4b:s19+s4] =	stream.linear.scatter [tilespmem:s3], [sflag:$0x1], $0x7D0, $0x38;
	[tilespmem:$0x3D60] =	vst v63  }
0x34: {  	_ =	swait.ge [sflag:s5], $0x7D0  }
0x35: {  	[sflag:s5] =	ssyncset.done $0x0  }
0x36: {  	[sflag:s5] =	ssyncadd.s32 $0xFFFFF830  }
0x37: {  	[tilespmem:s3], [sflag:$0x1] =	stream.linear.gather [spmem:s25], $0x7D0, $0x38;
	[tilespmem:$0x3D60] =	vst v63  }
0x38: {  	_ =	swait.ge [sflag:s5], $0x7D0  }
0x39: {  	[sflag:s5] =	ssyncset.done $0x0  }
0x3a: {  	s31 =	rddreg [dreg:$0x6];
	[sflag:s5] =	ssyncadd.s32 $0xFFFFF830  }
0x3b: {  	[hbm4b:s31+s4] =	stream.linear.scatter [tilespmem:s3], [sflag:$0x1], $0x7D0, $0x38;
	[tilespmem:$0x3D60] =	vst v63  }
0x3c: {  	_ =	swait.ge [sflag:s5], $0x7D0  }
0x3d: {  	[sflag:s5] =	ssyncset.done $0x0  }
0x3e: {  	s18 =	simm.s32 @!p0 $0x1;
	s16 =	simm.s32 @!p0 $0x480;
	[sflag:s5] =	ssyncadd.s32 $0xFFFFF830  }
0x3f: {  	[tilespmem:s16], [sflag:$0x1] =	stream.linear.gather @!p0 [spmem:s28], $0x7D0, $0x38;
	[tilespmem:$0x3D60] =	vst v63  }
0x40: {  	_ =	swait.ge @!p0 [sflag:s18], $0x7D0  }
0x41: {  	[sflag:s18] =	ssyncset.done @!p0 $0x0  }
0x42: {  	s31 =	simm.s32 @!p0 $0x0;
	s19 =	rddreg [dreg:$0x7];
	[sflag:s18] =	ssyncadd.s32 @!p0 $0xFFFFF830  }
0x43: {  	[hbm4b:s19+s31] =	stream.linear.scatter @!p0 [tilespmem:s16], [sflag:$0x1], $0x7D0, $0x38;
	[tilespmem:$0x3D60] =	vst v63  }
0x44: {  	_ =	swait.ge @!p0 [sflag:s18], $0x7D0  }
0x45: {  	[sflag:s18] =	ssyncset.done @!p0 $0x0  }
0x46: {  	[sflag:s18] =	ssyncadd.s32 @!p0 $0xFFFFF830  }
0x47: {  	[tilespmem:s3], [sflag:$0x1] =	stream.linear.gather [spmem:s22], $0x7D0, $0x38;
	[tilespmem:$0x3D60] =	vst v63  }
0x48: {  	_ =	swait.ge [sflag:s5], $0x7D0  }
0x49: {  	[sflag:s5] =	ssyncset.done $0x0  }
0x4a: {  	s19 =	rddreg [dreg:$0x8];
	[sflag:s5] =	ssyncadd.s32 $0xFFFFF830  }
0x4b: {  	[hbm4b:s19+s4] =	stream.linear.scatter [tilespmem:s3], [sflag:$0x1], $0x7D0, $0x38;
	[tilespmem:$0x3D60] =	vst v63  }
0x4c: {  	_ =	swait.ge [sflag:s5], $0x7D0  }
0x4d: {  	[sflag:s5] =	ssyncset.done $0x0  }
0x4e: {  	[sflag:s5] =	ssyncadd.s32 $0xFFFFF830  }
0x4f: {  	[tilespmem:s3], [sflag:$0x1] =	stream.linear.gather [spmem:s24], $0x7D0, $0x38;
	[tilespmem:$0x3D60] =	vst v63  }
0x50: {  	_ =	swait.ge [sflag:s5], $0x7D0  }
0x51: {  	[sflag:s5] =	ssyncset.done $0x0  }
0x52: {  	s19 =	rddreg [dreg:$0x9];
	[sflag:s5] =	ssyncadd.s32 $0xFFFFF830  }
0x53: {  	[hbm4b:s19+s4] =	stream.linear.scatter [tilespmem:s3], [sflag:$0x1], $0x7D0, $0x38;
	[tilespmem:$0x3D60] =	vst v63  }
0x54: {  	_ =	swait.ge [sflag:s5], $0x7D0  }
0x55: {  	[sflag:s5] =	ssyncset.done $0x0  }
0x56: {  	[sflag:s5] =	ssyncadd.s32 $0xFFFFF830  }
0x57: {  	[tilespmem:s3], [sflag:$0x1] =	stream.linear.gather [spmem:s26], $0x7D0, $0x38;
	[tilespmem:$0x3D60] =	vst v63  }
0x58: {  	_ =	swait.ge [sflag:s5], $0x7D0  }
0x59: {  	[sflag:s5] =	ssyncset.done $0x0  }
0x5a: {  	s19 =	rddreg [dreg:$0xa];
	[sflag:s5] =	ssyncadd.s32 $0xFFFFF830  }
0x5b: {  	[hbm4b:s19+s4] =	stream.linear.scatter [tilespmem:s3], [sflag:$0x1], $0x7D0, $0x38;
	[tilespmem:$0x3D60] =	vst v63  }
0x5c: {  	_ =	swait.ge [sflag:s5], $0x7D0  }
0x5d: {  	[sflag:s5] =	ssyncset.done $0x0  }
0x5e: {  	[sflag:s5] =	ssyncadd.s32 $0xFFFFF830  }
0x5f: {  	[tilespmem:s16], [sflag:$0x1] =	stream.linear.gather @!p0 [spmem:s29], $0x7D0, $0x38;
	[tilespmem:$0x3D60] =	vst v63  }
0x60: {  	s15 =	sadd.s32 $0x1, s15;
	_ =	swait.ge @!p0 [sflag:s18], $0x7D0  }
0x61: {  	p1 =	sne.s32 s15, s30;
	[sflag:s18] =	ssyncset.done @!p0 $0x0  }
.Ltmp1:
0x62: {  	s19 =	rddreg [dreg:$0xb];
	[sflag:s18] =	ssyncadd.s32 @!p0 $0xFFFFF830;
	(pc) =	sbr.rel @!p1 .LBB2_8-.Ltmp1, $4  }
0x63: {  	[hbm4b:s19+s31] =	stream.linear.scatter @!p0 [tilespmem:s16], [sflag:$0x1], $0x7D0, $0x38;
	[tilespmem:$0x3D60] =	vst v63  }
0x64: {  	_ =	swait.ge @!p0 [sflag:s18], $0x7D0  }
0x65: {  	[sflag:s18] =	ssyncset.done @!p0 $0x0  }
0x66: {  	[sflag:s18] =	ssyncadd.s32 @!p0 $0xFFFFF830  }
.LBB2_1:
0x67: {  	[tilespmem:$0x400] =	vst v0  }
0x68: {  	[tilespmem:$0x410] =	vst v0  }
0x69: {  	[tilespmem:$0x420] =	vst v0  }
0x6a: {  	[tilespmem:$0x430] =	vst v0  }
0x6b: {  	[tilespmem:$0x440] =	vst v0  }
0x6c: {  	[tilespmem:$0x450] =	vst v0  }
0x6d: {  	[tilespmem:$0x460] =	vst v0  }
0x6e: {  	[tilespmem:$0x470] =	vst v0;
	s16 =	simm.s32 $0x40;
	s31 =	simm.s32 $0x0  }
.LBB2_2:
0x6f: {  	p1 =	sne.s32 s16, $0x1F00;
	[tilespmem:s31+$0x480] =	vst v1;
	s31 =	smov.u32 s16;
	s16 =	sadd.s32 $0x40, s16  }
.Ltmp2:
0x70: {  	(pc) =	sbr.rel @p1 .LBB2_2-.Ltmp2, $2  }
0x71: {  	_ =	sdelay $0x2  }
0x72: {  	s31 =	sshra.s32 s31, $0x2  }
0x73: {  	[tilespmem:s31+$0x480] =	vst v1;
	s16 =	rddreg [dreg:$0xc]  }
0x74: {  	[spmem:s16] =	stream.linear.scatter [tilespmem:s3], [sflag:$0x1], $0x7D0, $0x38;
	[tilespmem:$0x3D60] =	vst v63  }
0x75: {  	_ =	swait.ge [sflag:s5], $0x7D0  }
0x76: {  	[sflag:s5] =	ssyncset.done $0x0  }
0x77: {  	s19 =	rddreg [dreg:$0xd];
	[sflag:s5] =	ssyncadd.s32 $0xFFFFF830  }
0x78: {  	[spmem:s19] =	stream.linear.scatter [tilespmem:s3], [sflag:$0x1], $0x7D0, $0x38;
	[tilespmem:$0x3D60] =	vst v63  }
0x79: {  	_ =	swait.ge [sflag:s5], $0x7D0  }
0x7a: {  	[sflag:s5] =	ssyncset.done $0x0  }
0x7b: {  	s18 =	rddreg [dreg:$0x10];
	[sflag:s5] =	ssyncadd.s32 $0xFFFFF830  }
0x7c: {  	[spmem:s18] =	stream.linear.scatter [tilespmem:s3], [sflag:$0x1], $0x7D0, $0x38;
	[tilespmem:$0x3D60] =	vst v63  }
0x7d: {  	_ =	swait.ge [sflag:s5], $0x7D0  }
0x7e: {  	s31 =	simm.s32 @!p0 $0x1;
	[sflag:s5] =	ssyncset.done $0x0  }
0x7f: {  	s16 =	simm.s32 @!p0 $0x480;
	s18 =	rddreg [dreg:$0x12];
	[sflag:s5] =	ssyncadd.s32 $0xFFFFF830  }
0x80: {  	[spmem:s18] =	stream.linear.scatter @!p0 [tilespmem:s16], [sflag:$0x1], $0x7D0, $0x38;
	[tilespmem:$0x3D60] =	vst v63  }
0x81: {  	_ =	swait.ge @!p0 [sflag:s31], $0x7D0  }
0x82: {  	[sflag:s31] =	ssyncset.done @!p0 $0x0  }
0x83: {  	s19 =	rddreg [dreg:$0xe];
	[sflag:s31] =	ssyncadd.s32 @!p0 $0xFFFFF830  }
0x84: {  	[spmem:s19] =	stream.linear.scatter [tilespmem:s3], [sflag:$0x1], $0x7D0, $0x38;
	[tilespmem:$0x3D60] =	vst v63  }
0x85: {  	_ =	swait.ge [sflag:s5], $0x7D0  }
0x86: {  	[sflag:s5] =	ssyncset.done $0x0  }
0x87: {  	s19 =	rddreg [dreg:$0xf];
	[sflag:s5] =	ssyncadd.s32 $0xFFFFF830  }
0x88: {  	[spmem:s19] =	stream.linear.scatter [tilespmem:s3], [sflag:$0x1], $0x7D0, $0x38;
	[tilespmem:$0x3D60] =	vst v63  }
0x89: {  	_ =	swait.ge [sflag:s5], $0x7D0  }
0x8a: {  	[sflag:s5] =	ssyncset.done $0x0  }
0x8b: {  	s19 =	rddreg [dreg:$0x11];
	[sflag:s5] =	ssyncadd.s32 $0xFFFFF830  }
0x8c: {  	[spmem:s19] =	stream.linear.scatter [tilespmem:s3], [sflag:$0x1], $0x7D0, $0x38;
	[tilespmem:$0x3D60] =	vst v63  }
0x8d: {  	_ =	swait.ge [sflag:s5], $0x7D0  }
0x8e: {  	[sflag:s5] =	ssyncset.done $0x0  }
0x8f: {  	[sflag:s5] =	ssyncadd.s32 $0xFFFFF830  }
0x90: {  	[spmem:s20] =	stream.linear.scatter @!p0 [tilespmem:s16], [sflag:$0x1], $0x7D0, $0x38;
	[tilespmem:$0x3D60] =	vst v63  }
.Ltmp3:
0x91: {  	_ =	swait.ge @!p0 [sflag:s31], $0x7D0;
	(pc) =	sbr.rel .LBB2_4-.Ltmp3, $4  }
0x92: {  	[sflag:s31] =	ssyncset.done @!p0 $0x0  }
0x93: {  	[sflag:s31] =	ssyncadd.s32 @!p0 $0xFFFFF830  }
0x94: {  	[bflag:$0x0] =	sbarrier.arrive $0xFFFF  }
0x95: {  	s16 =	simm.s32 $0x0;
	s31 =	smov.u32 s17  }
.LBB2_6:
0x96: {  	s16 =	sadd.s32 $0x20, s16  }
0x97: {  	p1 =	sne.s32 s16, $0xC40  }
.Ltmp4:
0x98: {  	_ = 	snop;
	(pc) =	sbr.rel @!p1 .LBB2_7-.Ltmp4, $2  }
0x99: {  	_ =	sdelay $0x2  }
0x9a: {  	s31 =	sadd.s32 $0x1000, s31  }
.LBB2_4:
0x9b: {  	s18 =	sadd.s32 s16, s0  }
0x9c: {  	p1 =	sgt.u32 s18, $0xC34  }
.Ltmp5:
0x9d: {  	_ = 	snop;
	(pc) =	sbr.rel @p1 .LBB2_6-.Ltmp5, $1  }
0x9e: {  	_ =	sdelay $0x3  }
0x9f: {  	s18 =	sadd.s32 $0x61A80, s31  }
0xa0: {  	[tilespmem:s4], [sflag:$0x2] =	stream.linear.gather [hbm4b:s18+s4], $0x400, $0x38;
	[tilespmem:$0x3D60] =	vst v63  }
0xa1: {  	_ =	swait.ge [sflag:s6], $0x400  }
0xa2: {  	[sflag:s6] =	ssyncset.done $0x0  }
0xa3: {  	[sflag:s6] =	ssyncadd.s32 $0xFFFFFC00  }
0xa4: {  	[spmem:s1] =	stream.indirect.scatter.add.s32 [tilespmem:s8], [sflag:$0x2], $0x1, s4, s7, $0xb8;
	[tilespmem:$0x3D60] =	vst v63  }
0xa5: {  	_ =	swait.ge [sflag:s6], $0x80  }
0xa6: {  	[sflag:s6] =	ssyncset.done $0x0  }
0xa7: {  	[sflag:s6] =	ssyncadd.s32 $0xFFFFFF80  }
0xa8: {  	[spmem:s1] =	stream.indirect.scatter.add.s32 [tilespmem:s8], [sflag:$0x2], $0x1, s7, s7, $0xb8;
	[tilespmem:$0x3D60] =	vst v63  }
0xa9: {  	_ =	swait.ge [sflag:s6], $0x80  }
0xaa: {  	[sflag:s6] =	ssyncset.done $0x0  }
0xab: {  	[sflag:s6] =	ssyncadd.s32 $0xFFFFFF80  }
0xac: {  	[spmem:s1] =	stream.indirect.scatter.add.s32 [tilespmem:s8], [sflag:$0x2], $0x1, s9, s7, $0xb8;
	[tilespmem:$0x3D60] =	vst v63  }
0xad: {  	_ =	swait.ge [sflag:s6], $0x80  }
0xae: {  	[sflag:s6] =	ssyncset.done $0x0  }
0xaf: {  	[sflag:s6] =	ssyncadd.s32 $0xFFFFFF80  }
0xb0: {  	[spmem:s1] =	stream.indirect.scatter.add.s32 [tilespmem:s8], [sflag:$0x2], $0x1, s10, s7, $0xb8;
	[tilespmem:$0x3D60] =	vst v63  }
0xb1: {  	_ =	swait.ge [sflag:s6], $0x80  }
0xb2: {  	[sflag:s6] =	ssyncset.done $0x0  }
0xb3: {  	[sflag:s6] =	ssyncadd.s32 $0xFFFFFF80  }
0xb4: {  	[spmem:s1] =	stream.indirect.scatter.add.s32 [tilespmem:s8], [sflag:$0x2], $0x1, s11, s7, $0xb8;
	[tilespmem:$0x3D60] =	vst v63  }
0xb5: {  	_ =	swait.ge [sflag:s6], $0x80  }
0xb6: {  	[sflag:s6] =	ssyncset.done $0x0  }
0xb7: {  	[sflag:s6] =	ssyncadd.s32 $0xFFFFFF80  }
0xb8: {  	[spmem:s1] =	stream.indirect.scatter.add.s32 [tilespmem:s8], [sflag:$0x2], $0x1, s12, s7, $0xb8;
	[tilespmem:$0x3D60] =	vst v63  }
0xb9: {  	_ =	swait.ge [sflag:s6], $0x80  }
0xba: {  	[sflag:s6] =	ssyncset.done $0x0  }
0xbb: {  	[sflag:s6] =	ssyncadd.s32 $0xFFFFFF80  }
0xbc: {  	[spmem:s1] =	stream.indirect.scatter.add.s32 [tilespmem:s8], [sflag:$0x2], $0x1, s13, s7, $0xb8;
	[tilespmem:$0x3D60] =	vst v63  }
0xbd: {  	_ =	swait.ge [sflag:s6], $0x80  }
0xbe: {  	[sflag:s6] =	ssyncset.done $0x0  }
0xbf: {  	[sflag:s6] =	ssyncadd.s32 $0xFFFFFF80  }
0xc0: {  	[spmem:s1] =	stream.indirect.scatter.add.s32 [tilespmem:s8], [sflag:$0x2], $0x1, s14, s7, $0xb8;
	[tilespmem:$0x3D60] =	vst v63  }
0xc1: {  	_ =	swait.ge [sflag:s6], $0x80  }
0xc2: {  	[sflag:s6] =	ssyncset.done $0x0  }
0xc3: {  	[sflag:s6] =	ssyncadd.s32 $0xFFFFFF80  }
0xc4: {  	[tilespmem:s4], [sflag:$0x2] =	stream.linear.gather [hbm4b:s31+s4], $0x400, $0x38;
	[tilespmem:$0x3D60] =	vst v63  }
0xc5: {  	_ =	swait.ge [sflag:s6], $0x400  }
0xc6: {  	[sflag:s6] =	ssyncset.done $0x0  }
0xc7: {  	[sflag:s6] =	ssyncadd.s32 $0xFFFFFC00  }
0xc8: {  	[spmem:s2] =	stream.indirect.scatter.add.s32 [tilespmem:s8], [sflag:$0x2], $0x1, s4, s7, $0xb8;
	[tilespmem:$0x3D60] =	vst v63  }
0xc9: {  	_ =	swait.ge [sflag:s6], $0x80  }
0xca: {  	[sflag:s6] =	ssyncset.done $0x0  }
0xcb: {  	[sflag:s6] =	ssyncadd.s32 $0xFFFFFF80  }
0xcc: {  	[spmem:s2] =	stream.indirect.scatter.add.s32 [tilespmem:s8], [sflag:$0x2], $0x1, s7, s7, $0xb8;
	[tilespmem:$0x3D60] =	vst v63  }
0xcd: {  	_ =	swait.ge [sflag:s6], $0x80  }
0xce: {  	[sflag:s6] =	ssyncset.done $0x0  }
0xcf: {  	[sflag:s6] =	ssyncadd.s32 $0xFFFFFF80  }
0xd0: {  	[spmem:s2] =	stream.indirect.scatter.add.s32 [tilespmem:s8], [sflag:$0x2], $0x1, s9, s7, $0xb8;
	[tilespmem:$0x3D60] =	vst v63  }
0xd1: {  	_ =	swait.ge [sflag:s6], $0x80  }
0xd2: {  	[sflag:s6] =	ssyncset.done $0x0  }
0xd3: {  	[sflag:s6] =	ssyncadd.s32 $0xFFFFFF80  }
0xd4: {  	[spmem:s2] =	stream.indirect.scatter.add.s32 [tilespmem:s8], [sflag:$0x2], $0x1, s10, s7, $0xb8;
	[tilespmem:$0x3D60] =	vst v63  }
0xd5: {  	_ =	swait.ge [sflag:s6], $0x80  }
0xd6: {  	[sflag:s6] =	ssyncset.done $0x0  }
0xd7: {  	[sflag:s6] =	ssyncadd.s32 $0xFFFFFF80  }
0xd8: {  	[spmem:s2] =	stream.indirect.scatter.add.s32 [tilespmem:s8], [sflag:$0x2], $0x1, s11, s7, $0xb8;
	[tilespmem:$0x3D60] =	vst v63  }
0xd9: {  	_ =	swait.ge [sflag:s6], $0x80  }
0xda: {  	[sflag:s6] =	ssyncset.done $0x0  }
0xdb: {  	[sflag:s6] =	ssyncadd.s32 $0xFFFFFF80  }
0xdc: {  	[spmem:s2] =	stream.indirect.scatter.add.s32 [tilespmem:s8], [sflag:$0x2], $0x1, s12, s7, $0xb8;
	[tilespmem:$0x3D60] =	vst v63  }
0xdd: {  	_ =	swait.ge [sflag:s6], $0x80  }
0xde: {  	[sflag:s6] =	ssyncset.done $0x0  }
0xdf: {  	[sflag:s6] =	ssyncadd.s32 $0xFFFFFF80  }
0xe0: {  	[spmem:s2] =	stream.indirect.scatter.add.s32 [tilespmem:s8], [sflag:$0x2], $0x1, s13, s7, $0xb8;
	[tilespmem:$0x3D60] =	vst v63  }
0xe1: {  	_ =	swait.ge [sflag:s6], $0x80  }
0xe2: {  	[sflag:s6] =	ssyncset.done $0x0  }
.Ltmp6:
0xe3: {  	[sflag:s6] =	ssyncadd.s32 $0xFFFFFF80;
	(pc) =	sbr.rel .LBB2_6-.Ltmp6, $4  }
0xe4: {  	[spmem:s2] =	stream.indirect.scatter.add.s32 [tilespmem:s8], [sflag:$0x1], $0x1, s14, s7, $0xb8;
	[tilespmem:$0x3D60] =	vst v63  }
0xe5: {  	_ =	swait.ge [sflag:s5], $0x80  }
0xe6: {  	[sflag:s5] =	ssyncset.done $0x0  }
0xe7: {  	[sflag:s5] =	ssyncadd.s32 $0xFFFFFF80  }
.LBB2_8:
0xe8: {  	_ =	sfence.sel $0x180000  }
0xe9: {  	[bflag:$0x0] =	sbarrier.arrive $0xFFFF  }
0xea: {  	_ =	strace $0x90000047  }
0xeb: {  	s0 =	stileid.u32;
	[bflag:$0x2] =	sbarrier.arrive $0xFFFF  }
0xec: {  	p0 =	sne.s32 s0, $0x0;
	s0 =	rddreg [dreg:$0x3]  }
0xed: {  	s0 =	sadd.s32 @!p0 $0x100000, s0  }
0xee: {  	[sflag:s0] =	ssyncadd.tile.s32 @!p0 $0x1;
	_ =	shalt  }
.Lfunc_end2:
_tile_overlayer_lowered:
.L_overlay_start_2:
0xef: {  	(tag) =	ssettag $0x2  }
0xf0: {  	s0 =	rddreg [dreg:$0x0];
	s2 =	stileid.u32  }
0xf1: {  	s1 =	rddreg [dreg:$0x1];
	p0 =	sne.s32 s2, $0x0  }
0xf2: {  	s3 =	rddreg [dreg:$0x2];
	[bflag:$0x3] =	sbarrier.arrive $0xFFFF;
	s2 =	simm.s32 @!p0 $0x1C01  }
0xf3: {  	[timem:s3], [sflag:s2] =	dma.local @!p0 [hbm:s0], s1  }
0xf4: {  	s0 =	simm.s32 @!p0 $0x1  }
0xf5: {  	_ =	swait.ge @!p0 [sflag:s0], s1  }
0xf6: {  	s1 =	ssub.s32 @!p0 $0x0, s1;
	[sflag:s0] =	ssyncset.done @!p0 $0x0  }
0xf7: {  	[sflag:s0] =	ssyncadd.s32 @!p0 s1  }
0xf8: {  	[bflag:$0x3] =	sbarrier.arrive $0xFFFF  }
0xf9: {  	_ =	shalt  }

// kernel: kernel.7.cloned.1.call-start
scs
__scs_entry_jumppad:
0x0: {  	(pc) =	sbr.rel $0x88, $3  }
0x1: {  	(tag) =	ssettag $0x0;
	lr =	simm.s32 $0x1  }
0x2: {  	[smem:$0x3F9E] =	sst lr;
	_ =	strace $0xD0000000  }
0x3: {  	_ = 	snop  }
0x4: {  	_ = 	snop  }
0x5: {  	_ = 	snop  }
0x6: {  	_ = 	snop  }
0x7: {  	_ = 	snop  }
__scs_overlays_trampoline_lowered:
0x8: {  	[smem:$0x3FAD] =	sst s0  }
0x9: {  	[smem:$0x3FAE] =	sst s1  }
0xa: {  	[smem:$0x3FAF] =	sst s2  }
0xb: {  	[smem:$0x3FB0] =	sst s3  }
0xc: {  	[smem:$0x3FB1] =	sst s4  }
0xd: {  	[smem:$0x3FB2] =	sst s5  }
0xe: {  	[smem:$0x3FB3] =	sst s6  }
0xf: {  	[smem:$0x3FB4] =	sst s7  }
0x10: {  	[smem:$0x3FB5] =	sst s8  }
0x11: {  	[smem:$0x3FB6] =	sst s9;
	s0 =	simm.s32 @!p0 $0x0  }
0x12: {  	s1 =	sld [smem:$0x3F9C];
	s0 =	simm.s32 @p0 $0x1  }
0x13: {  	[smem:$0x3FB7] =	sst s0;
	s0 =	simm.s32 @!p1 $0x0  }
0x14: {  	s2 =	sld [smem:$0x3F9B];
	s0 =	simm.s32 @p1 $0x1  }
0x15: {  	[smem:$0x3FB8] =	sst s0;
	s0 =	simm.s32 @!p2 $0x0  }
0x16: {  	s3 =	sld [smem:$0x3FDB];
	s0 =	simm.s32 @p2 $0x1  }
0x17: {  	s4 =	simm.s32 $0x1BF5;
	[smem:$0x3FBA] =	sst s0  }
0x18: {  	s0 =	sld [smem:$0x3F9D];
	_ =	swait.ge [sflag:s4], $0x0  }
0x19: {  	s7 =	sld [smem:$0x3F9E]  }
0x1a: {  	s8 =	sadd.s32 $0xFFFFE003, lr  }
0x1b: {  	s9 =	sadd.s32 $0xFFFFFEF7, lr;
	s5 =	simm.s32 $0xFFFFFFFF;
	p2 =	slt.u32 s8, $0xFFFFF086  }
0x1c: {  	p1 =	slt.u32 s9, $0xF7A;
	s5 =	simm.s32 @!p2 $0x0  }
0x1d: {  	s5 =	simm.s32 @p1 $0x1;
	p0 =	seq.s32 s7, s2  }
0x1e: {  	s7 =	smul.u32 @!p0 $0xF7A, s2;
	p2 =	seq.s32 @!p0 s5, $0x0  }
0x1f: {  	s9 =	smul.u32 $0xF7A, s1;
	s8 =	simm.s32 @!p0 $0x1BF5;
	p2 =	por !p2, p0  }
0x20: {  	[sflag:s8] =	ssyncset.s32 @!p0 $0xFFFFF086;
	s6 =	sadd.s32 @!p0 s3, s7;
	s7 =	simm.s32 @!p0 $0x108  }
0x21: {  	s3 =	sadd.s32 s3, s9;
	s6 =	sadd.s32 @!p0 $0x88, s6;
	s7 =	simm.s32 @p2 $0x1082  }
0x22: {  	[simem:s7], [sflag:s8] =	dma.local @!p0 [hbm:s6], $0xF7A  }
0x23: {  	s9 =	sor.u32 $0xD0000000, s2;
	s6 =	simm.s32 $0x108;
	_ =	swait.ge @!p0 [sflag:s8], $0x0  }
0x24: {  	s3 =	sadd.s32 $0x88, s3;
	s6 =	simm.s32 @!p1 $0x1082;
	[sflag:s4] =	ssyncset.s32 $0xFFFFF086  }
0x25: {  	[simem:s6], [sflag:s4] =	dma.local [hbm:s3], $0xF7A  }
0x26: {  	[smem:$0x3F9E] =	sst s1;
	(tag) =	ssettag s2;
	_ =	strace s9  }
0x27: {  	s1 =	sld [smem:$0x3FAE]  }
0x28: {  	s2 =	sld [smem:$0x3FAF]  }
0x29: {  	s4 =	sld [smem:$0x3FB1]  }
0x2a: {  	p0 =	seq.s32 s5, $0x0;
	s5 =	sld [smem:$0x3FB2]  }
0x2b: {  	s6 =	sld [smem:$0x3FB3]  }
0x2c: {  	s7 =	sld [smem:$0x3FB4]  }
0x2d: {  	s3 =	simm.s32 $0x108;
	s8 =	sld [smem:$0x3FB5]  }
0x2e: {  	s3 =	simm.s32 @!p0 $0x1082;
	s9 =	sld [smem:$0x3FB6]  }
0x2f: {  	lr =	sadd.s32 s0, s3;
	s0 =	sld [smem:$0x3FAD]  }
0x30: {  	s3 =	sld [smem:$0x3FB0]  }
0x31: {  	[smem:$0x3FB9] =	sst s10  }
0x32: {  	s10 =	sld [smem:$0x3FB7];
	_ =	sdelay $0x3  }
0x33: {  	p0 =	seq.s32 s10, $0x1;
	s10 =	sld [smem:$0x3FB9];
	_ =	sdelay $0x3  }
0x34: {  	[smem:$0x3FB9] =	sst s10  }
0x35: {  	s10 =	sld [smem:$0x3FB8];
	_ =	sdelay $0x3  }
0x36: {  	p1 =	seq.s32 s10, $0x1;
	s10 =	sld [smem:$0x3FB9];
	_ =	sdelay $0x3  }
0x37: {  	[smem:$0x3FB9] =	sst s10  }
0x38: {  	s10 =	sld [smem:$0x3FBA]  }
0x39: {  	_ = 	snop;
	(pc) =	sbr.ind lr, $3  }
0x3a: {  	_ = 	snop  }
0x3b: {  	_ = 	snop  }
0x3c: {  	p2 =	seq.s32 s10, $0x1;
	s10 =	sld [smem:$0x3FB9]  }
0x3d: {  	_ =	shalt  }
0x3e: {  	_ =	shalt  }
0x3f: {  	_ =	shalt  }
0x40: {  	_ =	shalt  }
0x41: {  	_ =	shalt  }
0x42: {  	_ =	shalt  }
0x43: {  	_ =	shalt  }
0x44: {  	_ =	shalt  }
0x45: {  	_ =	shalt  }
0x46: {  	_ =	shalt  }
0x47: {  	_ =	shalt  }
0x48: {  	_ =	shalt  }
0x49: {  	_ =	shalt  }
0x4a: {  	_ =	shalt  }
0x4b: {  	_ =	shalt  }
0x4c: {  	_ =	shalt  }
0x4d: {  	_ =	shalt  }
0x4e: {  	_ =	shalt  }
0x4f: {  	_ =	shalt  }
0x50: {  	_ =	shalt  }
0x51: {  	_ =	shalt  }
0x52: {  	_ =	shalt  }
0x53: {  	_ =	shalt  }
0x54: {  	_ =	shalt  }
0x55: {  	_ =	shalt  }
0x56: {  	_ =	shalt  }
0x57: {  	_ =	shalt  }
0x58: {  	_ =	shalt  }
0x59: {  	_ =	shalt  }
0x5a: {  	_ =	shalt  }
0x5b: {  	_ =	shalt  }
0x5c: {  	_ =	shalt  }
0x5d: {  	_ =	shalt  }
0x5e: {  	_ =	shalt  }
0x5f: {  	_ =	shalt  }
0x60: {  	_ =	shalt  }
0x61: {  	_ =	shalt  }
0x62: {  	_ =	shalt  }
0x63: {  	_ =	shalt  }
0x64: {  	_ =	shalt  }
0x65: {  	_ =	shalt  }
0x66: {  	_ =	shalt  }
0x67: {  	_ =	shalt  }
0x68: {  	_ =	shalt  }
0x69: {  	_ =	shalt  }
0x6a: {  	_ =	shalt  }
0x6b: {  	_ =	shalt  }
0x6c: {  	_ =	shalt  }
0x6d: {  	_ =	shalt  }
0x6e: {  	_ =	shalt  }
0x6f: {  	_ =	shalt  }
0x70: {  	_ =	shalt  }
0x71: {  	_ =	shalt  }
0x72: {  	_ =	shalt  }
0x73: {  	_ =	shalt  }
0x74: {  	_ =	shalt  }
0x75: {  	_ =	shalt  }
0x76: {  	_ =	shalt  }
0x77: {  	_ =	shalt  }
0x78: {  	_ =	shalt  }
0x79: {  	_ =	shalt  }
0x7a: {  	_ =	shalt  }
0x7b: {  	_ =	shalt  }
0x7c: {  	_ =	shalt  }
0x7d: {  	_ =	shalt  }
0x7e: {  	_ =	shalt  }
0x7f: {  	_ =	shalt  }
0x80: {  	_ =	shalt  }
0x81: {  	_ =	shalt  }
0x82: {  	_ =	shalt  }
0x83: {  	_ =	shalt  }
0x84: {  	_ =	shalt  }
0x85: {  	_ =	shalt  }
0x86: {  	_ =	shalt  }
0x87: {  	_ =	shalt  }
.Lfunc_end0:
.L_simem_size_0:
called_computation.1_lowered:
.L_overlay_start_0:
0x88: {  	s2 =	sld [smem:$0x3FD9]  }
0x89: {  	s3 =	sld [smem:$0x3FFE];
	_ =	sdelay $0x1  }
0x8a: {  	s1 =	srdreg.scid  }
0x8b: {  	s0 =	sand.u32 $0x1, s1  }
0x8c: {  	s17 =	sshll.u32 s0, $0xA;
	s2 =	sadd.s32 s3, s2  }
0x8d: {  	s2 =	sadd.s32 s2, s17  }
0x8e: {  	[smem:$0x3FC5] =	sst s2  }
0x8f: {  	_ = 	snop  }
0x90: {  	s2 =	sld [smem:$0x3FD0];
	(tm) =	ssettm $0x1  }
0x91: {  	s18 =	sld [smem:$0x3FFB];
	_ =	sdelay $0x3  }
0x92: {  	_ =	strace s18  }
0x93: {  	s3 =	sld [smem:$0x3FFC];
	_ =	sdelay $0x3  }
0x94: {  	_ =	strace s3  }
0x95: {  	s3 =	sld [smem:$0x3FFD];
	_ =	sdelay $0x3  }
0x96: {  	_ =	strace s3  }
0x97: {  	_ =	strace $0x8FFFFFFF  }
0x98: {  	s19 =	sld [smem:$0x3FDB];
	_ =	sdelay $0x1  }
0x99: {  	s4 =	simm.s32 $_scs_section_size  }
0x9a: {  	s5 =	simm.s32 $_size__tile_overlayer_lowered;
	s6 =	simm.s32 $_tile_overlayer_lowered  }
0x9b: {  	s22 =	simm.s32 $0x1BFF;
	s21 =	sshll.u32 s6, $0x1;
	s3 =	sadd.s32 s4, s19  }
0x9c: {  	s7 =	simm.s32 $0x0;
	s20 =	sshll.u32 s5, $0x1;
	s5 =	sadd.s32 s21, s3  }
0x9d: {  	[timem:s7], [sflag:s22] =	dma.local [hbm:s5], s20  }
0x9e: {  	_ =	swait.ge [sflag:s22], s20  }
0x9f: {  	s4 =	ssub.s32 $0x0, s20;
	[sflag:s22] =	ssyncset.done $0x0  }
0xa0: {  	[sflag:s22] =	ssyncadd.s32 s4;
	_ =	sdelay $0x1  }
0xa1: {  	s23 =	simm.s32 $0x1B8B  }
0xa2: {  	_ =	swait.ge [sflag:s23], $0x1  }
0xa3: {  	[sflag:s23] =	ssyncset.done $0x0  }
0xa4: {  	s25 =	simm.s32 $0x1B8E;
	s24 =	sld [smem:$0x3FFE];
	[sflag:s23] =	ssyncadd.s32 $0xFFFFFFFF  }
0xa5: {  	s26 =	simm.s32 $execute0_lowered;
	[smem:$0x3FD2] =	sst s25  }
0xa6: {  	s5 =	sshll.u32 s26, $0x1;
	_ =	strace $0x80000049;
	[dreg:$0x1] =	wrdreg $0xFFFFFFFF  }
0xa7: {  	s28 =	simm.s32 $_size_execute0_lowered;
	s3 =	sadd.s32 s3, s5;
	[dreg:$0x0] =	wrdreg $0x0  }
0xa8: {  	s5 =	sshll.u32 s28, $0x1;
	[dreg:$0x2] =	wrdreg s3  }
0xa9: {  	[dreg:$0x3] =	wrdreg s5  }
0xaa: {  	[dreg:$0x4] =	wrdreg $0xC0  }
0xab: {  	_ =	task [dreg:s7], $0x5FFFF  }
0xac: {  	[dreg:$0x1] =	wrdreg $0xFFFFFFFF  }
0xad: {  	[dreg:$0x0] =	wrdreg $0x60  }
0xae: {  	[dreg:$0x2] =	wrdreg s24  }
0xaf: {  	[dreg:$0x3] =	wrdreg s2  }
0xb0: {  	[dreg:$0x4] =	wrdreg $0x9  }
0xb1: {  	_ =	task.clear_ibuf [dreg:s7], $0x5FFFF;
	_ =	strace $0x90000049  }
0xb2: {  	s29 =	simm.s32 $0x9;
	_ =	strace $0x8000004B  }
0xb3: {  	_ =	swait.ge [sflag:s29], $0x1  }
0xb4: {  	[sflag:s29] =	ssyncadd.s32 $0xFFFFFFFF  }
0xb5: {  	_ =	strace $0x9000004B  }
0xb6: {  	_ =	sfence  }
0xb7: {  	s30 =	sld [smem:$0x0];
	_ =	sdelay $0x2  }
0xb8: {  	s31 =	sshll.u32 s1, $0xD;
	s1 =	sshrl.u32 s1, $0x2  }
0xb9: {  	s3 =	sand.u32 $0x4000, s31;
	s1 =	sadd.s32 s1, s30  }
0xba: {  	s0 =	sor.u32 s3, s0;
	s1 =	sshll.u32 s1, $0x11  }
0xbb: {  	s0 =	sor.u32 s1, s0  }
0xbc: {  	s0 =	sadd.s32 $0x8F2B, s0  }
0xbd: {  	[sflag:s0] =	ssyncadd.remote.s32 $0x1  }
0xbe: {  	_ =	sfence.sel $0xFFFF  }
0xbf: {  	[dreg:$0x0] =	wrdreg $0xFFFFFFFF;
	(pc) =	sbr.abs _section_cstart, $3  }
0xc0: {  	[dreg:$0x1] =	wrdreg $0xFFFFFFFF  }
0xc1: {  	_ =	task.clear_ibuf [dreg:s7], $0x2FFFF;
	_ =	strace $0x9FFFFFFF  }
0xc2: {  	(tm) =	ssettm $0x7FFFFFFF  }
0xc3: {  	_ =	shalt  }
tec
execute0_lowered:
.L_overlay_start_1:
0x0: {  	(tag) =	ssettag $0x1  }
0x1: {  	s2 =	srdreg.scid  }
0x2: {  	s0 =	rddreg [dreg:$0x0];
	s5 =	sand.u32 $0x1, s2  }
0x3: {  	s1 =	rddreg [dreg:$0x1];
	s4 =	stileid.u32;
	s3 =	sshll.u32 s5, $0x4  }
0x4: {  	s28 =	simm.s32 $0x800;
	s29 =	simm.s32 $0x1E00;
	s21 =	sor.u32 s4, s3  }
0x5: {  	s30 =	simm.s32 $0x0;
	s2 =	simm.s32 $0x0;
	s6 =	smul.u32 $0x320, s21  }
0x6: {  	s18 =	sadd.s32 $0xC4200, s0;
	s12 =	sor.u32 $0x20, s21;
	s10 =	smul.u32 $0xC80, s21  }
0x7: {  	[smem:$0x7FF] =	sst s2;
	s17 =	sor.u32 $0x40, s21;
	s9 =	smul.u32 $0x320, s12  }
0x8: {  	s26 =	ssub.s32 $0x2, s5;
	_ =	strace $0x8000004A;
	s13 =	smul.u32 $0x320, s17  }
0x9: {  	s3 =	sadd.s32 $0xD0600, s0;
	s19 =	sor.u32 $0x60, s21;
	s14 =	smul.u32 $0xC80, s12  }
0xa: {  	s4 =	sadd.s32 $0xD0800, s0;
	s5 =	sshrl.u32 s26, $0x1;
	s20 =	smul.u32 $0x320, s19  }
0xb: {  	s0 =	ssub.s32 s26, s5;
	p0 =	sgt.u32 s21, $0x1C;
	s22 =	smul.u32 $0xC80, s17  }
0xc: {  	s26 =	simm.s32 $0x1;
	s23 =	smul.u32 $0xC80, s19;
	s6 =	sshrl.u32 s6, $0x3  }
0xd: {  	s25 =	smax.u32 s0, $0x1;
	s5 =	sadd.s32 s18, s6;
	s11 =	sshrl.u32 s9, $0x3  }
0xe: {  	s9 =	sadd.s32 s1, s10;
	s15 =	sshrl.u32 s13, $0x3;
	s14 =	sadd.s32 s1, s14  }
0xf: {  	s20 =	sshrl.u32 s20, $0x3;
	s6 =	sadd.s32 $0x61A8, s5;
	s7 =	sadd.s32 $0x30D4, s5  }
0x10: {  	s8 =	sadd.s32 $0x927C, s5;
	s10 =	sadd.s32 s18, s11;
	s15 =	sadd.s32 s18, s15  }
.Ltmp0:
0x11: {  	s18 =	sadd.s32 s18, s20;
	s20 =	sadd.s32 s1, s22;
	(pc) =	sbr.rel .LBB2_1-.Ltmp0, $4  }
0x12: {  	s1 =	sadd.s32 s1, s23;
	s11 =	sadd.s32 $0x61A8, s10;
	s12 =	sadd.s32 $0x30D4, s10  }
0x13: {  	s13 =	sadd.s32 $0x927C, s10;
	s16 =	sadd.s32 $0x61A8, s15;
	s17 =	sadd.s32 $0x30D4, s15  }
0x14: {  	v0 =	vlaneseq.u32;
	s19 =	sadd.s32 $0x927C, s15;
	s31 =	sadd.s32 $0x61A8, s18;
	[dreg:$0x4] =	wrdreg s1  }
0x15: {  	v0 =	vmul.u32 $0x20, v0;
	s23 =	sadd.s32 $0x30D4, s18;
	s24 =	sadd.s32 $0x927C, s18;
	[dreg:$0x3] =	wrdreg s31  }
.LBB2_11:
0x16: {  	s30 =	sadd.s32 $0x1, s30  }
0x17: {  	p1 =	sne.s32 s30, s25  }
.Ltmp1:
0x18: {  	_ = 	snop;
	(pc) =	sbr.rel @!p1 .LBB2_12-.Ltmp1, $1  }
0x19: {  	_ =	sdelay $0x3  }
.LBB2_1:
0x1a: {  	[tilespmem:s2], [sflag:$0x1] =	stream.linear.gather [hbm4b:s3+s2], $0x800, $0x38;
	[tilespmem:$0x8200] =	vst v63  }
0x1b: {  	_ =	swait.ge [sflag:s26], $0x800  }
0x1c: {  	[sflag:s26] =	ssyncset.done $0x0  }
0x1d: {  	[sflag:s26] =	ssyncadd.s32 $0xFFFFF800  }
0x1e: {  	[tilespmem:s28], [sflag:$0x1] =	stream.linear.gather [hbm4b:s4+s2], $0x800, $0x38;
	[tilespmem:$0x8200] =	vst v63  }
0x1f: {  	_ =	swait.ge [sflag:s26], $0x800  }
0x20: {  	[sflag:s26] =	ssyncset.done $0x0  }
0x21: {  	s31 =	simm.s32 $0x1000;
	[sflag:s26] =	ssyncadd.s32 $0xFFFFF800  }
0x22: {  	[tilespmem:s31], [sflag:$0x1] =	stream.linear.gather [hbm4b:s5+s2], $0x320, $0x38;
	[tilespmem:$0x8200] =	vst v63  }
0x23: {  	_ =	swait.ge [sflag:s26], $0x320  }
0x24: {  	[sflag:s26] =	ssyncset.done $0x0  }
0x25: {  	s0 =	simm.s32 $0x1380;
	[sflag:s26] =	ssyncadd.s32 $0xFFFFFCE0  }
0x26: {  	[tilespmem:s0], [sflag:$0x1] =	stream.linear.gather [hbm4b:s6+s2], $0x320, $0x38;
	[tilespmem:$0x8200] =	vst v63  }
0x27: {  	_ =	swait.ge [sflag:s26], $0x320  }
0x28: {  	[sflag:s26] =	ssyncset.done $0x0  }
0x29: {  	s1 =	simm.s32 $0x1700;
	[sflag:s26] =	ssyncadd.s32 $0xFFFFFCE0  }
0x2a: {  	[tilespmem:s1], [sflag:$0x1] =	stream.linear.gather [hbm4b:s7+s2], $0x320, $0x38;
	[tilespmem:$0x8200] =	vst v63  }
0x2b: {  	_ =	swait.ge [sflag:s26], $0x320  }
0x2c: {  	[sflag:s26] =	ssyncset.done $0x0  }
0x2d: {  	s21 =	simm.s32 $0x1A80;
	[sflag:s26] =	ssyncadd.s32 $0xFFFFFCE0  }
0x2e: {  	[tilespmem:s21], [sflag:$0x1] =	stream.linear.gather [hbm4b:s8+s2], $0x320, $0x38;
	[tilespmem:$0x8200] =	vst v63  }
0x2f: {  	_ =	swait.ge [sflag:s26], $0x320  }
0x30: {  	[sflag:s26] =	ssyncset.done $0x0  }
0x31: {  	s22 =	simm.s32 $0x0;
	[sflag:s26] =	ssyncadd.s32 $0xFFFFFCE0  }
.LBB2_2:
0x32: {  	v1 =	vld [tilespmem:s31+$0x0]  }
0x33: {  	v2 =	vld [tilespmem:s0+$0x0]  }
0x34: {  	v3 =	vld [tilespmem:s1+$0x0]  }
0x35: {  	v4 =	vld [tilespmem:s21+$0x0];
	_ =	sdelay $0x3  }
0x36: {  	v1 =	vadd.s32 v1, v2  }
0x37: {  	v2 =	vadd.s32 v3, v4;
	vm0 =	vlt.s32 v1, $0x3F  }
0x38: {  	vm15 =	vlt.s32 v2, $0x3F;
	v1 =	vnsel vm0, $0x3F, v1  }
0x39: {  	v2 =	vnsel vm15, $0x3F, v2;
	v1 =	vshll.u32 v1, $0x5  }
0x3a: {  	v2 =	vshll.u32 v2, $0x5;
	_ =	sdelay $0x3  }
0x3b: {  	v50 =	vld.idx.msk [tilespmem:v1+s2+$0x0], $0xffff  }
0x3c: {  	v3 =	vmov s22;
	v5 =	vld.idx.msk [tilespmem:v2+s28+$0x0], $0xffff  }
0x3d: {  	v3 =	vshll.u32 v3, $0x5  }
0x3e: {  	v3 =	vor.u32 v0, v3  }
0x3f: {  	v6 =	vor.u32 $0x1, v1  }
0x40: {  	v7 =	vor.u32 $0x1, v2  }
0x41: {  	v4 =	vadd.f32 v5, v50;
	_ =	sdelay $0x1  }
0x42: {  	[tilespmem:v3+s29+$0x0] =	vst.idx.msk $0xffff, v4  }
0x43: {  	v4 =	vld.idx.msk [tilespmem:v6+s2+$0x0], $0xffff  }
0x44: {  	v51 =	vld.idx.msk [tilespmem:v7+s28+$0x0], $0xffff;
	_ =	sdelay $0x1  }
0x45: {  	v52 =	vor.u32 $0x1, v3  }
0x46: {  	v53 =	vor.u32 $0x2, v1  }
0x47: {  	v8 =	vor.u32 $0x2, v2  }
0x48: {  	v4 =	vadd.f32 v51, v4;
	_ =	sdelay $0x1  }
0x49: {  	[tilespmem:v52+s29+$0x0] =	vst.idx.msk $0xffff, v4  }
0x4a: {  	v4 =	vld.idx.msk [tilespmem:v53+s2+$0x0], $0xffff  }
0x4b: {  	v54 =	vld.idx.msk [tilespmem:v8+s28+$0x0], $0xffff;
	_ =	sdelay $0x1  }
0x4c: {  	v55 =	vor.u32 $0x2, v3  }
0x4d: {  	v56 =	vor.u32 $0x3, v1  }
0x4e: {  	v57 =	vor.u32 $0x3, v2  }
0x4f: {  	v4 =	vadd.f32 v54, v4;
	_ =	sdelay $0x1  }
0x50: {  	[tilespmem:v55+s29+$0x0] =	vst.idx.msk $0xffff, v4  }
0x51: {  	v4 =	vld.idx.msk [tilespmem:v56+s2+$0x0], $0xffff  }
0x52: {  	v58 =	vld.idx.msk [tilespmem:v57+s28+$0x0], $0xffff;
	_ =	sdelay $0x1  }
0x53: {  	v59 =	vor.u32 $0x3, v3  }
0x54: {  	v60 =	vor.u32 $0x4, v1  }
0x55: {  	v61 =	vor.u32 $0x4, v2  }
0x56: {  	v4 =	vadd.f32 v58, v4;
	_ =	sdelay $0x1  }
0x57: {  	[tilespmem:v59+s29+$0x0] =	vst.idx.msk $0xffff, v4  }
0x58: {  	v4 =	vld.idx.msk [tilespmem:v60+s2+$0x0], $0xffff  }
0x59: {  	v62 =	vld.idx.msk [tilespmem:v61+s28+$0x0], $0xffff;
	_ =	sdelay $0x1  }
0x5a: {  	v63 =	vor.u32 $0x4, v3  }
0x5b: {  	v12 =	vor.u32 $0x5, v1  }
0x5c: {  	v13 =	vor.u32 $0x5, v2  }
0x5d: {  	v4 =	vadd.f32 v62, v4;
	_ =	sdelay $0x1  }
0x5e: {  	[tilespmem:v63+s29+$0x0] =	vst.idx.msk $0xffff, v4  }
0x5f: {  	v4 =	vld.idx.msk [tilespmem:v12+s2+$0x0], $0xffff  }
0x60: {  	v14 =	vld.idx.msk [tilespmem:v13+s28+$0x0], $0xffff;
	_ =	sdelay $0x1  }
0x61: {  	v15 =	vor.u32 $0x5, v3  }
0x62: {  	v16 =	vor.u32 $0x6, v1  }
0x63: {  	v17 =	vor.u32 $0x6, v2  }
0x64: {  	v4 =	vadd.f32 v14, v4;
	_ =	sdelay $0x1  }
0x65: {  	[tilespmem:v15+s29+$0x0] =	vst.idx.msk $0xffff, v4  }
0x66: {  	v4 =	vld.idx.msk [tilespmem:v16+s2+$0x0], $0xffff  }
0x67: {  	v18 =	vld.idx.msk [tilespmem:v17+s28+$0x0], $0xffff;
	_ =	sdelay $0x1  }
0x68: {  	v19 =	vor.u32 $0x6, v3  }
0x69: {  	v20 =	vor.u32 $0x7, v1  }
0x6a: {  	v21 =	vor.u32 $0x7, v2  }
0x6b: {  	v4 =	vadd.f32 v18, v4;
	_ =	sdelay $0x1  }
0x6c: {  	[tilespmem:v19+s29+$0x0] =	vst.idx.msk $0xffff, v4  }
0x6d: {  	v4 =	vld.idx.msk [tilespmem:v20+s2+$0x0], $0xffff  }
0x6e: {  	v22 =	vld.idx.msk [tilespmem:v21+s28+$0x0], $0xffff;
	_ =	sdelay $0x1  }
0x6f: {  	v23 =	vor.u32 $0x7, v3  }
0x70: {  	v24 =	vor.u32 $0x8, v1  }
0x71: {  	v25 =	vor.u32 $0x8, v2  }
0x72: {  	v4 =	vadd.f32 v22, v4;
	_ =	sdelay $0x1  }
0x73: {  	[tilespmem:v23+s29+$0x0] =	vst.idx.msk $0xffff, v4  }
0x74: {  	v4 =	vld.idx.msk [tilespmem:v24+s2+$0x0], $0xffff  }
0x75: {  	v26 =	vld.idx.msk [tilespmem:v25+s28+$0x0], $0xffff;
	_ =	sdelay $0x1  }
0x76: {  	v27 =	vor.u32 $0x8, v3  }
0x77: {  	v28 =	vor.u32 $0x9, v1  }
0x78: {  	v29 =	vor.u32 $0x9, v2  }
0x79: {  	v4 =	vadd.f32 v26, v4;
	_ =	sdelay $0x1  }
0x7a: {  	[tilespmem:v27+s29+$0x0] =	vst.idx.msk $0xffff, v4  }
0x7b: {  	v4 =	vld.idx.msk [tilespmem:v28+s2+$0x0], $0xffff  }
0x7c: {  	v30 =	vld.idx.msk [tilespmem:v29+s28+$0x0], $0xffff;
	_ =	sdelay $0x1  }
0x7d: {  	v31 =	vor.u32 $0x9, v3  }
0x7e: {  	v32 =	vor.u32 $0xA, v1  }
0x7f: {  	v33 =	vor.u32 $0xA, v2  }
0x80: {  	v4 =	vadd.f32 v30, v4;
	_ =	sdelay $0x1  }
0x81: {  	[tilespmem:v31+s29+$0x0] =	vst.idx.msk $0xffff, v4  }
0x82: {  	v4 =	vld.idx.msk [tilespmem:v32+s2+$0x0], $0xffff  }
0x83: {  	v34 =	vld.idx.msk [tilespmem:v33+s28+$0x0], $0xffff;
	_ =	sdelay $0x1  }
0x84: {  	v35 =	vor.u32 $0xA, v3  }
0x85: {  	v36 =	vor.u32 $0xB, v1  }
0x86: {  	v37 =	vor.u32 $0xB, v2  }
0x87: {  	v4 =	vadd.f32 v34, v4;
	_ =	sdelay $0x1  }
0x88: {  	[tilespmem:v35+s29+$0x0] =	vst.idx.msk $0xffff, v4  }
0x89: {  	v4 =	vld.idx.msk [tilespmem:v36+s2+$0x0], $0xffff  }
0x8a: {  	v38 =	vld.idx.msk [tilespmem:v37+s28+$0x0], $0xffff;
	_ =	sdelay $0x1  }
0x8b: {  	v39 =	vor.u32 $0xB, v3  }
0x8c: {  	v40 =	vor.u32 $0xC, v1  }
0x8d: {  	v41 =	vor.u32 $0xC, v2  }
0x8e: {  	v4 =	vadd.f32 v38, v4;
	_ =	sdelay $0x1  }
0x8f: {  	[tilespmem:v39+s29+$0x0] =	vst.idx.msk $0xffff, v4  }
0x90: {  	v4 =	vld.idx.msk [tilespmem:v40+s2+$0x0], $0xffff  }
0x91: {  	v42 =	vld.idx.msk [tilespmem:v41+s28+$0x0], $0xffff;
	_ =	sdelay $0x1  }
0x92: {  	v43 =	vor.u32 $0xC, v3  }
0x93: {  	v44 =	vor.u32 $0xD, v1  }
0x94: {  	v45 =	vor.u32 $0xD, v2  }
0x95: {  	v4 =	vadd.f32 v42, v4;
	_ =	sdelay $0x1  }
0x96: {  	[tilespmem:v43+s29+$0x0] =	vst.idx.msk $0xffff, v4  }
0x97: {  	v4 =	vld.idx.msk [tilespmem:v44+s2+$0x0], $0xffff  }
0x98: {  	v46 =	vld.idx.msk [tilespmem:v45+s28+$0x0], $0xffff;
	_ =	sdelay $0x1  }
0x99: {  	v47 =	vor.u32 $0xD, v3  }
0x9a: {  	v48 =	vor.u32 $0xE, v1  }
0x9b: {  	v49 =	vor.u32 $0xE, v2  }
0x9c: {  	v4 =	vadd.f32 v46, v4;
	_ =	sdelay $0x1  }
0x9d: {  	[tilespmem:v47+s29+$0x0] =	vst.idx.msk $0xffff, v4  }
0x9e: {  	v4 =	vld.idx.msk [tilespmem:v48+s2+$0x0], $0xffff  }
0x9f: {  	v50 =	vld.idx.msk [tilespmem:v49+s28+$0x0], $0xffff;
	_ =	sdelay $0x1  }
0xa0: {  	v51 =	vor.u32 $0xE, v3  }
0xa1: {  	v52 =	vor.u32 $0xF, v1  }
0xa2: {  	v53 =	vor.u32 $0xF, v2  }
0xa3: {  	v4 =	vadd.f32 v50, v4;
	_ =	sdelay $0x1  }
0xa4: {  	[tilespmem:v51+s29+$0x0] =	vst.idx.msk $0xffff, v4  }
0xa5: {  	v4 =	vld.idx.msk [tilespmem:v52+s2+$0x0], $0xffff  }
0xa6: {  	v54 =	vld.idx.msk [tilespmem:v53+s28+$0x0], $0xffff;
	_ =	sdelay $0x1  }
0xa7: {  	v55 =	vor.u32 $0xF, v3  }
0xa8: {  	v56 =	vor.u32 $0x10, v1  }
0xa9: {  	v57 =	vor.u32 $0x10, v2  }
0xaa: {  	v4 =	vadd.f32 v54, v4;
	_ =	sdelay $0x1  }
0xab: {  	[tilespmem:v55+s29+$0x0] =	vst.idx.msk $0xffff, v4  }
0xac: {  	v4 =	vld.idx.msk [tilespmem:v56+s2+$0x0], $0xffff  }
0xad: {  	v58 =	vld.idx.msk [tilespmem:v57+s28+$0x0], $0xffff;
	_ =	sdelay $0x1  }
0xae: {  	v59 =	vor.u32 $0x10, v3  }
0xaf: {  	v60 =	vor.u32 $0x11, v1  }
0xb0: {  	v61 =	vor.u32 $0x11, v2  }
0xb1: {  	v4 =	vadd.f32 v58, v4;
	_ =	sdelay $0x1  }
0xb2: {  	[tilespmem:v59+s29+$0x0] =	vst.idx.msk $0xffff, v4  }
0xb3: {  	v4 =	vld.idx.msk [tilespmem:v60+s2+$0x0], $0xffff  }
0xb4: {  	v62 =	vld.idx.msk [tilespmem:v61+s28+$0x0], $0xffff;
	_ =	sdelay $0x1  }
0xb5: {  	v63 =	vor.u32 $0x11, v3  }
0xb6: {  	v12 =	vor.u32 $0x12, v1  }
0xb7: {  	v13 =	vor.u32 $0x12, v2  }
0xb8: {  	v4 =	vadd.f32 v62, v4;
	_ =	sdelay $0x1  }
0xb9: {  	[tilespmem:v63+s29+$0x0] =	vst.idx.msk $0xffff, v4  }
0xba: {  	v4 =	vld.idx.msk [tilespmem:v12+s2+$0x0], $0xffff  }
0xbb: {  	v14 =	vld.idx.msk [tilespmem:v13+s28+$0x0], $0xffff;
	_ =	sdelay $0x1  }
0xbc: {  	v15 =	vor.u32 $0x12, v3  }
0xbd: {  	v16 =	vor.u32 $0x13, v1  }
0xbe: {  	v17 =	vor.u32 $0x13, v2  }
0xbf: {  	v4 =	vadd.f32 v14, v4;
	_ =	sdelay $0x1  }
0xc0: {  	[tilespmem:v15+s29+$0x0] =	vst.idx.msk $0xffff, v4  }
0xc1: {  	v4 =	vld.idx.msk [tilespmem:v16+s2+$0x0], $0xffff  }
0xc2: {  	v18 =	vld.idx.msk [tilespmem:v17+s28+$0x0], $0xffff;
	_ =	sdelay $0x1  }
0xc3: {  	v19 =	vor.u32 $0x13, v3  }
0xc4: {  	v20 =	vor.u32 $0x14, v1  }
0xc5: {  	v21 =	vor.u32 $0x14, v2  }
0xc6: {  	v4 =	vadd.f32 v18, v4;
	_ =	sdelay $0x1  }
0xc7: {  	[tilespmem:v19+s29+$0x0] =	vst.idx.msk $0xffff, v4  }
0xc8: {  	v4 =	vld.idx.msk [tilespmem:v20+s2+$0x0], $0xffff  }
0xc9: {  	v22 =	vld.idx.msk [tilespmem:v21+s28+$0x0], $0xffff;
	_ =	sdelay $0x1  }
0xca: {  	v23 =	vor.u32 $0x14, v3  }
0xcb: {  	v24 =	vor.u32 $0x15, v1  }
0xcc: {  	v25 =	vor.u32 $0x15, v2  }
0xcd: {  	v4 =	vadd.f32 v22, v4;
	_ =	sdelay $0x1  }
0xce: {  	[tilespmem:v23+s29+$0x0] =	vst.idx.msk $0xffff, v4  }
0xcf: {  	v4 =	vld.idx.msk [tilespmem:v24+s2+$0x0], $0xffff  }
0xd0: {  	v26 =	vld.idx.msk [tilespmem:v25+s28+$0x0], $0xffff;
	_ =	sdelay $0x1  }
0xd1: {  	v27 =	vor.u32 $0x15, v3  }
0xd2: {  	v28 =	vor.u32 $0x16, v1  }
0xd3: {  	v29 =	vor.u32 $0x16, v2  }
0xd4: {  	v4 =	vadd.f32 v26, v4;
	_ =	sdelay $0x1  }
0xd5: {  	[tilespmem:v27+s29+$0x0] =	vst.idx.msk $0xffff, v4  }
0xd6: {  	v4 =	vld.idx.msk [tilespmem:v28+s2+$0x0], $0xffff  }
0xd7: {  	v30 =	vld.idx.msk [tilespmem:v29+s28+$0x0], $0xffff;
	_ =	sdelay $0x1  }
0xd8: {  	v31 =	vor.u32 $0x16, v3  }
0xd9: {  	v32 =	vor.u32 $0x17, v1  }
0xda: {  	v33 =	vor.u32 $0x17, v2  }
0xdb: {  	v4 =	vadd.f32 v30, v4;
	_ =	sdelay $0x1  }
0xdc: {  	[tilespmem:v31+s29+$0x0] =	vst.idx.msk $0xffff, v4  }
0xdd: {  	v4 =	vld.idx.msk [tilespmem:v32+s2+$0x0], $0xffff  }
0xde: {  	v34 =	vld.idx.msk [tilespmem:v33+s28+$0x0], $0xffff;
	_ =	sdelay $0x1  }
0xdf: {  	v35 =	vor.u32 $0x17, v3  }
0xe0: {  	v36 =	vor.u32 $0x18, v1  }
0xe1: {  	v37 =	vor.u32 $0x18, v2  }
0xe2: {  	v4 =	vadd.f32 v34, v4;
	_ =	sdelay $0x1  }
0xe3: {  	[tilespmem:v35+s29+$0x0] =	vst.idx.msk $0xffff, v4  }
0xe4: {  	v4 =	vld.idx.msk [tilespmem:v36+s2+$0x0], $0xffff  }
0xe5: {  	v38 =	vld.idx.msk [tilespmem:v37+s28+$0x0], $0xffff;
	_ =	sdelay $0x1  }
0xe6: {  	v39 =	vor.u32 $0x18, v3  }
0xe7: {  	v40 =	vor.u32 $0x19, v1  }
0xe8: {  	v41 =	vor.u32 $0x19, v2  }
0xe9: {  	v4 =	vadd.f32 v38, v4;
	_ =	sdelay $0x1  }
0xea: {  	[tilespmem:v39+s29+$0x0] =	vst.idx.msk $0xffff, v4  }
0xeb: {  	v4 =	vld.idx.msk [tilespmem:v40+s2+$0x0], $0xffff  }
0xec: {  	v42 =	vld.idx.msk [tilespmem:v41+s28+$0x0], $0xffff;
	_ =	sdelay $0x1  }
0xed: {  	v43 =	vor.u32 $0x19, v3  }
0xee: {  	v44 =	vor.u32 $0x1A, v1  }
0xef: {  	v45 =	vor.u32 $0x1A, v2  }
0xf0: {  	v4 =	vadd.f32 v42, v4;
	_ =	sdelay $0x1  }
0xf1: {  	[tilespmem:v43+s29+$0x0] =	vst.idx.msk $0xffff, v4  }
0xf2: {  	v4 =	vld.idx.msk [tilespmem:v44+s2+$0x0], $0xffff  }
0xf3: {  	v46 =	vld.idx.msk [tilespmem:v45+s28+$0x0], $0xffff;
	_ =	sdelay $0x1  }
0xf4: {  	v47 =	vor.u32 $0x1A, v3  }
0xf5: {  	v48 =	vor.u32 $0x1B, v1  }
0xf6: {  	v49 =	vor.u32 $0x1B, v2  }
0xf7: {  	v4 =	vadd.f32 v46, v4;
	_ =	sdelay $0x1  }
0xf8: {  	[tilespmem:v47+s29+$0x0] =	vst.idx.msk $0xffff, v4  }
0xf9: {  	v4 =	vld.idx.msk [tilespmem:v48+s2+$0x0], $0xffff  }
0xfa: {  	v50 =	vld.idx.msk [tilespmem:v49+s28+$0x0], $0xffff;
	_ =	sdelay $0x1  }
0xfb: {  	v51 =	vor.u32 $0x1B, v3  }
0xfc: {  	v52 =	vor.u32 $0x1C, v1  }
0xfd: {  	v53 =	vor.u32 $0x1C, v2  }
0xfe: {  	v4 =	vadd.f32 v50, v4;
	_ =	sdelay $0x1  }
0xff: {  	[tilespmem:v51+s29+$0x0] =	vst.idx.msk $0xffff, v4  }
0x100: {  	v4 =	vld.idx.msk [tilespmem:v52+s2+$0x0], $0xffff  }
0x101: {  	v54 =	vld.idx.msk [tilespmem:v53+s28+$0x0], $0xffff;
	_ =	sdelay $0x1  }
0x102: {  	v55 =	vor.u32 $0x1C, v3  }
0x103: {  	v56 =	vor.u32 $0x1D, v1  }
0x104: {  	v57 =	vor.u32 $0x1D, v2  }
0x105: {  	v4 =	vadd.f32 v54, v4;
	_ =	sdelay $0x1  }
0x106: {  	[tilespmem:v55+s29+$0x0] =	vst.idx.msk $0xffff, v4  }
0x107: {  	v4 =	vld.idx.msk [tilespmem:v56+s2+$0x0], $0xffff  }
0x108: {  	v58 =	vld.idx.msk [tilespmem:v57+s28+$0x0], $0xffff;
	_ =	sdelay $0x1  }
0x109: {  	v59 =	vor.u32 $0x1D, v3  }
0x10a: {  	v60 =	vor.u32 $0x1E, v1  }
0x10b: {  	v61 =	vor.u32 $0x1E, v2  }
0x10c: {  	v4 =	vadd.f32 v58, v4;
	_ =	sdelay $0x1  }
0x10d: {  	[tilespmem:v59+s29+$0x0] =	vst.idx.msk $0xffff, v4  }
0x10e: {  	v4 =	vld.idx.msk [tilespmem:v60+s2+$0x0], $0xffff  }
0x10f: {  	v62 =	vld.idx.msk [tilespmem:v61+s28+$0x0], $0xffff;
	_ =	sdelay $0x1  }
0x110: {  	v63 =	vor.u32 $0x1E, v3  }
0x111: {  	v1 =	vor.u32 $0x1F, v1  }
0x112: {  	v2 =	vor.u32 $0x1F, v2  }
0x113: {  	v4 =	vadd.f32 v62, v4;
	_ =	sdelay $0x1  }
0x114: {  	[tilespmem:v63+s29+$0x0] =	vst.idx.msk $0xffff, v4  }
0x115: {  	v1 =	vld.idx.msk [tilespmem:v1+s2+$0x0], $0xffff  }
0x116: {  	v2 =	vld.idx.msk [tilespmem:v2+s28+$0x0], $0xffff;
	_ =	sdelay $0x1  }
0x117: {  	p1 =	sne.s32 s22, $0x310;
	v3 =	vor.u32 $0x1F, v3  }
.Ltmp2:
0x118: {  	_ = 	snop;
	(pc) =	sbr.rel @p1 .LBB2_2-.Ltmp2, $4  }
0x119: {  	_ = 	snop  }
0x11a: {  	v1 =	vadd.f32 v2, v1  }
0x11b: {  	s31 =	sadd.s32 $0x10, s31;
	s0 =	sadd.s32 $0x10, s0  }
0x11c: {  	s1 =	sadd.s32 $0x10, s1;
	s21 =	sadd.s32 $0x10, s21;
	s22 =	sadd.s32 $0x10, s22;
	[tilespmem:v3+s29+$0x0] =	vst.idx.msk $0xffff, v1  }
0x11d: {  	s31 =	simm.s32 $0x0  }
0x11e: {  	[hbm4b:s9+s31] =	stream.linear.scatter [tilespmem:s29], [sflag:$0x1], $0x6400, $0x38;
	[tilespmem:$0x8200] =	vst v63  }
0x11f: {  	_ =	swait.ge [sflag:s26], $0x6400  }
0x120: {  	[sflag:s26] =	ssyncset.done $0x0  }
0x121: {  	s0 =	simm.s32 $0x1000;
	[sflag:s26] =	ssyncadd.s32 $0xFFFF9C00  }
0x122: {  	[tilespmem:s0], [sflag:$0x1] =	stream.linear.gather [hbm4b:s10+s31], $0x320, $0x38;
	[tilespmem:$0x8200] =	vst v63  }
0x123: {  	_ =	swait.ge [sflag:s26], $0x320  }
0x124: {  	[sflag:s26] =	ssyncset.done $0x0  }
0x125: {  	s1 =	simm.s32 $0x1380;
	[sflag:s26] =	ssyncadd.s32 $0xFFFFFCE0  }
0x126: {  	[tilespmem:s1], [sflag:$0x1] =	stream.linear.gather [hbm4b:s11+s31], $0x320, $0x38;
	[tilespmem:$0x8200] =	vst v63  }
0x127: {  	_ =	swait.ge [sflag:s26], $0x320  }
0x128: {  	[sflag:s26] =	ssyncset.done $0x0  }
0x129: {  	s21 =	simm.s32 $0x1700;
	[sflag:s26] =	ssyncadd.s32 $0xFFFFFCE0  }
0x12a: {  	[tilespmem:s21], [sflag:$0x1] =	stream.linear.gather [hbm4b:s12+s31], $0x320, $0x38;
	[tilespmem:$0x8200] =	vst v63  }
0x12b: {  	_ =	swait.ge [sflag:s26], $0x320  }
0x12c: {  	[sflag:s26] =	ssyncset.done $0x0  }
0x12d: {  	s22 =	simm.s32 $0x1A80;
	[sflag:s26] =	ssyncadd.s32 $0xFFFFFCE0  }
0x12e: {  	[tilespmem:s22], [sflag:$0x1] =	stream.linear.gather [hbm4b:s13+s31], $0x320, $0x38;
	[tilespmem:$0x8200] =	vst v63  }
0x12f: {  	_ =	swait.ge [sflag:s26], $0x320  }
0x130: {  	[sflag:s26] =	ssyncset.done $0x0  }
0x131: {  	[sflag:s26] =	ssyncadd.s32 $0xFFFFFCE0  }
.LBB2_4:
0x132: {  	v1 =	vld [tilespmem:s0+$0x0]  }
0x133: {  	v2 =	vld [tilespmem:s1+$0x0]  }
0x134: {  	v3 =	vld [tilespmem:s21+$0x0]  }
0x135: {  	v4 =	vld [tilespmem:s22+$0x0];
	_ =	sdelay $0x3  }
0x136: {  	v1 =	vadd.s32 v1, v2  }
0x137: {  	v2 =	vadd.s32 v3, v4;
	vm0 =	vlt.s32 v1, $0x3F  }
0x138: {  	vm15 =	vlt.s32 v2, $0x3F;
	v1 =	vnsel vm0, $0x3F, v1  }
0x139: {  	v2 =	vnsel vm15, $0x3F, v2;
	v1 =	vshll.u32 v1, $0x5  }
0x13a: {  	v2 =	vshll.u32 v2, $0x5;
	_ =	sdelay $0x3  }
0x13b: {  	v50 =	vld.idx.msk [tilespmem:v1+s2+$0x0], $0xffff  }
0x13c: {  	v3 =	vmov s31;
	v5 =	vld.idx.msk [tilespmem:v2+s28+$0x0], $0xffff  }
0x13d: {  	v3 =	vshll.u32 v3, $0x5  }
0x13e: {  	v3 =	vor.u32 v0, v3  }
0x13f: {  	v6 =	vor.u32 $0x1, v1  }
0x140: {  	v7 =	vor.u32 $0x1, v2  }
0x141: {  	v4 =	vadd.f32 v5, v50;
	_ =	sdelay $0x1  }
0x142: {  	[tilespmem:v3+s29+$0x0] =	vst.idx.msk $0xffff, v4  }
0x143: {  	v4 =	vld.idx.msk [tilespmem:v6+s2+$0x0], $0xffff  }
0x144: {  	v51 =	vld.idx.msk [tilespmem:v7+s28+$0x0], $0xffff;
	_ =	sdelay $0x1  }
0x145: {  	v52 =	vor.u32 $0x1, v3  }
0x146: {  	v53 =	vor.u32 $0x2, v1  }
0x147: {  	v8 =	vor.u32 $0x2, v2  }
0x148: {  	v4 =	vadd.f32 v51, v4;
	_ =	sdelay $0x1  }
0x149: {  	[tilespmem:v52+s29+$0x0] =	vst.idx.msk $0xffff, v4  }
0x14a: {  	v4 =	vld.idx.msk [tilespmem:v53+s2+$0x0], $0xffff  }
0x14b: {  	v54 =	vld.idx.msk [tilespmem:v8+s28+$0x0], $0xffff;
	_ =	sdelay $0x1  }
0x14c: {  	v55 =	vor.u32 $0x2, v3  }
0x14d: {  	v56 =	vor.u32 $0x3, v1  }
0x14e: {  	v57 =	vor.u32 $0x3, v2  }
0x14f: {  	v4 =	vadd.f32 v54, v4;
	_ =	sdelay $0x1  }
0x150: {  	[tilespmem:v55+s29+$0x0] =	vst.idx.msk $0xffff, v4  }
0x151: {  	v4 =	vld.idx.msk [tilespmem:v56+s2+$0x0], $0xffff  }
0x152: {  	v58 =	vld.idx.msk [tilespmem:v57+s28+$0x0], $0xffff;
	_ =	sdelay $0x1  }
0x153: {  	v59 =	vor.u32 $0x3, v3  }
0x154: {  	v60 =	vor.u32 $0x4, v1  }
0x155: {  	v61 =	vor.u32 $0x4, v2  }
0x156: {  	v4 =	vadd.f32 v58, v4;
	_ =	sdelay $0x1  }
0x157: {  	[tilespmem:v59+s29+$0x0] =	vst.idx.msk $0xffff, v4  }
0x158: {  	v4 =	vld.idx.msk [tilespmem:v60+s2+$0x0], $0xffff  }
0x159: {  	v62 =	vld.idx.msk [tilespmem:v61+s28+$0x0], $0xffff;
	_ =	sdelay $0x1  }
0x15a: {  	v63 =	vor.u32 $0x4, v3  }
0x15b: {  	v12 =	vor.u32 $0x5, v1  }
0x15c: {  	v13 =	vor.u32 $0x5, v2  }
0x15d: {  	v4 =	vadd.f32 v62, v4;
	_ =	sdelay $0x1  }
0x15e: {  	[tilespmem:v63+s29+$0x0] =	vst.idx.msk $0xffff, v4  }
0x15f: {  	v4 =	vld.idx.msk [tilespmem:v12+s2+$0x0], $0xffff  }
0x160: {  	v14 =	vld.idx.msk [tilespmem:v13+s28+$0x0], $0xffff;
	_ =	sdelay $0x1  }
0x161: {  	v15 =	vor.u32 $0x5, v3  }
0x162: {  	v16 =	vor.u32 $0x6, v1  }
0x163: {  	v17 =	vor.u32 $0x6, v2  }
0x164: {  	v4 =	vadd.f32 v14, v4;
	_ =	sdelay $0x1  }
0x165: {  	[tilespmem:v15+s29+$0x0] =	vst.idx.msk $0xffff, v4  }
0x166: {  	v4 =	vld.idx.msk [tilespmem:v16+s2+$0x0], $0xffff  }
0x167: {  	v18 =	vld.idx.msk [tilespmem:v17+s28+$0x0], $0xffff;
	_ =	sdelay $0x1  }
0x168: {  	v19 =	vor.u32 $0x6, v3  }
0x169: {  	v20 =	vor.u32 $0x7, v1  }
0x16a: {  	v21 =	vor.u32 $0x7, v2  }
0x16b: {  	v4 =	vadd.f32 v18, v4;
	_ =	sdelay $0x1  }
0x16c: {  	[tilespmem:v19+s29+$0x0] =	vst.idx.msk $0xffff, v4  }
0x16d: {  	v4 =	vld.idx.msk [tilespmem:v20+s2+$0x0], $0xffff  }
0x16e: {  	v22 =	vld.idx.msk [tilespmem:v21+s28+$0x0], $0xffff;
	_ =	sdelay $0x1  }
0x16f: {  	v23 =	vor.u32 $0x7, v3  }
0x170: {  	v24 =	vor.u32 $0x8, v1  }
0x171: {  	v25 =	vor.u32 $0x8, v2  }
0x172: {  	v4 =	vadd.f32 v22, v4;
	_ =	sdelay $0x1  }
0x173: {  	[tilespmem:v23+s29+$0x0] =	vst.idx.msk $0xffff, v4  }
0x174: {  	v4 =	vld.idx.msk [tilespmem:v24+s2+$0x0], $0xffff  }
0x175: {  	v26 =	vld.idx.msk [tilespmem:v25+s28+$0x0], $0xffff;
	_ =	sdelay $0x1  }
0x176: {  	v27 =	vor.u32 $0x8, v3  }
0x177: {  	v28 =	vor.u32 $0x9, v1  }
0x178: {  	v29 =	vor.u32 $0x9, v2  }
0x179: {  	v4 =	vadd.f32 v26, v4;
	_ =	sdelay $0x1  }
0x17a: {  	[tilespmem:v27+s29+$0x0] =	vst.idx.msk $0xffff, v4  }
0x17b: {  	v4 =	vld.idx.msk [tilespmem:v28+s2+$0x0], $0xffff  }
0x17c: {  	v30 =	vld.idx.msk [tilespmem:v29+s28+$0x0], $0xffff;
	_ =	sdelay $0x1  }
0x17d: {  	v31 =	vor.u32 $0x9, v3  }
0x17e: {  	v32 =	vor.u32 $0xA, v1  }
0x17f: {  	v33 =	vor.u32 $0xA, v2  }
0x180: {  	v4 =	vadd.f32 v30, v4;
	_ =	sdelay $0x1  }
0x181: {  	[tilespmem:v31+s29+$0x0] =	vst.idx.msk $0xffff, v4  }
0x182: {  	v4 =	vld.idx.msk [tilespmem:v32+s2+$0x0], $0xffff  }
0x183: {  	v34 =	vld.idx.msk [tilespmem:v33+s28+$0x0], $0xffff;
	_ =	sdelay $0x1  }
0x184: {  	v35 =	vor.u32 $0xA, v3  }
0x185: {  	v36 =	vor.u32 $0xB, v1  }
0x186: {  	v37 =	vor.u32 $0xB, v2  }
0x187: {  	v4 =	vadd.f32 v34, v4;
	_ =	sdelay $0x1  }
0x188: {  	[tilespmem:v35+s29+$0x0] =	vst.idx.msk $0xffff, v4  }
0x189: {  	v4 =	vld.idx.msk [tilespmem:v36+s2+$0x0], $0xffff  }
0x18a: {  	v38 =	vld.idx.msk [tilespmem:v37+s28+$0x0], $0xffff;
	_ =	sdelay $0x1  }
0x18b: {  	v39 =	vor.u32 $0xB, v3  }
0x18c: {  	v40 =	vor.u32 $0xC, v1  }
0x18d: {  	v41 =	vor.u32 $0xC, v2  }
0x18e: {  	v4 =	vadd.f32 v38, v4;
	_ =	sdelay $0x1  }
0x18f: {  	[tilespmem:v39+s29+$0x0] =	vst.idx.msk $0xffff, v4  }
0x190: {  	v4 =	vld.idx.msk [tilespmem:v40+s2+$0x0], $0xffff  }
0x191: {  	v42 =	vld.idx.msk [tilespmem:v41+s28+$0x0], $0xffff;
	_ =	sdelay $0x1  }
0x192: {  	v43 =	vor.u32 $0xC, v3  }
0x193: {  	v44 =	vor.u32 $0xD, v1  }
0x194: {  	v45 =	vor.u32 $0xD, v2  }
0x195: {  	v4 =	vadd.f32 v42, v4;
	_ =	sdelay $0x1  }
0x196: {  	[tilespmem:v43+s29+$0x0] =	vst.idx.msk $0xffff, v4  }
0x197: {  	v4 =	vld.idx.msk [tilespmem:v44+s2+$0x0], $0xffff  }
0x198: {  	v46 =	vld.idx.msk [tilespmem:v45+s28+$0x0], $0xffff;
	_ =	sdelay $0x1  }
0x199: {  	v47 =	vor.u32 $0xD, v3  }
0x19a: {  	v48 =	vor.u32 $0xE, v1  }
0x19b: {  	v49 =	vor.u32 $0xE, v2  }
0x19c: {  	v4 =	vadd.f32 v46, v4;
	_ =	sdelay $0x1  }
0x19d: {  	[tilespmem:v47+s29+$0x0] =	vst.idx.msk $0xffff, v4  }
0x19e: {  	v4 =	vld.idx.msk [tilespmem:v48+s2+$0x0], $0xffff  }
0x19f: {  	v50 =	vld.idx.msk [tilespmem:v49+s28+$0x0], $0xffff;
	_ =	sdelay $0x1  }
0x1a0: {  	v51 =	vor.u32 $0xE, v3  }
0x1a1: {  	v52 =	vor.u32 $0xF, v1  }
0x1a2: {  	v53 =	vor.u32 $0xF, v2  }
0x1a3: {  	v4 =	vadd.f32 v50, v4;
	_ =	sdelay $0x1  }
0x1a4: {  	[tilespmem:v51+s29+$0x0] =	vst.idx.msk $0xffff, v4  }
0x1a5: {  	v4 =	vld.idx.msk [tilespmem:v52+s2+$0x0], $0xffff  }
0x1a6: {  	v54 =	vld.idx.msk [tilespmem:v53+s28+$0x0], $0xffff;
	_ =	sdelay $0x1  }
0x1a7: {  	v55 =	vor.u32 $0xF, v3  }
0x1a8: {  	v56 =	vor.u32 $0x10, v1  }
0x1a9: {  	v57 =	vor.u32 $0x10, v2  }
0x1aa: {  	v4 =	vadd.f32 v54, v4;
	_ =	sdelay $0x1  }
0x1ab: {  	[tilespmem:v55+s29+$0x0] =	vst.idx.msk $0xffff, v4  }
0x1ac: {  	v4 =	vld.idx.msk [tilespmem:v56+s2+$0x0], $0xffff  }
0x1ad: {  	v58 =	vld.idx.msk [tilespmem:v57+s28+$0x0], $0xffff;
	_ =	sdelay $0x1  }
0x1ae: {  	v59 =	vor.u32 $0x10, v3  }
0x1af: {  	v60 =	vor.u32 $0x11, v1  }
0x1b0: {  	v61 =	vor.u32 $0x11, v2  }
0x1b1: {  	v4 =	vadd.f32 v58, v4;
	_ =	sdelay $0x1  }
0x1b2: {  	[tilespmem:v59+s29+$0x0] =	vst.idx.msk $0xffff, v4  }
0x1b3: {  	v4 =	vld.idx.msk [tilespmem:v60+s2+$0x0], $0xffff  }
0x1b4: {  	v62 =	vld.idx.msk [tilespmem:v61+s28+$0x0], $0xffff;
	_ =	sdelay $0x1  }
0x1b5: {  	v63 =	vor.u32 $0x11, v3  }
0x1b6: {  	v12 =	vor.u32 $0x12, v1  }
0x1b7: {  	v13 =	vor.u32 $0x12, v2  }
0x1b8: {  	v4 =	vadd.f32 v62, v4;
	_ =	sdelay $0x1  }
0x1b9: {  	[tilespmem:v63+s29+$0x0] =	vst.idx.msk $0xffff, v4  }
0x1ba: {  	v4 =	vld.idx.msk [tilespmem:v12+s2+$0x0], $0xffff  }
0x1bb: {  	v14 =	vld.idx.msk [tilespmem:v13+s28+$0x0], $0xffff;
	_ =	sdelay $0x1  }
0x1bc: {  	v15 =	vor.u32 $0x12, v3  }
0x1bd: {  	v16 =	vor.u32 $0x13, v1  }
0x1be: {  	v17 =	vor.u32 $0x13, v2  }
0x1bf: {  	v4 =	vadd.f32 v14, v4;
	_ =	sdelay $0x1  }
0x1c0: {  	[tilespmem:v15+s29+$0x0] =	vst.idx.msk $0xffff, v4  }
0x1c1: {  	v4 =	vld.idx.msk [tilespmem:v16+s2+$0x0], $0xffff  }
0x1c2: {  	v18 =	vld.idx.msk [tilespmem:v17+s28+$0x0], $0xffff;
	_ =	sdelay $0x1  }
0x1c3: {  	v19 =	vor.u32 $0x13, v3  }
0x1c4: {  	v20 =	vor.u32 $0x14, v1  }
0x1c5: {  	v21 =	vor.u32 $0x14, v2  }
0x1c6: {  	v4 =	vadd.f32 v18, v4;
	_ =	sdelay $0x1  }
0x1c7: {  	[tilespmem:v19+s29+$0x0] =	vst.idx.msk $0xffff, v4  }
0x1c8: {  	v4 =	vld.idx.msk [tilespmem:v20+s2+$0x0], $0xffff  }
0x1c9: {  	v22 =	vld.idx.msk [tilespmem:v21+s28+$0x0], $0xffff;
	_ =	sdelay $0x1  }
0x1ca: {  	v23 =	vor.u32 $0x14, v3  }
0x1cb: {  	v24 =	vor.u32 $0x15, v1  }
0x1cc: {  	v25 =	vor.u32 $0x15, v2  }
0x1cd: {  	v4 =	vadd.f32 v22, v4;
	_ =	sdelay $0x1  }
0x1ce: {  	[tilespmem:v23+s29+$0x0] =	vst.idx.msk $0xffff, v4  }
0x1cf: {  	v4 =	vld.idx.msk [tilespmem:v24+s2+$0x0], $0xffff  }
0x1d0: {  	v26 =	vld.idx.msk [tilespmem:v25+s28+$0x0], $0xffff;
	_ =	sdelay $0x1  }
0x1d1: {  	v27 =	vor.u32 $0x15, v3  }
0x1d2: {  	v28 =	vor.u32 $0x16, v1  }
0x1d3: {  	v29 =	vor.u32 $0x16, v2  }
0x1d4: {  	v4 =	vadd.f32 v26, v4;
	_ =	sdelay $0x1  }
0x1d5: {  	[tilespmem:v27+s29+$0x0] =	vst.idx.msk $0xffff, v4  }
0x1d6: {  	v4 =	vld.idx.msk [tilespmem:v28+s2+$0x0], $0xffff  }
0x1d7: {  	v30 =	vld.idx.msk [tilespmem:v29+s28+$0x0], $0xffff;
	_ =	sdelay $0x1  }
0x1d8: {  	v31 =	vor.u32 $0x16, v3  }
0x1d9: {  	v32 =	vor.u32 $0x17, v1  }
0x1da: {  	v33 =	vor.u32 $0x17, v2  }
0x1db: {  	v4 =	vadd.f32 v30, v4;
	_ =	sdelay $0x1  }
0x1dc: {  	[tilespmem:v31+s29+$0x0] =	vst.idx.msk $0xffff, v4  }
0x1dd: {  	v4 =	vld.idx.msk [tilespmem:v32+s2+$0x0], $0xffff  }
0x1de: {  	v34 =	vld.idx.msk [tilespmem:v33+s28+$0x0], $0xffff;
	_ =	sdelay $0x1  }
0x1df: {  	v35 =	vor.u32 $0x17, v3  }
0x1e0: {  	v36 =	vor.u32 $0x18, v1  }
0x1e1: {  	v37 =	vor.u32 $0x18, v2  }
0x1e2: {  	v4 =	vadd.f32 v34, v4;
	_ =	sdelay $0x1  }
0x1e3: {  	[tilespmem:v35+s29+$0x0] =	vst.idx.msk $0xffff, v4  }
0x1e4: {  	v4 =	vld.idx.msk [tilespmem:v36+s2+$0x0], $0xffff  }
0x1e5: {  	v38 =	vld.idx.msk [tilespmem:v37+s28+$0x0], $0xffff;
	_ =	sdelay $0x1  }
0x1e6: {  	v39 =	vor.u32 $0x18, v3  }
0x1e7: {  	v40 =	vor.u32 $0x19, v1  }
0x1e8: {  	v41 =	vor.u32 $0x19, v2  }
0x1e9: {  	v4 =	vadd.f32 v38, v4;
	_ =	sdelay $0x1  }
0x1ea: {  	[tilespmem:v39+s29+$0x0] =	vst.idx.msk $0xffff, v4  }
0x1eb: {  	v4 =	vld.idx.msk [tilespmem:v40+s2+$0x0], $0xffff  }
0x1ec: {  	v42 =	vld.idx.msk [tilespmem:v41+s28+$0x0], $0xffff;
	_ =	sdelay $0x1  }
0x1ed: {  	v43 =	vor.u32 $0x19, v3  }
0x1ee: {  	v44 =	vor.u32 $0x1A, v1  }
0x1ef: {  	v45 =	vor.u32 $0x1A, v2  }
0x1f0: {  	v4 =	vadd.f32 v42, v4;
	_ =	sdelay $0x1  }
0x1f1: {  	[tilespmem:v43+s29+$0x0] =	vst.idx.msk $0xffff, v4  }
0x1f2: {  	v4 =	vld.idx.msk [tilespmem:v44+s2+$0x0], $0xffff  }
0x1f3: {  	v46 =	vld.idx.msk [tilespmem:v45+s28+$0x0], $0xffff;
	_ =	sdelay $0x1  }
0x1f4: {  	v47 =	vor.u32 $0x1A, v3  }
0x1f5: {  	v48 =	vor.u32 $0x1B, v1  }
0x1f6: {  	v49 =	vor.u32 $0x1B, v2  }
0x1f7: {  	v4 =	vadd.f32 v46, v4;
	_ =	sdelay $0x1  }
0x1f8: {  	[tilespmem:v47+s29+$0x0] =	vst.idx.msk $0xffff, v4  }
0x1f9: {  	v4 =	vld.idx.msk [tilespmem:v48+s2+$0x0], $0xffff  }
0x1fa: {  	v50 =	vld.idx.msk [tilespmem:v49+s28+$0x0], $0xffff;
	_ =	sdelay $0x1  }
0x1fb: {  	v51 =	vor.u32 $0x1B, v3  }
0x1fc: {  	v52 =	vor.u32 $0x1C, v1  }
0x1fd: {  	v53 =	vor.u32 $0x1C, v2  }
0x1fe: {  	v4 =	vadd.f32 v50, v4;
	_ =	sdelay $0x1  }
0x1ff: {  	[tilespmem:v51+s29+$0x0] =	vst.idx.msk $0xffff, v4  }
0x200: {  	v4 =	vld.idx.msk [tilespmem:v52+s2+$0x0], $0xffff  }
0x201: {  	v54 =	vld.idx.msk [tilespmem:v53+s28+$0x0], $0xffff;
	_ =	sdelay $0x1  }
0x202: {  	v55 =	vor.u32 $0x1C, v3  }
0x203: {  	v56 =	vor.u32 $0x1D, v1  }
0x204: {  	v57 =	vor.u32 $0x1D, v2  }
0x205: {  	v4 =	vadd.f32 v54, v4;
	_ =	sdelay $0x1  }
0x206: {  	[tilespmem:v55+s29+$0x0] =	vst.idx.msk $0xffff, v4  }
0x207: {  	v4 =	vld.idx.msk [tilespmem:v56+s2+$0x0], $0xffff  }
0x208: {  	v58 =	vld.idx.msk [tilespmem:v57+s28+$0x0], $0xffff;
	_ =	sdelay $0x1  }
0x209: {  	v59 =	vor.u32 $0x1D, v3  }
0x20a: {  	v60 =	vor.u32 $0x1E, v1  }
0x20b: {  	v61 =	vor.u32 $0x1E, v2  }
0x20c: {  	v4 =	vadd.f32 v58, v4;
	_ =	sdelay $0x1  }
0x20d: {  	[tilespmem:v59+s29+$0x0] =	vst.idx.msk $0xffff, v4  }
0x20e: {  	v4 =	vld.idx.msk [tilespmem:v60+s2+$0x0], $0xffff  }
0x20f: {  	v62 =	vld.idx.msk [tilespmem:v61+s28+$0x0], $0xffff;
	_ =	sdelay $0x1  }
0x210: {  	v63 =	vor.u32 $0x1E, v3  }
0x211: {  	v1 =	vor.u32 $0x1F, v1  }
0x212: {  	v2 =	vor.u32 $0x1F, v2  }
0x213: {  	v4 =	vadd.f32 v62, v4;
	_ =	sdelay $0x1  }
0x214: {  	[tilespmem:v63+s29+$0x0] =	vst.idx.msk $0xffff, v4  }
0x215: {  	v1 =	vld.idx.msk [tilespmem:v1+s2+$0x0], $0xffff  }
0x216: {  	v2 =	vld.idx.msk [tilespmem:v2+s28+$0x0], $0xffff;
	_ =	sdelay $0x1  }
0x217: {  	p1 =	sne.s32 s31, $0x310;
	v3 =	vor.u32 $0x1F, v3  }
.Ltmp3:
0x218: {  	_ = 	snop;
	(pc) =	sbr.rel @p1 .LBB2_4-.Ltmp3, $4  }
0x219: {  	_ = 	snop  }
0x21a: {  	v1 =	vadd.f32 v2, v1  }
0x21b: {  	s0 =	sadd.s32 $0x10, s0;
	s1 =	sadd.s32 $0x10, s1  }
0x21c: {  	s21 =	sadd.s32 $0x10, s21;
	s22 =	sadd.s32 $0x10, s22;
	s31 =	sadd.s32 $0x10, s31;
	[tilespmem:v3+s29+$0x0] =	vst.idx.msk $0xffff, v1  }
0x21d: {  	s31 =	simm.s32 $0x0  }
0x21e: {  	[hbm4b:s14+s31] =	stream.linear.scatter [tilespmem:s29], [sflag:$0x1], $0x6400, $0x38;
	[tilespmem:$0x8200] =	vst v63  }
0x21f: {  	_ =	swait.ge [sflag:s26], $0x6400  }
0x220: {  	[sflag:s26] =	ssyncset.done $0x0  }
0x221: {  	s0 =	simm.s32 $0x1000;
	[sflag:s26] =	ssyncadd.s32 $0xFFFF9C00  }
0x222: {  	[tilespmem:s0], [sflag:$0x1] =	stream.linear.gather [hbm4b:s15+s31], $0x320, $0x38;
	[tilespmem:$0x8200] =	vst v63  }
0x223: {  	_ =	swait.ge [sflag:s26], $0x320  }
0x224: {  	[sflag:s26] =	ssyncset.done $0x0  }
0x225: {  	s1 =	simm.s32 $0x1380;
	[sflag:s26] =	ssyncadd.s32 $0xFFFFFCE0  }
0x226: {  	[tilespmem:s1], [sflag:$0x1] =	stream.linear.gather [hbm4b:s16+s31], $0x320, $0x38;
	[tilespmem:$0x8200] =	vst v63  }
0x227: {  	_ =	swait.ge [sflag:s26], $0x320  }
0x228: {  	[sflag:s26] =	ssyncset.done $0x0  }
0x229: {  	s21 =	simm.s32 $0x1700;
	[sflag:s26] =	ssyncadd.s32 $0xFFFFFCE0  }
0x22a: {  	[tilespmem:s21], [sflag:$0x1] =	stream.linear.gather [hbm4b:s17+s31], $0x320, $0x38;
	[tilespmem:$0x8200] =	vst v63  }
0x22b: {  	_ =	swait.ge [sflag:s26], $0x320  }
0x22c: {  	[sflag:s26] =	ssyncset.done $0x0  }
0x22d: {  	s22 =	simm.s32 $0x1A80;
	[sflag:s26] =	ssyncadd.s32 $0xFFFFFCE0  }
0x22e: {  	[tilespmem:s22], [sflag:$0x1] =	stream.linear.gather [hbm4b:s19+s31], $0x320, $0x38;
	[tilespmem:$0x8200] =	vst v63  }
0x22f: {  	_ =	swait.ge [sflag:s26], $0x320  }
0x230: {  	[sflag:s26] =	ssyncset.done $0x0  }
0x231: {  	[sflag:s26] =	ssyncadd.s32 $0xFFFFFCE0  }
.LBB2_6:
0x232: {  	v1 =	vld [tilespmem:s0+$0x0]  }
0x233: {  	v2 =	vld [tilespmem:s1+$0x0]  }
0x234: {  	v3 =	vld [tilespmem:s21+$0x0]  }
0x235: {  	v4 =	vld [tilespmem:s22+$0x0];
	_ =	sdelay $0x3  }
0x236: {  	v1 =	vadd.s32 v1, v2  }
0x237: {  	v2 =	vadd.s32 v3, v4;
	vm0 =	vlt.s32 v1, $0x3F  }
0x238: {  	vm15 =	vlt.s32 v2, $0x3F;
	v1 =	vnsel vm0, $0x3F, v1  }
0x239: {  	v2 =	vnsel vm15, $0x3F, v2;
	v1 =	vshll.u32 v1, $0x5  }
0x23a: {  	v2 =	vshll.u32 v2, $0x5;
	_ =	sdelay $0x3  }
0x23b: {  	v50 =	vld.idx.msk [tilespmem:v1+s2+$0x0], $0xffff  }
0x23c: {  	v3 =	vmov s31;
	v5 =	vld.idx.msk [tilespmem:v2+s28+$0x0], $0xffff  }
0x23d: {  	v3 =	vshll.u32 v3, $0x5  }
0x23e: {  	v3 =	vor.u32 v0, v3  }
0x23f: {  	v6 =	vor.u32 $0x1, v1  }
0x240: {  	v7 =	vor.u32 $0x1, v2  }
0x241: {  	v4 =	vadd.f32 v5, v50;
	_ =	sdelay $0x1  }
0x242: {  	[tilespmem:v3+s29+$0x0] =	vst.idx.msk $0xffff, v4  }
0x243: {  	v4 =	vld.idx.msk [tilespmem:v6+s2+$0x0], $0xffff  }
0x244: {  	v51 =	vld.idx.msk [tilespmem:v7+s28+$0x0], $0xffff;
	_ =	sdelay $0x1  }
0x245: {  	v52 =	vor.u32 $0x1, v3  }
0x246: {  	v53 =	vor.u32 $0x2, v1  }
0x247: {  	v8 =	vor.u32 $0x2, v2  }
0x248: {  	v4 =	vadd.f32 v51, v4;
	_ =	sdelay $0x1  }
0x249: {  	[tilespmem:v52+s29+$0x0] =	vst.idx.msk $0xffff, v4  }
0x24a: {  	v4 =	vld.idx.msk [tilespmem:v53+s2+$0x0], $0xffff  }
0x24b: {  	v54 =	vld.idx.msk [tilespmem:v8+s28+$0x0], $0xffff;
	_ =	sdelay $0x1  }
0x24c: {  	v55 =	vor.u32 $0x2, v3  }
0x24d: {  	v56 =	vor.u32 $0x3, v1  }
0x24e: {  	v57 =	vor.u32 $0x3, v2  }
0x24f: {  	v4 =	vadd.f32 v54, v4;
	_ =	sdelay $0x1  }
0x250: {  	[tilespmem:v55+s29+$0x0] =	vst.idx.msk $0xffff, v4  }
0x251: {  	v4 =	vld.idx.msk [tilespmem:v56+s2+$0x0], $0xffff  }
0x252: {  	v58 =	vld.idx.msk [tilespmem:v57+s28+$0x0], $0xffff;
	_ =	sdelay $0x1  }
0x253: {  	v59 =	vor.u32 $0x3, v3  }
0x254: {  	v60 =	vor.u32 $0x4, v1  }
0x255: {  	v61 =	vor.u32 $0x4, v2  }
0x256: {  	v4 =	vadd.f32 v58, v4;
	_ =	sdelay $0x1  }
0x257: {  	[tilespmem:v59+s29+$0x0] =	vst.idx.msk $0xffff, v4  }
0x258: {  	v4 =	vld.idx.msk [tilespmem:v60+s2+$0x0], $0xffff  }
0x259: {  	v62 =	vld.idx.msk [tilespmem:v61+s28+$0x0], $0xffff;
	_ =	sdelay $0x1  }
0x25a: {  	v63 =	vor.u32 $0x4, v3  }
0x25b: {  	v12 =	vor.u32 $0x5, v1  }
0x25c: {  	v13 =	vor.u32 $0x5, v2  }
0x25d: {  	v4 =	vadd.f32 v62, v4;
	_ =	sdelay $0x1  }
0x25e: {  	[tilespmem:v63+s29+$0x0] =	vst.idx.msk $0xffff, v4  }
0x25f: {  	v4 =	vld.idx.msk [tilespmem:v12+s2+$0x0], $0xffff  }
0x260: {  	v14 =	vld.idx.msk [tilespmem:v13+s28+$0x0], $0xffff;
	_ =	sdelay $0x1  }
0x261: {  	v15 =	vor.u32 $0x5, v3  }
0x262: {  	v16 =	vor.u32 $0x6, v1  }
0x263: {  	v17 =	vor.u32 $0x6, v2  }
0x264: {  	v4 =	vadd.f32 v14, v4;
	_ =	sdelay $0x1  }
0x265: {  	[tilespmem:v15+s29+$0x0] =	vst.idx.msk $0xffff, v4  }
0x266: {  	v4 =	vld.idx.msk [tilespmem:v16+s2+$0x0], $0xffff  }
0x267: {  	v18 =	vld.idx.msk [tilespmem:v17+s28+$0x0], $0xffff;
	_ =	sdelay $0x1  }
0x268: {  	v19 =	vor.u32 $0x6, v3  }
0x269: {  	v20 =	vor.u32 $0x7, v1  }
0x26a: {  	v21 =	vor.u32 $0x7, v2  }
0x26b: {  	v4 =	vadd.f32 v18, v4;
	_ =	sdelay $0x1  }
0x26c: {  	[tilespmem:v19+s29+$0x0] =	vst.idx.msk $0xffff, v4  }
0x26d: {  	v4 =	vld.idx.msk [tilespmem:v20+s2+$0x0], $0xffff  }
0x26e: {  	v22 =	vld.idx.msk [tilespmem:v21+s28+$0x0], $0xffff;
	_ =	sdelay $0x1  }
0x26f: {  	v23 =	vor.u32 $0x7, v3  }
0x270: {  	v24 =	vor.u32 $0x8, v1  }
0x271: {  	v25 =	vor.u32 $0x8, v2  }
0x272: {  	v4 =	vadd.f32 v22, v4;
	_ =	sdelay $0x1  }
0x273: {  	[tilespmem:v23+s29+$0x0] =	vst.idx.msk $0xffff, v4  }
0x274: {  	v4 =	vld.idx.msk [tilespmem:v24+s2+$0x0], $0xffff  }
0x275: {  	v26 =	vld.idx.msk [tilespmem:v25+s28+$0x0], $0xffff;
	_ =	sdelay $0x1  }
0x276: {  	v27 =	vor.u32 $0x8, v3  }
0x277: {  	v28 =	vor.u32 $0x9, v1  }
0x278: {  	v29 =	vor.u32 $0x9, v2  }
0x279: {  	v4 =	vadd.f32 v26, v4;
	_ =	sdelay $0x1  }
0x27a: {  	[tilespmem:v27+s29+$0x0] =	vst.idx.msk $0xffff, v4  }
0x27b: {  	v4 =	vld.idx.msk [tilespmem:v28+s2+$0x0], $0xffff  }
0x27c: {  	v30 =	vld.idx.msk [tilespmem:v29+s28+$0x0], $0xffff;
	_ =	sdelay $0x1  }
0x27d: {  	v31 =	vor.u32 $0x9, v3  }
0x27e: {  	v32 =	vor.u32 $0xA, v1  }
0x27f: {  	v33 =	vor.u32 $0xA, v2  }
0x280: {  	v4 =	vadd.f32 v30, v4;
	_ =	sdelay $0x1  }
0x281: {  	[tilespmem:v31+s29+$0x0] =	vst.idx.msk $0xffff, v4  }
0x282: {  	v4 =	vld.idx.msk [tilespmem:v32+s2+$0x0], $0xffff  }
0x283: {  	v34 =	vld.idx.msk [tilespmem:v33+s28+$0x0], $0xffff;
	_ =	sdelay $0x1  }
0x284: {  	v35 =	vor.u32 $0xA, v3  }
0x285: {  	v36 =	vor.u32 $0xB, v1  }
0x286: {  	v37 =	vor.u32 $0xB, v2  }
0x287: {  	v4 =	vadd.f32 v34, v4;
	_ =	sdelay $0x1  }
0x288: {  	[tilespmem:v35+s29+$0x0] =	vst.idx.msk $0xffff, v4  }
0x289: {  	v4 =	vld.idx.msk [tilespmem:v36+s2+$0x0], $0xffff  }
0x28a: {  	v38 =	vld.idx.msk [tilespmem:v37+s28+$0x0], $0xffff;
	_ =	sdelay $0x1  }
0x28b: {  	v39 =	vor.u32 $0xB, v3  }
0x28c: {  	v40 =	vor.u32 $0xC, v1  }
0x28d: {  	v41 =	vor.u32 $0xC, v2  }
0x28e: {  	v4 =	vadd.f32 v38, v4;
	_ =	sdelay $0x1  }
0x28f: {  	[tilespmem:v39+s29+$0x0] =	vst.idx.msk $0xffff, v4  }
0x290: {  	v4 =	vld.idx.msk [tilespmem:v40+s2+$0x0], $0xffff  }
0x291: {  	v42 =	vld.idx.msk [tilespmem:v41+s28+$0x0], $0xffff;
	_ =	sdelay $0x1  }
0x292: {  	v43 =	vor.u32 $0xC, v3  }
0x293: {  	v44 =	vor.u32 $0xD, v1  }
0x294: {  	v45 =	vor.u32 $0xD, v2  }
0x295: {  	v4 =	vadd.f32 v42, v4;
	_ =	sdelay $0x1  }
0x296: {  	[tilespmem:v43+s29+$0x0] =	vst.idx.msk $0xffff, v4  }
0x297: {  	v4 =	vld.idx.msk [tilespmem:v44+s2+$0x0], $0xffff  }
0x298: {  	v46 =	vld.idx.msk [tilespmem:v45+s28+$0x0], $0xffff;
	_ =	sdelay $0x1  }
0x299: {  	v47 =	vor.u32 $0xD, v3  }
0x29a: {  	v48 =	vor.u32 $0xE, v1  }
0x29b: {  	v49 =	vor.u32 $0xE, v2  }
0x29c: {  	v4 =	vadd.f32 v46, v4;
	_ =	sdelay $0x1  }
0x29d: {  	[tilespmem:v47+s29+$0x0] =	vst.idx.msk $0xffff, v4  }
0x29e: {  	v4 =	vld.idx.msk [tilespmem:v48+s2+$0x0], $0xffff  }
0x29f: {  	v50 =	vld.idx.msk [tilespmem:v49+s28+$0x0], $0xffff;
	_ =	sdelay $0x1  }
0x2a0: {  	v51 =	vor.u32 $0xE, v3  }
0x2a1: {  	v52 =	vor.u32 $0xF, v1  }
0x2a2: {  	v53 =	vor.u32 $0xF, v2  }
0x2a3: {  	v4 =	vadd.f32 v50, v4;
	_ =	sdelay $0x1  }
0x2a4: {  	[tilespmem:v51+s29+$0x0] =	vst.idx.msk $0xffff, v4  }
0x2a5: {  	v4 =	vld.idx.msk [tilespmem:v52+s2+$0x0], $0xffff  }
0x2a6: {  	v54 =	vld.idx.msk [tilespmem:v53+s28+$0x0], $0xffff;
	_ =	sdelay $0x1  }
0x2a7: {  	v55 =	vor.u32 $0xF, v3  }
0x2a8: {  	v56 =	vor.u32 $0x10, v1  }
0x2a9: {  	v57 =	vor.u32 $0x10, v2  }
0x2aa: {  	v4 =	vadd.f32 v54, v4;
	_ =	sdelay $0x1  }
0x2ab: {  	[tilespmem:v55+s29+$0x0] =	vst.idx.msk $0xffff, v4  }
0x2ac: {  	v4 =	vld.idx.msk [tilespmem:v56+s2+$0x0], $0xffff  }
0x2ad: {  	v58 =	vld.idx.msk [tilespmem:v57+s28+$0x0], $0xffff;
	_ =	sdelay $0x1  }
0x2ae: {  	v59 =	vor.u32 $0x10, v3  }
0x2af: {  	v60 =	vor.u32 $0x11, v1  }
0x2b0: {  	v61 =	vor.u32 $0x11, v2  }
0x2b1: {  	v4 =	vadd.f32 v58, v4;
	_ =	sdelay $0x1  }
0x2b2: {  	[tilespmem:v59+s29+$0x0] =	vst.idx.msk $0xffff, v4  }
0x2b3: {  	v4 =	vld.idx.msk [tilespmem:v60+s2+$0x0], $0xffff  }
0x2b4: {  	v62 =	vld.idx.msk [tilespmem:v61+s28+$0x0], $0xffff;
	_ =	sdelay $0x1  }
0x2b5: {  	v63 =	vor.u32 $0x11, v3  }
0x2b6: {  	v12 =	vor.u32 $0x12, v1  }
0x2b7: {  	v13 =	vor.u32 $0x12, v2  }
0x2b8: {  	v4 =	vadd.f32 v62, v4;
	_ =	sdelay $0x1  }
0x2b9: {  	[tilespmem:v63+s29+$0x0] =	vst.idx.msk $0xffff, v4  }
0x2ba: {  	v4 =	vld.idx.msk [tilespmem:v12+s2+$0x0], $0xffff  }
0x2bb: {  	v14 =	vld.idx.msk [tilespmem:v13+s28+$0x0], $0xffff;
	_ =	sdelay $0x1  }
0x2bc: {  	v15 =	vor.u32 $0x12, v3  }
0x2bd: {  	v16 =	vor.u32 $0x13, v1  }
0x2be: {  	v17 =	vor.u32 $0x13, v2  }
0x2bf: {  	v4 =	vadd.f32 v14, v4;
	_ =	sdelay $0x1  }
0x2c0: {  	[tilespmem:v15+s29+$0x0] =	vst.idx.msk $0xffff, v4  }
0x2c1: {  	v4 =	vld.idx.msk [tilespmem:v16+s2+$0x0], $0xffff  }
0x2c2: {  	v18 =	vld.idx.msk [tilespmem:v17+s28+$0x0], $0xffff;
	_ =	sdelay $0x1  }
0x2c3: {  	v19 =	vor.u32 $0x13, v3  }
0x2c4: {  	v20 =	vor.u32 $0x14, v1  }
0x2c5: {  	v21 =	vor.u32 $0x14, v2  }
0x2c6: {  	v4 =	vadd.f32 v18, v4;
	_ =	sdelay $0x1  }
0x2c7: {  	[tilespmem:v19+s29+$0x0] =	vst.idx.msk $0xffff, v4  }
0x2c8: {  	v4 =	vld.idx.msk [tilespmem:v20+s2+$0x0], $0xffff  }
0x2c9: {  	v22 =	vld.idx.msk [tilespmem:v21+s28+$0x0], $0xffff;
	_ =	sdelay $0x1  }
0x2ca: {  	v23 =	vor.u32 $0x14, v3  }
0x2cb: {  	v24 =	vor.u32 $0x15, v1  }
0x2cc: {  	v25 =	vor.u32 $0x15, v2  }
0x2cd: {  	v4 =	vadd.f32 v22, v4;
	_ =	sdelay $0x1  }
0x2ce: {  	[tilespmem:v23+s29+$0x0] =	vst.idx.msk $0xffff, v4  }
0x2cf: {  	v4 =	vld.idx.msk [tilespmem:v24+s2+$0x0], $0xffff  }
0x2d0: {  	v26 =	vld.idx.msk [tilespmem:v25+s28+$0x0], $0xffff;
	_ =	sdelay $0x1  }
0x2d1: {  	v27 =	vor.u32 $0x15, v3  }
0x2d2: {  	v28 =	vor.u32 $0x16, v1  }
0x2d3: {  	v29 =	vor.u32 $0x16, v2  }
0x2d4: {  	v4 =	vadd.f32 v26, v4;
	_ =	sdelay $0x1  }
0x2d5: {  	[tilespmem:v27+s29+$0x0] =	vst.idx.msk $0xffff, v4  }
0x2d6: {  	v4 =	vld.idx.msk [tilespmem:v28+s2+$0x0], $0xffff  }
0x2d7: {  	v30 =	vld.idx.msk [tilespmem:v29+s28+$0x0], $0xffff;
	_ =	sdelay $0x1  }
0x2d8: {  	v31 =	vor.u32 $0x16, v3  }
0x2d9: {  	v32 =	vor.u32 $0x17, v1  }
0x2da: {  	v33 =	vor.u32 $0x17, v2  }
0x2db: {  	v4 =	vadd.f32 v30, v4;
	_ =	sdelay $0x1  }
0x2dc: {  	[tilespmem:v31+s29+$0x0] =	vst.idx.msk $0xffff, v4  }
0x2dd: {  	v4 =	vld.idx.msk [tilespmem:v32+s2+$0x0], $0xffff  }
0x2de: {  	v34 =	vld.idx.msk [tilespmem:v33+s28+$0x0], $0xffff;
	_ =	sdelay $0x1  }
0x2df: {  	v35 =	vor.u32 $0x17, v3  }
0x2e0: {  	v36 =	vor.u32 $0x18, v1  }
0x2e1: {  	v37 =	vor.u32 $0x18, v2  }
0x2e2: {  	v4 =	vadd.f32 v34, v4;
	_ =	sdelay $0x1  }
0x2e3: {  	[tilespmem:v35+s29+$0x0] =	vst.idx.msk $0xffff, v4  }
0x2e4: {  	v4 =	vld.idx.msk [tilespmem:v36+s2+$0x0], $0xffff  }
0x2e5: {  	v38 =	vld.idx.msk [tilespmem:v37+s28+$0x0], $0xffff;
	_ =	sdelay $0x1  }
0x2e6: {  	v39 =	vor.u32 $0x18, v3  }
0x2e7: {  	v40 =	vor.u32 $0x19, v1  }
0x2e8: {  	v41 =	vor.u32 $0x19, v2  }
0x2e9: {  	v4 =	vadd.f32 v38, v4;
	_ =	sdelay $0x1  }
0x2ea: {  	[tilespmem:v39+s29+$0x0] =	vst.idx.msk $0xffff, v4  }
0x2eb: {  	v4 =	vld.idx.msk [tilespmem:v40+s2+$0x0], $0xffff  }
0x2ec: {  	v42 =	vld.idx.msk [tilespmem:v41+s28+$0x0], $0xffff;
	_ =	sdelay $0x1  }
0x2ed: {  	v43 =	vor.u32 $0x19, v3  }
0x2ee: {  	v44 =	vor.u32 $0x1A, v1  }
0x2ef: {  	v45 =	vor.u32 $0x1A, v2  }
0x2f0: {  	v4 =	vadd.f32 v42, v4;
	_ =	sdelay $0x1  }
0x2f1: {  	[tilespmem:v43+s29+$0x0] =	vst.idx.msk $0xffff, v4  }
0x2f2: {  	v4 =	vld.idx.msk [tilespmem:v44+s2+$0x0], $0xffff  }
0x2f3: {  	v46 =	vld.idx.msk [tilespmem:v45+s28+$0x0], $0xffff;
	_ =	sdelay $0x1  }
0x2f4: {  	v47 =	vor.u32 $0x1A, v3  }
0x2f5: {  	v48 =	vor.u32 $0x1B, v1  }
0x2f6: {  	v49 =	vor.u32 $0x1B, v2  }
0x2f7: {  	v4 =	vadd.f32 v46, v4;
	_ =	sdelay $0x1  }
0x2f8: {  	[tilespmem:v47+s29+$0x0] =	vst.idx.msk $0xffff, v4  }
0x2f9: {  	v4 =	vld.idx.msk [tilespmem:v48+s2+$0x0], $0xffff  }
0x2fa: {  	v50 =	vld.idx.msk [tilespmem:v49+s28+$0x0], $0xffff;
	_ =	sdelay $0x1  }
0x2fb: {  	v51 =	vor.u32 $0x1B, v3  }
0x2fc: {  	v52 =	vor.u32 $0x1C, v1  }
0x2fd: {  	v53 =	vor.u32 $0x1C, v2  }
0x2fe: {  	v4 =	vadd.f32 v50, v4;
	_ =	sdelay $0x1  }
0x2ff: {  	[tilespmem:v51+s29+$0x0] =	vst.idx.msk $0xffff, v4  }
0x300: {  	v4 =	vld.idx.msk [tilespmem:v52+s2+$0x0], $0xffff  }
0x301: {  	v54 =	vld.idx.msk [tilespmem:v53+s28+$0x0], $0xffff;
	_ =	sdelay $0x1  }
0x302: {  	v55 =	vor.u32 $0x1C, v3  }
0x303: {  	v56 =	vor.u32 $0x1D, v1  }
0x304: {  	v57 =	vor.u32 $0x1D, v2  }
0x305: {  	v4 =	vadd.f32 v54, v4;
	_ =	sdelay $0x1  }
0x306: {  	[tilespmem:v55+s29+$0x0] =	vst.idx.msk $0xffff, v4  }
0x307: {  	v4 =	vld.idx.msk [tilespmem:v56+s2+$0x0], $0xffff  }
0x308: {  	v58 =	vld.idx.msk [tilespmem:v57+s28+$0x0], $0xffff;
	_ =	sdelay $0x1  }
0x309: {  	v59 =	vor.u32 $0x1D, v3  }
0x30a: {  	v60 =	vor.u32 $0x1E, v1  }
0x30b: {  	v61 =	vor.u32 $0x1E, v2  }
0x30c: {  	v4 =	vadd.f32 v58, v4;
	_ =	sdelay $0x1  }
0x30d: {  	[tilespmem:v59+s29+$0x0] =	vst.idx.msk $0xffff, v4  }
0x30e: {  	v4 =	vld.idx.msk [tilespmem:v60+s2+$0x0], $0xffff  }
0x30f: {  	v62 =	vld.idx.msk [tilespmem:v61+s28+$0x0], $0xffff;
	_ =	sdelay $0x1  }
0x310: {  	v63 =	vor.u32 $0x1E, v3  }
0x311: {  	v1 =	vor.u32 $0x1F, v1  }
0x312: {  	v2 =	vor.u32 $0x1F, v2  }
0x313: {  	v4 =	vadd.f32 v62, v4;
	_ =	sdelay $0x1  }
0x314: {  	[tilespmem:v63+s29+$0x0] =	vst.idx.msk $0xffff, v4  }
0x315: {  	v1 =	vld.idx.msk [tilespmem:v1+s2+$0x0], $0xffff  }
0x316: {  	v2 =	vld.idx.msk [tilespmem:v2+s28+$0x0], $0xffff;
	_ =	sdelay $0x1  }
0x317: {  	p1 =	sne.s32 s31, $0x310;
	v3 =	vor.u32 $0x1F, v3  }
.Ltmp4:
0x318: {  	_ = 	snop;
	(pc) =	sbr.rel @p1 .LBB2_6-.Ltmp4, $4  }
0x319: {  	_ = 	snop  }
0x31a: {  	v1 =	vadd.f32 v2, v1  }
0x31b: {  	s0 =	sadd.s32 $0x10, s0;
	s1 =	sadd.s32 $0x10, s1  }
0x31c: {  	s21 =	sadd.s32 $0x10, s21;
	s22 =	sadd.s32 $0x10, s22;
	s31 =	sadd.s32 $0x10, s31;
	[tilespmem:v3+s29+$0x0] =	vst.idx.msk $0xffff, v1  }
.Ltmp5:
0x31d: {  	(pc) =	sbr.rel @p0 .LBB2_11-.Ltmp5, $4  }
0x31e: {  	[hbm4b:s20+s2] =	stream.linear.scatter [tilespmem:s29], [sflag:$0x1], $0x6400, $0x38;
	[tilespmem:$0x8200] =	vst v63  }
0x31f: {  	_ =	swait.ge [sflag:s26], $0x6400  }
0x320: {  	[sflag:s26] =	ssyncset.done $0x0  }
0x321: {  	[sflag:s26] =	ssyncadd.s32 $0xFFFF9C00  }
0x322: {  	s31 =	simm.s32 $0x0;
	s0 =	simm.s32 $0x1000  }
0x323: {  	[tilespmem:s0], [sflag:$0x1] =	stream.linear.gather [hbm4b:s18+s31], $0x320, $0x38;
	[tilespmem:$0x8200] =	vst v63  }
0x324: {  	_ =	swait.ge [sflag:s26], $0x320  }
0x325: {  	[sflag:s26] =	ssyncset.done $0x0  }
0x326: {  	s1 =	simm.s32 $0x1380;
	s21 =	rddreg [dreg:$0x3];
	[sflag:s26] =	ssyncadd.s32 $0xFFFFFCE0  }
0x327: {  	[tilespmem:s1], [sflag:$0x1] =	stream.linear.gather [hbm4b:s21+s31], $0x320, $0x38;
	[tilespmem:$0x8200] =	vst v63  }
0x328: {  	_ =	swait.ge [sflag:s26], $0x320  }
0x329: {  	[sflag:s26] =	ssyncset.done $0x0  }
0x32a: {  	s21 =	simm.s32 $0x1700;
	[sflag:s26] =	ssyncadd.s32 $0xFFFFFCE0  }
0x32b: {  	[tilespmem:s21], [sflag:$0x1] =	stream.linear.gather [hbm4b:s23+s31], $0x320, $0x38;
	[tilespmem:$0x8200] =	vst v63  }
0x32c: {  	_ =	swait.ge [sflag:s26], $0x320  }
0x32d: {  	[sflag:s26] =	ssyncset.done $0x0  }
0x32e: {  	s22 =	simm.s32 $0x1A80;
	[sflag:s26] =	ssyncadd.s32 $0xFFFFFCE0  }
0x32f: {  	[tilespmem:s22], [sflag:$0x1] =	stream.linear.gather [hbm4b:s24+s31], $0x320, $0x38;
	[tilespmem:$0x8200] =	vst v63  }
0x330: {  	_ =	swait.ge [sflag:s26], $0x320  }
0x331: {  	[sflag:s26] =	ssyncset.done $0x0  }
0x332: {  	[sflag:s26] =	ssyncadd.s32 $0xFFFFFCE0  }
.LBB2_9:
0x333: {  	v1 =	vld [tilespmem:s0+$0x0]  }
0x334: {  	v2 =	vld [tilespmem:s1+$0x0]  }
0x335: {  	v3 =	vld [tilespmem:s21+$0x0]  }
0x336: {  	v4 =	vld [tilespmem:s22+$0x0];
	_ =	sdelay $0x3  }
0x337: {  	v1 =	vadd.s32 v1, v2  }
0x338: {  	v2 =	vadd.s32 v3, v4;
	vm0 =	vlt.s32 v1, $0x3F  }
0x339: {  	vm15 =	vlt.s32 v2, $0x3F;
	v1 =	vnsel vm0, $0x3F, v1  }
0x33a: {  	v2 =	vnsel vm15, $0x3F, v2;
	v1 =	vshll.u32 v1, $0x5  }
0x33b: {  	v2 =	vshll.u32 v2, $0x5;
	_ =	sdelay $0x3  }
0x33c: {  	v50 =	vld.idx.msk [tilespmem:v1+s2+$0x0], $0xffff  }
0x33d: {  	v3 =	vmov s31;
	v5 =	vld.idx.msk [tilespmem:v2+s28+$0x0], $0xffff  }
0x33e: {  	v3 =	vshll.u32 v3, $0x5  }
0x33f: {  	v3 =	vor.u32 v0, v3  }
0x340: {  	v6 =	vor.u32 $0x1, v1  }
0x341: {  	v7 =	vor.u32 $0x1, v2  }
0x342: {  	v4 =	vadd.f32 v5, v50;
	_ =	sdelay $0x1  }
0x343: {  	[tilespmem:v3+s29+$0x0] =	vst.idx.msk $0xffff, v4  }
0x344: {  	v4 =	vld.idx.msk [tilespmem:v6+s2+$0x0], $0xffff  }
0x345: {  	v51 =	vld.idx.msk [tilespmem:v7+s28+$0x0], $0xffff;
	_ =	sdelay $0x1  }
0x346: {  	v52 =	vor.u32 $0x1, v3  }
0x347: {  	v53 =	vor.u32 $0x2, v1  }
0x348: {  	v8 =	vor.u32 $0x2, v2  }
0x349: {  	v4 =	vadd.f32 v51, v4;
	_ =	sdelay $0x1  }
0x34a: {  	[tilespmem:v52+s29+$0x0] =	vst.idx.msk $0xffff, v4  }
0x34b: {  	v4 =	vld.idx.msk [tilespmem:v53+s2+$0x0], $0xffff  }
0x34c: {  	v54 =	vld.idx.msk [tilespmem:v8+s28+$0x0], $0xffff;
	_ =	sdelay $0x1  }
0x34d: {  	v55 =	vor.u32 $0x2, v3  }
0x34e: {  	v56 =	vor.u32 $0x3, v1  }
0x34f: {  	v57 =	vor.u32 $0x3, v2  }
0x350: {  	v4 =	vadd.f32 v54, v4;
	_ =	sdelay $0x1  }
0x351: {  	[tilespmem:v55+s29+$0x0] =	vst.idx.msk $0xffff, v4  }
0x352: {  	v4 =	vld.idx.msk [tilespmem:v56+s2+$0x0], $0xffff  }
0x353: {  	v58 =	vld.idx.msk [tilespmem:v57+s28+$0x0], $0xffff;
	_ =	sdelay $0x1  }
0x354: {  	v59 =	vor.u32 $0x3, v3  }
0x355: {  	v60 =	vor.u32 $0x4, v1  }
0x356: {  	v61 =	vor.u32 $0x4, v2  }
0x357: {  	v4 =	vadd.f32 v58, v4;
	_ =	sdelay $0x1  }
0x358: {  	[tilespmem:v59+s29+$0x0] =	vst.idx.msk $0xffff, v4  }
0x359: {  	v4 =	vld.idx.msk [tilespmem:v60+s2+$0x0], $0xffff  }
0x35a: {  	v62 =	vld.idx.msk [tilespmem:v61+s28+$0x0], $0xffff;
	_ =	sdelay $0x1  }
0x35b: {  	v63 =	vor.u32 $0x4, v3  }
0x35c: {  	v12 =	vor.u32 $0x5, v1  }
0x35d: {  	v13 =	vor.u32 $0x5, v2  }
0x35e: {  	v4 =	vadd.f32 v62, v4;
	_ =	sdelay $0x1  }
0x35f: {  	[tilespmem:v63+s29+$0x0] =	vst.idx.msk $0xffff, v4  }
0x360: {  	v4 =	vld.idx.msk [tilespmem:v12+s2+$0x0], $0xffff  }
0x361: {  	v14 =	vld.idx.msk [tilespmem:v13+s28+$0x0], $0xffff;
	_ =	sdelay $0x1  }
0x362: {  	v15 =	vor.u32 $0x5, v3  }
0x363: {  	v16 =	vor.u32 $0x6, v1  }
0x364: {  	v17 =	vor.u32 $0x6, v2  }
0x365: {  	v4 =	vadd.f32 v14, v4;
	_ =	sdelay $0x1  }
0x366: {  	[tilespmem:v15+s29+$0x0] =	vst.idx.msk $0xffff, v4  }
0x367: {  	v4 =	vld.idx.msk [tilespmem:v16+s2+$0x0], $0xffff  }
0x368: {  	v18 =	vld.idx.msk [tilespmem:v17+s28+$0x0], $0xffff;
	_ =	sdelay $0x1  }
0x369: {  	v19 =	vor.u32 $0x6, v3  }
0x36a: {  	v20 =	vor.u32 $0x7, v1  }
0x36b: {  	v21 =	vor.u32 $0x7, v2  }
0x36c: {  	v4 =	vadd.f32 v18, v4;
	_ =	sdelay $0x1  }
0x36d: {  	[tilespmem:v19+s29+$0x0] =	vst.idx.msk $0xffff, v4  }
0x36e: {  	v4 =	vld.idx.msk [tilespmem:v20+s2+$0x0], $0xffff  }
0x36f: {  	v22 =	vld.idx.msk [tilespmem:v21+s28+$0x0], $0xffff;
	_ =	sdelay $0x1  }
0x370: {  	v23 =	vor.u32 $0x7, v3  }
0x371: {  	v24 =	vor.u32 $0x8, v1  }
0x372: {  	v25 =	vor.u32 $0x8, v2  }
0x373: {  	v4 =	vadd.f32 v22, v4;
	_ =	sdelay $0x1  }
0x374: {  	[tilespmem:v23+s29+$0x0] =	vst.idx.msk $0xffff, v4  }
0x375: {  	v4 =	vld.idx.msk [tilespmem:v24+s2+$0x0], $0xffff  }
0x376: {  	v26 =	vld.idx.msk [tilespmem:v25+s28+$0x0], $0xffff;
	_ =	sdelay $0x1  }
0x377: {  	v27 =	vor.u32 $0x8, v3  }
0x378: {  	v28 =	vor.u32 $0x9, v1  }
0x379: {  	v29 =	vor.u32 $0x9, v2  }
0x37a: {  	v4 =	vadd.f32 v26, v4;
	_ =	sdelay $0x1  }
0x37b: {  	[tilespmem:v27+s29+$0x0] =	vst.idx.msk $0xffff, v4  }
0x37c: {  	v4 =	vld.idx.msk [tilespmem:v28+s2+$0x0], $0xffff  }
0x37d: {  	v30 =	vld.idx.msk [tilespmem:v29+s28+$0x0], $0xffff;
	_ =	sdelay $0x1  }
0x37e: {  	v31 =	vor.u32 $0x9, v3  }
0x37f: {  	v32 =	vor.u32 $0xA, v1  }
0x380: {  	v33 =	vor.u32 $0xA, v2  }
0x381: {  	v4 =	vadd.f32 v30, v4;
	_ =	sdelay $0x1  }
0x382: {  	[tilespmem:v31+s29+$0x0] =	vst.idx.msk $0xffff, v4  }
0x383: {  	v4 =	vld.idx.msk [tilespmem:v32+s2+$0x0], $0xffff  }
0x384: {  	v34 =	vld.idx.msk [tilespmem:v33+s28+$0x0], $0xffff;
	_ =	sdelay $0x1  }
0x385: {  	v35 =	vor.u32 $0xA, v3  }
0x386: {  	v36 =	vor.u32 $0xB, v1  }
0x387: {  	v37 =	vor.u32 $0xB, v2  }
0x388: {  	v4 =	vadd.f32 v34, v4;
	_ =	sdelay $0x1  }
0x389: {  	[tilespmem:v35+s29+$0x0] =	vst.idx.msk $0xffff, v4  }
0x38a: {  	v4 =	vld.idx.msk [tilespmem:v36+s2+$0x0], $0xffff  }
0x38b: {  	v38 =	vld.idx.msk [tilespmem:v37+s28+$0x0], $0xffff;
	_ =	sdelay $0x1  }
0x38c: {  	v39 =	vor.u32 $0xB, v3  }
0x38d: {  	v40 =	vor.u32 $0xC, v1  }
0x38e: {  	v41 =	vor.u32 $0xC, v2  }
0x38f: {  	v4 =	vadd.f32 v38, v4;
	_ =	sdelay $0x1  }
0x390: {  	[tilespmem:v39+s29+$0x0] =	vst.idx.msk $0xffff, v4  }
0x391: {  	v4 =	vld.idx.msk [tilespmem:v40+s2+$0x0], $0xffff  }
0x392: {  	v42 =	vld.idx.msk [tilespmem:v41+s28+$0x0], $0xffff;
	_ =	sdelay $0x1  }
0x393: {  	v43 =	vor.u32 $0xC, v3  }
0x394: {  	v44 =	vor.u32 $0xD, v1  }
0x395: {  	v45 =	vor.u32 $0xD, v2  }
0x396: {  	v4 =	vadd.f32 v42, v4;
	_ =	sdelay $0x1  }
0x397: {  	[tilespmem:v43+s29+$0x0] =	vst.idx.msk $0xffff, v4  }
0x398: {  	v4 =	vld.idx.msk [tilespmem:v44+s2+$0x0], $0xffff  }
0x399: {  	v46 =	vld.idx.msk [tilespmem:v45+s28+$0x0], $0xffff;
	_ =	sdelay $0x1  }
0x39a: {  	v47 =	vor.u32 $0xD, v3  }
0x39b: {  	v48 =	vor.u32 $0xE, v1  }
0x39c: {  	v49 =	vor.u32 $0xE, v2  }
0x39d: {  	v4 =	vadd.f32 v46, v4;
	_ =	sdelay $0x1  }
0x39e: {  	[tilespmem:v47+s29+$0x0] =	vst.idx.msk $0xffff, v4  }
0x39f: {  	v4 =	vld.idx.msk [tilespmem:v48+s2+$0x0], $0xffff  }
0x3a0: {  	v50 =	vld.idx.msk [tilespmem:v49+s28+$0x0], $0xffff;
	_ =	sdelay $0x1  }
0x3a1: {  	v51 =	vor.u32 $0xE, v3  }
0x3a2: {  	v52 =	vor.u32 $0xF, v1  }
0x3a3: {  	v53 =	vor.u32 $0xF, v2  }
0x3a4: {  	v4 =	vadd.f32 v50, v4;
	_ =	sdelay $0x1  }
0x3a5: {  	[tilespmem:v51+s29+$0x0] =	vst.idx.msk $0xffff, v4  }
0x3a6: {  	v4 =	vld.idx.msk [tilespmem:v52+s2+$0x0], $0xffff  }
0x3a7: {  	v54 =	vld.idx.msk [tilespmem:v53+s28+$0x0], $0xffff;
	_ =	sdelay $0x1  }
0x3a8: {  	v55 =	vor.u32 $0xF, v3  }
0x3a9: {  	v56 =	vor.u32 $0x10, v1  }
0x3aa: {  	v57 =	vor.u32 $0x10, v2  }
0x3ab: {  	v4 =	vadd.f32 v54, v4;
	_ =	sdelay $0x1  }
0x3ac: {  	[tilespmem:v55+s29+$0x0] =	vst.idx.msk $0xffff, v4  }
0x3ad: {  	v4 =	vld.idx.msk [tilespmem:v56+s2+$0x0], $0xffff  }
0x3ae: {  	v58 =	vld.idx.msk [tilespmem:v57+s28+$0x0], $0xffff;
	_ =	sdelay $0x1  }
0x3af: {  	v59 =	vor.u32 $0x10, v3  }
0x3b0: {  	v60 =	vor.u32 $0x11, v1  }
0x3b1: {  	v61 =	vor.u32 $0x11, v2  }
0x3b2: {  	v4 =	vadd.f32 v58, v4;
	_ =	sdelay $0x1  }
0x3b3: {  	[tilespmem:v59+s29+$0x0] =	vst.idx.msk $0xffff, v4  }
0x3b4: {  	v4 =	vld.idx.msk [tilespmem:v60+s2+$0x0], $0xffff  }
0x3b5: {  	v62 =	vld.idx.msk [tilespmem:v61+s28+$0x0], $0xffff;
	_ =	sdelay $0x1  }
0x3b6: {  	v63 =	vor.u32 $0x11, v3  }
0x3b7: {  	v12 =	vor.u32 $0x12, v1  }
0x3b8: {  	v13 =	vor.u32 $0x12, v2  }
0x3b9: {  	v4 =	vadd.f32 v62, v4;
	_ =	sdelay $0x1  }
0x3ba: {  	[tilespmem:v63+s29+$0x0] =	vst.idx.msk $0xffff, v4  }
0x3bb: {  	v4 =	vld.idx.msk [tilespmem:v12+s2+$0x0], $0xffff  }
0x3bc: {  	v14 =	vld.idx.msk [tilespmem:v13+s28+$0x0], $0xffff;
	_ =	sdelay $0x1  }
0x3bd: {  	v15 =	vor.u32 $0x12, v3  }
0x3be: {  	v16 =	vor.u32 $0x13, v1  }
0x3bf: {  	v17 =	vor.u32 $0x13, v2  }
0x3c0: {  	v4 =	vadd.f32 v14, v4;
	_ =	sdelay $0x1  }
0x3c1: {  	[tilespmem:v15+s29+$0x0] =	vst.idx.msk $0xffff, v4  }
0x3c2: {  	v4 =	vld.idx.msk [tilespmem:v16+s2+$0x0], $0xffff  }
0x3c3: {  	v18 =	vld.idx.msk [tilespmem:v17+s28+$0x0], $0xffff;
	_ =	sdelay $0x1  }
0x3c4: {  	v19 =	vor.u32 $0x13, v3  }
0x3c5: {  	v20 =	vor.u32 $0x14, v1  }
0x3c6: {  	v21 =	vor.u32 $0x14, v2  }
0x3c7: {  	v4 =	vadd.f32 v18, v4;
	_ =	sdelay $0x1  }
0x3c8: {  	[tilespmem:v19+s29+$0x0] =	vst.idx.msk $0xffff, v4  }
0x3c9: {  	v4 =	vld.idx.msk [tilespmem:v20+s2+$0x0], $0xffff  }
0x3ca: {  	v22 =	vld.idx.msk [tilespmem:v21+s28+$0x0], $0xffff;
	_ =	sdelay $0x1  }
0x3cb: {  	v23 =	vor.u32 $0x14, v3  }
0x3cc: {  	v24 =	vor.u32 $0x15, v1  }
0x3cd: {  	v25 =	vor.u32 $0x15, v2  }
0x3ce: {  	v4 =	vadd.f32 v22, v4;
	_ =	sdelay $0x1  }
0x3cf: {  	[tilespmem:v23+s29+$0x0] =	vst.idx.msk $0xffff, v4  }
0x3d0: {  	v4 =	vld.idx.msk [tilespmem:v24+s2+$0x0], $0xffff  }
0x3d1: {  	v26 =	vld.idx.msk [tilespmem:v25+s28+$0x0], $0xffff;
	_ =	sdelay $0x1  }
0x3d2: {  	v27 =	vor.u32 $0x15, v3  }
0x3d3: {  	v28 =	vor.u32 $0x16, v1  }
0x3d4: {  	v29 =	vor.u32 $0x16, v2  }
0x3d5: {  	v4 =	vadd.f32 v26, v4;
	_ =	sdelay $0x1  }
0x3d6: {  	[tilespmem:v27+s29+$0x0] =	vst.idx.msk $0xffff, v4  }
0x3d7: {  	v4 =	vld.idx.msk [tilespmem:v28+s2+$0x0], $0xffff  }
0x3d8: {  	v30 =	vld.idx.msk [tilespmem:v29+s28+$0x0], $0xffff;
	_ =	sdelay $0x1  }
0x3d9: {  	v31 =	vor.u32 $0x16, v3  }
0x3da: {  	v32 =	vor.u32 $0x17, v1  }
0x3db: {  	v33 =	vor.u32 $0x17, v2  }
0x3dc: {  	v4 =	vadd.f32 v30, v4;
	_ =	sdelay $0x1  }
0x3dd: {  	[tilespmem:v31+s29+$0x0] =	vst.idx.msk $0xffff, v4  }
0x3de: {  	v4 =	vld.idx.msk [tilespmem:v32+s2+$0x0], $0xffff  }
0x3df: {  	v34 =	vld.idx.msk [tilespmem:v33+s28+$0x0], $0xffff;
	_ =	sdelay $0x1  }
0x3e0: {  	v35 =	vor.u32 $0x17, v3  }
0x3e1: {  	v36 =	vor.u32 $0x18, v1  }
0x3e2: {  	v37 =	vor.u32 $0x18, v2  }
0x3e3: {  	v4 =	vadd.f32 v34, v4;
	_ =	sdelay $0x1  }
0x3e4: {  	[tilespmem:v35+s29+$0x0] =	vst.idx.msk $0xffff, v4  }
0x3e5: {  	v4 =	vld.idx.msk [tilespmem:v36+s2+$0x0], $0xffff  }
0x3e6: {  	v38 =	vld.idx.msk [tilespmem:v37+s28+$0x0], $0xffff;
	_ =	sdelay $0x1  }
0x3e7: {  	v39 =	vor.u32 $0x18, v3  }
0x3e8: {  	v40 =	vor.u32 $0x19, v1  }
0x3e9: {  	v41 =	vor.u32 $0x19, v2  }
0x3ea: {  	v4 =	vadd.f32 v38, v4;
	_ =	sdelay $0x1  }
0x3eb: {  	[tilespmem:v39+s29+$0x0] =	vst.idx.msk $0xffff, v4  }
0x3ec: {  	v4 =	vld.idx.msk [tilespmem:v40+s2+$0x0], $0xffff  }
0x3ed: {  	v42 =	vld.idx.msk [tilespmem:v41+s28+$0x0], $0xffff;
	_ =	sdelay $0x1  }
0x3ee: {  	v43 =	vor.u32 $0x19, v3  }
0x3ef: {  	v44 =	vor.u32 $0x1A, v1  }
0x3f0: {  	v45 =	vor.u32 $0x1A, v2  }
0x3f1: {  	v4 =	vadd.f32 v42, v4;
	_ =	sdelay $0x1  }
0x3f2: {  	[tilespmem:v43+s29+$0x0] =	vst.idx.msk $0xffff, v4  }
0x3f3: {  	v4 =	vld.idx.msk [tilespmem:v44+s2+$0x0], $0xffff  }
0x3f4: {  	v46 =	vld.idx.msk [tilespmem:v45+s28+$0x0], $0xffff;
	_ =	sdelay $0x1  }
0x3f5: {  	v47 =	vor.u32 $0x1A, v3  }
0x3f6: {  	v48 =	vor.u32 $0x1B, v1  }
0x3f7: {  	v49 =	vor.u32 $0x1B, v2  }
0x3f8: {  	v4 =	vadd.f32 v46, v4;
	_ =	sdelay $0x1  }
0x3f9: {  	[tilespmem:v47+s29+$0x0] =	vst.idx.msk $0xffff, v4  }
0x3fa: {  	v4 =	vld.idx.msk [tilespmem:v48+s2+$0x0], $0xffff  }
0x3fb: {  	v50 =	vld.idx.msk [tilespmem:v49+s28+$0x0], $0xffff;
	_ =	sdelay $0x1  }
0x3fc: {  	v51 =	vor.u32 $0x1B, v3  }
0x3fd: {  	v52 =	vor.u32 $0x1C, v1  }
0x3fe: {  	v53 =	vor.u32 $0x1C, v2  }
0x3ff: {  	v4 =	vadd.f32 v50, v4;
	_ =	sdelay $0x1  }
0x400: {  	[tilespmem:v51+s29+$0x0] =	vst.idx.msk $0xffff, v4  }
0x401: {  	v4 =	vld.idx.msk [tilespmem:v52+s2+$0x0], $0xffff  }
0x402: {  	v54 =	vld.idx.msk [tilespmem:v53+s28+$0x0], $0xffff;
	_ =	sdelay $0x1  }
0x403: {  	v55 =	vor.u32 $0x1C, v3  }
0x404: {  	v56 =	vor.u32 $0x1D, v1  }
0x405: {  	v57 =	vor.u32 $0x1D, v2  }
0x406: {  	v4 =	vadd.f32 v54, v4;
	_ =	sdelay $0x1  }
0x407: {  	[tilespmem:v55+s29+$0x0] =	vst.idx.msk $0xffff, v4  }
0x408: {  	v4 =	vld.idx.msk [tilespmem:v56+s2+$0x0], $0xffff  }
0x409: {  	v58 =	vld.idx.msk [tilespmem:v57+s28+$0x0], $0xffff;
	_ =	sdelay $0x1  }
0x40a: {  	v59 =	vor.u32 $0x1D, v3  }
0x40b: {  	v60 =	vor.u32 $0x1E, v1  }
0x40c: {  	v61 =	vor.u32 $0x1E, v2  }
0x40d: {  	v4 =	vadd.f32 v58, v4;
	_ =	sdelay $0x1  }
0x40e: {  	[tilespmem:v59+s29+$0x0] =	vst.idx.msk $0xffff, v4  }
0x40f: {  	v4 =	vld.idx.msk [tilespmem:v60+s2+$0x0], $0xffff  }
0x410: {  	v62 =	vld.idx.msk [tilespmem:v61+s28+$0x0], $0xffff;
	_ =	sdelay $0x1  }
0x411: {  	v63 =	vor.u32 $0x1E, v3  }
0x412: {  	v1 =	vor.u32 $0x1F, v1  }
0x413: {  	v2 =	vor.u32 $0x1F, v2  }
0x414: {  	v4 =	vadd.f32 v62, v4;
	_ =	sdelay $0x1  }
0x415: {  	[tilespmem:v63+s29+$0x0] =	vst.idx.msk $0xffff, v4  }
0x416: {  	v1 =	vld.idx.msk [tilespmem:v1+s2+$0x0], $0xffff  }
0x417: {  	v2 =	vld.idx.msk [tilespmem:v2+s28+$0x0], $0xffff;
	_ =	sdelay $0x1  }
0x418: {  	p1 =	sne.s32 s31, $0x310;
	v3 =	vor.u32 $0x1F, v3  }
.Ltmp6:
0x419: {  	_ = 	snop;
	(pc) =	sbr.rel @p1 .LBB2_9-.Ltmp6, $4  }
0x41a: {  	_ = 	snop  }
0x41b: {  	v1 =	vadd.f32 v2, v1  }
0x41c: {  	s0 =	sadd.s32 $0x10, s0;
	s1 =	sadd.s32 $0x10, s1  }
0x41d: {  	s21 =	sadd.s32 $0x10, s21;
	s22 =	sadd.s32 $0x10, s22;
	s31 =	sadd.s32 $0x10, s31;
	[tilespmem:v3+s29+$0x0] =	vst.idx.msk $0xffff, v1  }
.Ltmp7:
0x41e: {  	s0 =	rddreg [dreg:$0x4];
	(pc) =	sbr.rel .LBB2_11-.Ltmp7, $4  }
0x41f: {  	[hbm4b:s0+s2] =	stream.linear.scatter [tilespmem:s29], [sflag:$0x1], $0x6400, $0x38;
	[tilespmem:$0x8200] =	vst v63  }
0x420: {  	_ =	swait.ge [sflag:s26], $0x6400  }
0x421: {  	[sflag:s26] =	ssyncset.done $0x0  }
0x422: {  	[sflag:s26] =	ssyncadd.s32 $0xFFFF9C00  }
.LBB2_12:
0x423: {  	_ =	sfence.sel $0x180000  }
0x424: {  	[bflag:$0x0] =	sbarrier.arrive $0xFFFF  }
0x425: {  	_ =	strace $0x9000004A  }
0x426: {  	s0 =	stileid.u32;
	[bflag:$0x2] =	sbarrier.arrive $0xFFFF  }
0x427: {  	p0 =	sne.s32 s0, $0x0;
	s0 =	rddreg [dreg:$0x2]  }
0x428: {  	s0 =	sadd.s32 @!p0 $0x100000, s0  }
0x429: {  	[sflag:s0] =	ssyncadd.tile.s32 @!p0 $0x1;
	_ =	shalt  }
.Lfunc_end2:
_tile_overlayer_lowered:
.L_overlay_start_2:
0x42a: {  	(tag) =	ssettag $0x2  }
0x42b: {  	s0 =	rddreg [dreg:$0x0];
	s2 =	stileid.u32  }
0x42c: {  	s1 =	rddreg [dreg:$0x1];
	p0 =	sne.s32 s2, $0x0  }
0x42d: {  	s3 =	rddreg [dreg:$0x2];
	[bflag:$0x3] =	sbarrier.arrive $0xFFFF;
	s2 =	simm.s32 @!p0 $0x1C01  }
0x42e: {  	[timem:s3], [sflag:s2] =	dma.local @!p0 [hbm:s0], s1  }
0x42f: {  	s0 =	simm.s32 @!p0 $0x1  }
0x430: {  	_ =	swait.ge @!p0 [sflag:s0], s1  }
0x431: {  	s1 =	ssub.s32 @!p0 $0x0, s1;
	[sflag:s0] =	ssyncset.done @!p0 $0x0  }
0x432: {  	[sflag:s0] =	ssyncadd.s32 @!p0 s1  }
0x433: {  	[bflag:$0x3] =	sbarrier.arrive $0xFFFF  }
0x434: {  	_ =	shalt  }

</sc_bundles>
